<compile_context>
chip_gen: v7x
topology: tpu7x:2x2x1
jax: 0.10.2.dev20260603
libtpu: 0.0.44.dev20260713+nightly
codegen_flags: <defaults>
</compile_context>

<pallas_src>
import functools

import jax
import jax.numpy as jnp
from jax import lax
from jax.experimental import pallas as pl
from jax.experimental.pallas import tpu as pltpu
from jax.experimental.pallas import tpu_sc as plsc

N = 10000
E = 320000
D = 128
NPAD = 10240

NC = 2
NS = 16
NW = NC * NS
C = 128
EPT = E // NW
CF = EPT // C
TAIL = EPT - CF * C
RPT = NPAD // NS

_mesh = plsc.VectorSubcoreMesh(
    core_axis_name="c", subcore_axis_name="s", num_cores=NC, num_subcores=NS)


@functools.partial(
    pl.kernel,
    out_type=(jax.ShapeDtypeStruct((NPAD,), jnp.float32),
              jax.ShapeDtypeStruct((NPAD,), jnp.float32)),
    mesh=_mesh,
    scratch_types=[
        pltpu.VMEM((C,), jnp.int32),
        pltpu.VMEM((C,), jnp.int32),
        pltpu.VMEM((C,), jnp.int32),
        pltpu.VMEM((C,), jnp.int32),
        pltpu.VMEM((TAIL,), jnp.int32),
        pltpu.VMEM((C,), jnp.float32),
        pltpu.VMEM((RPT,), jnp.float32),
        pltpu.VMEM_SHARED((NPAD,), jnp.float32),
        pltpu.SemaphoreType.DMA,
        pltpu.SemaphoreType.DMA,
        pltpu.SemaphoreType.DMA,
        pltpu.SemaphoreType.DMA,
        pltpu.SemaphoreType.DMA,
        pltpu.SemaphoreType.DMA,
        pltpu.SemaphoreType.DMA,
        pltpu.SemaphoreType.DMA,
    ],
)
def _deg_call(edge_hbm, out0, out1, d0, d1, d2, d3, dt, ones_v, zv, acc,
              ds0, ds1, ds2, ds3, ss0, ss1, ss2, ss3):
    cid = lax.axis_index("c")
    sid = lax.axis_index("s")
    wid = cid * NS + sid
    ebase = E + wid * EPT

    for k in range(RPT // 16):
        zv[pl.ds(k * 16, 16)] = jnp.zeros((16,), jnp.float32)
    for k in range(C // 16):
        ones_v[pl.ds(k * 16, 16)] = jnp.ones((16,), jnp.float32)

    rb = sid * RPT
    pltpu.sync_copy(zv, acc.at[pl.ds(rb, RPT)])
    plsc.subcore_barrier()

    def d_copy(j, buf, sem):
        return pltpu.make_async_copy(
            edge_hbm.at[pl.ds(ebase + j * C, C)], buf, sem)

    bufs = ((d0, ds0), (d1, ds1), (d2, ds2), (d3, ds3))
    sss = (ss0, ss1, ss2, ss3)

    def s_start(k):
        pltpu.async_copy(ones_v, acc.at[bufs[k][0]], sss[k], add=True)

    def s_wait(k):
        pltpu.make_async_copy(ones_v, acc.at[bufs[k][0]], sss[k]).wait()

    for k in range(4):
        d_copy(k, *bufs[k]).start()

    def body(i, carry):
        for k in range(4):
            j = 4 * i + k
            d_copy(j, *bufs[k]).wait()
            s_start(k)
        for k in range(4):
            j = 4 * i + k
            s_wait(k)
            d_copy(j + 4, *bufs[k]).start()
        return carry

    lax.fori_loop(0, (CF - 4) // 4, body, 0)
    base = ((CF - 4) // 4) * 4
    for k in range(4):
        d_copy(base + k, *bufs[k]).wait()
        s_start(k)
    for k in range(4):
        s_wait(k)
        if base + k + 4 < CF:
            d_copy(base + k + 4, *bufs[k]).start()
    for k in range(CF - base - 4):
        d_copy(base + 4 + k, *bufs[k]).wait()
        s_start(k)
    for k in range(CF - base - 4):
        s_wait(k)
    pltpu.sync_copy(edge_hbm.at[pl.ds(ebase + CF * C, TAIL)], dt)
    pltpu.sync_copy(ones_v.at[pl.ds(0, TAIL)], acc.at[dt], add=True)
    plsc.subcore_barrier()

    pltpu.sync_copy(acc.at[pl.ds(rb, RPT)], zv)

    @pl.when(cid == 0)
    def _():
        pltpu.sync_copy(zv, out0.at[pl.ds(rb, RPT)])

    @pl.when(cid == 1)
    def _():
        pltpu.sync_copy(zv, out1.at[pl.ds(rb, RPT)])


@functools.partial(
    pl.kernel,
    out_type=(jax.ShapeDtypeStruct((NPAD, D), jnp.float32),
              jax.ShapeDtypeStruct((NPAD, D), jnp.float32)),
    mesh=_mesh,
    scratch_types=[
        pltpu.VMEM((EPT,), jnp.int32),
        pltpu.VMEM((C,), jnp.int32),
        pltpu.VMEM((C,), jnp.int32),
        pltpu.VMEM((TAIL,), jnp.int32),
        pltpu.VMEM((C, D), jnp.float32),
        pltpu.VMEM((C, D), jnp.float32),
        pltpu.VMEM((16, D), jnp.float32),
        pltpu.VMEM_SHARED((NPAD, D), jnp.float32),
        pltpu.SemaphoreType.DMA,
        pltpu.SemaphoreType.DMA,
        pltpu.SemaphoreType.DMA,
        pltpu.SemaphoreType.DMA,
        pltpu.SemaphoreType.DMA,
        pltpu.SemaphoreType.DMA,
    ],
)
def _scat_call(h_hbm, edge_hbm, out0, out1,
               srcv, d0, d1, dt, b0, b1, zb, acc,
               gs0, gs1, ds0, ds1, ss0, ss1):
    cid = lax.axis_index("c")
    sid = lax.axis_index("s")
    wid = cid * NS + sid
    sbase = wid * EPT
    ebase = E + wid * EPT

    for i in range(16):
        for j in range(D // 16):
            zb[i, pl.ds(j * 16, 16)] = jnp.zeros((16,), jnp.float32)

    rb = sid * RPT

    pltpu.make_async_copy(
        edge_hbm.at[pl.ds(sbase, EPT)], srcv, ss0).start()

    def zcp(k, carry):
        pltpu.make_async_copy(
            zb, acc.at[pl.ds(rb + k * 16, 16)], ss1).start()
        return carry

    lax.fori_loop(0, RPT // 16, zcp, 0)

    def zdr(k, carry):
        pltpu.make_async_copy(zb, acc.at[pl.ds(rb, 16)], ss1).wait()
        return carry

    lax.fori_loop(0, RPT // 16, zdr, 0)
    pltpu.make_async_copy(edge_hbm.at[pl.ds(sbase, EPT)], srcv, ss0).wait()
    plsc.subcore_barrier()

    def g_copy(j, buf, sem):
        return pltpu.make_async_copy(
            h_hbm.at[srcv.at[pl.ds(j * C, C)]], buf, sem)

    def d_copy(j, buf, sem):
        return pltpu.make_async_copy(
            edge_hbm.at[pl.ds(ebase + j * C, C)], buf, sem)

    def s_start(buf, dbuf, sem):
        pltpu.async_copy(buf, acc.at[dbuf], sem, add=True)

    def s_wait(buf, dbuf, sem):
        pltpu.make_async_copy(buf, acc.at[dbuf], sem).wait()

    d_copy(0, d0, ds0).start()
    g_copy(0, b0, gs0).start()
    d_copy(1, d1, ds1).start()
    g_copy(1, b1, gs1).start()

    def body(i, carry):
        j0 = 2 * i
        j1 = j0 + 1
        g_copy(j0, b0, gs0).wait()
        d_copy(j0, d0, ds0).wait()
        pltpu.sync_copy(b0, acc.at[d0], add=True)
        d_copy(j0 + 2, d0, ds0).start()
        g_copy(j0 + 2, b0, gs0).start()
        g_copy(j1, b1, gs1).wait()
        d_copy(j1, d1, ds1).wait()
        pltpu.sync_copy(b1, acc.at[d1], add=True)
        d_copy(j1 + 2, d1, ds1).start()
        g_copy(j1 + 2, b1, gs1).start()
        return carry

    lax.fori_loop(0, CF // 2 - 1, body, 0)
    g_copy(CF - 2, b0, gs0).wait()
    d_copy(CF - 2, d0, ds0).wait()
    pltpu.sync_copy(b0, acc.at[d0], add=True)
    g_copy(CF - 1, b1, gs1).wait()
    d_copy(CF - 1, d1, ds1).wait()
    pltpu.sync_copy(b1, acc.at[d1], add=True)

    pltpu.sync_copy(edge_hbm.at[pl.ds(ebase + CF * C, TAIL)], dt)
    pltpu.make_async_copy(
        h_hbm.at[srcv.at[pl.ds(CF * C, TAIL)]],
        b0.at[pl.ds(0, TAIL)], gs0).start()
    pltpu.make_async_copy(
        h_hbm.at[srcv.at[pl.ds(CF * C, TAIL)]],
        b0.at[pl.ds(0, TAIL)], gs0).wait()
    pltpu.sync_copy(b0.at[pl.ds(0, TAIL)], acc.at[dt], add=True)
    plsc.subcore_barrier()

    def wb(out_ref):
        def rd(k, buf, sem):
            return pltpu.make_async_copy(
                acc.at[pl.ds(rb + k * C, C)], buf, sem)

        rd(0, b0, gs0).start()
        for k in range(RPT // C):
            buf, sem = (b0, gs0) if k % 2 == 0 else (b1, gs1)
            rd(k, buf, sem).wait()
            if k + 1 < RPT // C:
                nbuf, nsem = (b0, gs0) if (k + 1) % 2 == 0 else (b1, gs1)
                rd(k + 1, nbuf, nsem).start()
            pltpu.sync_copy(buf, out_ref.at[pl.ds(rb + k * C, C)])

    @pl.when(cid == 0)
    def _():
        wb(out0)

    @pl.when(cid == 1)
    def _():
        wb(out1)


_R = 1024


def _mm_body(x_ref, w_ref, h_ref):
    h_ref[...] = jnp.dot(
        x_ref[...], w_ref[...], preferred_element_type=jnp.float32)


def _scale_body(h_ref, g0_ref, g1_ref, h1_ref, dinv_ref):
    d = g0_ref[...] + g1_ref[...]
    dv = jnp.where(d > 0, lax.rsqrt(jnp.where(d > 0, d, 1.0)), 0.0)
    dinv = dv[:, None]
    h1_ref[...] = h_ref[...] * dinv
    dinv_ref[...] = dinv


def _l2_body(p0_ref, p1_ref, dinv_ref, b1_ref, w_ref, out_ref):
    dinv = dinv_ref[...]
    h = jnp.maximum((p0_ref[...] + p1_ref[...]) * dinv + b1_ref[...], 0.0)
    out_ref[...] = jnp.dot(
        h, w_ref[...], preferred_element_type=jnp.float32) * dinv


def _comb_body(q0_ref, q1_ref, dinv_ref, b2_ref, out_ref):
    out_ref[...] = ((q0_ref[...] + q1_ref[...]) * dinv_ref[...]
                    + b2_ref[...])


def _row_spec(w):
    return pl.BlockSpec((_R, w), lambda i: (i, 0))


def _rep_spec(h, w):
    return pl.BlockSpec((h, w), lambda i: (0, 0))


_mm = pl.pallas_call(
    _mm_body,
    grid=(NPAD // _R,),
    in_specs=[_row_spec(D), _rep_spec(D, D)],
    out_specs=_row_spec(D),
    out_shape=jax.ShapeDtypeStruct((NPAD, D), jnp.float32),
)

_scale = pl.pallas_call(
    _scale_body,
    grid=(NPAD // _R,),
    in_specs=[_row_spec(D),
              pl.BlockSpec((_R,), lambda i: (i,)),
              pl.BlockSpec((_R,), lambda i: (i,))],
    out_specs=[_row_spec(D), _row_spec(1)],
    out_shape=[jax.ShapeDtypeStruct((NPAD, D), jnp.float32),
               jax.ShapeDtypeStruct((NPAD, 1), jnp.float32)],
)

_l2 = pl.pallas_call(
    _l2_body,
    grid=(NPAD // _R,),
    in_specs=[_row_spec(D), _row_spec(D), _row_spec(1), _rep_spec(1, D),
              _rep_spec(D, D)],
    out_specs=_row_spec(D),
    out_shape=jax.ShapeDtypeStruct((NPAD, D), jnp.float32),
)

_comb = pl.pallas_call(
    _comb_body,
    grid=(NPAD // _R,),
    in_specs=[_row_spec(D), _row_spec(D), _row_spec(1), _rep_spec(1, D)],
    out_specs=_row_spec(D),
    out_shape=jax.ShapeDtypeStruct((N, D), jnp.float32),
)


def kernel(x, edge_index, W1, b1, W2, b2):
    edge_flat = edge_index.reshape(2 * E)

    g0, g1 = _deg_call(edge_flat)

    x_pad = jnp.pad(x, ((0, NPAD - N), (0, 0)))
    h0 = _mm(x_pad, W1)
    h1, dinv = _scale(h0, g0, g1)

    p0, p1 = _scat_call(h1, edge_flat)
    h2 = _l2(p0, p1, dinv, b1.reshape(1, D), W2)

    q0, q1 = _scat_call(h2, edge_flat)
    return _comb(q0, q1, dinv, b2.reshape(1, D))

# --- scband reference (transcript-rebuilt; emitter-appended) ---
"""Pipeline reference for scband-gcn-59493886984411 (READ-ONLY COPY).

The authoritative reference and input builder live on the scoring server;
editing this copy changes nothing except your own understanding.
"""

import jax, jax.numpy as jnp
import numpy as np

N = 10000
E = 320000
D = 128


def setup_inputs(seed: int = 0) -> dict:
    key = jax.random.key(seed)
    ks = jax.random.split(key, 7)
    x = jax.random.normal(ks[0], (N, D), dtype=jnp.float32)
    edge_index = jax.random.randint(ks[1], (2, E), 0, N, dtype=jnp.int32)
    # GCNConv weights (glorot) and biases, two layers, hidden_channels=128
    scale = 1.0 / np.sqrt(D)
    W1 = jax.random.normal(ks[2], (D, D), dtype=jnp.float32) * scale
    b1 = jnp.zeros((D,), dtype=jnp.float32)
    W2 = jax.random.normal(ks[3], (D, D), dtype=jnp.float32) * scale
    b2 = jnp.zeros((D,), dtype=jnp.float32)
    return {"x": x, "edge_index": edge_index, "W1": W1, "b1": b1, "W2": W2, "b2": b2}


def _gcn_conv(x, edge_index, W, b):
    # GCNConv with add_self_loops=False, normalize=True, edge_weight=1
    src = edge_index[0]
    dst = edge_index[1]
    n = x.shape[0]
    h = x @ W
    ones = jnp.ones((edge_index.shape[1],), dtype=x.dtype)
    deg = jax.ops.segment_sum(ones, dst, num_segments=n)
    deg_inv_sqrt = jnp.where(deg > 0, 1.0 / jnp.sqrt(jnp.where(deg > 0, deg, 1.0)), 0.0)
    norm = deg_inv_sqrt[src] * deg_inv_sqrt[dst]
    msg = h[src] * norm[:, None]
    agg = jax.ops.segment_sum(msg, dst, num_segments=n)
    return agg + b


def reference(x, edge_index, W1, b1, W2, b2):
    h = jax.nn.relu(_gcn_conv(x, edge_index, W1, b1))
    out = _gcn_conv(h, edge_index, W2, b2)
    return out

if __name__ == "__main__":
    import jax
    _d = setup_inputs()
    print(jax.jit(kernel)(*tuple(_d.values())))

</pallas_src>

<mosaic_0001>
#map = affine_map<(d0, d1) -> (0, 0)>
#map1 = affine_map<(d0, d1) -> (0)>
module attributes {stable_mosaic.version = 14 : i64} {
  func.func @_scat_call(%arg0: i32, %arg1: i32, %arg2: memref<10240x128xf32, #tpu.memory_space<hbm>>, %arg3: memref<640000xi32, #tpu.memory_space<hbm>>, %arg4: memref<10240x128xf32, #tpu.memory_space<hbm>>, %arg5: memref<10240x128xf32, #tpu.memory_space<hbm>>, %arg6: memref<10000xi32, #tpu.memory_space<vmem>>, %arg7: memref<128xi32, #tpu.memory_space<vmem>>, %arg8: memref<128xi32, #tpu.memory_space<vmem>>, %arg9: memref<16xi32, #tpu.memory_space<vmem>>, %arg10: memref<128x128xf32, #tpu.memory_space<vmem>>, %arg11: memref<128x128xf32, #tpu.memory_space<vmem>>, %arg12: memref<16x128xf32, #tpu.memory_space<vmem>>, %arg13: memref<10240x128xf32, #tpu.memory_space<vmem_shared>>, %arg14: memref<!tpu.dma_semaphore, #tpu.memory_space<semaphore_mem>>, %arg15: memref<!tpu.dma_semaphore, #tpu.memory_space<semaphore_mem>>, %arg16: memref<!tpu.dma_semaphore, #tpu.memory_space<semaphore_mem>>, %arg17: memref<!tpu.dma_semaphore, #tpu.memory_space<semaphore_mem>>, %arg18: memref<!tpu.dma_semaphore, #tpu.memory_space<semaphore_mem>>, %arg19: memref<!tpu.dma_semaphore, #tpu.memory_space<semaphore_mem>>) attributes {dimension_semantics = [#tpu.dimension_semantics<core_parallel>, #tpu.dimension_semantics<subcore_parallel>], iteration_bounds = array<i64: 2, 16>, scalar_prefetch = 0 : i64, scratch_operands = 14 : i64, tpu.core_type = #tpu.core_type<sc_vector_subcore>, window_params = [{transform_indices = #map}, {transform_indices = #map1}, {transform_indices = #map}, {transform_indices = #map}]} {
    %mul3A = arith.constant 16 : i32
    %mul3A_0 = arith.muli %arg0, %mul3A : i32
    %add3A = arith.addi %mul3A_0, %arg1 : i32
    %mul3A_1 = arith.constant 10000 : i32
    %mul3A_2 = arith.muli %add3A, %mul3A_1 : i32
    %mul3A_3 = arith.constant 10000 : i32
    %mul3A_4 = arith.muli %add3A, %mul3A_3 : i32
    %add3A_5 = arith.constant 320000 : i32
    %add3A_6 = arith.addi %add3A_5, %mul3A_4 : i32
    %broadcast_in_dim3A = arith.constant 0.000000e+00 : f32
    %broadcast_in_dim3A_7 = vector.broadcast %broadcast_in_dim3A : f32 to vector<16xf32>
    %swap3A = arith.constant 0 : i32
    %swap3A_8 = arith.index_cast %swap3A : i32 to index
    %swap3A_9 = arith.constant 0 : index
    %swap3A_10 = tpu.vector_load %arg12[%swap3A_8, %swap3A_9] {strides = array<i32>} : memref<16x128xf32, #tpu.memory_space<vmem>>, vector<1x16xf32>,
    %swap3A_11 = vector.shape_cast %swap3A_10 : vector<1x16xf32> to vector<16xf32>
    %swap3A_12 = vector.shape_cast %broadcast_in_dim3A_7 : vector<16xf32> to vector<1x16xf32>
    tpu.vector_store %arg12[%swap3A_8, %swap3A_9], %swap3A_12 {strides = array<i32>} : memref<16x128xf32, #tpu.memory_space<vmem>>, vector<1x16xf32>,
    %broadcast_in_dim3A_13 = arith.constant 0.000000e+00 : f32
    %broadcast_in_dim3A_14 = vector.broadcast %broadcast_in_dim3A_13 : f32 to vector<16xf32>
    %swap3A_15 = arith.constant 0 : i32
    %swap3A_16 = arith.index_cast %swap3A_15 : i32 to index
    %swap3A_17 = arith.constant 16 : index
    %swap3A_18 = tpu.vector_load %arg12[%swap3A_16, %swap3A_17] {strides = array<i32>} : memref<16x128xf32, #tpu.memory_space<vmem>>, vector<1x16xf32>,
    %swap3A_19 = vector.shape_cast %swap3A_18 : vector<1x16xf32> to vector<16xf32>
    %swap3A_20 = vector.shape_cast %broadcast_in_dim3A_14 : vector<16xf32> to vector<1x16xf32>
    tpu.vector_store %arg12[%swap3A_16, %swap3A_17], %swap3A_20 {strides = array<i32>} : memref<16x128xf32, #tpu.memory_space<vmem>>, vector<1x16xf32>,
    %broadcast_in_dim3A_21 = arith.constant 0.000000e+00 : f32
    %broadcast_in_dim3A_22 = vector.broadcast %broadcast_in_dim3A_21 : f32 to vector<16xf32>
    %swap3A_23 = arith.constant 0 : i32
    %swap3A_24 = arith.index_cast %swap3A_23 : i32 to index
    %swap3A_25 = arith.constant 32 : index
    %swap3A_26 = tpu.vector_load %arg12[%swap3A_24, %swap3A_25] {strides = array<i32>} : memref<16x128xf32, #tpu.memory_space<vmem>>, vector<1x16xf32>,
    %swap3A_27 = vector.shape_cast %swap3A_26 : vector<1x16xf32> to vector<16xf32>
    %swap3A_28 = vector.shape_cast %broadcast_in_dim3A_22 : vector<16xf32> to vector<1x16xf32>
    tpu.vector_store %arg12[%swap3A_24, %swap3A_25], %swap3A_28 {strides = array<i32>} : memref<16x128xf32, #tpu.memory_space<vmem>>, vector<1x16xf32>,
    %broadcast_in_dim3A_29 = arith.constant 0.000000e+00 : f32
    %broadcast_in_dim3A_30 = vector.broadcast %broadcast_in_dim3A_29 : f32 to vector<16xf32>
    %swap3A_31 = arith.constant 0 : i32
    %swap3A_32 = arith.index_cast %swap3A_31 : i32 to index
    %swap3A_33 = arith.constant 48 : index
    %swap3A_34 = tpu.vector_load %arg12[%swap3A_32, %swap3A_33] {strides = array<i32>} : memref<16x128xf32, #tpu.memory_space<vmem>>, vector<1x16xf32>,
    %swap3A_35 = vector.shape_cast %swap3A_34 : vector<1x16xf32> to vector<16xf32>
    %swap3A_36 = vector.shape_cast %broadcast_in_dim3A_30 : vector<16xf32> to vector<1x16xf32>
    tpu.vector_store %arg12[%swap3A_32, %swap3A_33], %swap3A_36 {strides = array<i32>} : memref<16x128xf32, #tpu.memory_space<vmem>>, vector<1x16xf32>,
    %broadcast_in_dim3A_37 = arith.constant 0.000000e+00 : f32
    %broadcast_in_dim3A_38 = vector.broadcast %broadcast_in_dim3A_37 : f32 to vector<16xf32>
    %swap3A_39 = arith.constant 0 : i32
    %swap3A_40 = arith.index_cast %swap3A_39 : i32 to index
    %swap3A_41 = arith.constant 64 : index
    %swap3A_42 = tpu.vector_load %arg12[%swap3A_40, %swap3A_41] {strides = array<i32>} : memref<16x128xf32, #tpu.memory_space<vmem>>, vector<1x16xf32>,
    %swap3A_43 = vector.shape_cast %swap3A_42 : vector<1x16xf32> to vector<16xf32>
    %swap3A_44 = vector.shape_cast %broadcast_in_dim3A_38 : vector<16xf32> to vector<1x16xf32>
    tpu.vector_store %arg12[%swap3A_40, %swap3A_41], %swap3A_44 {strides = array<i32>} : memref<16x128xf32, #tpu.memory_space<vmem>>, vector<1x16xf32>,
    %broadcast_in_dim3A_45 = arith.constant 0.000000e+00 : f32
    %broadcast_in_dim3A_46 = vector.broadcast %broadcast_in_dim3A_45 : f32 to vector<16xf32>
    %swap3A_47 = arith.constant 0 : i32
    %swap3A_48 = arith.index_cast %swap3A_47 : i32 to index
    %swap3A_49 = arith.constant 80 : index
    %swap3A_50 = tpu.vector_load %arg12[%swap3A_48, %swap3A_49] {strides = array<i32>} : memref<16x128xf32, #tpu.memory_space<vmem>>, vector<1x16xf32>,
    %swap3A_51 = vector.shape_cast %swap3A_50 : vector<1x16xf32> to vector<16xf32>
    %swap3A_52 = vector.shape_cast %broadcast_in_dim3A_46 : vector<16xf32> to vector<1x16xf32>
    tpu.vector_store %arg12[%swap3A_48, %swap3A_49], %swap3A_52 {strides = array<i32>} : memref<16x128xf32, #tpu.memory_space<vmem>>, vector<1x16xf32>,
    %broadcast_in_dim3A_53 = arith.constant 0.000000e+00 : f32
    %broadcast_in_dim3A_54 = vector.broadcast %broadcast_in_dim3A_53 : f32 to vector<16xf32>
    %swap3A_55 = arith.constant 0 : i32
    %swap3A_56 = arith.index_cast %swap3A_55 : i32 to index
    %swap3A_57 = arith.constant 96 : index
    %swap3A_58 = tpu.vector_load %arg12[%swap3A_56, %swap3A_57] {strides = array<i32>} : memref<16x128xf32, #tpu.memory_space<vmem>>, vector<1x16xf32>,
    %swap3A_59 = vector.shape_cast %swap3A_58 : vector<1x16xf32> to vector<16xf32>
    %swap3A_60 = vector.shape_cast %broadcast_in_dim3A_54 : vector<16xf32> to vector<1x16xf32>
    tpu.vector_store %arg12[%swap3A_56, %swap3A_57], %swap3A_60 {strides = array<i32>} : memref<16x128xf32, #tpu.memory_space<vmem>>, vector<1x16xf32>,
    %broadcast_in_dim3A_61 = arith.constant 0.000000e+00 : f32
    %broadcast_in_dim3A_62 = vector.broadcast %broadcast_in_dim3A_61 : f32 to vector<16xf32>
    %swap3A_63 = arith.constant 0 : i32
    %swap3A_64 = arith.index_cast %swap3A_63 : i32 to index
    %swap3A_65 = arith.constant 112 : index
    %swap3A_66 = tpu.vector_load %arg12[%swap3A_64, %swap3A_65] {strides = array<i32>} : memref<16x128xf32, #tpu.memory_space<vmem>>, vector<1x16xf32>,
    %swap3A_67 = vector.shape_cast %swap3A_66 : vector<1x16xf32> to vector<16xf32>
    %swap3A_68 = vector.shape_cast %broadcast_in_dim3A_62 : vector<16xf32> to vector<1x16xf32>
    tpu.vector_store %arg12[%swap3A_64, %swap3A_65], %swap3A_68 {strides = array<i32>} : memref<16x128xf32, #tpu.memory_space<vmem>>, vector<1x16xf32>,
    %broadcast_in_dim3A_69 = arith.constant 0.000000e+00 : f32
    %broadcast_in_dim3A_70 = vector.broadcast %broadcast_in_dim3A_69 : f32 to vector<16xf32>
    %swap3A_71 = arith.constant 1 : i32
    %swap3A_72 = arith.index_cast %swap3A_71 : i32 to index
    %swap3A_73 = arith.constant 0 : index
    %swap3A_74 = tpu.vector_load %arg12[%swap3A_72, %swap3A_73] {strides = array<i32>} : memref<16x128xf32, #tpu.memory_space<vmem>>, vector<1x16xf32>,
    %swap3A_75 = vector.shape_cast %swap3A_74 : vector<1x16xf32> to vector<16xf32>
    %swap3A_76 = vector.shape_cast %broadcast_in_dim3A_70 : vector<16xf32> to vector<1x16xf32>
    tpu.vector_store %arg12[%swap3A_72, %swap3A_73], %swap3A_76 {strides = array<i32>} : memref<16x128xf32, #tpu.memory_space<vmem>>, vector<1x16xf32>,
    %broadcast_in_dim3A_77 = arith.constant 0.000000e+00 : f32
    %broadcast_in_dim3A_78 = vector.broadcast %broadcast_in_dim3A_77 : f32 to vector<16xf32>
    %swap3A_79 = arith.constant 1 : i32
    %swap3A_80 = arith.index_cast %swap3A_79 : i32 to index
    %swap3A_81 = arith.constant 16 : index
    %swap3A_82 = tpu.vector_load %arg12[%swap3A_80, %swap3A_81] {strides = array<i32>} : memref<16x128xf32, #tpu.memory_space<vmem>>, vector<1x16xf32>,
    %swap3A_83 = vector.shape_cast %swap3A_82 : vector<1x16xf32> to vector<16xf32>
    %swap3A_84 = vector.shape_cast %broadcast_in_dim3A_78 : vector<16xf32> to vector<1x16xf32>
    tpu.vector_store %arg12[%swap3A_80, %swap3A_81], %swap3A_84 {strides = array<i32>} : memref<16x128xf32, #tpu.memory_space<vmem>>, vector<1x16xf32>,
    %broadcast_in_dim3A_85 = arith.constant 0.000000e+00 : f32
    %broadcast_in_dim3A_86 = vector.broadcast %broadcast_in_dim3A_85 : f32 to vector<16xf32>
    %swap3A_87 = arith.constant 1 : i32
    %swap3A_88 = arith.index_cast %swap3A_87 : i32 to index
    %swap3A_89 = arith.constant 32 : index
    %swap3A_90 = tpu.vector_load %arg12[%swap3A_88, %swap3A_89] {strides = array<i32>} : memref<16x128xf32, #tpu.memory_space<vmem>>, vector<1x16xf32>,
    %swap3A_91 = vector.shape_cast %swap3A_90 : vector<1x16xf32> to vector<16xf32>
    %swap3A_92 = vector.shape_cast %broadcast_in_dim3A_86 : vector<16xf32> to vector<1x16xf32>
    tpu.vector_store %arg12[%swap3A_88, %swap3A_89], %swap3A_92 {strides = array<i32>} : memref<16x128xf32, #tpu.memory_space<vmem>>, vector<1x16xf32>,
    %broadcast_in_dim3A_93 = arith.constant 0.000000e+00 : f32
    %broadcast_in_dim3A_94 = vector.broadcast %broadcast_in_dim3A_93 : f32 to vector<16xf32>
    %swap3A_95 = arith.constant 1 : i32
    %swap3A_96 = arith.index_cast %swap3A_95 : i32 to index
    %swap3A_97 = arith.constant 48 : index
    %swap3A_98 = tpu.vector_load %arg12[%swap3A_96, %swap3A_97] {strides = array<i32>} : memref<16x128xf32, #tpu.memory_space<vmem>>, vector<1x16xf32>,
    %swap3A_99 = vector.shape_cast %swap3A_98 : vector<1x16xf32> to vector<16xf32>
    %swap3A_100 = vector.shape_cast %broadcast_in_dim3A_94 : vector<16xf32> to vector<1x16xf32>
    tpu.vector_store %arg12[%swap3A_96, %swap3A_97], %swap3A_100 {strides = array<i32>} : memref<16x128xf32, #tpu.memory_space<vmem>>, vector<1x16xf32>,
    %broadcast_in_dim3A_101 = arith.constant 0.000000e+00 : f32
    %broadcast_in_dim3A_102 = vector.broadcast %broadcast_in_dim3A_101 : f32 to vector<16xf32>
    %swap3A_103 = arith.constant 1 : i32
    %swap3A_104 = arith.index_cast %swap3A_103 : i32 to index
    %swap3A_105 = arith.constant 64 : index
    %swap3A_106 = tpu.vector_load %arg12[%swap3A_104, %swap3A_105] {strides = array<i32>} : memref<16x128xf32, #tpu.memory_space<vmem>>, vector<1x16xf32>,
    %swap3A_107 = vector.shape_cast %swap3A_106 : vector<1x16xf32> to vector<16xf32>
    %swap3A_108 = vector.shape_cast %broadcast_in_dim3A_102 : vector<16xf32> to vector<1x16xf32>
    tpu.vector_store %arg12[%swap3A_104, %swap3A_105], %swap3A_108 {strides = array<i32>} : memref<16x128xf32, #tpu.memory_space<vmem>>, vector<1x16xf32>,
    %broadcast_in_dim3A_109 = arith.constant 0.000000e+00 : f32
    %broadcast_in_dim3A_110 = vector.broadcast %broadcast_in_dim3A_109 : f32 to vector<16xf32>
    %swap3A_111 = arith.constant 1 : i32
    %swap3A_112 = arith.index_cast %swap3A_111 : i32 to index
    %swap3A_113 = arith.constant 80 : index
    %swap3A_114 = tpu.vector_load %arg12[%swap3A_112, %swap3A_113] {strides = array<i32>} : memref<16x128xf32, #tpu.memory_space<vmem>>, vector<1x16xf32>,
    %swap3A_115 = vector.shape_cast %swap3A_114 : vector<1x16xf32> to vector<16xf32>
    %swap3A_116 = vector.shape_cast %broadcast_in_dim3A_110 : vector<16xf32> to vector<1x16xf32>
    tpu.vector_store %arg12[%swap3A_112, %swap3A_113], %swap3A_116 {strides = array<i32>} : memref<16x128xf32, #tpu.memory_space<vmem>>, vector<1x16xf32>,
    %broadcast_in_dim3A_117 = arith.constant 0.000000e+00 : f32
    %broadcast_in_dim3A_118 = vector.broadcast %broadcast_in_dim3A_117 : f32 to vector<16xf32>
    %swap3A_119 = arith.constant 1 : i32
    %swap3A_120 = arith.index_cast %swap3A_119 : i32 to index
    %swap3A_121 = arith.constant 96 : index
    %swap3A_122 = tpu.vector_load %arg12[%swap3A_120, %swap3A_121] {strides = array<i32>} : memref<16x128xf32, #tpu.memory_space<vmem>>, vector<1x16xf32>,
    %swap3A_123 = vector.shape_cast %swap3A_122 : vector<1x16xf32> to vector<16xf32>
    %swap3A_124 = vector.shape_cast %broadcast_in_dim3A_118 : vector<16xf32> to vector<1x16xf32>
    tpu.vector_store %arg12[%swap3A_120, %swap3A_121], %swap3A_124 {strides = array<i32>} : memref<16x128xf32, #tpu.memory_space<vmem>>, vector<1x16xf32>,
    %broadcast_in_dim3A_125 = arith.constant 0.000000e+00 : f32
    %broadcast_in_dim3A_126 = vector.broadcast %broadcast_in_dim3A_125 : f32 to vector<16xf32>
    %swap3A_127 = arith.constant 1 : i32
    %swap3A_128 = arith.index_cast %swap3A_127 : i32 to index
    %swap3A_129 = arith.constant 112 : index
    %swap3A_130 = tpu.vector_load %arg12[%swap3A_128, %swap3A_129] {strides = array<i32>} : memref<16x128xf32, #tpu.memory_space<vmem>>, vector<1x16xf32>,
    %swap3A_131 = vector.shape_cast %swap3A_130 : vector<1x16xf32> to vector<16xf32>
    %swap3A_132 = vector.shape_cast %broadcast_in_dim3A_126 : vector<16xf32> to vector<1x16xf32>
    tpu.vector_store %arg12[%swap3A_128, %swap3A_129], %swap3A_132 {strides = array<i32>} : memref<16x128xf32, #tpu.memory_space<vmem>>, vector<1x16xf32>,
    %broadcast_in_dim3A_133 = arith.constant 0.000000e+00 : f32
    %broadcast_in_dim3A_134 = vector.broadcast %broadcast_in_dim3A_133 : f32 to vector<16xf32>
    %swap3A_135 = arith.constant 2 : i32
    %swap3A_136 = arith.index_cast %swap3A_135 : i32 to index
    %swap3A_137 = arith.constant 0 : index
    %swap3A_138 = tpu.vector_load %arg12[%swap3A_136, %swap3A_137] {strides = array<i32>} : memref<16x128xf32, #tpu.memory_space<vmem>>, vector<1x16xf32>,
    %swap3A_139 = vector.shape_cast %swap3A_138 : vector<1x16xf32> to vector<16xf32>
    %swap3A_140 = vector.shape_cast %broadcast_in_dim3A_134 : vector<16xf32> to vector<1x16xf32>
    tpu.vector_store %arg12[%swap3A_136, %swap3A_137], %swap3A_140 {strides = array<i32>} : memref<16x128xf32, #tpu.memory_space<vmem>>, vector<1x16xf32>,
    %broadcast_in_dim3A_141 = arith.constant 0.000000e+00 : f32
    %broadcast_in_dim3A_142 = vector.broadcast %broadcast_in_dim3A_141 : f32 to vector<16xf32>
    %swap3A_143 = arith.constant 2 : i32
    %swap3A_144 = arith.index_cast %swap3A_143 : i32 to index
    %swap3A_145 = arith.constant 16 : index
    %swap3A_146 = tpu.vector_load %arg12[%swap3A_144, %swap3A_145] {strides = array<i32>} : memref<16x128xf32, #tpu.memory_space<vmem>>, vector<1x16xf32>,
    %swap3A_147 = vector.shape_cast %swap3A_146 : vector<1x16xf32> to vector<16xf32>
    %swap3A_148 = vector.shape_cast %broadcast_in_dim3A_142 : vector<16xf32> to vector<1x16xf32>
    tpu.vector_store %arg12[%swap3A_144, %swap3A_145], %swap3A_148 {strides = array<i32>} : memref<16x128xf32, #tpu.memory_space<vmem>>, vector<1x16xf32>,
    %broadcast_in_dim3A_149 = arith.constant 0.000000e+00 : f32
    %broadcast_in_dim3A_150 = vector.broadcast %broadcast_in_dim3A_149 : f32 to vector<16xf32>
    %swap3A_151 = arith.constant 2 : i32
    %swap3A_152 = arith.index_cast %swap3A_151 : i32 to index
    %swap3A_153 = arith.constant 32 : index
    %swap3A_154 = tpu.vector_load %arg12[%swap3A_152, %swap3A_153] {strides = array<i32>} : memref<16x128xf32, #tpu.memory_space<vmem>>, vector<1x16xf32>,
    %swap3A_155 = vector.shape_cast %swap3A_154 : vector<1x16xf32> to vector<16xf32>
    %swap3A_156 = vector.shape_cast %broadcast_in_dim3A_150 : vector<16xf32> to vector<1x16xf32>
    tpu.vector_store %arg12[%swap3A_152, %swap3A_153], %swap3A_156 {strides = array<i32>} : memref<16x128xf32, #tpu.memory_space<vmem>>, vector<1x16xf32>,
    %broadcast_in_dim3A_157 = arith.constant 0.000000e+00 : f32
    %broadcast_in_dim3A_158 = vector.broadcast %broadcast_in_dim3A_157 : f32 to vector<16xf32>
    %swap3A_159 = arith.constant 2 : i32
    %swap3A_160 = arith.index_cast %swap3A_159 : i32 to index
    %swap3A_161 = arith.constant 48 : index
    %swap3A_162 = tpu.vector_load %arg12[%swap3A_160, %swap3A_161] {strides = array<i32>} : memref<16x128xf32, #tpu.memory_space<vmem>>, vector<1x16xf32>,
    %swap3A_163 = vector.shape_cast %swap3A_162 : vector<1x16xf32> to vector<16xf32>
    %swap3A_164 = vector.shape_cast %broadcast_in_dim3A_158 : vector<16xf32> to vector<1x16xf32>
    tpu.vector_store %arg12[%swap3A_160, %swap3A_161], %swap3A_164 {strides = array<i32>} : memref<16x128xf32, #tpu.memory_space<vmem>>, vector<1x16xf32>,
    %broadcast_in_dim3A_165 = arith.constant 0.000000e+00 : f32
    %broadcast_in_dim3A_166 = vector.broadcast %broadcast_in_dim3A_165 : f32 to vector<16xf32>
    %swap3A_167 = arith.constant 2 : i32
    %swap3A_168 = arith.index_cast %swap3A_167 : i32 to index
    %swap3A_169 = arith.constant 64 : index
    %swap3A_170 = tpu.vector_load %arg12[%swap3A_168, %swap3A_169] {strides = array<i32>} : memref<16x128xf32, #tpu.memory_space<vmem>>, vector<1x16xf32>,
    %swap3A_171 = vector.shape_cast %swap3A_170 : vector<1x16xf32> to vector<16xf32>
    %swap3A_172 = vector.shape_cast %broadcast_in_dim3A_166 : vector<16xf32> to vector<1x16xf32>
    tpu.vector_store %arg12[%swap3A_168, %swap3A_169], %swap3A_172 {strides = array<i32>} : memref<16x128xf32, #tpu.memory_space<vmem>>, vector<1x16xf32>,
    %broadcast_in_dim3A_173 = arith.constant 0.000000e+00 : f32
    %broadcast_in_dim3A_174 = vector.broadcast %broadcast_in_dim3A_173 : f32 to vector<16xf32>
    %swap3A_175 = arith.constant 2 : i32
    %swap3A_176 = arith.index_cast %swap3A_175 : i32 to index
    %swap3A_177 = arith.constant 80 : index
    %swap3A_178 = tpu.vector_load %arg12[%swap3A_176, %swap3A_177] {strides = array<i32>} : memref<16x128xf32, #tpu.memory_space<vmem>>, vector<1x16xf32>,
    %swap3A_179 = vector.shape_cast %swap3A_178 : vector<1x16xf32> to vector<16xf32>
    %swap3A_180 = vector.shape_cast %broadcast_in_dim3A_174 : vector<16xf32> to vector<1x16xf32>
    tpu.vector_store %arg12[%swap3A_176, %swap3A_177], %swap3A_180 {strides = array<i32>} : memref<16x128xf32, #tpu.memory_space<vmem>>, vector<1x16xf32>,
    %broadcast_in_dim3A_181 = arith.constant 0.000000e+00 : f32
    %broadcast_in_dim3A_182 = vector.broadcast %broadcast_in_dim3A_181 : f32 to vector<16xf32>
    %swap3A_183 = arith.constant 2 : i32
    %swap3A_184 = arith.index_cast %swap3A_183 : i32 to index
    %swap3A_185 = arith.constant 96 : index
    %swap3A_186 = tpu.vector_load %arg12[%swap3A_184, %swap3A_185] {strides = array<i32>} : memref<16x128xf32, #tpu.memory_space<vmem>>, vector<1x16xf32>,
    %swap3A_187 = vector.shape_cast %swap3A_186 : vector<1x16xf32> to vector<16xf32>
    %swap3A_188 = vector.shape_cast %broadcast_in_dim3A_182 : vector<16xf32> to vector<1x16xf32>
    tpu.vector_store %arg12[%swap3A_184, %swap3A_185], %swap3A_188 {strides = array<i32>} : memref<16x128xf32, #tpu.memory_space<vmem>>, vector<1x16xf32>,
    %broadcast_in_dim3A_189 = arith.constant 0.000000e+00 : f32
    %broadcast_in_dim3A_190 = vector.broadcast %broadcast_in_dim3A_189 : f32 to vector<16xf32>
    %swap3A_191 = arith.constant 2 : i32
    %swap3A_192 = arith.index_cast %swap3A_191 : i32 to index
    %swap3A_193 = arith.constant 112 : index
    %swap3A_194 = tpu.vector_load %arg12[%swap3A_192, %swap3A_193] {strides = array<i32>} : memref<16x128xf32, #tpu.memory_space<vmem>>, vector<1x16xf32>,
    %swap3A_195 = vector.shape_cast %swap3A_194 : vector<1x16xf32> to vector<16xf32>
    %swap3A_196 = vector.shape_cast %broadcast_in_dim3A_190 : vector<16xf32> to vector<1x16xf32>
    tpu.vector_store %arg12[%swap3A_192, %swap3A_193], %swap3A_196 {strides = array<i32>} : memref<16x128xf32, #tpu.memory_space<vmem>>, vector<1x16xf32>,
    %broadcast_in_dim3A_197 = arith.constant 0.000000e+00 : f32
    %broadcast_in_dim3A_198 = vector.broadcast %broadcast_in_dim3A_197 : f32 to vector<16xf32>
    %swap3A_199 = arith.constant 3 : i32
    %swap3A_200 = arith.index_cast %swap3A_199 : i32 to index
    %swap3A_201 = arith.constant 0 : index
    %swap3A_202 = tpu.vector_load %arg12[%swap3A_200, %swap3A_201] {strides = array<i32>} : memref<16x128xf32, #tpu.memory_space<vmem>>, vector<1x16xf32>,
    %swap3A_203 = vector.shape_cast %swap3A_202 : vector<1x16xf32> to vector<16xf32>
    %swap3A_204 = vector.shape_cast %broadcast_in_dim3A_198 : vector<16xf32> to vector<1x16xf32>
    tpu.vector_store %arg12[%swap3A_200, %swap3A_201], %swap3A_204 {strides = array<i32>} : memref<16x128xf32, #tpu.memory_space<vmem>>, vector<1x16xf32>,
    %broadcast_in_dim3A_205 = arith.constant 0.000000e+00 : f32
    %broadcast_in_dim3A_206 = vector.broadcast %broadcast_in_dim3A_205 : f32 to vector<16xf32>
    %swap3A_207 = arith.constant 3 : i32
    %swap3A_208 = arith.index_cast %swap3A_207 : i32 to index
    %swap3A_209 = arith.constant 16 : index
    %swap3A_210 = tpu.vector_load %arg12[%swap3A_208, %swap3A_209] {strides = array<i32>} : memref<16x128xf32, #tpu.memory_space<vmem>>, vector<1x16xf32>,
    %swap3A_211 = vector.shape_cast %swap3A_210 : vector<1x16xf32> to vector<16xf32>
    %swap3A_212 = vector.shape_cast %broadcast_in_dim3A_206 : vector<16xf32> to vector<1x16xf32>
    tpu.vector_store %arg12[%swap3A_208, %swap3A_209], %swap3A_212 {strides = array<i32>} : memref<16x128xf32, #tpu.memory_space<vmem>>, vector<1x16xf32>,
    %broadcast_in_dim3A_213 = arith.constant 0.000000e+00 : f32
    %broadcast_in_dim3A_214 = vector.broadcast %broadcast_in_dim3A_213 : f32 to vector<16xf32>
    %swap3A_215 = arith.constant 3 : i32
    %swap3A_216 = arith.index_cast %swap3A_215 : i32 to index
    %swap3A_217 = arith.constant 32 : index
    %swap3A_218 = tpu.vector_load %arg12[%swap3A_216, %swap3A_217] {strides = array<i32>} : memref<16x128xf32, #tpu.memory_space<vmem>>, vector<1x16xf32>,
    %swap3A_219 = vector.shape_cast %swap3A_218 : vector<1x16xf32> to vector<16xf32>
    %swap3A_220 = vector.shape_cast %broadcast_in_dim3A_214 : vector<16xf32> to vector<1x16xf32>
    tpu.vector_store %arg12[%swap3A_216, %swap3A_217], %swap3A_220 {strides = array<i32>} : memref<16x128xf32, #tpu.memory_space<vmem>>, vector<1x16xf32>,
    %broadcast_in_dim3A_221 = arith.constant 0.000000e+00 : f32
    %broadcast_in_dim3A_222 = vector.broadcast %broadcast_in_dim3A_221 : f32 to vector<16xf32>
    %swap3A_223 = arith.constant 3 : i32
    %swap3A_224 = arith.index_cast %swap3A_223 : i32 to index
    %swap3A_225 = arith.constant 48 : index
    %swap3A_226 = tpu.vector_load %arg12[%swap3A_224, %swap3A_225] {strides = array<i32>} : memref<16x128xf32, #tpu.memory_space<vmem>>, vector<1x16xf32>,
    %swap3A_227 = vector.shape_cast %swap3A_226 : vector<1x16xf32> to vector<16xf32>
    %swap3A_228 = vector.shape_cast %broadcast_in_dim3A_222 : vector<16xf32> to vector<1x16xf32>
    tpu.vector_store %arg12[%swap3A_224, %swap3A_225], %swap3A_228 {strides = array<i32>} : memref<16x128xf32, #tpu.memory_space<vmem>>, vector<1x16xf32>,
    %broadcast_in_dim3A_229 = arith.constant 0.000000e+00 : f32
    %broadcast_in_dim3A_230 = vector.broadcast %broadcast_in_dim3A_229 : f32 to vector<16xf32>
    %swap3A_231 = arith.constant 3 : i32
    %swap3A_232 = arith.index_cast %swap3A_231 : i32 to index
    %swap3A_233 = arith.constant 64 : index
    %swap3A_234 = tpu.vector_load %arg12[%swap3A_232, %swap3A_233] {strides = array<i32>} : memref<16x128xf32, #tpu.memory_space<vmem>>, vector<1x16xf32>,
    %swap3A_235 = vector.shape_cast %swap3A_234 : vector<1x16xf32> to vector<16xf32>
    %swap3A_236 = vector.shape_cast %broadcast_in_dim3A_230 : vector<16xf32> to vector<1x16xf32>
    tpu.vector_store %arg12[%swap3A_232, %swap3A_233], %swap3A_236 {strides = array<i32>} : memref<16x128xf32, #tpu.memory_space<vmem>>, vector<1x16xf32>,
    %broadcast_in_dim3A_237 = arith.constant 0.000000e+00 : f32
    %broadcast_in_dim3A_238 = vector.broadcast %broadcast_in_dim3A_237 : f32 to vector<16xf32>
    %swap3A_239 = arith.constant 3 : i32
    %swap3A_240 = arith.index_cast %swap3A_239 : i32 to index
    %swap3A_241 = arith.constant 80 : index
    %swap3A_242 = tpu.vector_load %arg12[%swap3A_240, %swap3A_241] {strides = array<i32>} : memref<16x128xf32, #tpu.memory_space<vmem>>, vector<1x16xf32>,
    %swap3A_243 = vector.shape_cast %swap3A_242 : vector<1x16xf32> to vector<16xf32>
    %swap3A_244 = vector.shape_cast %broadcast_in_dim3A_238 : vector<16xf32> to vector<1x16xf32>
    tpu.vector_store %arg12[%swap3A_240, %swap3A_241], %swap3A_244 {strides = array<i32>} : memref<16x128xf32, #tpu.memory_space<vmem>>, vector<1x16xf32>,
    %broadcast_in_dim3A_245 = arith.constant 0.000000e+00 : f32
    %broadcast_in_dim3A_246 = vector.broadcast %broadcast_in_dim3A_245 : f32 to vector<16xf32>
    %swap3A_247 = arith.constant 3 : i32
    %swap3A_248 = arith.index_cast %swap3A_247 : i32 to index
    %swap3A_249 = arith.constant 96 : index
    %swap3A_250 = tpu.vector_load %arg12[%swap3A_248, %swap3A_249] {strides = array<i32>} : memref<16x128xf32, #tpu.memory_space<vmem>>, vector<1x16xf32>,
    %swap3A_251 = vector.shape_cast %swap3A_250 : vector<1x16xf32> to vector<16xf32>
    %swap3A_252 = vector.shape_cast %broadcast_in_dim3A_246 : vector<16xf32> to vector<1x16xf32>
    tpu.vector_store %arg12[%swap3A_248, %swap3A_249], %swap3A_252 {strides = array<i32>} : memref<16x128xf32, #tpu.memory_space<vmem>>, vector<1x16xf32>,
    %broadcast_in_dim3A_253 = arith.constant 0.000000e+00 : f32
    %broadcast_in_dim3A_254 = vector.broadcast %broadcast_in_dim3A_253 : f32 to vector<16xf32>
    %swap3A_255 = arith.constant 3 : i32
    %swap3A_256 = arith.index_cast %swap3A_255 : i32 to index
    %swap3A_257 = arith.constant 112 : index
    %swap3A_258 = tpu.vector_load %arg12[%swap3A_256, %swap3A_257] {strides = array<i32>} : memref<16x128xf32, #tpu.memory_space<vmem>>, vector<1x16xf32>,
    %swap3A_259 = vector.shape_cast %swap3A_258 : vector<1x16xf32> to vector<16xf32>
    %swap3A_260 = vector.shape_cast %broadcast_in_dim3A_254 : vector<16xf32> to vector<1x16xf32>
    tpu.vector_store %arg12[%swap3A_256, %swap3A_257], %swap3A_260 {strides = array<i32>} : memref<16x128xf32, #tpu.memory_space<vmem>>, vector<1x16xf32>,
    %broadcast_in_dim3A_261 = arith.constant 0.000000e+00 : f32
    %broadcast_in_dim3A_262 = vector.broadcast %broadcast_in_dim3A_261 : f32 to vector<16xf32>
    %swap3A_263 = arith.constant 4 : i32
    %swap3A_264 = arith.index_cast %swap3A_263 : i32 to index
    %swap3A_265 = arith.constant 0 : index
    %swap3A_266 = tpu.vector_load %arg12[%swap3A_264, %swap3A_265] {strides = array<i32>} : memref<16x128xf32, #tpu.memory_space<vmem>>, vector<1x16xf32>,
    %swap3A_267 = vector.shape_cast %swap3A_266 : vector<1x16xf32> to vector<16xf32>
    %swap3A_268 = vector.shape_cast %broadcast_in_dim3A_262 : vector<16xf32> to vector<1x16xf32>
    tpu.vector_store %arg12[%swap3A_264, %swap3A_265], %swap3A_268 {strides = array<i32>} : memref<16x128xf32, #tpu.memory_space<vmem>>, vector<1x16xf32>,
    %broadcast_in_dim3A_269 = arith.constant 0.000000e+00 : f32
    %broadcast_in_dim3A_270 = vector.broadcast %broadcast_in_dim3A_269 : f32 to vector<16xf32>
    %swap3A_271 = arith.constant 4 : i32
    %swap3A_272 = arith.index_cast %swap3A_271 : i32 to index
    %swap3A_273 = arith.constant 16 : index
    %swap3A_274 = tpu.vector_load %arg12[%swap3A_272, %swap3A_273] {strides = array<i32>} : memref<16x128xf32, #tpu.memory_space<vmem>>, vector<1x16xf32>,
    %swap3A_275 = vector.shape_cast %swap3A_274 : vector<1x16xf32> to vector<16xf32>
    %swap3A_276 = vector.shape_cast %broadcast_in_dim3A_270 : vector<16xf32> to vector<1x16xf32>
    tpu.vector_store %arg12[%swap3A_272, %swap3A_273], %swap3A_276 {strides = array<i32>} : memref<16x128xf32, #tpu.memory_space<vmem>>, vector<1x16xf32>,
    %broadcast_in_dim3A_277 = arith.constant 0.000000e+00 : f32
    %broadcast_in_dim3A_278 = vector.broadcast %broadcast_in_dim3A_277 : f32 to vector<16xf32>
    %swap3A_279 = arith.constant 4 : i32
    %swap3A_280 = arith.index_cast %swap3A_279 : i32 to index
    %swap3A_281 = arith.constant 32 : index
    %swap3A_282 = tpu.vector_load %arg12[%swap3A_280, %swap3A_281] {strides = array<i32>} : memref<16x128xf32, #tpu.memory_space<vmem>>, vector<1x16xf32>,
    %swap3A_283 = vector.shape_cast %swap3A_282 : vector<1x16xf32> to vector<16xf32>
    %swap3A_284 = vector.shape_cast %broadcast_in_dim3A_278 : vector<16xf32> to vector<1x16xf32>
    tpu.vector_store %arg12[%swap3A_280, %swap3A_281], %swap3A_284 {strides = array<i32>} : memref<16x128xf32, #tpu.memory_space<vmem>>, vector<1x16xf32>,
    %broadcast_in_dim3A_285 = arith.constant 0.000000e+00 : f32
    %broadcast_in_dim3A_286 = vector.broadcast %broadcast_in_dim3A_285 : f32 to vector<16xf32>
    %swap3A_287 = arith.constant 4 : i32
    %swap3A_288 = arith.index_cast %swap3A_287 : i32 to index
    %swap3A_289 = arith.constant 48 : index
    %swap3A_290 = tpu.vector_load %arg12[%swap3A_288, %swap3A_289] {strides = array<i32>} : memref<16x128xf32, #tpu.memory_space<vmem>>, vector<1x16xf32>,
    %swap3A_291 = vector.shape_cast %swap3A_290 : vector<1x16xf32> to vector<16xf32>
    %swap3A_292 = vector.shape_cast %broadcast_in_dim3A_286 : vector<16xf32> to vector<1x16xf32>
    tpu.vector_store %arg12[%swap3A_288, %swap3A_289], %swap3A_292 {strides = array<i32>} : memref<16x128xf32, #tpu.memory_space<vmem>>, vector<1x16xf32>,
    %broadcast_in_dim3A_293 = arith.constant 0.000000e+00 : f32
    %broadcast_in_dim3A_294 = vector.broadcast %broadcast_in_dim3A_293 : f32 to vector<16xf32>
    %swap3A_295 = arith.constant 4 : i32
    %swap3A_296 = arith.index_cast %swap3A_295 : i32 to index
    %swap3A_297 = arith.constant 64 : index
    %swap3A_298 = tpu.vector_load %arg12[%swap3A_296, %swap3A_297] {strides = array<i32>} : memref<16x128xf32, #tpu.memory_space<vmem>>, vector<1x16xf32>,
    %swap3A_299 = vector.shape_cast %swap3A_298 : vector<1x16xf32> to vector<16xf32>
    %swap3A_300 = vector.shape_cast %broadcast_in_dim3A_294 : vector<16xf32> to vector<1x16xf32>
    tpu.vector_store %arg12[%swap3A_296, %swap3A_297], %swap3A_300 {strides = array<i32>} : memref<16x128xf32, #tpu.memory_space<vmem>>, vector<1x16xf32>,
    %broadcast_in_dim3A_301 = arith.constant 0.000000e+00 : f32
    %broadcast_in_dim3A_302 = vector.broadcast %broadcast_in_dim3A_301 : f32 to vector<16xf32>
    %swap3A_303 = arith.constant 4 : i32
    %swap3A_304 = arith.index_cast %swap3A_303 : i32 to index
    %swap3A_305 = arith.constant 80 : index
    %swap3A_306 = tpu.vector_load %arg12[%swap3A_304, %swap3A_305] {strides = array<i32>} : memref<16x128xf32, #tpu.memory_space<vmem>>, vector<1x16xf32>,
    %swap3A_307 = vector.shape_cast %swap3A_306 : vector<1x16xf32> to vector<16xf32>
    %swap3A_308 = vector.shape_cast %broadcast_in_dim3A_302 : vector<16xf32> to vector<1x16xf32>
    tpu.vector_store %arg12[%swap3A_304, %swap3A_305], %swap3A_308 {strides = array<i32>} : memref<16x128xf32, #tpu.memory_space<vmem>>, vector<1x16xf32>,
    %broadcast_in_dim3A_309 = arith.constant 0.000000e+00 : f32
    %broadcast_in_dim3A_310 = vector.broadcast %broadcast_in_dim3A_309 : f32 to vector<16xf32>
    %swap3A_311 = arith.constant 4 : i32
    %swap3A_312 = arith.index_cast %swap3A_311 : i32 to index
    %swap3A_313 = arith.constant 96 : index
    %swap3A_314 = tpu.vector_load %arg12[%swap3A_312, %swap3A_313] {strides = array<i32>} : memref<16x128xf32, #tpu.memory_space<vmem>>, vector<1x16xf32>,
    %swap3A_315 = vector.shape_cast %swap3A_314 : vector<1x16xf32> to vector<16xf32>
    %swap3A_316 = vector.shape_cast %broadcast_in_dim3A_310 : vector<16xf32> to vector<1x16xf32>
    tpu.vector_store %arg12[%swap3A_312, %swap3A_313], %swap3A_316 {strides = array<i32>} : memref<16x128xf32, #tpu.memory_space<vmem>>, vector<1x16xf32>,
    %broadcast_in_dim3A_317 = arith.constant 0.000000e+00 : f32
    %broadcast_in_dim3A_318 = vector.broadcast %broadcast_in_dim3A_317 : f32 to vector<16xf32>
    %swap3A_319 = arith.constant 4 : i32
    %swap3A_320 = arith.index_cast %swap3A_319 : i32 to index
    %swap3A_321 = arith.constant 112 : index
    %swap3A_322 = tpu.vector_load %arg12[%swap3A_320, %swap3A_321] {strides = array<i32>} : memref<16x128xf32, #tpu.memory_space<vmem>>, vector<1x16xf32>,
    %swap3A_323 = vector.shape_cast %swap3A_322 : vector<1x16xf32> to vector<16xf32>
    %swap3A_324 = vector.shape_cast %broadcast_in_dim3A_318 : vector<16xf32> to vector<1x16xf32>
    tpu.vector_store %arg12[%swap3A_320, %swap3A_321], %swap3A_324 {strides = array<i32>} : memref<16x128xf32, #tpu.memory_space<vmem>>, vector<1x16xf32>,
    %broadcast_in_dim3A_325 = arith.constant 0.000000e+00 : f32
    %broadcast_in_dim3A_326 = vector.broadcast %broadcast_in_dim3A_325 : f32 to vector<16xf32>
    %swap3A_327 = arith.constant 5 : i32
    %swap3A_328 = arith.index_cast %swap3A_327 : i32 to index
    %swap3A_329 = arith.constant 0 : index
    %swap3A_330 = tpu.vector_load %arg12[%swap3A_328, %swap3A_329] {strides = array<i32>} : memref<16x128xf32, #tpu.memory_space<vmem>>, vector<1x16xf32>,
    %swap3A_331 = vector.shape_cast %swap3A_330 : vector<1x16xf32> to vector<16xf32>
    %swap3A_332 = vector.shape_cast %broadcast_in_dim3A_326 : vector<16xf32> to vector<1x16xf32>
    tpu.vector_store %arg12[%swap3A_328, %swap3A_329], %swap3A_332 {strides = array<i32>} : memref<16x128xf32, #tpu.memory_space<vmem>>, vector<1x16xf32>,
    %broadcast_in_dim3A_333 = arith.constant 0.000000e+00 : f32
    %broadcast_in_dim3A_334 = vector.broadcast %broadcast_in_dim3A_333 : f32 to vector<16xf32>
    %swap3A_335 = arith.constant 5 : i32
    %swap3A_336 = arith.index_cast %swap3A_335 : i32 to index
    %swap3A_337 = arith.constant 16 : index
    %swap3A_338 = tpu.vector_load %arg12[%swap3A_336, %swap3A_337] {strides = array<i32>} : memref<16x128xf32, #tpu.memory_space<vmem>>, vector<1x16xf32>,
    %swap3A_339 = vector.shape_cast %swap3A_338 : vector<1x16xf32> to vector<16xf32>
    %swap3A_340 = vector.shape_cast %broadcast_in_dim3A_334 : vector<16xf32> to vector<1x16xf32>
    tpu.vector_store %arg12[%swap3A_336, %swap3A_337], %swap3A_340 {strides = array<i32>} : memref<16x128xf32, #tpu.memory_space<vmem>>, vector<1x16xf32>,
    %broadcast_in_dim3A_341 = arith.constant 0.000000e+00 : f32
    %broadcast_in_dim3A_342 = vector.broadcast %broadcast_in_dim3A_341 : f32 to vector<16xf32>
    %swap3A_343 = arith.constant 5 : i32
    %swap3A_344 = arith.index_cast %swap3A_343 : i32 to index
    %swap3A_345 = arith.constant 32 : index
    %swap3A_346 = tpu.vector_load %arg12[%swap3A_344, %swap3A_345] {strides = array<i32>} : memref<16x128xf32, #tpu.memory_space<vmem>>, vector<1x16xf32>,
    %swap3A_347 = vector.shape_cast %swap3A_346 : vector<1x16xf32> to vector<16xf32>
    %swap3A_348 = vector.shape_cast %broadcast_in_dim3A_342 : vector<16xf32> to vector<1x16xf32>
    tpu.vector_store %arg12[%swap3A_344, %swap3A_345], %swap3A_348 {strides = array<i32>} : memref<16x128xf32, #tpu.memory_space<vmem>>, vector<1x16xf32>,
    %broadcast_in_dim3A_349 = arith.constant 0.000000e+00 : f32
    %broadcast_in_dim3A_350 = vector.broadcast %broadcast_in_dim3A_349 : f32 to vector<16xf32>
    %swap3A_351 = arith.constant 5 : i32
    %swap3A_352 = arith.index_cast %swap3A_351 : i32 to index
    %swap3A_353 = arith.constant 48 : index
    %swap3A_354 = tpu.vector_load %arg12[%swap3A_352, %swap3A_353] {strides = array<i32>} : memref<16x128xf32, #tpu.memory_space<vmem>>, vector<1x16xf32>,
    %swap3A_355 = vector.shape_cast %swap3A_354 : vector<1x16xf32> to vector<16xf32>
    %swap3A_356 = vector.shape_cast %broadcast_in_dim3A_350 : vector<16xf32> to vector<1x16xf32>
    tpu.vector_store %arg12[%swap3A_352, %swap3A_353], %swap3A_356 {strides = array<i32>} : memref<16x128xf32, #tpu.memory_space<vmem>>, vector<1x16xf32>,
    %broadcast_in_dim3A_357 = arith.constant 0.000000e+00 : f32
    %broadcast_in_dim3A_358 = vector.broadcast %broadcast_in_dim3A_357 : f32 to vector<16xf32>
    %swap3A_359 = arith.constant 5 : i32
    %swap3A_360 = arith.index_cast %swap3A_359 : i32 to index
    %swap3A_361 = arith.constant 64 : index
    %swap3A_362 = tpu.vector_load %arg12[%swap3A_360, %swap3A_361] {strides = array<i32>} : memref<16x128xf32, #tpu.memory_space<vmem>>, vector<1x16xf32>,
    %swap3A_363 = vector.shape_cast %swap3A_362 : vector<1x16xf32> to vector<16xf32>
    %swap3A_364 = vector.shape_cast %broadcast_in_dim3A_358 : vector<16xf32> to vector<1x16xf32>
    tpu.vector_store %arg12[%swap3A_360, %swap3A_361], %swap3A_364 {strides = array<i32>} : memref<16x128xf32, #tpu.memory_space<vmem>>, vector<1x16xf32>,
    %broadcast_in_dim3A_365 = arith.constant 0.000000e+00 : f32
    %broadcast_in_dim3A_366 = vector.broadcast %broadcast_in_dim3A_365 : f32 to vector<16xf32>
    %swap3A_367 = arith.constant 5 : i32
    %swap3A_368 = arith.index_cast %swap3A_367 : i32 to index
    %swap3A_369 = arith.constant 80 : index
    %swap3A_370 = tpu.vector_load %arg12[%swap3A_368, %swap3A_369] {strides = array<i32>} : memref<16x128xf32, #tpu.memory_space<vmem>>, vector<1x16xf32>,
    %swap3A_371 = vector.shape_cast %swap3A_370 : vector<1x16xf32> to vector<16xf32>
    %swap3A_372 = vector.shape_cast %broadcast_in_dim3A_366 : vector<16xf32> to vector<1x16xf32>
    tpu.vector_store %arg12[%swap3A_368, %swap3A_369], %swap3A_372 {strides = array<i32>} : memref<16x128xf32, #tpu.memory_space<vmem>>, vector<1x16xf32>,
    %broadcast_in_dim3A_373 = arith.constant 0.000000e+00 : f32
    %broadcast_in_dim3A_374 = vector.broadcast %broadcast_in_dim3A_373 : f32 to vector<16xf32>
    %swap3A_375 = arith.constant 5 : i32
    %swap3A_376 = arith.index_cast %swap3A_375 : i32 to index
    %swap3A_377 = arith.constant 96 : index
    %swap3A_378 = tpu.vector_load %arg12[%swap3A_376, %swap3A_377] {strides = array<i32>} : memref<16x128xf32, #tpu.memory_space<vmem>>, vector<1x16xf32>,
    %swap3A_379 = vector.shape_cast %swap3A_378 : vector<1x16xf32> to vector<16xf32>
    %swap3A_380 = vector.shape_cast %broadcast_in_dim3A_374 : vector<16xf32> to vector<1x16xf32>
    tpu.vector_store %arg12[%swap3A_376, %swap3A_377], %swap3A_380 {strides = array<i32>} : memref<16x128xf32, #tpu.memory_space<vmem>>, vector<1x16xf32>,
    %broadcast_in_dim3A_381 = arith.constant 0.000000e+00 : f32
    %broadcast_in_dim3A_382 = vector.broadcast %broadcast_in_dim3A_381 : f32 to vector<16xf32>
    %swap3A_383 = arith.constant 5 : i32
    %swap3A_384 = arith.index_cast %swap3A_383 : i32 to index
    %swap3A_385 = arith.constant 112 : index
    %swap3A_386 = tpu.vector_load %arg12[%swap3A_384, %swap3A_385] {strides = array<i32>} : memref<16x128xf32, #tpu.memory_space<vmem>>, vector<1x16xf32>,
    %swap3A_387 = vector.shape_cast %swap3A_386 : vector<1x16xf32> to vector<16xf32>
    %swap3A_388 = vector.shape_cast %broadcast_in_dim3A_382 : vector<16xf32> to vector<1x16xf32>
    tpu.vector_store %arg12[%swap3A_384, %swap3A_385], %swap3A_388 {strides = array<i32>} : memref<16x128xf32, #tpu.memory_space<vmem>>, vector<1x16xf32>,
    %broadcast_in_dim3A_389 = arith.constant 0.000000e+00 : f32
    %broadcast_in_dim3A_390 = vector.broadcast %broadcast_in_dim3A_389 : f32 to vector<16xf32>
    %swap3A_391 = arith.constant 6 : i32
    %swap3A_392 = arith.index_cast %swap3A_391 : i32 to index
    %swap3A_393 = arith.constant 0 : index
    %swap3A_394 = tpu.vector_load %arg12[%swap3A_392, %swap3A_393] {strides = array<i32>} : memref<16x128xf32, #tpu.memory_space<vmem>>, vector<1x16xf32>,
    %swap3A_395 = vector.shape_cast %swap3A_394 : vector<1x16xf32> to vector<16xf32>
    %swap3A_396 = vector.shape_cast %broadcast_in_dim3A_390 : vector<16xf32> to vector<1x16xf32>
    tpu.vector_store %arg12[%swap3A_392, %swap3A_393], %swap3A_396 {strides = array<i32>} : memref<16x128xf32, #tpu.memory_space<vmem>>, vector<1x16xf32>,
    %broadcast_in_dim3A_397 = arith.constant 0.000000e+00 : f32
    %broadcast_in_dim3A_398 = vector.broadcast %broadcast_in_dim3A_397 : f32 to vector<16xf32>
    %swap3A_399 = arith.constant 6 : i32
    %swap3A_400 = arith.index_cast %swap3A_399 : i32 to index
    %swap3A_401 = arith.constant 16 : index
    %swap3A_402 = tpu.vector_load %arg12[%swap3A_400, %swap3A_401] {strides = array<i32>} : memref<16x128xf32, #tpu.memory_space<vmem>>, vector<1x16xf32>,
    %swap3A_403 = vector.shape_cast %swap3A_402 : vector<1x16xf32> to vector<16xf32>
    %swap3A_404 = vector.shape_cast %broadcast_in_dim3A_398 : vector<16xf32> to vector<1x16xf32>
    tpu.vector_store %arg12[%swap3A_400, %swap3A_401], %swap3A_404 {strides = array<i32>} : memref<16x128xf32, #tpu.memory_space<vmem>>, vector<1x16xf32>,
    %broadcast_in_dim3A_405 = arith.constant 0.000000e+00 : f32
    %broadcast_in_dim3A_406 = vector.broadcast %broadcast_in_dim3A_405 : f32 to vector<16xf32>
    %swap3A_407 = arith.constant 6 : i32
    %swap3A_408 = arith.index_cast %swap3A_407 : i32 to index
    %swap3A_409 = arith.constant 32 : index
    %swap3A_410 = tpu.vector_load %arg12[%swap3A_408, %swap3A_409] {strides = array<i32>} : memref<16x128xf32, #tpu.memory_space<vmem>>, vector<1x16xf32>,
    %swap3A_411 = vector.shape_cast %swap3A_410 : vector<1x16xf32> to vector<16xf32>
    %swap3A_412 = vector.shape_cast %broadcast_in_dim3A_406 : vector<16xf32> to vector<1x16xf32>
    tpu.vector_store %arg12[%swap3A_408, %swap3A_409], %swap3A_412 {strides = array<i32>} : memref<16x128xf32, #tpu.memory_space<vmem>>, vector<1x16xf32>,
    %broadcast_in_dim3A_413 = arith.constant 0.000000e+00 : f32
    %broadcast_in_dim3A_414 = vector.broadcast %broadcast_in_dim3A_413 : f32 to vector<16xf32>
    %swap3A_415 = arith.constant 6 : i32
    %swap3A_416 = arith.index_cast %swap3A_415 : i32 to index
    %swap3A_417 = arith.constant 48 : index
    %swap3A_418 = tpu.vector_load %arg12[%swap3A_416, %swap3A_417] {strides = array<i32>} : memref<16x128xf32, #tpu.memory_space<vmem>>, vector<1x16xf32>,
    %swap3A_419 = vector.shape_cast %swap3A_418 : vector<1x16xf32> to vector<16xf32>
    %swap3A_420 = vector.shape_cast %broadcast_in_dim3A_414 : vector<16xf32> to vector<1x16xf32>
    tpu.vector_store %arg12[%swap3A_416, %swap3A_417], %swap3A_420 {strides = array<i32>} : memref<16x128xf32, #tpu.memory_space<vmem>>, vector<1x16xf32>,
    %broadcast_in_dim3A_421 = arith.constant 0.000000e+00 : f32
    %broadcast_in_dim3A_422 = vector.broadcast %broadcast_in_dim3A_421 : f32 to vector<16xf32>
    %swap3A_423 = arith.constant 6 : i32
    %swap3A_424 = arith.index_cast %swap3A_423 : i32 to index
    %swap3A_425 = arith.constant 64 : index
    %swap3A_426 = tpu.vector_load %arg12[%swap3A_424, %swap3A_425] {strides = array<i32>} : memref<16x128xf32, #tpu.memory_space<vmem>>, vector<1x16xf32>,
    %swap3A_427 = vector.shape_cast %swap3A_426 : vector<1x16xf32> to vector<16xf32>
    %swap3A_428 = vector.shape_cast %broadcast_in_dim3A_422 : vector<16xf32> to vector<1x16xf32>
    tpu.vector_store %arg12[%swap3A_424, %swap3A_425], %swap3A_428 {strides = array<i32>} : memref<16x128xf32, #tpu.memory_space<vmem>>, vector<1x16xf32>,
    %broadcast_in_dim3A_429 = arith.constant 0.000000e+00 : f32
    %broadcast_in_dim3A_430 = vector.broadcast %broadcast_in_dim3A_429 : f32 to vector<16xf32>
    %swap3A_431 = arith.constant 6 : i32
    %swap3A_432 = arith.index_cast %swap3A_431 : i32 to index
    %swap3A_433 = arith.constant 80 : index
    %swap3A_434 = tpu.vector_load %arg12[%swap3A_432, %swap3A_433] {strides = array<i32>} : memref<16x128xf32, #tpu.memory_space<vmem>>, vector<1x16xf32>,
    %swap3A_435 = vector.shape_cast %swap3A_434 : vector<1x16xf32> to vector<16xf32>
    %swap3A_436 = vector.shape_cast %broadcast_in_dim3A_430 : vector<16xf32> to vector<1x16xf32>
    tpu.vector_store %arg12[%swap3A_432, %swap3A_433], %swap3A_436 {strides = array<i32>} : memref<16x128xf32, #tpu.memory_space<vmem>>, vector<1x16xf32>,
    %broadcast_in_dim3A_437 = arith.constant 0.000000e+00 : f32
    %broadcast_in_dim3A_438 = vector.broadcast %broadcast_in_dim3A_437 : f32 to vector<16xf32>
    %swap3A_439 = arith.constant 6 : i32
    %swap3A_440 = arith.index_cast %swap3A_439 : i32 to index
    %swap3A_441 = arith.constant 96 : index
    %swap3A_442 = tpu.vector_load %arg12[%swap3A_440, %swap3A_441] {strides = array<i32>} : memref<16x128xf32, #tpu.memory_space<vmem>>, vector<1x16xf32>,
    %swap3A_443 = vector.shape_cast %swap3A_442 : vector<1x16xf32> to vector<16xf32>
    %swap3A_444 = vector.shape_cast %broadcast_in_dim3A_438 : vector<16xf32> to vector<1x16xf32>
    tpu.vector_store %arg12[%swap3A_440, %swap3A_441], %swap3A_444 {strides = array<i32>} : memref<16x128xf32, #tpu.memory_space<vmem>>, vector<1x16xf32>,
    %broadcast_in_dim3A_445 = arith.constant 0.000000e+00 : f32
    %broadcast_in_dim3A_446 = vector.broadcast %broadcast_in_dim3A_445 : f32 to vector<16xf32>
    %swap3A_447 = arith.constant 6 : i32
    %swap3A_448 = arith.index_cast %swap3A_447 : i32 to index
    %swap3A_449 = arith.constant 112 : index
    %swap3A_450 = tpu.vector_load %arg12[%swap3A_448, %swap3A_449] {strides = array<i32>} : memref<16x128xf32, #tpu.memory_space<vmem>>, vector<1x16xf32>,
    %swap3A_451 = vector.shape_cast %swap3A_450 : vector<1x16xf32> to vector<16xf32>
    %swap3A_452 = vector.shape_cast %broadcast_in_dim3A_446 : vector<16xf32> to vector<1x16xf32>
    tpu.vector_store %arg12[%swap3A_448, %swap3A_449], %swap3A_452 {strides = array<i32>} : memref<16x128xf32, #tpu.memory_space<vmem>>, vector<1x16xf32>,
    %broadcast_in_dim3A_453 = arith.constant 0.000000e+00 : f32
    %broadcast_in_dim3A_454 = vector.broadcast %broadcast_in_dim3A_453 : f32 to vector<16xf32>
    %swap3A_455 = arith.constant 7 : i32
    %swap3A_456 = arith.index_cast %swap3A_455 : i32 to index
    %swap3A_457 = arith.constant 0 : index
    %swap3A_458 = tpu.vector_load %arg12[%swap3A_456, %swap3A_457] {strides = array<i32>} : memref<16x128xf32, #tpu.memory_space<vmem>>, vector<1x16xf32>,
    %swap3A_459 = vector.shape_cast %swap3A_458 : vector<1x16xf32> to vector<16xf32>
    %swap3A_460 = vector.shape_cast %broadcast_in_dim3A_454 : vector<16xf32> to vector<1x16xf32>
    tpu.vector_store %arg12[%swap3A_456, %swap3A_457], %swap3A_460 {strides = array<i32>} : memref<16x128xf32, #tpu.memory_space<vmem>>, vector<1x16xf32>,
    %broadcast_in_dim3A_461 = arith.constant 0.000000e+00 : f32
    %broadcast_in_dim3A_462 = vector.broadcast %broadcast_in_dim3A_461 : f32 to vector<16xf32>
    %swap3A_463 = arith.constant 7 : i32
    %swap3A_464 = arith.index_cast %swap3A_463 : i32 to index
    %swap3A_465 = arith.constant 16 : index
    %swap3A_466 = tpu.vector_load %arg12[%swap3A_464, %swap3A_465] {strides = array<i32>} : memref<16x128xf32, #tpu.memory_space<vmem>>, vector<1x16xf32>,
    %swap3A_467 = vector.shape_cast %swap3A_466 : vector<1x16xf32> to vector<16xf32>
    %swap3A_468 = vector.shape_cast %broadcast_in_dim3A_462 : vector<16xf32> to vector<1x16xf32>
    tpu.vector_store %arg12[%swap3A_464, %swap3A_465], %swap3A_468 {strides = array<i32>} : memref<16x128xf32, #tpu.memory_space<vmem>>, vector<1x16xf32>,
    %broadcast_in_dim3A_469 = arith.constant 0.000000e+00 : f32
    %broadcast_in_dim3A_470 = vector.broadcast %broadcast_in_dim3A_469 : f32 to vector<16xf32>
    %swap3A_471 = arith.constant 7 : i32
    %swap3A_472 = arith.index_cast %swap3A_471 : i32 to index
    %swap3A_473 = arith.constant 32 : index
    %swap3A_474 = tpu.vector_load %arg12[%swap3A_472, %swap3A_473] {strides = array<i32>} : memref<16x128xf32, #tpu.memory_space<vmem>>, vector<1x16xf32>,
    %swap3A_475 = vector.shape_cast %swap3A_474 : vector<1x16xf32> to vector<16xf32>
    %swap3A_476 = vector.shape_cast %broadcast_in_dim3A_470 : vector<16xf32> to vector<1x16xf32>
    tpu.vector_store %arg12[%swap3A_472, %swap3A_473], %swap3A_476 {strides = array<i32>} : memref<16x128xf32, #tpu.memory_space<vmem>>, vector<1x16xf32>,
    %broadcast_in_dim3A_477 = arith.constant 0.000000e+00 : f32
    %broadcast_in_dim3A_478 = vector.broadcast %broadcast_in_dim3A_477 : f32 to vector<16xf32>
    %swap3A_479 = arith.constant 7 : i32
    %swap3A_480 = arith.index_cast %swap3A_479 : i32 to index
    %swap3A_481 = arith.constant 48 : index
    %swap3A_482 = tpu.vector_load %arg12[%swap3A_480, %swap3A_481] {strides = array<i32>} : memref<16x128xf32, #tpu.memory_space<vmem>>, vector<1x16xf32>,
    %swap3A_483 = vector.shape_cast %swap3A_482 : vector<1x16xf32> to vector<16xf32>
    %swap3A_484 = vector.shape_cast %broadcast_in_dim3A_478 : vector<16xf32> to vector<1x16xf32>
    tpu.vector_store %arg12[%swap3A_480, %swap3A_481], %swap3A_484 {strides = array<i32>} : memref<16x128xf32, #tpu.memory_space<vmem>>, vector<1x16xf32>,
    %broadcast_in_dim3A_485 = arith.constant 0.000000e+00 : f32
    %broadcast_in_dim3A_486 = vector.broadcast %broadcast_in_dim3A_485 : f32 to vector<16xf32>
    %swap3A_487 = arith.constant 7 : i32
    %swap3A_488 = arith.index_cast %swap3A_487 : i32 to index
    %swap3A_489 = arith.constant 64 : index
    %swap3A_490 = tpu.vector_load %arg12[%swap3A_488, %swap3A_489] {strides = array<i32>} : memref<16x128xf32, #tpu.memory_space<vmem>>, vector<1x16xf32>,
    %swap3A_491 = vector.shape_cast %swap3A_490 : vector<1x16xf32> to vector<16xf32>
    %swap3A_492 = vector.shape_cast %broadcast_in_dim3A_486 : vector<16xf32> to vector<1x16xf32>
    tpu.vector_store %arg12[%swap3A_488, %swap3A_489], %swap3A_492 {strides = array<i32>} : memref<16x128xf32, #tpu.memory_space<vmem>>, vector<1x16xf32>,
    %broadcast_in_dim3A_493 = arith.constant 0.000000e+00 : f32
    %broadcast_in_dim3A_494 = vector.broadcast %broadcast_in_dim3A_493 : f32 to vector<16xf32>
    %swap3A_495 = arith.constant 7 : i32
    %swap3A_496 = arith.index_cast %swap3A_495 : i32 to index
    %swap3A_497 = arith.constant 80 : index
    %swap3A_498 = tpu.vector_load %arg12[%swap3A_496, %swap3A_497] {strides = array<i32>} : memref<16x128xf32, #tpu.memory_space<vmem>>, vector<1x16xf32>,
    %swap3A_499 = vector.shape_cast %swap3A_498 : vector<1x16xf32> to vector<16xf32>
    %swap3A_500 = vector.shape_cast %broadcast_in_dim3A_494 : vector<16xf32> to vector<1x16xf32>
    tpu.vector_store %arg12[%swap3A_496, %swap3A_497], %swap3A_500 {strides = array<i32>} : memref<16x128xf32, #tpu.memory_space<vmem>>, vector<1x16xf32>,
    %broadcast_in_dim3A_501 = arith.constant 0.000000e+00 : f32
    %broadcast_in_dim3A_502 = vector.broadcast %broadcast_in_dim3A_501 : f32 to vector<16xf32>
    %swap3A_503 = arith.constant 7 : i32
    %swap3A_504 = arith.index_cast %swap3A_503 : i32 to index
    %swap3A_505 = arith.constant 96 : index
    %swap3A_506 = tpu.vector_load %arg12[%swap3A_504, %swap3A_505] {strides = array<i32>} : memref<16x128xf32, #tpu.memory_space<vmem>>, vector<1x16xf32>,
    %swap3A_507 = vector.shape_cast %swap3A_506 : vector<1x16xf32> to vector<16xf32>
    %swap3A_508 = vector.shape_cast %broadcast_in_dim3A_502 : vector<16xf32> to vector<1x16xf32>
    tpu.vector_store %arg12[%swap3A_504, %swap3A_505], %swap3A_508 {strides = array<i32>} : memref<16x128xf32, #tpu.memory_space<vmem>>, vector<1x16xf32>,
    %broadcast_in_dim3A_509 = arith.constant 0.000000e+00 : f32
    %broadcast_in_dim3A_510 = vector.broadcast %broadcast_in_dim3A_509 : f32 to vector<16xf32>
    %swap3A_511 = arith.constant 7 : i32
    %swap3A_512 = arith.index_cast %swap3A_511 : i32 to index
    %swap3A_513 = arith.constant 112 : index
    %swap3A_514 = tpu.vector_load %arg12[%swap3A_512, %swap3A_513] {strides = array<i32>} : memref<16x128xf32, #tpu.memory_space<vmem>>, vector<1x16xf32>,
    %swap3A_515 = vector.shape_cast %swap3A_514 : vector<1x16xf32> to vector<16xf32>
    %swap3A_516 = vector.shape_cast %broadcast_in_dim3A_510 : vector<16xf32> to vector<1x16xf32>
    tpu.vector_store %arg12[%swap3A_512, %swap3A_513], %swap3A_516 {strides = array<i32>} : memref<16x128xf32, #tpu.memory_space<vmem>>, vector<1x16xf32>,
    %broadcast_in_dim3A_517 = arith.constant 0.000000e+00 : f32
    %broadcast_in_dim3A_518 = vector.broadcast %broadcast_in_dim3A_517 : f32 to vector<16xf32>
    %swap3A_519 = arith.constant 8 : i32
    %swap3A_520 = arith.index_cast %swap3A_519 : i32 to index
    %swap3A_521 = arith.constant 0 : index
    %swap3A_522 = tpu.vector_load %arg12[%swap3A_520, %swap3A_521] {strides = array<i32>} : memref<16x128xf32, #tpu.memory_space<vmem>>, vector<1x16xf32>,
    %swap3A_523 = vector.shape_cast %swap3A_522 : vector<1x16xf32> to vector<16xf32>
    %swap3A_524 = vector.shape_cast %broadcast_in_dim3A_518 : vector<16xf32> to vector<1x16xf32>
    tpu.vector_store %arg12[%swap3A_520, %swap3A_521], %swap3A_524 {strides = array<i32>} : memref<16x128xf32, #tpu.memory_space<vmem>>, vector<1x16xf32>,
    %broadcast_in_dim3A_525 = arith.constant 0.000000e+00 : f32
    %broadcast_in_dim3A_526 = vector.broadcast %broadcast_in_dim3A_525 : f32 to vector<16xf32>
    %swap3A_527 = arith.constant 8 : i32
    %swap3A_528 = arith.index_cast %swap3A_527 : i32 to index
    %swap3A_529 = arith.constant 16 : index
    %swap3A_530 = tpu.vector_load %arg12[%swap3A_528, %swap3A_529] {strides = array<i32>} : memref<16x128xf32, #tpu.memory_space<vmem>>, vector<1x16xf32>,
    %swap3A_531 = vector.shape_cast %swap3A_530 : vector<1x16xf32> to vector<16xf32>
    %swap3A_532 = vector.shape_cast %broadcast_in_dim3A_526 : vector<16xf32> to vector<1x16xf32>
    tpu.vector_store %arg12[%swap3A_528, %swap3A_529], %swap3A_532 {strides = array<i32>} : memref<16x128xf32, #tpu.memory_space<vmem>>, vector<1x16xf32>,
    %broadcast_in_dim3A_533 = arith.constant 0.000000e+00 : f32
    %broadcast_in_dim3A_534 = vector.broadcast %broadcast_in_dim3A_533 : f32 to vector<16xf32>
    %swap3A_535 = arith.constant 8 : i32
    %swap3A_536 = arith.index_cast %swap3A_535 : i32 to index
    %swap3A_537 = arith.constant 32 : index
    %swap3A_538 = tpu.vector_load %arg12[%swap3A_536, %swap3A_537] {strides = array<i32>} : memref<16x128xf32, #tpu.memory_space<vmem>>, vector<1x16xf32>,
    %swap3A_539 = vector.shape_cast %swap3A_538 : vector<1x16xf32> to vector<16xf32>
    %swap3A_540 = vector.shape_cast %broadcast_in_dim3A_534 : vector<16xf32> to vector<1x16xf32>
    tpu.vector_store %arg12[%swap3A_536, %swap3A_537], %swap3A_540 {strides = array<i32>} : memref<16x128xf32, #tpu.memory_space<vmem>>, vector<1x16xf32>,
    %broadcast_in_dim3A_541 = arith.constant 0.000000e+00 : f32
    %broadcast_in_dim3A_542 = vector.broadcast %broadcast_in_dim3A_541 : f32 to vector<16xf32>
    %swap3A_543 = arith.constant 8 : i32
    %swap3A_544 = arith.index_cast %swap3A_543 : i32 to index
    %swap3A_545 = arith.constant 48 : index
    %swap3A_546 = tpu.vector_load %arg12[%swap3A_544, %swap3A_545] {strides = array<i32>} : memref<16x128xf32, #tpu.memory_space<vmem>>, vector<1x16xf32>,
    %swap3A_547 = vector.shape_cast %swap3A_546 : vector<1x16xf32> to vector<16xf32>
    %swap3A_548 = vector.shape_cast %broadcast_in_dim3A_542 : vector<16xf32> to vector<1x16xf32>
    tpu.vector_store %arg12[%swap3A_544, %swap3A_545], %swap3A_548 {strides = array<i32>} : memref<16x128xf32, #tpu.memory_space<vmem>>, vector<1x16xf32>,
    %broadcast_in_dim3A_549 = arith.constant 0.000000e+00 : f32
    %broadcast_in_dim3A_550 = vector.broadcast %broadcast_in_dim3A_549 : f32 to vector<16xf32>
    %swap3A_551 = arith.constant 8 : i32
    %swap3A_552 = arith.index_cast %swap3A_551 : i32 to index
    %swap3A_553 = arith.constant 64 : index
    %swap3A_554 = tpu.vector_load %arg12[%swap3A_552, %swap3A_553] {strides = array<i32>} : memref<16x128xf32, #tpu.memory_space<vmem>>, vector<1x16xf32>,
    %swap3A_555 = vector.shape_cast %swap3A_554 : vector<1x16xf32> to vector<16xf32>
    %swap3A_556 = vector.shape_cast %broadcast_in_dim3A_550 : vector<16xf32> to vector<1x16xf32>
    tpu.vector_store %arg12[%swap3A_552, %swap3A_553], %swap3A_556 {strides = array<i32>} : memref<16x128xf32, #tpu.memory_space<vmem>>, vector<1x16xf32>,
    %broadcast_in_dim3A_557 = arith.constant 0.000000e+00 : f32
    %broadcast_in_dim3A_558 = vector.broadcast %broadcast_in_dim3A_557 : f32 to vector<16xf32>
    %swap3A_559 = arith.constant 8 : i32
    %swap3A_560 = arith.index_cast %swap3A_559 : i32 to index
    %swap3A_561 = arith.constant 80 : index
    %swap3A_562 = tpu.vector_load %arg12[%swap3A_560, %swap3A_561] {strides = array<i32>} : memref<16x128xf32, #tpu.memory_space<vmem>>, vector<1x16xf32>,
    %swap3A_563 = vector.shape_cast %swap3A_562 : vector<1x16xf32> to vector<16xf32>
    %swap3A_564 = vector.shape_cast %broadcast_in_dim3A_558 : vector<16xf32> to vector<1x16xf32>
    tpu.vector_store %arg12[%swap3A_560, %swap3A_561], %swap3A_564 {strides = array<i32>} : memref<16x128xf32, #tpu.memory_space<vmem>>, vector<1x16xf32>,
    %broadcast_in_dim3A_565 = arith.constant 0.000000e+00 : f32
    %broadcast_in_dim3A_566 = vector.broadcast %broadcast_in_dim3A_565 : f32 to vector<16xf32>
    %swap3A_567 = arith.constant 8 : i32
    %swap3A_568 = arith.index_cast %swap3A_567 : i32 to index
    %swap3A_569 = arith.constant 96 : index
    %swap3A_570 = tpu.vector_load %arg12[%swap3A_568, %swap3A_569] {strides = array<i32>} : memref<16x128xf32, #tpu.memory_space<vmem>>, vector<1x16xf32>,
    %swap3A_571 = vector.shape_cast %swap3A_570 : vector<1x16xf32> to vector<16xf32>
    %swap3A_572 = vector.shape_cast %broadcast_in_dim3A_566 : vector<16xf32> to vector<1x16xf32>
    tpu.vector_store %arg12[%swap3A_568, %swap3A_569], %swap3A_572 {strides = array<i32>} : memref<16x128xf32, #tpu.memory_space<vmem>>, vector<1x16xf32>,
    %broadcast_in_dim3A_573 = arith.constant 0.000000e+00 : f32
    %broadcast_in_dim3A_574 = vector.broadcast %broadcast_in_dim3A_573 : f32 to vector<16xf32>
    %swap3A_575 = arith.constant 8 : i32
    %swap3A_576 = arith.index_cast %swap3A_575 : i32 to index
    %swap3A_577 = arith.constant 112 : index
    %swap3A_578 = tpu.vector_load %arg12[%swap3A_576, %swap3A_577] {strides = array<i32>} : memref<16x128xf32, #tpu.memory_space<vmem>>, vector<1x16xf32>,
    %swap3A_579 = vector.shape_cast %swap3A_578 : vector<1x16xf32> to vector<16xf32>
    %swap3A_580 = vector.shape_cast %broadcast_in_dim3A_574 : vector<16xf32> to vector<1x16xf32>
    tpu.vector_store %arg12[%swap3A_576, %swap3A_577], %swap3A_580 {strides = array<i32>} : memref<16x128xf32, #tpu.memory_space<vmem>>, vector<1x16xf32>,
    %broadcast_in_dim3A_581 = arith.constant 0.000000e+00 : f32
    %broadcast_in_dim3A_582 = vector.broadcast %broadcast_in_dim3A_581 : f32 to vector<16xf32>
    %swap3A_583 = arith.constant 9 : i32
    %swap3A_584 = arith.index_cast %swap3A_583 : i32 to index
    %swap3A_585 = arith.constant 0 : index
    %swap3A_586 = tpu.vector_load %arg12[%swap3A_584, %swap3A_585] {strides = array<i32>} : memref<16x128xf32, #tpu.memory_space<vmem>>, vector<1x16xf32>,
    %swap3A_587 = vector.shape_cast %swap3A_586 : vector<1x16xf32> to vector<16xf32>
    %swap3A_588 = vector.shape_cast %broadcast_in_dim3A_582 : vector<16xf32> to vector<1x16xf32>
    tpu.vector_store %arg12[%swap3A_584, %swap3A_585], %swap3A_588 {strides = array<i32>} : memref<16x128xf32, #tpu.memory_space<vmem>>, vector<1x16xf32>,
    %broadcast_in_dim3A_589 = arith.constant 0.000000e+00 : f32
    %broadcast_in_dim3A_590 = vector.broadcast %broadcast_in_dim3A_589 : f32 to vector<16xf32>
    %swap3A_591 = arith.constant 9 : i32
    %swap3A_592 = arith.index_cast %swap3A_591 : i32 to index
    %swap3A_593 = arith.constant 16 : index
    %swap3A_594 = tpu.vector_load %arg12[%swap3A_592, %swap3A_593] {strides = array<i32>} : memref<16x128xf32, #tpu.memory_space<vmem>>, vector<1x16xf32>,
    %swap3A_595 = vector.shape_cast %swap3A_594 : vector<1x16xf32> to vector<16xf32>
    %swap3A_596 = vector.shape_cast %broadcast_in_dim3A_590 : vector<16xf32> to vector<1x16xf32>
    tpu.vector_store %arg12[%swap3A_592, %swap3A_593], %swap3A_596 {strides = array<i32>} : memref<16x128xf32, #tpu.memory_space<vmem>>, vector<1x16xf32>,
    %broadcast_in_dim3A_597 = arith.constant 0.000000e+00 : f32
    %broadcast_in_dim3A_598 = vector.broadcast %broadcast_in_dim3A_597 : f32 to vector<16xf32>
    %swap3A_599 = arith.constant 9 : i32
    %swap3A_600 = arith.index_cast %swap3A_599 : i32 to index
    %swap3A_601 = arith.constant 32 : index
    %swap3A_602 = tpu.vector_load %arg12[%swap3A_600, %swap3A_601] {strides = array<i32>} : memref<16x128xf32, #tpu.memory_space<vmem>>, vector<1x16xf32>,
    %swap3A_603 = vector.shape_cast %swap3A_602 : vector<1x16xf32> to vector<16xf32>
    %swap3A_604 = vector.shape_cast %broadcast_in_dim3A_598 : vector<16xf32> to vector<1x16xf32>
    tpu.vector_store %arg12[%swap3A_600, %swap3A_601], %swap3A_604 {strides = array<i32>} : memref<16x128xf32, #tpu.memory_space<vmem>>, vector<1x16xf32>,
    %broadcast_in_dim3A_605 = arith.constant 0.000000e+00 : f32
    %broadcast_in_dim3A_606 = vector.broadcast %broadcast_in_dim3A_605 : f32 to vector<16xf32>
    %swap3A_607 = arith.constant 9 : i32
    %swap3A_608 = arith.index_cast %swap3A_607 : i32 to index
    %swap3A_609 = arith.constant 48 : index
    %swap3A_610 = tpu.vector_load %arg12[%swap3A_608, %swap3A_609] {strides = array<i32>} : memref<16x128xf32, #tpu.memory_space<vmem>>, vector<1x16xf32>,
    %swap3A_611 = vector.shape_cast %swap3A_610 : vector<1x16xf32> to vector<16xf32>
    %swap3A_612 = vector.shape_cast %broadcast_in_dim3A_606 : vector<16xf32> to vector<1x16xf32>
    tpu.vector_store %arg12[%swap3A_608, %swap3A_609], %swap3A_612 {strides = array<i32>} : memref<16x128xf32, #tpu.memory_space<vmem>>, vector<1x16xf32>,
    %broadcast_in_dim3A_613 = arith.constant 0.000000e+00 : f32
    %broadcast_in_dim3A_614 = vector.broadcast %broadcast_in_dim3A_613 : f32 to vector<16xf32>
    %swap3A_615 = arith.constant 9 : i32
    %swap3A_616 = arith.index_cast %swap3A_615 : i32 to index
    %swap3A_617 = arith.constant 64 : index
    %swap3A_618 = tpu.vector_load %arg12[%swap3A_616, %swap3A_617] {strides = array<i32>} : memref<16x128xf32, #tpu.memory_space<vmem>>, vector<1x16xf32>,
    %swap3A_619 = vector.shape_cast %swap3A_618 : vector<1x16xf32> to vector<16xf32>
    %swap3A_620 = vector.shape_cast %broadcast_in_dim3A_614 : vector<16xf32> to vector<1x16xf32>
    tpu.vector_store %arg12[%swap3A_616, %swap3A_617], %swap3A_620 {strides = array<i32>} : memref<16x128xf32, #tpu.memory_space<vmem>>, vector<1x16xf32>,
    %broadcast_in_dim3A_621 = arith.constant 0.000000e+00 : f32
    %broadcast_in_dim3A_622 = vector.broadcast %broadcast_in_dim3A_621 : f32 to vector<16xf32>
    %swap3A_623 = arith.constant 9 : i32
    %swap3A_624 = arith.index_cast %swap3A_623 : i32 to index
    %swap3A_625 = arith.constant 80 : index
    %swap3A_626 = tpu.vector_load %arg12[%swap3A_624, %swap3A_625] {strides = array<i32>} : memref<16x128xf32, #tpu.memory_space<vmem>>, vector<1x16xf32>,
    %swap3A_627 = vector.shape_cast %swap3A_626 : vector<1x16xf32> to vector<16xf32>
    %swap3A_628 = vector.shape_cast %broadcast_in_dim3A_622 : vector<16xf32> to vector<1x16xf32>
    tpu.vector_store %arg12[%swap3A_624, %swap3A_625], %swap3A_628 {strides = array<i32>} : memref<16x128xf32, #tpu.memory_space<vmem>>, vector<1x16xf32>,
    %broadcast_in_dim3A_629 = arith.constant 0.000000e+00 : f32
    %broadcast_in_dim3A_630 = vector.broadcast %broadcast_in_dim3A_629 : f32 to vector<16xf32>
    %swap3A_631 = arith.constant 9 : i32
    %swap3A_632 = arith.index_cast %swap3A_631 : i32 to index
    %swap3A_633 = arith.constant 96 : index
    %swap3A_634 = tpu.vector_load %arg12[%swap3A_632, %swap3A_633] {strides = array<i32>} : memref<16x128xf32, #tpu.memory_space<vmem>>, vector<1x16xf32>,
    %swap3A_635 = vector.shape_cast %swap3A_634 : vector<1x16xf32> to vector<16xf32>
    %swap3A_636 = vector.shape_cast %broadcast_in_dim3A_630 : vector<16xf32> to vector<1x16xf32>
    tpu.vector_store %arg12[%swap3A_632, %swap3A_633], %swap3A_636 {strides = array<i32>} : memref<16x128xf32, #tpu.memory_space<vmem>>, vector<1x16xf32>,
    %broadcast_in_dim3A_637 = arith.constant 0.000000e+00 : f32
    %broadcast_in_dim3A_638 = vector.broadcast %broadcast_in_dim3A_637 : f32 to vector<16xf32>
    %swap3A_639 = arith.constant 9 : i32
    %swap3A_640 = arith.index_cast %swap3A_639 : i32 to index
    %swap3A_641 = arith.constant 112 : index
    %swap3A_642 = tpu.vector_load %arg12[%swap3A_640, %swap3A_641] {strides = array<i32>} : memref<16x128xf32, #tpu.memory_space<vmem>>, vector<1x16xf32>,
    %swap3A_643 = vector.shape_cast %swap3A_642 : vector<1x16xf32> to vector<16xf32>
    %swap3A_644 = vector.shape_cast %broadcast_in_dim3A_638 : vector<16xf32> to vector<1x16xf32>
    tpu.vector_store %arg12[%swap3A_640, %swap3A_641], %swap3A_644 {strides = array<i32>} : memref<16x128xf32, #tpu.memory_space<vmem>>, vector<1x16xf32>,
    %broadcast_in_dim3A_645 = arith.constant 0.000000e+00 : f32
    %broadcast_in_dim3A_646 = vector.broadcast %broadcast_in_dim3A_645 : f32 to vector<16xf32>
    %swap3A_647 = arith.constant 10 : i32
    %swap3A_648 = arith.index_cast %swap3A_647 : i32 to index
    %swap3A_649 = arith.constant 0 : index
    %swap3A_650 = tpu.vector_load %arg12[%swap3A_648, %swap3A_649] {strides = array<i32>} : memref<16x128xf32, #tpu.memory_space<vmem>>, vector<1x16xf32>,
    %swap3A_651 = vector.shape_cast %swap3A_650 : vector<1x16xf32> to vector<16xf32>
    %swap3A_652 = vector.shape_cast %broadcast_in_dim3A_646 : vector<16xf32> to vector<1x16xf32>
    tpu.vector_store %arg12[%swap3A_648, %swap3A_649], %swap3A_652 {strides = array<i32>} : memref<16x128xf32, #tpu.memory_space<vmem>>, vector<1x16xf32>,
    %broadcast_in_dim3A_653 = arith.constant 0.000000e+00 : f32
    %broadcast_in_dim3A_654 = vector.broadcast %broadcast_in_dim3A_653 : f32 to vector<16xf32>
    %swap3A_655 = arith.constant 10 : i32
    %swap3A_656 = arith.index_cast %swap3A_655 : i32 to index
    %swap3A_657 = arith.constant 16 : index
    %swap3A_658 = tpu.vector_load %arg12[%swap3A_656, %swap3A_657] {strides = array<i32>} : memref<16x128xf32, #tpu.memory_space<vmem>>, vector<1x16xf32>,
    %swap3A_659 = vector.shape_cast %swap3A_658 : vector<1x16xf32> to vector<16xf32>
    %swap3A_660 = vector.shape_cast %broadcast_in_dim3A_654 : vector<16xf32> to vector<1x16xf32>
    tpu.vector_store %arg12[%swap3A_656, %swap3A_657], %swap3A_660 {strides = array<i32>} : memref<16x128xf32, #tpu.memory_space<vmem>>, vector<1x16xf32>,
    %broadcast_in_dim3A_661 = arith.constant 0.000000e+00 : f32
    %broadcast_in_dim3A_662 = vector.broadcast %broadcast_in_dim3A_661 : f32 to vector<16xf32>
    %swap3A_663 = arith.constant 10 : i32
    %swap3A_664 = arith.index_cast %swap3A_663 : i32 to index
    %swap3A_665 = arith.constant 32 : index
    %swap3A_666 = tpu.vector_load %arg12[%swap3A_664, %swap3A_665] {strides = array<i32>} : memref<16x128xf32, #tpu.memory_space<vmem>>, vector<1x16xf32>,
    %swap3A_667 = vector.shape_cast %swap3A_666 : vector<1x16xf32> to vector<16xf32>
    %swap3A_668 = vector.shape_cast %broadcast_in_dim3A_662 : vector<16xf32> to vector<1x16xf32>
    tpu.vector_store %arg12[%swap3A_664, %swap3A_665], %swap3A_668 {strides = array<i32>} : memref<16x128xf32, #tpu.memory_space<vmem>>, vector<1x16xf32>,
    %broadcast_in_dim3A_669 = arith.constant 0.000000e+00 : f32
    %broadcast_in_dim3A_670 = vector.broadcast %broadcast_in_dim3A_669 : f32 to vector<16xf32>
    %swap3A_671 = arith.constant 10 : i32
    %swap3A_672 = arith.index_cast %swap3A_671 : i32 to index
    %swap3A_673 = arith.constant 48 : index
    %swap3A_674 = tpu.vector_load %arg12[%swap3A_672, %swap3A_673] {strides = array<i32>} : memref<16x128xf32, #tpu.memory_space<vmem>>, vector<1x16xf32>,
    %swap3A_675 = vector.shape_cast %swap3A_674 : vector<1x16xf32> to vector<16xf32>
    %swap3A_676 = vector.shape_cast %broadcast_in_dim3A_670 : vector<16xf32> to vector<1x16xf32>
    tpu.vector_store %arg12[%swap3A_672, %swap3A_673], %swap3A_676 {strides = array<i32>} : memref<16x128xf32, #tpu.memory_space<vmem>>, vector<1x16xf32>,
    %broadcast_in_dim3A_677 = arith.constant 0.000000e+00 : f32
    %broadcast_in_dim3A_678 = vector.broadcast %broadcast_in_dim3A_677 : f32 to vector<16xf32>
    %swap3A_679 = arith.constant 10 : i32
    %swap3A_680 = arith.index_cast %swap3A_679 : i32 to index
    %swap3A_681 = arith.constant 64 : index
    %swap3A_682 = tpu.vector_load %arg12[%swap3A_680, %swap3A_681] {strides = array<i32>} : memref<16x128xf32, #tpu.memory_space<vmem>>, vector<1x16xf32>,
    %swap3A_683 = vector.shape_cast %swap3A_682 : vector<1x16xf32> to vector<16xf32>
    %swap3A_684 = vector.shape_cast %broadcast_in_dim3A_678 : vector<16xf32> to vector<1x16xf32>
    tpu.vector_store %arg12[%swap3A_680, %swap3A_681], %swap3A_684 {strides = array<i32>} : memref<16x128xf32, #tpu.memory_space<vmem>>, vector<1x16xf32>,
    %broadcast_in_dim3A_685 = arith.constant 0.000000e+00 : f32
    %broadcast_in_dim3A_686 = vector.broadcast %broadcast_in_dim3A_685 : f32 to vector<16xf32>
    %swap3A_687 = arith.constant 10 : i32
    %swap3A_688 = arith.index_cast %swap3A_687 : i32 to index
    %swap3A_689 = arith.constant 80 : index
    %swap3A_690 = tpu.vector_load %arg12[%swap3A_688, %swap3A_689] {strides = array<i32>} : memref<16x128xf32, #tpu.memory_space<vmem>>, vector<1x16xf32>,
    %swap3A_691 = vector.shape_cast %swap3A_690 : vector<1x16xf32> to vector<16xf32>
    %swap3A_692 = vector.shape_cast %broadcast_in_dim3A_686 : vector<16xf32> to vector<1x16xf32>
    tpu.vector_store %arg12[%swap3A_688, %swap3A_689], %swap3A_692 {strides = array<i32>} : memref<16x128xf32, #tpu.memory_space<vmem>>, vector<1x16xf32>,
    %broadcast_in_dim3A_693 = arith.constant 0.000000e+00 : f32
    %broadcast_in_dim3A_694 = vector.broadcast %broadcast_in_dim3A_693 : f32 to vector<16xf32>
    %swap3A_695 = arith.constant 10 : i32
    %swap3A_696 = arith.index_cast %swap3A_695 : i32 to index
    %swap3A_697 = arith.constant 96 : index
    %swap3A_698 = tpu.vector_load %arg12[%swap3A_696, %swap3A_697] {strides = array<i32>} : memref<16x128xf32, #tpu.memory_space<vmem>>, vector<1x16xf32>,
    %swap3A_699 = vector.shape_cast %swap3A_698 : vector<1x16xf32> to vector<16xf32>
    %swap3A_700 = vector.shape_cast %broadcast_in_dim3A_694 : vector<16xf32> to vector<1x16xf32>
    tpu.vector_store %arg12[%swap3A_696, %swap3A_697], %swap3A_700 {strides = array<i32>} : memref<16x128xf32, #tpu.memory_space<vmem>>, vector<1x16xf32>,
    %broadcast_in_dim3A_701 = arith.constant 0.000000e+00 : f32
    %broadcast_in_dim3A_702 = vector.broadcast %broadcast_in_dim3A_701 : f32 to vector<16xf32>
    %swap3A_703 = arith.constant 10 : i32
    %swap3A_704 = arith.index_cast %swap3A_703 : i32 to index
    %swap3A_705 = arith.constant 112 : index
    %swap3A_706 = tpu.vector_load %arg12[%swap3A_704, %swap3A_705] {strides = array<i32>} : memref<16x128xf32, #tpu.memory_space<vmem>>, vector<1x16xf32>,
    %swap3A_707 = vector.shape_cast %swap3A_706 : vector<1x16xf32> to vector<16xf32>
    %swap3A_708 = vector.shape_cast %broadcast_in_dim3A_702 : vector<16xf32> to vector<1x16xf32>
    tpu.vector_store %arg12[%swap3A_704, %swap3A_705], %swap3A_708 {strides = array<i32>} : memref<16x128xf32, #tpu.memory_space<vmem>>, vector<1x16xf32>,
    %broadcast_in_dim3A_709 = arith.constant 0.000000e+00 : f32
    %broadcast_in_dim3A_710 = vector.broadcast %broadcast_in_dim3A_709 : f32 to vector<16xf32>
    %swap3A_711 = arith.constant 11 : i32
    %swap3A_712 = arith.index_cast %swap3A_711 : i32 to index
    %swap3A_713 = arith.constant 0 : index
    %swap3A_714 = tpu.vector_load %arg12[%swap3A_712, %swap3A_713] {strides = array<i32>} : memref<16x128xf32, #tpu.memory_space<vmem>>, vector<1x16xf32>,
    %swap3A_715 = vector.shape_cast %swap3A_714 : vector<1x16xf32> to vector<16xf32>
    %swap3A_716 = vector.shape_cast %broadcast_in_dim3A_710 : vector<16xf32> to vector<1x16xf32>
    tpu.vector_store %arg12[%swap3A_712, %swap3A_713], %swap3A_716 {strides = array<i32>} : memref<16x128xf32, #tpu.memory_space<vmem>>, vector<1x16xf32>,
    %broadcast_in_dim3A_717 = arith.constant 0.000000e+00 : f32
    %broadcast_in_dim3A_718 = vector.broadcast %broadcast_in_dim3A_717 : f32 to vector<16xf32>
    %swap3A_719 = arith.constant 11 : i32
    %swap3A_720 = arith.index_cast %swap3A_719 : i32 to index
    %swap3A_721 = arith.constant 16 : index
    %swap3A_722 = tpu.vector_load %arg12[%swap3A_720, %swap3A_721] {strides = array<i32>} : memref<16x128xf32, #tpu.memory_space<vmem>>, vector<1x16xf32>,
    %swap3A_723 = vector.shape_cast %swap3A_722 : vector<1x16xf32> to vector<16xf32>
    %swap3A_724 = vector.shape_cast %broadcast_in_dim3A_718 : vector<16xf32> to vector<1x16xf32>
    tpu.vector_store %arg12[%swap3A_720, %swap3A_721], %swap3A_724 {strides = array<i32>} : memref<16x128xf32, #tpu.memory_space<vmem>>, vector<1x16xf32>,
    %broadcast_in_dim3A_725 = arith.constant 0.000000e+00 : f32
    %broadcast_in_dim3A_726 = vector.broadcast %broadcast_in_dim3A_725 : f32 to vector<16xf32>
    %swap3A_727 = arith.constant 11 : i32
    %swap3A_728 = arith.index_cast %swap3A_727 : i32 to index
    %swap3A_729 = arith.constant 32 : index
    %swap3A_730 = tpu.vector_load %arg12[%swap3A_728, %swap3A_729] {strides = array<i32>} : memref<16x128xf32, #tpu.memory_space<vmem>>, vector<1x16xf32>,
    %swap3A_731 = vector.shape_cast %swap3A_730 : vector<1x16xf32> to vector<16xf32>
    %swap3A_732 = vector.shape_cast %broadcast_in_dim3A_726 : vector<16xf32> to vector<1x16xf32>
    tpu.vector_store %arg12[%swap3A_728, %swap3A_729], %swap3A_732 {strides = array<i32>} : memref<16x128xf32, #tpu.memory_space<vmem>>, vector<1x16xf32>,
    %broadcast_in_dim3A_733 = arith.constant 0.000000e+00 : f32
    %broadcast_in_dim3A_734 = vector.broadcast %broadcast_in_dim3A_733 : f32 to vector<16xf32>
    %swap3A_735 = arith.constant 11 : i32
    %swap3A_736 = arith.index_cast %swap3A_735 : i32 to index
    %swap3A_737 = arith.constant 48 : index
    %swap3A_738 = tpu.vector_load %arg12[%swap3A_736, %swap3A_737] {strides = array<i32>} : memref<16x128xf32, #tpu.memory_space<vmem>>, vector<1x16xf32>,
    %swap3A_739 = vector.shape_cast %swap3A_738 : vector<1x16xf32> to vector<16xf32>
    %swap3A_740 = vector.shape_cast %broadcast_in_dim3A_734 : vector<16xf32> to vector<1x16xf32>
    tpu.vector_store %arg12[%swap3A_736, %swap3A_737], %swap3A_740 {strides = array<i32>} : memref<16x128xf32, #tpu.memory_space<vmem>>, vector<1x16xf32>,
    %broadcast_in_dim3A_741 = arith.constant 0.000000e+00 : f32
    %broadcast_in_dim3A_742 = vector.broadcast %broadcast_in_dim3A_741 : f32 to vector<16xf32>
    %swap3A_743 = arith.constant 11 : i32
    %swap3A_744 = arith.index_cast %swap3A_743 : i32 to index
    %swap3A_745 = arith.constant 64 : index
    %swap3A_746 = tpu.vector_load %arg12[%swap3A_744, %swap3A_745] {strides = array<i32>} : memref<16x128xf32, #tpu.memory_space<vmem>>, vector<1x16xf32>,
    %swap3A_747 = vector.shape_cast %swap3A_746 : vector<1x16xf32> to vector<16xf32>
    %swap3A_748 = vector.shape_cast %broadcast_in_dim3A_742 : vector<16xf32> to vector<1x16xf32>
    tpu.vector_store %arg12[%swap3A_744, %swap3A_745], %swap3A_748 {strides = array<i32>} : memref<16x128xf32, #tpu.memory_space<vmem>>, vector<1x16xf32>,
    %broadcast_in_dim3A_749 = arith.constant 0.000000e+00 : f32
    %broadcast_in_dim3A_750 = vector.broadcast %broadcast_in_dim3A_749 : f32 to vector<16xf32>
    %swap3A_751 = arith.constant 11 : i32
    %swap3A_752 = arith.index_cast %swap3A_751 : i32 to index
    %swap3A_753 = arith.constant 80 : index
    %swap3A_754 = tpu.vector_load %arg12[%swap3A_752, %swap3A_753] {strides = array<i32>} : memref<16x128xf32, #tpu.memory_space<vmem>>, vector<1x16xf32>,
    %swap3A_755 = vector.shape_cast %swap3A_754 : vector<1x16xf32> to vector<16xf32>
    %swap3A_756 = vector.shape_cast %broadcast_in_dim3A_750 : vector<16xf32> to vector<1x16xf32>
    tpu.vector_store %arg12[%swap3A_752, %swap3A_753], %swap3A_756 {strides = array<i32>} : memref<16x128xf32, #tpu.memory_space<vmem>>, vector<1x16xf32>,
    %broadcast_in_dim3A_757 = arith.constant 0.000000e+00 : f32
    %broadcast_in_dim3A_758 = vector.broadcast %broadcast_in_dim3A_757 : f32 to vector<16xf32>
    %swap3A_759 = arith.constant 11 : i32
    %swap3A_760 = arith.index_cast %swap3A_759 : i32 to index
    %swap3A_761 = arith.constant 96 : index
    %swap3A_762 = tpu.vector_load %arg12[%swap3A_760, %swap3A_761] {strides = array<i32>} : memref<16x128xf32, #tpu.memory_space<vmem>>, vector<1x16xf32>,
    %swap3A_763 = vector.shape_cast %swap3A_762 : vector<1x16xf32> to vector<16xf32>
    %swap3A_764 = vector.shape_cast %broadcast_in_dim3A_758 : vector<16xf32> to vector<1x16xf32>
    tpu.vector_store %arg12[%swap3A_760, %swap3A_761], %swap3A_764 {strides = array<i32>} : memref<16x128xf32, #tpu.memory_space<vmem>>, vector<1x16xf32>,
    %broadcast_in_dim3A_765 = arith.constant 0.000000e+00 : f32
    %broadcast_in_dim3A_766 = vector.broadcast %broadcast_in_dim3A_765 : f32 to vector<16xf32>
    %swap3A_767 = arith.constant 11 : i32
    %swap3A_768 = arith.index_cast %swap3A_767 : i32 to index
    %swap3A_769 = arith.constant 112 : index
    %swap3A_770 = tpu.vector_load %arg12[%swap3A_768, %swap3A_769] {strides = array<i32>} : memref<16x128xf32, #tpu.memory_space<vmem>>, vector<1x16xf32>,
    %swap3A_771 = vector.shape_cast %swap3A_770 : vector<1x16xf32> to vector<16xf32>
    %swap3A_772 = vector.shape_cast %broadcast_in_dim3A_766 : vector<16xf32> to vector<1x16xf32>
    tpu.vector_store %arg12[%swap3A_768, %swap3A_769], %swap3A_772 {strides = array<i32>} : memref<16x128xf32, #tpu.memory_space<vmem>>, vector<1x16xf32>,
    %broadcast_in_dim3A_773 = arith.constant 0.000000e+00 : f32
    %broadcast_in_dim3A_774 = vector.broadcast %broadcast_in_dim3A_773 : f32 to vector<16xf32>
    %swap3A_775 = arith.constant 12 : i32
    %swap3A_776 = arith.index_cast %swap3A_775 : i32 to index
    %swap3A_777 = arith.constant 0 : index
    %swap3A_778 = tpu.vector_load %arg12[%swap3A_776, %swap3A_777] {strides = array<i32>} : memref<16x128xf32, #tpu.memory_space<vmem>>, vector<1x16xf32>,
    %swap3A_779 = vector.shape_cast %swap3A_778 : vector<1x16xf32> to vector<16xf32>
    %swap3A_780 = vector.shape_cast %broadcast_in_dim3A_774 : vector<16xf32> to vector<1x16xf32>
    tpu.vector_store %arg12[%swap3A_776, %swap3A_777], %swap3A_780 {strides = array<i32>} : memref<16x128xf32, #tpu.memory_space<vmem>>, vector<1x16xf32>,
    %broadcast_in_dim3A_781 = arith.constant 0.000000e+00 : f32
    %broadcast_in_dim3A_782 = vector.broadcast %broadcast_in_dim3A_781 : f32 to vector<16xf32>
    %swap3A_783 = arith.constant 12 : i32
    %swap3A_784 = arith.index_cast %swap3A_783 : i32 to index
    %swap3A_785 = arith.constant 16 : index
    %swap3A_786 = tpu.vector_load %arg12[%swap3A_784, %swap3A_785] {strides = array<i32>} : memref<16x128xf32, #tpu.memory_space<vmem>>, vector<1x16xf32>,
    %swap3A_787 = vector.shape_cast %swap3A_786 : vector<1x16xf32> to vector<16xf32>
    %swap3A_788 = vector.shape_cast %broadcast_in_dim3A_782 : vector<16xf32> to vector<1x16xf32>
    tpu.vector_store %arg12[%swap3A_784, %swap3A_785], %swap3A_788 {strides = array<i32>} : memref<16x128xf32, #tpu.memory_space<vmem>>, vector<1x16xf32>,
    %broadcast_in_dim3A_789 = arith.constant 0.000000e+00 : f32
    %broadcast_in_dim3A_790 = vector.broadcast %broadcast_in_dim3A_789 : f32 to vector<16xf32>
    %swap3A_791 = arith.constant 12 : i32
    %swap3A_792 = arith.index_cast %swap3A_791 : i32 to index
    %swap3A_793 = arith.constant 32 : index
    %swap3A_794 = tpu.vector_load %arg12[%swap3A_792, %swap3A_793] {strides = array<i32>} : memref<16x128xf32, #tpu.memory_space<vmem>>, vector<1x16xf32>,
    %swap3A_795 = vector.shape_cast %swap3A_794 : vector<1x16xf32> to vector<16xf32>
    %swap3A_796 = vector.shape_cast %broadcast_in_dim3A_790 : vector<16xf32> to vector<1x16xf32>
    tpu.vector_store %arg12[%swap3A_792, %swap3A_793], %swap3A_796 {strides = array<i32>} : memref<16x128xf32, #tpu.memory_space<vmem>>, vector<1x16xf32>,
    %broadcast_in_dim3A_797 = arith.constant 0.000000e+00 : f32
    %broadcast_in_dim3A_798 = vector.broadcast %broadcast_in_dim3A_797 : f32 to vector<16xf32>
    %swap3A_799 = arith.constant 12 : i32
    %swap3A_800 = arith.index_cast %swap3A_799 : i32 to index
    %swap3A_801 = arith.constant 48 : index
    %swap3A_802 = tpu.vector_load %arg12[%swap3A_800, %swap3A_801] {strides = array<i32>} : memref<16x128xf32, #tpu.memory_space<vmem>>, vector<1x16xf32>,
    %swap3A_803 = vector.shape_cast %swap3A_802 : vector<1x16xf32> to vector<16xf32>
    %swap3A_804 = vector.shape_cast %broadcast_in_dim3A_798 : vector<16xf32> to vector<1x16xf32>
    tpu.vector_store %arg12[%swap3A_800, %swap3A_801], %swap3A_804 {strides = array<i32>} : memref<16x128xf32, #tpu.memory_space<vmem>>, vector<1x16xf32>,
    %broadcast_in_dim3A_805 = arith.constant 0.000000e+00 : f32
    %broadcast_in_dim3A_806 = vector.broadcast %broadcast_in_dim3A_805 : f32 to vector<16xf32>
    %swap3A_807 = arith.constant 12 : i32
    %swap3A_808 = arith.index_cast %swap3A_807 : i32 to index
    %swap3A_809 = arith.constant 64 : index
    %swap3A_810 = tpu.vector_load %arg12[%swap3A_808, %swap3A_809] {strides = array<i32>} : memref<16x128xf32, #tpu.memory_space<vmem>>, vector<1x16xf32>,
    %swap3A_811 = vector.shape_cast %swap3A_810 : vector<1x16xf32> to vector<16xf32>
    %swap3A_812 = vector.shape_cast %broadcast_in_dim3A_806 : vector<16xf32> to vector<1x16xf32>
    tpu.vector_store %arg12[%swap3A_808, %swap3A_809], %swap3A_812 {strides = array<i32>} : memref<16x128xf32, #tpu.memory_space<vmem>>, vector<1x16xf32>,
    %broadcast_in_dim3A_813 = arith.constant 0.000000e+00 : f32
    %broadcast_in_dim3A_814 = vector.broadcast %broadcast_in_dim3A_813 : f32 to vector<16xf32>
    %swap3A_815 = arith.constant 12 : i32
    %swap3A_816 = arith.index_cast %swap3A_815 : i32 to index
    %swap3A_817 = arith.constant 80 : index
    %swap3A_818 = tpu.vector_load %arg12[%swap3A_816, %swap3A_817] {strides = array<i32>} : memref<16x128xf32, #tpu.memory_space<vmem>>, vector<1x16xf32>,
    %swap3A_819 = vector.shape_cast %swap3A_818 : vector<1x16xf32> to vector<16xf32>
    %swap3A_820 = vector.shape_cast %broadcast_in_dim3A_814 : vector<16xf32> to vector<1x16xf32>
    tpu.vector_store %arg12[%swap3A_816, %swap3A_817], %swap3A_820 {strides = array<i32>} : memref<16x128xf32, #tpu.memory_space<vmem>>, vector<1x16xf32>,
    %broadcast_in_dim3A_821 = arith.constant 0.000000e+00 : f32
    %broadcast_in_dim3A_822 = vector.broadcast %broadcast_in_dim3A_821 : f32 to vector<16xf32>
    %swap3A_823 = arith.constant 12 : i32
    %swap3A_824 = arith.index_cast %swap3A_823 : i32 to index
    %swap3A_825 = arith.constant 96 : index
    %swap3A_826 = tpu.vector_load %arg12[%swap3A_824, %swap3A_825] {strides = array<i32>} : memref<16x128xf32, #tpu.memory_space<vmem>>, vector<1x16xf32>,
    %swap3A_827 = vector.shape_cast %swap3A_826 : vector<1x16xf32> to vector<16xf32>
    %swap3A_828 = vector.shape_cast %broadcast_in_dim3A_822 : vector<16xf32> to vector<1x16xf32>
    tpu.vector_store %arg12[%swap3A_824, %swap3A_825], %swap3A_828 {strides = array<i32>} : memref<16x128xf32, #tpu.memory_space<vmem>>, vector<1x16xf32>,
    %broadcast_in_dim3A_829 = arith.constant 0.000000e+00 : f32
    %broadcast_in_dim3A_830 = vector.broadcast %broadcast_in_dim3A_829 : f32 to vector<16xf32>
    %swap3A_831 = arith.constant 12 : i32
    %swap3A_832 = arith.index_cast %swap3A_831 : i32 to index
    %swap3A_833 = arith.constant 112 : index
    %swap3A_834 = tpu.vector_load %arg12[%swap3A_832, %swap3A_833] {strides = array<i32>} : memref<16x128xf32, #tpu.memory_space<vmem>>, vector<1x16xf32>,
    %swap3A_835 = vector.shape_cast %swap3A_834 : vector<1x16xf32> to vector<16xf32>
    %swap3A_836 = vector.shape_cast %broadcast_in_dim3A_830 : vector<16xf32> to vector<1x16xf32>
    tpu.vector_store %arg12[%swap3A_832, %swap3A_833], %swap3A_836 {strides = array<i32>} : memref<16x128xf32, #tpu.memory_space<vmem>>, vector<1x16xf32>,
    %broadcast_in_dim3A_837 = arith.constant 0.000000e+00 : f32
    %broadcast_in_dim3A_838 = vector.broadcast %broadcast_in_dim3A_837 : f32 to vector<16xf32>
    %swap3A_839 = arith.constant 13 : i32
    %swap3A_840 = arith.index_cast %swap3A_839 : i32 to index
    %swap3A_841 = arith.constant 0 : index
    %swap3A_842 = tpu.vector_load %arg12[%swap3A_840, %swap3A_841] {strides = array<i32>} : memref<16x128xf32, #tpu.memory_space<vmem>>, vector<1x16xf32>,
    %swap3A_843 = vector.shape_cast %swap3A_842 : vector<1x16xf32> to vector<16xf32>
    %swap3A_844 = vector.shape_cast %broadcast_in_dim3A_838 : vector<16xf32> to vector<1x16xf32>
    tpu.vector_store %arg12[%swap3A_840, %swap3A_841], %swap3A_844 {strides = array<i32>} : memref<16x128xf32, #tpu.memory_space<vmem>>, vector<1x16xf32>,
    %broadcast_in_dim3A_845 = arith.constant 0.000000e+00 : f32
    %broadcast_in_dim3A_846 = vector.broadcast %broadcast_in_dim3A_845 : f32 to vector<16xf32>
    %swap3A_847 = arith.constant 13 : i32
    %swap3A_848 = arith.index_cast %swap3A_847 : i32 to index
    %swap3A_849 = arith.constant 16 : index
    %swap3A_850 = tpu.vector_load %arg12[%swap3A_848, %swap3A_849] {strides = array<i32>} : memref<16x128xf32, #tpu.memory_space<vmem>>, vector<1x16xf32>,
    %swap3A_851 = vector.shape_cast %swap3A_850 : vector<1x16xf32> to vector<16xf32>
    %swap3A_852 = vector.shape_cast %broadcast_in_dim3A_846 : vector<16xf32> to vector<1x16xf32>
    tpu.vector_store %arg12[%swap3A_848, %swap3A_849], %swap3A_852 {strides = array<i32>} : memref<16x128xf32, #tpu.memory_space<vmem>>, vector<1x16xf32>,
    %broadcast_in_dim3A_853 = arith.constant 0.000000e+00 : f32
    %broadcast_in_dim3A_854 = vector.broadcast %broadcast_in_dim3A_853 : f32 to vector<16xf32>
    %swap3A_855 = arith.constant 13 : i32
    %swap3A_856 = arith.index_cast %swap3A_855 : i32 to index
    %swap3A_857 = arith.constant 32 : index
    %swap3A_858 = tpu.vector_load %arg12[%swap3A_856, %swap3A_857] {strides = array<i32>} : memref<16x128xf32, #tpu.memory_space<vmem>>, vector<1x16xf32>,
    %swap3A_859 = vector.shape_cast %swap3A_858 : vector<1x16xf32> to vector<16xf32>
    %swap3A_860 = vector.shape_cast %broadcast_in_dim3A_854 : vector<16xf32> to vector<1x16xf32>
    tpu.vector_store %arg12[%swap3A_856, %swap3A_857], %swap3A_860 {strides = array<i32>} : memref<16x128xf32, #tpu.memory_space<vmem>>, vector<1x16xf32>,
    %broadcast_in_dim3A_861 = arith.constant 0.000000e+00 : f32
    %broadcast_in_dim3A_862 = vector.broadcast %broadcast_in_dim3A_861 : f32 to vector<16xf32>
    %swap3A_863 = arith.constant 13 : i32
    %swap3A_864 = arith.index_cast %swap3A_863 : i32 to index
    %swap3A_865 = arith.constant 48 : index
    %swap3A_866 = tpu.vector_load %arg12[%swap3A_864, %swap3A_865] {strides = array<i32>} : memref<16x128xf32, #tpu.memory_space<vmem>>, vector<1x16xf32>,
    %swap3A_867 = vector.shape_cast %swap3A_866 : vector<1x16xf32> to vector<16xf32>
    %swap3A_868 = vector.shape_cast %broadcast_in_dim3A_862 : vector<16xf32> to vector<1x16xf32>
    tpu.vector_store %arg12[%swap3A_864, %swap3A_865], %swap3A_868 {strides = array<i32>} : memref<16x128xf32, #tpu.memory_space<vmem>>, vector<1x16xf32>,
    %broadcast_in_dim3A_869 = arith.constant 0.000000e+00 : f32
    %broadcast_in_dim3A_870 = vector.broadcast %broadcast_in_dim3A_869 : f32 to vector<16xf32>
    %swap3A_871 = arith.constant 13 : i32
    %swap3A_872 = arith.index_cast %swap3A_871 : i32 to index
    %swap3A_873 = arith.constant 64 : index
    %swap3A_874 = tpu.vector_load %arg12[%swap3A_872, %swap3A_873] {strides = array<i32>} : memref<16x128xf32, #tpu.memory_space<vmem>>, vector<1x16xf32>,
    %swap3A_875 = vector.shape_cast %swap3A_874 : vector<1x16xf32> to vector<16xf32>
    %swap3A_876 = vector.shape_cast %broadcast_in_dim3A_870 : vector<16xf32> to vector<1x16xf32>
    tpu.vector_store %arg12[%swap3A_872, %swap3A_873], %swap3A_876 {strides = array<i32>} : memref<16x128xf32, #tpu.memory_space<vmem>>, vector<1x16xf32>,
    %broadcast_in_dim3A_877 = arith.constant 0.000000e+00 : f32
    %broadcast_in_dim3A_878 = vector.broadcast %broadcast_in_dim3A_877 : f32 to vector<16xf32>
    %swap3A_879 = arith.constant 13 : i32
    %swap3A_880 = arith.index_cast %swap3A_879 : i32 to index
    %swap3A_881 = arith.constant 80 : index
    %swap3A_882 = tpu.vector_load %arg12[%swap3A_880, %swap3A_881] {strides = array<i32>} : memref<16x128xf32, #tpu.memory_space<vmem>>, vector<1x16xf32>,
    %swap3A_883 = vector.shape_cast %swap3A_882 : vector<1x16xf32> to vector<16xf32>
    %swap3A_884 = vector.shape_cast %broadcast_in_dim3A_878 : vector<16xf32> to vector<1x16xf32>
    tpu.vector_store %arg12[%swap3A_880, %swap3A_881], %swap3A_884 {strides = array<i32>} : memref<16x128xf32, #tpu.memory_space<vmem>>, vector<1x16xf32>,
    %broadcast_in_dim3A_885 = arith.constant 0.000000e+00 : f32
    %broadcast_in_dim3A_886 = vector.broadcast %broadcast_in_dim3A_885 : f32 to vector<16xf32>
    %swap3A_887 = arith.constant 13 : i32
    %swap3A_888 = arith.index_cast %swap3A_887 : i32 to index
    %swap3A_889 = arith.constant 96 : index
    %swap3A_890 = tpu.vector_load %arg12[%swap3A_888, %swap3A_889] {strides = array<i32>} : memref<16x128xf32, #tpu.memory_space<vmem>>, vector<1x16xf32>,
    %swap3A_891 = vector.shape_cast %swap3A_890 : vector<1x16xf32> to vector<16xf32>
    %swap3A_892 = vector.shape_cast %broadcast_in_dim3A_886 : vector<16xf32> to vector<1x16xf32>
    tpu.vector_store %arg12[%swap3A_888, %swap3A_889], %swap3A_892 {strides = array<i32>} : memref<16x128xf32, #tpu.memory_space<vmem>>, vector<1x16xf32>,
    %broadcast_in_dim3A_893 = arith.constant 0.000000e+00 : f32
    %broadcast_in_dim3A_894 = vector.broadcast %broadcast_in_dim3A_893 : f32 to vector<16xf32>
    %swap3A_895 = arith.constant 13 : i32
    %swap3A_896 = arith.index_cast %swap3A_895 : i32 to index
    %swap3A_897 = arith.constant 112 : index
    %swap3A_898 = tpu.vector_load %arg12[%swap3A_896, %swap3A_897] {strides = array<i32>} : memref<16x128xf32, #tpu.memory_space<vmem>>, vector<1x16xf32>,
    %swap3A_899 = vector.shape_cast %swap3A_898 : vector<1x16xf32> to vector<16xf32>
    %swap3A_900 = vector.shape_cast %broadcast_in_dim3A_894 : vector<16xf32> to vector<1x16xf32>
    tpu.vector_store %arg12[%swap3A_896, %swap3A_897], %swap3A_900 {strides = array<i32>} : memref<16x128xf32, #tpu.memory_space<vmem>>, vector<1x16xf32>,
    %broadcast_in_dim3A_901 = arith.constant 0.000000e+00 : f32
    %broadcast_in_dim3A_902 = vector.broadcast %broadcast_in_dim3A_901 : f32 to vector<16xf32>
    %swap3A_903 = arith.constant 14 : i32
    %swap3A_904 = arith.index_cast %swap3A_903 : i32 to index
    %swap3A_905 = arith.constant 0 : index
    %swap3A_906 = tpu.vector_load %arg12[%swap3A_904, %swap3A_905] {strides = array<i32>} : memref<16x128xf32, #tpu.memory_space<vmem>>, vector<1x16xf32>,
    %swap3A_907 = vector.shape_cast %swap3A_906 : vector<1x16xf32> to vector<16xf32>
    %swap3A_908 = vector.shape_cast %broadcast_in_dim3A_902 : vector<16xf32> to vector<1x16xf32>
    tpu.vector_store %arg12[%swap3A_904, %swap3A_905], %swap3A_908 {strides = array<i32>} : memref<16x128xf32, #tpu.memory_space<vmem>>, vector<1x16xf32>,
    %broadcast_in_dim3A_909 = arith.constant 0.000000e+00 : f32
    %broadcast_in_dim3A_910 = vector.broadcast %broadcast_in_dim3A_909 : f32 to vector<16xf32>
    %swap3A_911 = arith.constant 14 : i32
    %swap3A_912 = arith.index_cast %swap3A_911 : i32 to index
    %swap3A_913 = arith.constant 16 : index
    %swap3A_914 = tpu.vector_load %arg12[%swap3A_912, %swap3A_913] {strides = array<i32>} : memref<16x128xf32, #tpu.memory_space<vmem>>, vector<1x16xf32>,
    %swap3A_915 = vector.shape_cast %swap3A_914 : vector<1x16xf32> to vector<16xf32>
    %swap3A_916 = vector.shape_cast %broadcast_in_dim3A_910 : vector<16xf32> to vector<1x16xf32>
    tpu.vector_store %arg12[%swap3A_912, %swap3A_913], %swap3A_916 {strides = array<i32>} : memref<16x128xf32, #tpu.memory_space<vmem>>, vector<1x16xf32>,
    %broadcast_in_dim3A_917 = arith.constant 0.000000e+00 : f32
    %broadcast_in_dim3A_918 = vector.broadcast %broadcast_in_dim3A_917 : f32 to vector<16xf32>
    %swap3A_919 = arith.constant 14 : i32
    %swap3A_920 = arith.index_cast %swap3A_919 : i32 to index
    %swap3A_921 = arith.constant 32 : index
    %swap3A_922 = tpu.vector_load %arg12[%swap3A_920, %swap3A_921] {strides = array<i32>} : memref<16x128xf32, #tpu.memory_space<vmem>>, vector<1x16xf32>,
    %swap3A_923 = vector.shape_cast %swap3A_922 : vector<1x16xf32> to vector<16xf32>
    %swap3A_924 = vector.shape_cast %broadcast_in_dim3A_918 : vector<16xf32> to vector<1x16xf32>
    tpu.vector_store %arg12[%swap3A_920, %swap3A_921], %swap3A_924 {strides = array<i32>} : memref<16x128xf32, #tpu.memory_space<vmem>>, vector<1x16xf32>,
    %broadcast_in_dim3A_925 = arith.constant 0.000000e+00 : f32
    %broadcast_in_dim3A_926 = vector.broadcast %broadcast_in_dim3A_925 : f32 to vector<16xf32>
    %swap3A_927 = arith.constant 14 : i32
    %swap3A_928 = arith.index_cast %swap3A_927 : i32 to index
    %swap3A_929 = arith.constant 48 : index
    %swap3A_930 = tpu.vector_load %arg12[%swap3A_928, %swap3A_929] {strides = array<i32>} : memref<16x128xf32, #tpu.memory_space<vmem>>, vector<1x16xf32>,
    %swap3A_931 = vector.shape_cast %swap3A_930 : vector<1x16xf32> to vector<16xf32>
    %swap3A_932 = vector.shape_cast %broadcast_in_dim3A_926 : vector<16xf32> to vector<1x16xf32>
    tpu.vector_store %arg12[%swap3A_928, %swap3A_929], %swap3A_932 {strides = array<i32>} : memref<16x128xf32, #tpu.memory_space<vmem>>, vector<1x16xf32>,
    %broadcast_in_dim3A_933 = arith.constant 0.000000e+00 : f32
    %broadcast_in_dim3A_934 = vector.broadcast %broadcast_in_dim3A_933 : f32 to vector<16xf32>
    %swap3A_935 = arith.constant 14 : i32
    %swap3A_936 = arith.index_cast %swap3A_935 : i32 to index
    %swap3A_937 = arith.constant 64 : index
    %swap3A_938 = tpu.vector_load %arg12[%swap3A_936, %swap3A_937] {strides = array<i32>} : memref<16x128xf32, #tpu.memory_space<vmem>>, vector<1x16xf32>,
    %swap3A_939 = vector.shape_cast %swap3A_938 : vector<1x16xf32> to vector<16xf32>
    %swap3A_940 = vector.shape_cast %broadcast_in_dim3A_934 : vector<16xf32> to vector<1x16xf32>
    tpu.vector_store %arg12[%swap3A_936, %swap3A_937], %swap3A_940 {strides = array<i32>} : memref<16x128xf32, #tpu.memory_space<vmem>>, vector<1x16xf32>,
    %broadcast_in_dim3A_941 = arith.constant 0.000000e+00 : f32
    %broadcast_in_dim3A_942 = vector.broadcast %broadcast_in_dim3A_941 : f32 to vector<16xf32>
    %swap3A_943 = arith.constant 14 : i32
    %swap3A_944 = arith.index_cast %swap3A_943 : i32 to index
    %swap3A_945 = arith.constant 80 : index
    %swap3A_946 = tpu.vector_load %arg12[%swap3A_944, %swap3A_945] {strides = array<i32>} : memref<16x128xf32, #tpu.memory_space<vmem>>, vector<1x16xf32>,
    %swap3A_947 = vector.shape_cast %swap3A_946 : vector<1x16xf32> to vector<16xf32>
    %swap3A_948 = vector.shape_cast %broadcast_in_dim3A_942 : vector<16xf32> to vector<1x16xf32>
    tpu.vector_store %arg12[%swap3A_944, %swap3A_945], %swap3A_948 {strides = array<i32>} : memref<16x128xf32, #tpu.memory_space<vmem>>, vector<1x16xf32>,
    %broadcast_in_dim3A_949 = arith.constant 0.000000e+00 : f32
    %broadcast_in_dim3A_950 = vector.broadcast %broadcast_in_dim3A_949 : f32 to vector<16xf32>
    %swap3A_951 = arith.constant 14 : i32
    %swap3A_952 = arith.index_cast %swap3A_951 : i32 to index
    %swap3A_953 = arith.constant 96 : index
    %swap3A_954 = tpu.vector_load %arg12[%swap3A_952, %swap3A_953] {strides = array<i32>} : memref<16x128xf32, #tpu.memory_space<vmem>>, vector<1x16xf32>,
    %swap3A_955 = vector.shape_cast %swap3A_954 : vector<1x16xf32> to vector<16xf32>
    %swap3A_956 = vector.shape_cast %broadcast_in_dim3A_950 : vector<16xf32> to vector<1x16xf32>
    tpu.vector_store %arg12[%swap3A_952, %swap3A_953], %swap3A_956 {strides = array<i32>} : memref<16x128xf32, #tpu.memory_space<vmem>>, vector<1x16xf32>,
    %broadcast_in_dim3A_957 = arith.constant 0.000000e+00 : f32
    %broadcast_in_dim3A_958 = vector.broadcast %broadcast_in_dim3A_957 : f32 to vector<16xf32>
    %swap3A_959 = arith.constant 14 : i32
    %swap3A_960 = arith.index_cast %swap3A_959 : i32 to index
    %swap3A_961 = arith.constant 112 : index
    %swap3A_962 = tpu.vector_load %arg12[%swap3A_960, %swap3A_961] {strides = array<i32>} : memref<16x128xf32, #tpu.memory_space<vmem>>, vector<1x16xf32>,
    %swap3A_963 = vector.shape_cast %swap3A_962 : vector<1x16xf32> to vector<16xf32>
    %swap3A_964 = vector.shape_cast %broadcast_in_dim3A_958 : vector<16xf32> to vector<1x16xf32>
    tpu.vector_store %arg12[%swap3A_960, %swap3A_961], %swap3A_964 {strides = array<i32>} : memref<16x128xf32, #tpu.memory_space<vmem>>, vector<1x16xf32>,
    %broadcast_in_dim3A_965 = arith.constant 0.000000e+00 : f32
    %broadcast_in_dim3A_966 = vector.broadcast %broadcast_in_dim3A_965 : f32 to vector<16xf32>
    %swap3A_967 = arith.constant 15 : i32
    %swap3A_968 = arith.index_cast %swap3A_967 : i32 to index
    %swap3A_969 = arith.constant 0 : index
    %swap3A_970 = tpu.vector_load %arg12[%swap3A_968, %swap3A_969] {strides = array<i32>} : memref<16x128xf32, #tpu.memory_space<vmem>>, vector<1x16xf32>,
    %swap3A_971 = vector.shape_cast %swap3A_970 : vector<1x16xf32> to vector<16xf32>
    %swap3A_972 = vector.shape_cast %broadcast_in_dim3A_966 : vector<16xf32> to vector<1x16xf32>
    tpu.vector_store %arg12[%swap3A_968, %swap3A_969], %swap3A_972 {strides = array<i32>} : memref<16x128xf32, #tpu.memory_space<vmem>>, vector<1x16xf32>,
    %broadcast_in_dim3A_973 = arith.constant 0.000000e+00 : f32
    %broadcast_in_dim3A_974 = vector.broadcast %broadcast_in_dim3A_973 : f32 to vector<16xf32>
    %swap3A_975 = arith.constant 15 : i32
    %swap3A_976 = arith.index_cast %swap3A_975 : i32 to index
    %swap3A_977 = arith.constant 16 : index
    %swap3A_978 = tpu.vector_load %arg12[%swap3A_976, %swap3A_977] {strides = array<i32>} : memref<16x128xf32, #tpu.memory_space<vmem>>, vector<1x16xf32>,
    %swap3A_979 = vector.shape_cast %swap3A_978 : vector<1x16xf32> to vector<16xf32>
    %swap3A_980 = vector.shape_cast %broadcast_in_dim3A_974 : vector<16xf32> to vector<1x16xf32>
    tpu.vector_store %arg12[%swap3A_976, %swap3A_977], %swap3A_980 {strides = array<i32>} : memref<16x128xf32, #tpu.memory_space<vmem>>, vector<1x16xf32>,
    %broadcast_in_dim3A_981 = arith.constant 0.000000e+00 : f32
    %broadcast_in_dim3A_982 = vector.broadcast %broadcast_in_dim3A_981 : f32 to vector<16xf32>
    %swap3A_983 = arith.constant 15 : i32
    %swap3A_984 = arith.index_cast %swap3A_983 : i32 to index
    %swap3A_985 = arith.constant 32 : index
    %swap3A_986 = tpu.vector_load %arg12[%swap3A_984, %swap3A_985] {strides = array<i32>} : memref<16x128xf32, #tpu.memory_space<vmem>>, vector<1x16xf32>,
    %swap3A_987 = vector.shape_cast %swap3A_986 : vector<1x16xf32> to vector<16xf32>
    %swap3A_988 = vector.shape_cast %broadcast_in_dim3A_982 : vector<16xf32> to vector<1x16xf32>
    tpu.vector_store %arg12[%swap3A_984, %swap3A_985], %swap3A_988 {strides = array<i32>} : memref<16x128xf32, #tpu.memory_space<vmem>>, vector<1x16xf32>,
    %broadcast_in_dim3A_989 = arith.constant 0.000000e+00 : f32
    %broadcast_in_dim3A_990 = vector.broadcast %broadcast_in_dim3A_989 : f32 to vector<16xf32>
    %swap3A_991 = arith.constant 15 : i32
    %swap3A_992 = arith.index_cast %swap3A_991 : i32 to index
    %swap3A_993 = arith.constant 48 : index
    %swap3A_994 = tpu.vector_load %arg12[%swap3A_992, %swap3A_993] {strides = array<i32>} : memref<16x128xf32, #tpu.memory_space<vmem>>, vector<1x16xf32>,
    %swap3A_995 = vector.shape_cast %swap3A_994 : vector<1x16xf32> to vector<16xf32>
    %swap3A_996 = vector.shape_cast %broadcast_in_dim3A_990 : vector<16xf32> to vector<1x16xf32>
    tpu.vector_store %arg12[%swap3A_992, %swap3A_993], %swap3A_996 {strides = array<i32>} : memref<16x128xf32, #tpu.memory_space<vmem>>, vector<1x16xf32>,
    %broadcast_in_dim3A_997 = arith.constant 0.000000e+00 : f32
    %broadcast_in_dim3A_998 = vector.broadcast %broadcast_in_dim3A_997 : f32 to vector<16xf32>
    %swap3A_999 = arith.constant 15 : i32
    %swap3A_1000 = arith.index_cast %swap3A_999 : i32 to index
    %swap3A_1001 = arith.constant 64 : index
    %swap3A_1002 = tpu.vector_load %arg12[%swap3A_1000, %swap3A_1001] {strides = array<i32>} : memref<16x128xf32, #tpu.memory_space<vmem>>, vector<1x16xf32>,
    %swap3A_1003 = vector.shape_cast %swap3A_1002 : vector<1x16xf32> to vector<16xf32>
    %swap3A_1004 = vector.shape_cast %broadcast_in_dim3A_998 : vector<16xf32> to vector<1x16xf32>
    tpu.vector_store %arg12[%swap3A_1000, %swap3A_1001], %swap3A_1004 {strides = array<i32>} : memref<16x128xf32, #tpu.memory_space<vmem>>, vector<1x16xf32>,
    %broadcast_in_dim3A_1005 = arith.constant 0.000000e+00 : f32
    %broadcast_in_dim3A_1006 = vector.broadcast %broadcast_in_dim3A_1005 : f32 to vector<16xf32>
    %swap3A_1007 = arith.constant 15 : i32
    %swap3A_1008 = arith.index_cast %swap3A_1007 : i32 to index
    %swap3A_1009 = arith.constant 80 : index
    %swap3A_1010 = tpu.vector_load %arg12[%swap3A_1008, %swap3A_1009] {strides = array<i32>} : memref<16x128xf32, #tpu.memory_space<vmem>>, vector<1x16xf32>,
    %swap3A_1011 = vector.shape_cast %swap3A_1010 : vector<1x16xf32> to vector<16xf32>
    %swap3A_1012 = vector.shape_cast %broadcast_in_dim3A_1006 : vector<16xf32> to vector<1x16xf32>
    tpu.vector_store %arg12[%swap3A_1008, %swap3A_1009], %swap3A_1012 {strides = array<i32>} : memref<16x128xf32, #tpu.memory_space<vmem>>, vector<1x16xf32>,
    %broadcast_in_dim3A_1013 = arith.constant 0.000000e+00 : f32
    %broadcast_in_dim3A_1014 = vector.broadcast %broadcast_in_dim3A_1013 : f32 to vector<16xf32>
    %swap3A_1015 = arith.constant 15 : i32
    %swap3A_1016 = arith.index_cast %swap3A_1015 : i32 to index
    %swap3A_1017 = arith.constant 96 : index
    %swap3A_1018 = tpu.vector_load %arg12[%swap3A_1016, %swap3A_1017] {strides = array<i32>} : memref<16x128xf32, #tpu.memory_space<vmem>>, vector<1x16xf32>,
    %swap3A_1019 = vector.shape_cast %swap3A_1018 : vector<1x16xf32> to vector<16xf32>
    %swap3A_1020 = vector.shape_cast %broadcast_in_dim3A_1014 : vector<16xf32> to vector<1x16xf32>
    tpu.vector_store %arg12[%swap3A_1016, %swap3A_1017], %swap3A_1020 {strides = array<i32>} : memref<16x128xf32, #tpu.memory_space<vmem>>, vector<1x16xf32>,
    %broadcast_in_dim3A_1021 = arith.constant 0.000000e+00 : f32
    %broadcast_in_dim3A_1022 = vector.broadcast %broadcast_in_dim3A_1021 : f32 to vector<16xf32>
    %swap3A_1023 = arith.constant 15 : i32
    %swap3A_1024 = arith.index_cast %swap3A_1023 : i32 to index
    %swap3A_1025 = arith.constant 112 : index
    %swap3A_1026 = tpu.vector_load %arg12[%swap3A_1024, %swap3A_1025] {strides = array<i32>} : memref<16x128xf32, #tpu.memory_space<vmem>>, vector<1x16xf32>,
    %swap3A_1027 = vector.shape_cast %swap3A_1026 : vector<1x16xf32> to vector<16xf32>
    %swap3A_1028 = vector.shape_cast %broadcast_in_dim3A_1022 : vector<16xf32> to vector<1x16xf32>
    tpu.vector_store %arg12[%swap3A_1024, %swap3A_1025], %swap3A_1028 {strides = array<i32>} : memref<16x128xf32, #tpu.memory_space<vmem>>, vector<1x16xf32>,
    %mul3A_1029 = arith.constant 640 : i32
    %mul3A_1030 = arith.muli %arg1, %mul3A_1029 : i32
    %dma_start3A = tpu.memref_slice %arg3[%mul3A_2] : memref<640000xi32, #tpu.memory_space<hbm>> -> memref<10000xi32, #tpu.memory_space<hbm>>
    %dma_start3A_1031 = tpu.memref_slice %arg3[%mul3A_2] : memref<640000xi32, #tpu.memory_space<hbm>> -> memref<10000xi32, #tpu.memory_space<hbm>>
    tpu.enqueue_dma source(%dma_start3A_1031 : memref<10000xi32, #tpu.memory_space<hbm>>) target(%arg6 : memref<10000xi32, #tpu.memory_space<vmem>>) target_semaphore(%arg18 : memref<!tpu.dma_semaphore, #tpu.memory_space<semaphore_mem>>)
    %scan3A = arith.constant 0 : i32
    %scan3A_1032 = arith.constant 0 : i32
    %scan3A_1033 = arith.constant 40 : i32
    %scan3A_1034 = arith.addi %scan3A_1032, %scan3A_1033 : i32
    %scan3A_1035 = arith.constant 1 : i32
    scf.for %scan3A_1112 = %scan3A_1032 to %scan3A_1034 step %scan3A_1035  : i32 {
      %mul3A_1113 = arith.constant 16 : i32
      %mul3A_1114 = arith.muli %scan3A_1112, %mul3A_1113 : i32
      %add3A_1115 = arith.addi %mul3A_1030, %mul3A_1114 : i32
      %dma_start3A_1116 = arith.constant 0 : i32
      %dma_start3A_1117 = tpu.memref_slice %arg13[%add3A_1115, %dma_start3A_1116] : memref<10240x128xf32, #tpu.memory_space<vmem_shared>> -> memref<16x128xf32, #tpu.memory_space<vmem_shared>>
      %dma_start3A_1118 = arith.constant 0 : i32
      %dma_start3A_1119 = tpu.memref_slice %arg13[%add3A_1115, %dma_start3A_1118] : memref<10240x128xf32, #tpu.memory_space<vmem_shared>> -> memref<16x128xf32, #tpu.memory_space<vmem_shared>>
      tpu.enqueue_dma source(%arg12 : memref<16x128xf32, #tpu.memory_space<vmem>>) target(%dma_start3A_1119 : memref<16x128xf32, #tpu.memory_space<vmem_shared>>) target_semaphore(%arg19 : memref<!tpu.dma_semaphore, #tpu.memory_space<semaphore_mem>>)
    }
    %scan3A_1036 = arith.constant 40 : i32
    %scan3A_1037 = arith.constant 0 : i32
    %scan3A_1038 = arith.constant 0 : i32
    %scan3A_1039 = arith.constant 40 : i32
    %scan3A_1040 = arith.addi %scan3A_1038, %scan3A_1039 : i32
    %scan3A_1041 = arith.constant 1 : i32
    scf.for %scan3A_1112 = %scan3A_1038 to %scan3A_1040 step %scan3A_1041  : i32 {
      %dma_wait3A_1113 = arith.constant 0 : i32
      %dma_wait3A_1114 = tpu.memref_slice %arg13[%mul3A_1030, %dma_wait3A_1113] : memref<10240x128xf32, #tpu.memory_space<vmem_shared>> -> memref<16x128xf32, #tpu.memory_space<vmem_shared>>
      %dma_wait3A_1115 = arith.constant 0 : i32
      %dma_wait3A_1116 = tpu.memref_slice %arg13[%mul3A_1030, %dma_wait3A_1115] : memref<10240x128xf32, #tpu.memory_space<vmem_shared>> -> memref<16x128xf32, #tpu.memory_space<vmem_shared>>
      tpu.wait_dma2 semaphore(%arg19 : memref<!tpu.dma_semaphore, #tpu.memory_space<semaphore_mem>>) src(%arg12 : memref<16x128xf32, #tpu.memory_space<vmem>>) dst(%dma_wait3A_1116 : memref<16x128xf32, #tpu.memory_space<vmem_shared>>)
    }
    %scan3A_1042 = arith.constant 40 : i32
    %dma_wait3A = tpu.memref_slice %arg3[%mul3A_2] : memref<640000xi32, #tpu.memory_space<hbm>> -> memref<10000xi32, #tpu.memory_space<hbm>>
    %dma_wait3A_1043 = tpu.memref_slice %arg3[%mul3A_2] : memref<640000xi32, #tpu.memory_space<hbm>> -> memref<10000xi32, #tpu.memory_space<hbm>>
    tpu.wait_dma2 semaphore(%arg18 : memref<!tpu.dma_semaphore, #tpu.memory_space<semaphore_mem>>) src(%dma_wait3A_1043 : memref<10000xi32, #tpu.memory_space<hbm>>) dst(%arg6 : memref<10000xi32, #tpu.memory_space<vmem>>)
    %barrier3A = arith.constant 0 : index
    tpu.barrier barrier_id(%barrier3A)
    %add3A_1044 = arith.constant 0 : i32
    %add3A_1045 = arith.addi %add3A_6, %add3A_1044 : i32
    %dma_start3A_1046 = tpu.memref_slice %arg3[%add3A_1045] : memref<640000xi32, #tpu.memory_space<hbm>> -> memref<128xi32, #tpu.memory_space<hbm>>
    %dma_start3A_1047 = tpu.memref_slice %arg3[%add3A_1045] : memref<640000xi32, #tpu.memory_space<hbm>> -> memref<128xi32, #tpu.memory_space<hbm>>
    tpu.enqueue_dma source(%dma_start3A_1047 : memref<128xi32, #tpu.memory_space<hbm>>) target(%arg7 : memref<128xi32, #tpu.memory_space<vmem>>) target_semaphore(%arg16 : memref<!tpu.dma_semaphore, #tpu.memory_space<semaphore_mem>>)
    %dma_start3A_1048 = arith.constant 0 : i32
    %dma_start3A_1049 = tpu.memref_slice %arg6[%dma_start3A_1048] : memref<10000xi32, #tpu.memory_space<vmem>> -> memref<128xi32, #tpu.memory_space<vmem>>
    %dma_start3A_1050 = arith.constant 0 : i32
    %dma_start3A_1051 = arith.constant 0 : i32
    %dma_start3A_1052 = tpu.memref_slice %arg2[%dma_start3A_1050, %dma_start3A_1051] : memref<10240x128xf32, #tpu.memory_space<hbm>> -> memref<10240x128xf32, #tpu.memory_space<hbm>>
    tpu.enqueue_indirect_dma source(%dma_start3A_1052 : memref<10240x128xf32, #tpu.memory_space<hbm>>) target(%arg10 : memref<128x128xf32, #tpu.memory_space<vmem>>) offsets(%dma_start3A_1049 : memref<128xi32, #tpu.memory_space<vmem>>) semaphore(%arg14 : memref<!tpu.dma_semaphore, #tpu.memory_space<semaphore_mem>>)
    %add3A_1053 = arith.constant 128 : i32
    %add3A_1054 = arith.addi %add3A_6, %add3A_1053 : i32
    %dma_start3A_1055 = tpu.memref_slice %arg3[%add3A_1054] : memref<640000xi32, #tpu.memory_space<hbm>> -> memref<128xi32, #tpu.memory_space<hbm>>
    %dma_start3A_1056 = tpu.memref_slice %arg3[%add3A_1054] : memref<640000xi32, #tpu.memory_space<hbm>> -> memref<128xi32, #tpu.memory_space<hbm>>
    tpu.enqueue_dma source(%dma_start3A_1056 : memref<128xi32, #tpu.memory_space<hbm>>) target(%arg8 : memref<128xi32, #tpu.memory_space<vmem>>) target_semaphore(%arg17 : memref<!tpu.dma_semaphore, #tpu.memory_space<semaphore_mem>>)
    %dma_start3A_1057 = arith.constant 128 : i32
    %dma_start3A_1058 = tpu.memref_slice %arg6[%dma_start3A_1057] : memref<10000xi32, #tpu.memory_space<vmem>> -> memref<128xi32, #tpu.memory_space<vmem>>
    %dma_start3A_1059 = arith.constant 0 : i32
    %dma_start3A_1060 = arith.constant 0 : i32
    %dma_start3A_1061 = tpu.memref_slice %arg2[%dma_start3A_1059, %dma_start3A_1060] : memref<10240x128xf32, #tpu.memory_space<hbm>> -> memref<10240x128xf32, #tpu.memory_space<hbm>>
    tpu.enqueue_indirect_dma source(%dma_start3A_1061 : memref<10240x128xf32, #tpu.memory_space<hbm>>) target(%arg11 : memref<128x128xf32, #tpu.memory_space<vmem>>) offsets(%dma_start3A_1058 : memref<128xi32, #tpu.memory_space<vmem>>) semaphore(%arg15 : memref<!tpu.dma_semaphore, #tpu.memory_space<semaphore_mem>>)
    %scan3A_1062 = arith.constant 0 : i32
    %scan3A_1063 = arith.constant 0 : i32
    %scan3A_1064 = arith.constant 38 : i32
    %scan3A_1065 = arith.addi %scan3A_1063, %scan3A_1064 : i32
    %scan3A_1066 = arith.constant 1 : i32
    scf.for %scan3A_1112 = %scan3A_1063 to %scan3A_1065 step %scan3A_1066  : i32 {
      %mul3A_1113 = arith.constant 2 : i32
      %mul3A_1114 = arith.muli %mul3A_1113, %scan3A_1112 : i32
      %add3A_1115 = arith.constant 1 : i32
      %add3A_1116 = arith.addi %mul3A_1114, %add3A_1115 : i32
      %mul3A_1117 = arith.constant 128 : i32
      %mul3A_1118 = arith.muli %mul3A_1114, %mul3A_1117 : i32
      %dma_wait3A_1119 = tpu.memref_slice %arg6[%mul3A_1118] : memref<10000xi32, #tpu.memory_space<vmem>> -> memref<128xi32, #tpu.memory_space<vmem>>
      %dma_wait3A_1120 = arith.constant 0 : i32
      %dma_wait3A_1121 = arith.constant 0 : i32
      %dma_wait3A_1122 = tpu.memref_slice %arg2[%dma_wait3A_1120, %dma_wait3A_1121] : memref<10240x128xf32, #tpu.memory_space<hbm>> -> memref<10240x128xf32, #tpu.memory_space<hbm>>
      tpu.wait_indirect_dma semaphore(%arg14 : memref<!tpu.dma_semaphore, #tpu.memory_space<semaphore_mem>>) src(%dma_wait3A_1122 : memref<10240x128xf32, #tpu.memory_space<hbm>>) dst(%arg10 : memref<128x128xf32, #tpu.memory_space<vmem>>)
      %mul3A_1123 = arith.constant 128 : i32
      %mul3A_1124 = arith.muli %mul3A_1114, %mul3A_1123 : i32
      %add3A_1125 = arith.addi %add3A_6, %mul3A_1124 : i32
      %dma_wait3A_1126 = tpu.memref_slice %arg3[%add3A_1125] : memref<640000xi32, #tpu.memory_space<hbm>> -> memref<128xi32, #tpu.memory_space<hbm>>
      %dma_wait3A_1127 = tpu.memref_slice %arg3[%add3A_1125] : memref<640000xi32, #tpu.memory_space<hbm>> -> memref<128xi32, #tpu.memory_space<hbm>>
      tpu.wait_dma2 semaphore(%arg16 : memref<!tpu.dma_semaphore, #tpu.memory_space<semaphore_mem>>) src(%dma_wait3A_1127 : memref<128xi32, #tpu.memory_space<hbm>>) dst(%arg7 : memref<128xi32, #tpu.memory_space<vmem>>)
      "tpu.region"() ({
        %run_scoped3A = tpu.sem_alloc : memref<!tpu.dma_semaphore, #tpu.memory_space<semaphore_mem>>
        %dma_start3A_1169 = arith.constant 0 : i32
        %dma_start3A_1170 = arith.constant 0 : i32
        %dma_start3A_1171 = tpu.memref_slice %arg13[%dma_start3A_1169, %dma_start3A_1170] : memref<10240x128xf32, #tpu.memory_space<vmem_shared>> -> memref<10240x128xf32, #tpu.memory_space<vmem_shared>>
        tpu.enqueue_indirect_dma source(%arg10 : memref<128x128xf32, #tpu.memory_space<vmem>>) target(%dma_start3A_1171 : memref<10240x128xf32, #tpu.memory_space<vmem_shared>>) offsets(%arg7 : memref<128xi32, #tpu.memory_space<vmem>>) semaphore(%run_scoped3A : memref<!tpu.dma_semaphore, #tpu.memory_space<semaphore_mem>>) {add = true}
        %dma_wait3A_1172 = arith.constant 0 : i32
        %dma_wait3A_1173 = arith.constant 0 : i32
        %dma_wait3A_1174 = tpu.memref_slice %arg13[%dma_wait3A_1172, %dma_wait3A_1173] : memref<10240x128xf32, #tpu.memory_space<vmem_shared>> -> memref<10240x128xf32, #tpu.memory_space<vmem_shared>>
        tpu.wait_indirect_dma semaphore(%run_scoped3A : memref<!tpu.dma_semaphore, #tpu.memory_space<semaphore_mem>>) src(%arg10 : memref<128x128xf32, #tpu.memory_space<vmem>>) dst(%dma_wait3A_1174 : memref<10240x128xf32, #tpu.memory_space<vmem_shared>>)
        tpu.yield
      }) : () -> ()
      %add3A_1128 = arith.constant 2 : i32
      %add3A_1129 = arith.addi %mul3A_1114, %add3A_1128 : i32
      %mul3A_1130 = arith.constant 128 : i32
      %mul3A_1131 = arith.muli %add3A_1129, %mul3A_1130 : i32
      %add3A_1132 = arith.addi %add3A_6, %mul3A_1131 : i32
      %dma_start3A_1133 = tpu.memref_slice %arg3[%add3A_1132] : memref<640000xi32, #tpu.memory_space<hbm>> -> memref<128xi32, #tpu.memory_space<hbm>>
      %dma_start3A_1134 = tpu.memref_slice %arg3[%add3A_1132] : memref<640000xi32, #tpu.memory_space<hbm>> -> memref<128xi32, #tpu.memory_space<hbm>>
      tpu.enqueue_dma source(%dma_start3A_1134 : memref<128xi32, #tpu.memory_space<hbm>>) target(%arg7 : memref<128xi32, #tpu.memory_space<vmem>>) target_semaphore(%arg16 : memref<!tpu.dma_semaphore, #tpu.memory_space<semaphore_mem>>)
      %add3A_1135 = arith.constant 2 : i32
      %add3A_1136 = arith.addi %mul3A_1114, %add3A_1135 : i32
      %mul3A_1137 = arith.constant 128 : i32
      %mul3A_1138 = arith.muli %add3A_1136, %mul3A_1137 : i32
      %dma_start3A_1139 = tpu.memref_slice %arg6[%mul3A_1138] : memref<10000xi32, #tpu.memory_space<vmem>> -> memref<128xi32, #tpu.memory_space<vmem>>
      %dma_start3A_1140 = arith.constant 0 : i32
      %dma_start3A_1141 = arith.constant 0 : i32
      %dma_start3A_1142 = tpu.memref_slice %arg2[%dma_start3A_1140, %dma_start3A_1141] : memref<10240x128xf32, #tpu.memory_space<hbm>> -> memref<10240x128xf32, #tpu.memory_space<hbm>>
      tpu.enqueue_indirect_dma source(%dma_start3A_1142 : memref<10240x128xf32, #tpu.memory_space<hbm>>) target(%arg10 : memref<128x128xf32, #tpu.memory_space<vmem>>) offsets(%dma_start3A_1139 : memref<128xi32, #tpu.memory_space<vmem>>) semaphore(%arg14 : memref<!tpu.dma_semaphore, #tpu.memory_space<semaphore_mem>>)
      %mul3A_1143 = arith.constant 128 : i32
      %mul3A_1144 = arith.muli %add3A_1116, %mul3A_1143 : i32
      %dma_wait3A_1145 = tpu.memref_slice %arg6[%mul3A_1144] : memref<10000xi32, #tpu.memory_space<vmem>> -> memref<128xi32, #tpu.memory_space<vmem>>
      %dma_wait3A_1146 = arith.constant 0 : i32
      %dma_wait3A_1147 = arith.constant 0 : i32
      %dma_wait3A_1148 = tpu.memref_slice %arg2[%dma_wait3A_1146, %dma_wait3A_1147] : memref<10240x128xf32, #tpu.memory_space<hbm>> -> memref<10240x128xf32, #tpu.memory_space<hbm>>
      tpu.wait_indirect_dma semaphore(%arg15 : memref<!tpu.dma_semaphore, #tpu.memory_space<semaphore_mem>>) src(%dma_wait3A_1148 : memref<10240x128xf32, #tpu.memory_space<hbm>>) dst(%arg11 : memref<128x128xf32, #tpu.memory_space<vmem>>)
      %mul3A_1149 = arith.constant 128 : i32
      %mul3A_1150 = arith.muli %add3A_1116, %mul3A_1149 : i32
      %add3A_1151 = arith.addi %add3A_6, %mul3A_1150 : i32
      %dma_wait3A_1152 = tpu.memref_slice %arg3[%add3A_1151] : memref<640000xi32, #tpu.memory_space<hbm>> -> memref<128xi32, #tpu.memory_space<hbm>>
      %dma_wait3A_1153 = tpu.memref_slice %arg3[%add3A_1151] : memref<640000xi32, #tpu.memory_space<hbm>> -> memref<128xi32, #tpu.memory_space<hbm>>
      tpu.wait_dma2 semaphore(%arg17 : memref<!tpu.dma_semaphore, #tpu.memory_space<semaphore_mem>>) src(%dma_wait3A_1153 : memref<128xi32, #tpu.memory_space<hbm>>) dst(%arg8 : memref<128xi32, #tpu.memory_space<vmem>>)
      "tpu.region"() ({
        %run_scoped3A = tpu.sem_alloc : memref<!tpu.dma_semaphore, #tpu.memory_space<semaphore_mem>>
        %dma_start3A_1169 = arith.constant 0 : i32
        %dma_start3A_1170 = arith.constant 0 : i32
        %dma_start3A_1171 = tpu.memref_slice %arg13[%dma_start3A_1169, %dma_start3A_1170] : memref<10240x128xf32, #tpu.memory_space<vmem_shared>> -> memref<10240x128xf32, #tpu.memory_space<vmem_shared>>
        tpu.enqueue_indirect_dma source(%arg11 : memref<128x128xf32, #tpu.memory_space<vmem>>) target(%dma_start3A_1171 : memref<10240x128xf32, #tpu.memory_space<vmem_shared>>) offsets(%arg8 : memref<128xi32, #tpu.memory_space<vmem>>) semaphore(%run_scoped3A : memref<!tpu.dma_semaphore, #tpu.memory_space<semaphore_mem>>) {add = true}
        %dma_wait3A_1172 = arith.constant 0 : i32
        %dma_wait3A_1173 = arith.constant 0 : i32
        %dma_wait3A_1174 = tpu.memref_slice %arg13[%dma_wait3A_1172, %dma_wait3A_1173] : memref<10240x128xf32, #tpu.memory_space<vmem_shared>> -> memref<10240x128xf32, #tpu.memory_space<vmem_shared>>
        tpu.wait_indirect_dma semaphore(%run_scoped3A : memref<!tpu.dma_semaphore, #tpu.memory_space<semaphore_mem>>) src(%arg11 : memref<128x128xf32, #tpu.memory_space<vmem>>) dst(%dma_wait3A_1174 : memref<10240x128xf32, #tpu.memory_space<vmem_shared>>)
        tpu.yield
      }) : () -> ()
      %add3A_1154 = arith.constant 2 : i32
      %add3A_1155 = arith.addi %add3A_1116, %add3A_1154 : i32
      %mul3A_1156 = arith.constant 128 : i32
      %mul3A_1157 = arith.muli %add3A_1155, %mul3A_1156 : i32
      %add3A_1158 = arith.addi %add3A_6, %mul3A_1157 : i32
      %dma_start3A_1159 = tpu.memref_slice %arg3[%add3A_1158] : memref<640000xi32, #tpu.memory_space<hbm>> -> memref<128xi32, #tpu.memory_space<hbm>>
      %dma_start3A_1160 = tpu.memref_slice %arg3[%add3A_1158] : memref<640000xi32, #tpu.memory_space<hbm>> -> memref<128xi32, #tpu.memory_space<hbm>>
      tpu.enqueue_dma source(%dma_start3A_1160 : memref<128xi32, #tpu.memory_space<hbm>>) target(%arg8 : memref<128xi32, #tpu.memory_space<vmem>>) target_semaphore(%arg17 : memref<!tpu.dma_semaphore, #tpu.memory_space<semaphore_mem>>)
      %add3A_1161 = arith.constant 2 : i32
      %add3A_1162 = arith.addi %add3A_1116, %add3A_1161 : i32
      %mul3A_1163 = arith.constant 128 : i32
      %mul3A_1164 = arith.muli %add3A_1162, %mul3A_1163 : i32
      %dma_start3A_1165 = tpu.memref_slice %arg6[%mul3A_1164] : memref<10000xi32, #tpu.memory_space<vmem>> -> memref<128xi32, #tpu.memory_space<vmem>>
      %dma_start3A_1166 = arith.constant 0 : i32
      %dma_start3A_1167 = arith.constant 0 : i32
      %dma_start3A_1168 = tpu.memref_slice %arg2[%dma_start3A_1166, %dma_start3A_1167] : memref<10240x128xf32, #tpu.memory_space<hbm>> -> memref<10240x128xf32, #tpu.memory_space<hbm>>
      tpu.enqueue_indirect_dma source(%dma_start3A_1168 : memref<10240x128xf32, #tpu.memory_space<hbm>>) target(%arg11 : memref<128x128xf32, #tpu.memory_space<vmem>>) offsets(%dma_start3A_1165 : memref<128xi32, #tpu.memory_space<vmem>>) semaphore(%arg15 : memref<!tpu.dma_semaphore, #tpu.memory_space<semaphore_mem>>)
    }
    %scan3A_1067 = arith.constant 38 : i32
    %dma_wait3A_1068 = arith.constant 9728 : i32
    %dma_wait3A_1069 = tpu.memref_slice %arg6[%dma_wait3A_1068] : memref<10000xi32, #tpu.memory_space<vmem>> -> memref<128xi32, #tpu.memory_space<vmem>>
    %dma_wait3A_1070 = arith.constant 0 : i32
    %dma_wait3A_1071 = arith.constant 0 : i32
    %dma_wait3A_1072 = tpu.memref_slice %arg2[%dma_wait3A_1070, %dma_wait3A_1071] : memref<10240x128xf32, #tpu.memory_space<hbm>> -> memref<10240x128xf32, #tpu.memory_space<hbm>>
    tpu.wait_indirect_dma semaphore(%arg14 : memref<!tpu.dma_semaphore, #tpu.memory_space<semaphore_mem>>) src(%dma_wait3A_1072 : memref<10240x128xf32, #tpu.memory_space<hbm>>) dst(%arg10 : memref<128x128xf32, #tpu.memory_space<vmem>>)
    %add3A_1073 = arith.constant 9728 : i32
    %add3A_1074 = arith.addi %add3A_6, %add3A_1073 : i32
    %dma_wait3A_1075 = tpu.memref_slice %arg3[%add3A_1074] : memref<640000xi32, #tpu.memory_space<hbm>> -> memref<128xi32, #tpu.memory_space<hbm>>
    %dma_wait3A_1076 = tpu.memref_slice %arg3[%add3A_1074] : memref<640000xi32, #tpu.memory_space<hbm>> -> memref<128xi32, #tpu.memory_space<hbm>>
    tpu.wait_dma2 semaphore(%arg16 : memref<!tpu.dma_semaphore, #tpu.memory_space<semaphore_mem>>) src(%dma_wait3A_1076 : memref<128xi32, #tpu.memory_space<hbm>>) dst(%arg7 : memref<128xi32, #tpu.memory_space<vmem>>)
    "tpu.region"() ({
      %run_scoped3A = tpu.sem_alloc : memref<!tpu.dma_semaphore, #tpu.memory_space<semaphore_mem>>
      %dma_start3A_1112 = arith.constant 0 : i32
      %dma_start3A_1113 = arith.constant 0 : i32
      %dma_start3A_1114 = tpu.memref_slice %arg13[%dma_start3A_1112, %dma_start3A_1113] : memref<10240x128xf32, #tpu.memory_space<vmem_shared>> -> memref<10240x128xf32, #tpu.memory_space<vmem_shared>>
      tpu.enqueue_indirect_dma source(%arg10 : memref<128x128xf32, #tpu.memory_space<vmem>>) target(%dma_start3A_1114 : memref<10240x128xf32, #tpu.memory_space<vmem_shared>>) offsets(%arg7 : memref<128xi32, #tpu.memory_space<vmem>>) semaphore(%run_scoped3A : memref<!tpu.dma_semaphore, #tpu.memory_space<semaphore_mem>>) {add = true}
      %dma_wait3A_1115 = arith.constant 0 : i32
      %dma_wait3A_1116 = arith.constant 0 : i32
      %dma_wait3A_1117 = tpu.memref_slice %arg13[%dma_wait3A_1115, %dma_wait3A_1116] : memref<10240x128xf32, #tpu.memory_space<vmem_shared>> -> memref<10240x128xf32, #tpu.memory_space<vmem_shared>>
      tpu.wait_indirect_dma semaphore(%run_scoped3A : memref<!tpu.dma_semaphore, #tpu.memory_space<semaphore_mem>>) src(%arg10 : memref<128x128xf32, #tpu.memory_space<vmem>>) dst(%dma_wait3A_1117 : memref<10240x128xf32, #tpu.memory_space<vmem_shared>>)
      tpu.yield
    }) : () -> ()
    %dma_wait3A_1077 = arith.constant 9856 : i32
    %dma_wait3A_1078 = tpu.memref_slice %arg6[%dma_wait3A_1077] : memref<10000xi32, #tpu.memory_space<vmem>> -> memref<128xi32, #tpu.memory_space<vmem>>
    %dma_wait3A_1079 = arith.constant 0 : i32
    %dma_wait3A_1080 = arith.constant 0 : i32
    %dma_wait3A_1081 = tpu.memref_slice %arg2[%dma_wait3A_1079, %dma_wait3A_1080] : memref<10240x128xf32, #tpu.memory_space<hbm>> -> memref<10240x128xf32, #tpu.memory_space<hbm>>
    tpu.wait_indirect_dma semaphore(%arg15 : memref<!tpu.dma_semaphore, #tpu.memory_space<semaphore_mem>>) src(%dma_wait3A_1081 : memref<10240x128xf32, #tpu.memory_space<hbm>>) dst(%arg11 : memref<128x128xf32, #tpu.memory_space<vmem>>)
    %add3A_1082 = arith.constant 9856 : i32
    %add3A_1083 = arith.addi %add3A_6, %add3A_1082 : i32
    %dma_wait3A_1084 = tpu.memref_slice %arg3[%add3A_1083] : memref<640000xi32, #tpu.memory_space<hbm>> -> memref<128xi32, #tpu.memory_space<hbm>>
    %dma_wait3A_1085 = tpu.memref_slice %arg3[%add3A_1083] : memref<640000xi32, #tpu.memory_space<hbm>> -> memref<128xi32, #tpu.memory_space<hbm>>
    tpu.wait_dma2 semaphore(%arg17 : memref<!tpu.dma_semaphore, #tpu.memory_space<semaphore_mem>>) src(%dma_wait3A_1085 : memref<128xi32, #tpu.memory_space<hbm>>) dst(%arg8 : memref<128xi32, #tpu.memory_space<vmem>>)
    "tpu.region"() ({
      %run_scoped3A = tpu.sem_alloc : memref<!tpu.dma_semaphore, #tpu.memory_space<semaphore_mem>>
      %dma_start3A_1112 = arith.constant 0 : i32
      %dma_start3A_1113 = arith.constant 0 : i32
      %dma_start3A_1114 = tpu.memref_slice %arg13[%dma_start3A_1112, %dma_start3A_1113] : memref<10240x128xf32, #tpu.memory_space<vmem_shared>> -> memref<10240x128xf32, #tpu.memory_space<vmem_shared>>
      tpu.enqueue_indirect_dma source(%arg11 : memref<128x128xf32, #tpu.memory_space<vmem>>) target(%dma_start3A_1114 : memref<10240x128xf32, #tpu.memory_space<vmem_shared>>) offsets(%arg8 : memref<128xi32, #tpu.memory_space<vmem>>) semaphore(%run_scoped3A : memref<!tpu.dma_semaphore, #tpu.memory_space<semaphore_mem>>) {add = true}
      %dma_wait3A_1115 = arith.constant 0 : i32
      %dma_wait3A_1116 = arith.constant 0 : i32
      %dma_wait3A_1117 = tpu.memref_slice %arg13[%dma_wait3A_1115, %dma_wait3A_1116] : memref<10240x128xf32, #tpu.memory_space<vmem_shared>> -> memref<10240x128xf32, #tpu.memory_space<vmem_shared>>
      tpu.wait_indirect_dma semaphore(%run_scoped3A : memref<!tpu.dma_semaphore, #tpu.memory_space<semaphore_mem>>) src(%arg11 : memref<128x128xf32, #tpu.memory_space<vmem>>) dst(%dma_wait3A_1117 : memref<10240x128xf32, #tpu.memory_space<vmem_shared>>)
      tpu.yield
    }) : () -> ()
    %add3A_1086 = arith.constant 9984 : i32
    %add3A_1087 = arith.addi %add3A_6, %add3A_1086 : i32
    "tpu.region"() ({
      %run_scoped3A = tpu.sem_alloc : memref<!tpu.dma_semaphore, #tpu.memory_space<semaphore_mem>>
      %dma_start3A_1112 = tpu.memref_slice %arg3[%add3A_1087] : memref<640000xi32, #tpu.memory_space<hbm>> -> memref<16xi32, #tpu.memory_space<hbm>>
      %dma_start3A_1113 = tpu.memref_slice %arg3[%add3A_1087] : memref<640000xi32, #tpu.memory_space<hbm>> -> memref<16xi32, #tpu.memory_space<hbm>>
      tpu.enqueue_dma source(%dma_start3A_1113 : memref<16xi32, #tpu.memory_space<hbm>>) target(%arg9 : memref<16xi32, #tpu.memory_space<vmem>>) target_semaphore(%run_scoped3A : memref<!tpu.dma_semaphore, #tpu.memory_space<semaphore_mem>>)
      %dma_wait3A_1114 = tpu.memref_slice %arg3[%add3A_1087] : memref<640000xi32, #tpu.memory_space<hbm>> -> memref<16xi32, #tpu.memory_space<hbm>>
      %dma_wait3A_1115 = tpu.memref_slice %arg3[%add3A_1087] : memref<640000xi32, #tpu.memory_space<hbm>> -> memref<16xi32, #tpu.memory_space<hbm>>
      tpu.wait_dma2 semaphore(%run_scoped3A : memref<!tpu.dma_semaphore, #tpu.memory_space<semaphore_mem>>) src(%dma_wait3A_1115 : memref<16xi32, #tpu.memory_space<hbm>>) dst(%arg9 : memref<16xi32, #tpu.memory_space<vmem>>)
      tpu.yield
    }) : () -> ()
    %dma_start3A_1088 = arith.constant 0 : i32
    %dma_start3A_1089 = arith.constant 0 : i32
    %dma_start3A_1090 = tpu.memref_slice %arg10[%dma_start3A_1088, %dma_start3A_1089] : memref<128x128xf32, #tpu.memory_space<vmem>> -> memref<16x128xf32, #tpu.memory_space<vmem>>
    %dma_start3A_1091 = arith.constant 9984 : i32
    %dma_start3A_1092 = tpu.memref_slice %arg6[%dma_start3A_1091] : memref<10000xi32, #tpu.memory_space<vmem>> -> memref<16xi32, #tpu.memory_space<vmem>>
    %dma_start3A_1093 = arith.constant 0 : i32
    %dma_start3A_1094 = arith.constant 0 : i32
    %dma_start3A_1095 = tpu.memref_slice %arg2[%dma_start3A_1093, %dma_start3A_1094] : memref<10240x128xf32, #tpu.memory_space<hbm>> -> memref<10240x128xf32, #tpu.memory_space<hbm>>
    tpu.enqueue_indirect_dma source(%dma_start3A_1095 : memref<10240x128xf32, #tpu.memory_space<hbm>>) target(%dma_start3A_1090 : memref<16x128xf32, #tpu.memory_space<vmem>>) offsets(%dma_start3A_1092 : memref<16xi32, #tpu.memory_space<vmem>>) semaphore(%arg14 : memref<!tpu.dma_semaphore, #tpu.memory_space<semaphore_mem>>)
    %dma_wait3A_1096 = arith.constant 0 : i32
    %dma_wait3A_1097 = arith.constant 0 : i32
    %dma_wait3A_1098 = tpu.memref_slice %arg10[%dma_wait3A_1096, %dma_wait3A_1097] : memref<128x128xf32, #tpu.memory_space<vmem>> -> memref<16x128xf32, #tpu.memory_space<vmem>>
    %dma_wait3A_1099 = arith.constant 9984 : i32
    %dma_wait3A_1100 = tpu.memref_slice %arg6[%dma_wait3A_1099] : memref<10000xi32, #tpu.memory_space<vmem>> -> memref<16xi32, #tpu.memory_space<vmem>>
    %dma_wait3A_1101 = arith.constant 0 : i32
    %dma_wait3A_1102 = arith.constant 0 : i32
    %dma_wait3A_1103 = tpu.memref_slice %arg2[%dma_wait3A_1101, %dma_wait3A_1102] : memref<10240x128xf32, #tpu.memory_space<hbm>> -> memref<10240x128xf32, #tpu.memory_space<hbm>>
    tpu.wait_indirect_dma semaphore(%arg14 : memref<!tpu.dma_semaphore, #tpu.memory_space<semaphore_mem>>) src(%dma_wait3A_1103 : memref<10240x128xf32, #tpu.memory_space<hbm>>) dst(%dma_wait3A_1098 : memref<16x128xf32, #tpu.memory_space<vmem>>)
    "tpu.region"() ({
      %run_scoped3A = tpu.sem_alloc : memref<!tpu.dma_semaphore, #tpu.memory_space<semaphore_mem>>
      %dma_start3A_1112 = arith.constant 0 : i32
      %dma_start3A_1113 = arith.constant 0 : i32
      %dma_start3A_1114 = tpu.memref_slice %arg10[%dma_start3A_1112, %dma_start3A_1113] : memref<128x128xf32, #tpu.memory_space<vmem>> -> memref<16x128xf32, #tpu.memory_space<vmem>>
      %dma_start3A_1115 = arith.constant 0 : i32
      %dma_start3A_1116 = arith.constant 0 : i32
      %dma_start3A_1117 = tpu.memref_slice %arg13[%dma_start3A_1115, %dma_start3A_1116] : memref<10240x128xf32, #tpu.memory_space<vmem_shared>> -> memref<10240x128xf32, #tpu.memory_space<vmem_shared>>
      tpu.enqueue_indirect_dma source(%dma_start3A_1114 : memref<16x128xf32, #tpu.memory_space<vmem>>) target(%dma_start3A_1117 : memref<10240x128xf32, #tpu.memory_space<vmem_shared>>) offsets(%arg9 : memref<16xi32, #tpu.memory_space<vmem>>) semaphore(%run_scoped3A : memref<!tpu.dma_semaphore, #tpu.memory_space<semaphore_mem>>) {add = true}
      %dma_wait3A_1118 = arith.constant 0 : i32
      %dma_wait3A_1119 = arith.constant 0 : i32
      %dma_wait3A_1120 = tpu.memref_slice %arg10[%dma_wait3A_1118, %dma_wait3A_1119] : memref<128x128xf32, #tpu.memory_space<vmem>> -> memref<16x128xf32, #tpu.memory_space<vmem>>
      %dma_wait3A_1121 = arith.constant 0 : i32
      %dma_wait3A_1122 = arith.constant 0 : i32
      %dma_wait3A_1123 = tpu.memref_slice %arg13[%dma_wait3A_1121, %dma_wait3A_1122] : memref<10240x128xf32, #tpu.memory_space<vmem_shared>> -> memref<10240x128xf32, #tpu.memory_space<vmem_shared>>
      tpu.wait_indirect_dma semaphore(%run_scoped3A : memref<!tpu.dma_semaphore, #tpu.memory_space<semaphore_mem>>) src(%dma_wait3A_1120 : memref<16x128xf32, #tpu.memory_space<vmem>>) dst(%dma_wait3A_1123 : memref<10240x128xf32, #tpu.memory_space<vmem_shared>>)
      tpu.yield
    }) : () -> ()
    %barrier3A_1104 = arith.constant 0 : index
    tpu.barrier barrier_id(%barrier3A_1104)
    %eq3A = arith.constant 0 : i32
    %eq3A_1105 = arith.cmpi eq, %arg0, %eq3A : i32
    %convert_element_type3A = arith.extui %eq3A_1105 : i1 to i32
    %cond3A = arith.constant 0 : i32
    %cond3A_1106 = arith.cmpi ne, %convert_element_type3A, %cond3A : i32
    scf.if %cond3A_1106 {
      %add3A_1112 = arith.constant 0 : i32
      %add3A_1113 = arith.addi %mul3A_1030, %add3A_1112 : i32
      %dma_start3A_1114 = arith.constant 0 : i32
      %dma_start3A_1115 = tpu.memref_slice %arg13[%add3A_1113, %dma_start3A_1114] : memref<10240x128xf32, #tpu.memory_space<vmem_shared>> -> memref<128x128xf32, #tpu.memory_space<vmem_shared>>
      %dma_start3A_1116 = arith.constant 0 : i32
      %dma_start3A_1117 = tpu.memref_slice %arg13[%add3A_1113, %dma_start3A_1116] : memref<10240x128xf32, #tpu.memory_space<vmem_shared>> -> memref<128x128xf32, #tpu.memory_space<vmem_shared>>
      tpu.enqueue_dma source(%dma_start3A_1117 : memref<128x128xf32, #tpu.memory_space<vmem_shared>>) target(%arg10 : memref<128x128xf32, #tpu.memory_space<vmem>>) target_semaphore(%arg14 : memref<!tpu.dma_semaphore, #tpu.memory_space<semaphore_mem>>)
      %add3A_1118 = arith.constant 0 : i32
      %add3A_1119 = arith.addi %mul3A_1030, %add3A_1118 : i32
      %dma_wait3A_1120 = arith.constant 0 : i32
      %dma_wait3A_1121 = tpu.memref_slice %arg13[%add3A_1119, %dma_wait3A_1120] : memref<10240x128xf32, #tpu.memory_space<vmem_shared>> -> memref<128x128xf32, #tpu.memory_space<vmem_shared>>
      %dma_wait3A_1122 = arith.constant 0 : i32
      %dma_wait3A_1123 = tpu.memref_slice %arg13[%add3A_1119, %dma_wait3A_1122] : memref<10240x128xf32, #tpu.memory_space<vmem_shared>> -> memref<128x128xf32, #tpu.memory_space<vmem_shared>>
      tpu.wait_dma2 semaphore(%arg14 : memref<!tpu.dma_semaphore, #tpu.memory_space<semaphore_mem>>) src(%dma_wait3A_1123 : memref<128x128xf32, #tpu.memory_space<vmem_shared>>) dst(%arg10 : memref<128x128xf32, #tpu.memory_space<vmem>>)
      %add3A_1124 = arith.constant 128 : i32
      %add3A_1125 = arith.addi %mul3A_1030, %add3A_1124 : i32
      %dma_start3A_1126 = arith.constant 0 : i32
      %dma_start3A_1127 = tpu.memref_slice %arg13[%add3A_1125, %dma_start3A_1126] : memref<10240x128xf32, #tpu.memory_space<vmem_shared>> -> memref<128x128xf32, #tpu.memory_space<vmem_shared>>
      %dma_start3A_1128 = arith.constant 0 : i32
      %dma_start3A_1129 = tpu.memref_slice %arg13[%add3A_1125, %dma_start3A_1128] : memref<10240x128xf32, #tpu.memory_space<vmem_shared>> -> memref<128x128xf32, #tpu.memory_space<vmem_shared>>
      tpu.enqueue_dma source(%dma_start3A_1129 : memref<128x128xf32, #tpu.memory_space<vmem_shared>>) target(%arg11 : memref<128x128xf32, #tpu.memory_space<vmem>>) target_semaphore(%arg15 : memref<!tpu.dma_semaphore, #tpu.memory_space<semaphore_mem>>)
      %add3A_1130 = arith.constant 0 : i32
      %add3A_1131 = arith.addi %mul3A_1030, %add3A_1130 : i32
      "tpu.region"() ({
        %run_scoped3A = tpu.sem_alloc : memref<!tpu.dma_semaphore, #tpu.memory_space<semaphore_mem>>
        %dma_start3A_1182 = arith.constant 0 : i32
        %dma_start3A_1183 = tpu.memref_slice %arg4[%add3A_1131, %dma_start3A_1182] : memref<10240x128xf32, #tpu.memory_space<hbm>> -> memref<128x128xf32, #tpu.memory_space<hbm>>
        %dma_start3A_1184 = arith.constant 0 : i32
        %dma_start3A_1185 = tpu.memref_slice %arg4[%add3A_1131, %dma_start3A_1184] : memref<10240x128xf32, #tpu.memory_space<hbm>> -> memref<128x128xf32, #tpu.memory_space<hbm>>
        tpu.enqueue_dma source(%arg10 : memref<128x128xf32, #tpu.memory_space<vmem>>) target(%dma_start3A_1185 : memref<128x128xf32, #tpu.memory_space<hbm>>) target_semaphore(%run_scoped3A : memref<!tpu.dma_semaphore, #tpu.memory_space<semaphore_mem>>)
        %dma_wait3A_1186 = arith.constant 0 : i32
        %dma_wait3A_1187 = tpu.memref_slice %arg4[%add3A_1131, %dma_wait3A_1186] : memref<10240x128xf32, #tpu.memory_space<hbm>> -> memref<128x128xf32, #tpu.memory_space<hbm>>
        %dma_wait3A_1188 = arith.constant 0 : i32
        %dma_wait3A_1189 = tpu.memref_slice %arg4[%add3A_1131, %dma_wait3A_1188] : memref<10240x128xf32, #tpu.memory_space<hbm>> -> memref<128x128xf32, #tpu.memory_space<hbm>>
        tpu.wait_dma2 semaphore(%run_scoped3A : memref<!tpu.dma_semaphore, #tpu.memory_space<semaphore_mem>>) src(%arg10 : memref<128x128xf32, #tpu.memory_space<vmem>>) dst(%dma_wait3A_1189 : memref<128x128xf32, #tpu.memory_space<hbm>>)
        tpu.yield
      }) : () -> ()
      %add3A_1132 = arith.constant 128 : i32
      %add3A_1133 = arith.addi %mul3A_1030, %add3A_1132 : i32
      %dma_wait3A_1134 = arith.constant 0 : i32
      %dma_wait3A_1135 = tpu.memref_slice %arg13[%add3A_1133, %dma_wait3A_1134] : memref<10240x128xf32, #tpu.memory_space<vmem_shared>> -> memref<128x128xf32, #tpu.memory_space<vmem_shared>>
      %dma_wait3A_1136 = arith.constant 0 : i32
      %dma_wait3A_1137 = tpu.memref_slice %arg13[%add3A_1133, %dma_wait3A_1136] : memref<10240x128xf32, #tpu.memory_space<vmem_shared>> -> memref<128x128xf32, #tpu.memory_space<vmem_shared>>
      tpu.wait_dma2 semaphore(%arg15 : memref<!tpu.dma_semaphore, #tpu.memory_space<semaphore_mem>>) src(%dma_wait3A_1137 : memref<128x128xf32, #tpu.memory_space<vmem_shared>>) dst(%arg11 : memref<128x128xf32, #tpu.memory_space<vmem>>)
      %add3A_1138 = arith.constant 256 : i32
      %add3A_1139 = arith.addi %mul3A_1030, %add3A_1138 : i32
      %dma_start3A_1140 = arith.constant 0 : i32
      %dma_start3A_1141 = tpu.memref_slice %arg13[%add3A_1139, %dma_start3A_1140] : memref<10240x128xf32, #tpu.memory_space<vmem_shared>> -> memref<128x128xf32, #tpu.memory_space<vmem_shared>>
      %dma_start3A_1142 = arith.constant 0 : i32
      %dma_start3A_1143 = tpu.memref_slice %arg13[%add3A_1139, %dma_start3A_1142] : memref<10240x128xf32, #tpu.memory_space<vmem_shared>> -> memref<128x128xf32, #tpu.memory_space<vmem_shared>>
      tpu.enqueue_dma source(%dma_start3A_1143 : memref<128x128xf32, #tpu.memory_space<vmem_shared>>) target(%arg10 : memref<128x128xf32, #tpu.memory_space<vmem>>) target_semaphore(%arg14 : memref<!tpu.dma_semaphore, #tpu.memory_space<semaphore_mem>>)
      %add3A_1144 = arith.constant 128 : i32
      %add3A_1145 = arith.addi %mul3A_1030, %add3A_1144 : i32
      "tpu.region"() ({
        %run_scoped3A = tpu.sem_alloc : memref<!tpu.dma_semaphore, #tpu.memory_space<semaphore_mem>>
        %dma_start3A_1182 = arith.constant 0 : i32
        %dma_start3A_1183 = tpu.memref_slice %arg4[%add3A_1145, %dma_start3A_1182] : memref<10240x128xf32, #tpu.memory_space<hbm>> -> memref<128x128xf32, #tpu.memory_space<hbm>>
        %dma_start3A_1184 = arith.constant 0 : i32
        %dma_start3A_1185 = tpu.memref_slice %arg4[%add3A_1145, %dma_start3A_1184] : memref<10240x128xf32, #tpu.memory_space<hbm>> -> memref<128x128xf32, #tpu.memory_space<hbm>>
        tpu.enqueue_dma source(%arg11 : memref<128x128xf32, #tpu.memory_space<vmem>>) target(%dma_start3A_1185 : memref<128x128xf32, #tpu.memory_space<hbm>>) target_semaphore(%run_scoped3A : memref<!tpu.dma_semaphore, #tpu.memory_space<semaphore_mem>>)
        %dma_wait3A_1186 = arith.constant 0 : i32
        %dma_wait3A_1187 = tpu.memref_slice %arg4[%add3A_1145, %dma_wait3A_1186] : memref<10240x128xf32, #tpu.memory_space<hbm>> -> memref<128x128xf32, #tpu.memory_space<hbm>>
        %dma_wait3A_1188 = arith.constant 0 : i32
        %dma_wait3A_1189 = tpu.memref_slice %arg4[%add3A_1145, %dma_wait3A_1188] : memref<10240x128xf32, #tpu.memory_space<hbm>> -> memref<128x128xf32, #tpu.memory_space<hbm>>
        tpu.wait_dma2 semaphore(%run_scoped3A : memref<!tpu.dma_semaphore, #tpu.memory_space<semaphore_mem>>) src(%arg11 : memref<128x128xf32, #tpu.memory_space<vmem>>) dst(%dma_wait3A_1189 : memref<128x128xf32, #tpu.memory_space<hbm>>)
        tpu.yield
      }) : () -> ()
      %add3A_1146 = arith.constant 256 : i32
      %add3A_1147 = arith.addi %mul3A_1030, %add3A_1146 : i32
      %dma_wait3A_1148 = arith.constant 0 : i32
      %dma_wait3A_1149 = tpu.memref_slice %arg13[%add3A_1147, %dma_wait3A_1148] : memref<10240x128xf32, #tpu.memory_space<vmem_shared>> -> memref<128x128xf32, #tpu.memory_space<vmem_shared>>
      %dma_wait3A_1150 = arith.constant 0 : i32
      %dma_wait3A_1151 = tpu.memref_slice %arg13[%add3A_1147, %dma_wait3A_1150] : memref<10240x128xf32, #tpu.memory_space<vmem_shared>> -> memref<128x128xf32, #tpu.memory_space<vmem_shared>>
      tpu.wait_dma2 semaphore(%arg14 : memref<!tpu.dma_semaphore, #tpu.memory_space<semaphore_mem>>) src(%dma_wait3A_1151 : memref<128x128xf32, #tpu.memory_space<vmem_shared>>) dst(%arg10 : memref<128x128xf32, #tpu.memory_space<vmem>>)
      %add3A_1152 = arith.constant 384 : i32
      %add3A_1153 = arith.addi %mul3A_1030, %add3A_1152 : i32
      %dma_start3A_1154 = arith.constant 0 : i32
      %dma_start3A_1155 = tpu.memref_slice %arg13[%add3A_1153, %dma_start3A_1154] : memref<10240x128xf32, #tpu.memory_space<vmem_shared>> -> memref<128x128xf32, #tpu.memory_space<vmem_shared>>
      %dma_start3A_1156 = arith.constant 0 : i32
      %dma_start3A_1157 = tpu.memref_slice %arg13[%add3A_1153, %dma_start3A_1156] : memref<10240x128xf32, #tpu.memory_space<vmem_shared>> -> memref<128x128xf32, #tpu.memory_space<vmem_shared>>
      tpu.enqueue_dma source(%dma_start3A_1157 : memref<128x128xf32, #tpu.memory_space<vmem_shared>>) target(%arg11 : memref<128x128xf32, #tpu.memory_space<vmem>>) target_semaphore(%arg15 : memref<!tpu.dma_semaphore, #tpu.memory_space<semaphore_mem>>)
      %add3A_1158 = arith.constant 256 : i32
      %add3A_1159 = arith.addi %mul3A_1030, %add3A_1158 : i32
      "tpu.region"() ({
        %run_scoped3A = tpu.sem_alloc : memref<!tpu.dma_semaphore, #tpu.memory_space<semaphore_mem>>
        %dma_start3A_1182 = arith.constant 0 : i32
        %dma_start3A_1183 = tpu.memref_slice %arg4[%add3A_1159, %dma_start3A_1182] : memref<10240x128xf32, #tpu.memory_space<hbm>> -> memref<128x128xf32, #tpu.memory_space<hbm>>
        %dma_start3A_1184 = arith.constant 0 : i32
        %dma_start3A_1185 = tpu.memref_slice %arg4[%add3A_1159, %dma_start3A_1184] : memref<10240x128xf32, #tpu.memory_space<hbm>> -> memref<128x128xf32, #tpu.memory_space<hbm>>
        tpu.enqueue_dma source(%arg10 : memref<128x128xf32, #tpu.memory_space<vmem>>) target(%dma_start3A_1185 : memref<128x128xf32, #tpu.memory_space<hbm>>) target_semaphore(%run_scoped3A : memref<!tpu.dma_semaphore, #tpu.memory_space<semaphore_mem>>)
        %dma_wait3A_1186 = arith.constant 0 : i32
        %dma_wait3A_1187 = tpu.memref_slice %arg4[%add3A_1159, %dma_wait3A_1186] : memref<10240x128xf32, #tpu.memory_space<hbm>> -> memref<128x128xf32, #tpu.memory_space<hbm>>
        %dma_wait3A_1188 = arith.constant 0 : i32
        %dma_wait3A_1189 = tpu.memref_slice %arg4[%add3A_1159, %dma_wait3A_1188] : memref<10240x128xf32, #tpu.memory_space<hbm>> -> memref<128x128xf32, #tpu.memory_space<hbm>>
        tpu.wait_dma2 semaphore(%run_scoped3A : memref<!tpu.dma_semaphore, #tpu.memory_space<semaphore_mem>>) src(%arg10 : memref<128x128xf32, #tpu.memory_space<vmem>>) dst(%dma_wait3A_1189 : memref<128x128xf32, #tpu.memory_space<hbm>>)
        tpu.yield
      }) : () -> ()
      %add3A_1160 = arith.constant 384 : i32
      %add3A_1161 = arith.addi %mul3A_1030, %add3A_1160 : i32
      %dma_wait3A_1162 = arith.constant 0 : i32
      %dma_wait3A_1163 = tpu.memref_slice %arg13[%add3A_1161, %dma_wait3A_1162] : memref<10240x128xf32, #tpu.memory_space<vmem_shared>> -> memref<128x128xf32, #tpu.memory_space<vmem_shared>>
      %dma_wait3A_1164 = arith.constant 0 : i32
      %dma_wait3A_1165 = tpu.memref_slice %arg13[%add3A_1161, %dma_wait3A_1164] : memref<10240x128xf32, #tpu.memory_space<vmem_shared>> -> memref<128x128xf32, #tpu.memory_space<vmem_shared>>
      tpu.wait_dma2 semaphore(%arg15 : memref<!tpu.dma_semaphore, #tpu.memory_space<semaphore_mem>>) src(%dma_wait3A_1165 : memref<128x128xf32, #tpu.memory_space<vmem_shared>>) dst(%arg11 : memref<128x128xf32, #tpu.memory_space<vmem>>)
      %add3A_1166 = arith.constant 512 : i32
      %add3A_1167 = arith.addi %mul3A_1030, %add3A_1166 : i32
      %dma_start3A_1168 = arith.constant 0 : i32
      %dma_start3A_1169 = tpu.memref_slice %arg13[%add3A_1167, %dma_start3A_1168] : memref<10240x128xf32, #tpu.memory_space<vmem_shared>> -> memref<128x128xf32, #tpu.memory_space<vmem_shared>>
      %dma_start3A_1170 = arith.constant 0 : i32
      %dma_start3A_1171 = tpu.memref_slice %arg13[%add3A_1167, %dma_start3A_1170] : memref<10240x128xf32, #tpu.memory_space<vmem_shared>> -> memref<128x128xf32, #tpu.memory_space<vmem_shared>>
      tpu.enqueue_dma source(%dma_start3A_1171 : memref<128x128xf32, #tpu.memory_space<vmem_shared>>) target(%arg10 : memref<128x128xf32, #tpu.memory_space<vmem>>) target_semaphore(%arg14 : memref<!tpu.dma_semaphore, #tpu.memory_space<semaphore_mem>>)
      %add3A_1172 = arith.constant 384 : i32
      %add3A_1173 = arith.addi %mul3A_1030, %add3A_1172 : i32
      "tpu.region"() ({
        %run_scoped3A = tpu.sem_alloc : memref<!tpu.dma_semaphore, #tpu.memory_space<semaphore_mem>>
        %dma_start3A_1182 = arith.constant 0 : i32
        %dma_start3A_1183 = tpu.memref_slice %arg4[%add3A_1173, %dma_start3A_1182] : memref<10240x128xf32, #tpu.memory_space<hbm>> -> memref<128x128xf32, #tpu.memory_space<hbm>>
        %dma_start3A_1184 = arith.constant 0 : i32
        %dma_start3A_1185 = tpu.memref_slice %arg4[%add3A_1173, %dma_start3A_1184] : memref<10240x128xf32, #tpu.memory_space<hbm>> -> memref<128x128xf32, #tpu.memory_space<hbm>>
        tpu.enqueue_dma source(%arg11 : memref<128x128xf32, #tpu.memory_space<vmem>>) target(%dma_start3A_1185 : memref<128x128xf32, #tpu.memory_space<hbm>>) target_semaphore(%run_scoped3A : memref<!tpu.dma_semaphore, #tpu.memory_space<semaphore_mem>>)
        %dma_wait3A_1186 = arith.constant 0 : i32
        %dma_wait3A_1187 = tpu.memref_slice %arg4[%add3A_1173, %dma_wait3A_1186] : memref<10240x128xf32, #tpu.memory_space<hbm>> -> memref<128x128xf32, #tpu.memory_space<hbm>>
        %dma_wait3A_1188 = arith.constant 0 : i32
        %dma_wait3A_1189 = tpu.memref_slice %arg4[%add3A_1173, %dma_wait3A_1188] : memref<10240x128xf32, #tpu.memory_space<hbm>> -> memref<128x128xf32, #tpu.memory_space<hbm>>
        tpu.wait_dma2 semaphore(%run_scoped3A : memref<!tpu.dma_semaphore, #tpu.memory_space<semaphore_mem>>) src(%arg11 : memref<128x128xf32, #tpu.memory_space<vmem>>) dst(%dma_wait3A_1189 : memref<128x128xf32, #tpu.memory_space<hbm>>)
        tpu.yield
      }) : () -> ()
      %add3A_1174 = arith.constant 512 : i32
      %add3A_1175 = arith.addi %mul3A_1030, %add3A_1174 : i32
      %dma_wait3A_1176 = arith.constant 0 : i32
      %dma_wait3A_1177 = tpu.memref_slice %arg13[%add3A_1175, %dma_wait3A_1176] : memref<10240x128xf32, #tpu.memory_space<vmem_shared>> -> memref<128x128xf32, #tpu.memory_space<vmem_shared>>
      %dma_wait3A_1178 = arith.constant 0 : i32
      %dma_wait3A_1179 = tpu.memref_slice %arg13[%add3A_1175, %dma_wait3A_1178] : memref<10240x128xf32, #tpu.memory_space<vmem_shared>> -> memref<128x128xf32, #tpu.memory_space<vmem_shared>>
      tpu.wait_dma2 semaphore(%arg14 : memref<!tpu.dma_semaphore, #tpu.memory_space<semaphore_mem>>) src(%dma_wait3A_1179 : memref<128x128xf32, #tpu.memory_space<vmem_shared>>) dst(%arg10 : memref<128x128xf32, #tpu.memory_space<vmem>>)
      %add3A_1180 = arith.constant 512 : i32
      %add3A_1181 = arith.addi %mul3A_1030, %add3A_1180 : i32
      "tpu.region"() ({
        %run_scoped3A = tpu.sem_alloc : memref<!tpu.dma_semaphore, #tpu.memory_space<semaphore_mem>>
        %dma_start3A_1182 = arith.constant 0 : i32
        %dma_start3A_1183 = tpu.memref_slice %arg4[%add3A_1181, %dma_start3A_1182] : memref<10240x128xf32, #tpu.memory_space<hbm>> -> memref<128x128xf32, #tpu.memory_space<hbm>>
        %dma_start3A_1184 = arith.constant 0 : i32
        %dma_start3A_1185 = tpu.memref_slice %arg4[%add3A_1181, %dma_start3A_1184] : memref<10240x128xf32, #tpu.memory_space<hbm>> -> memref<128x128xf32, #tpu.memory_space<hbm>>
        tpu.enqueue_dma source(%arg10 : memref<128x128xf32, #tpu.memory_space<vmem>>) target(%dma_start3A_1185 : memref<128x128xf32, #tpu.memory_space<hbm>>) target_semaphore(%run_scoped3A : memref<!tpu.dma_semaphore, #tpu.memory_space<semaphore_mem>>)
        %dma_wait3A_1186 = arith.constant 0 : i32
        %dma_wait3A_1187 = tpu.memref_slice %arg4[%add3A_1181, %dma_wait3A_1186] : memref<10240x128xf32, #tpu.memory_space<hbm>> -> memref<128x128xf32, #tpu.memory_space<hbm>>
        %dma_wait3A_1188 = arith.constant 0 : i32
        %dma_wait3A_1189 = tpu.memref_slice %arg4[%add3A_1181, %dma_wait3A_1188] : memref<10240x128xf32, #tpu.memory_space<hbm>> -> memref<128x128xf32, #tpu.memory_space<hbm>>
        tpu.wait_dma2 semaphore(%run_scoped3A : memref<!tpu.dma_semaphore, #tpu.memory_space<semaphore_mem>>) src(%arg10 : memref<128x128xf32, #tpu.memory_space<vmem>>) dst(%dma_wait3A_1189 : memref<128x128xf32, #tpu.memory_space<hbm>>)
        tpu.yield
      }) : () -> ()
    } else {
    }
    %eq3A_1107 = arith.constant 1 : i32
    %eq3A_1108 = arith.cmpi eq, %arg0, %eq3A_1107 : i32
    %convert_element_type3A_1109 = arith.extui %eq3A_1108 : i1 to i32
    %cond3A_1110 = arith.constant 0 : i32
    %cond3A_1111 = arith.cmpi ne, %convert_element_type3A_1109, %cond3A_1110 : i32
    scf.if %cond3A_1111 {
      %add3A_1112 = arith.constant 0 : i32
      %add3A_1113 = arith.addi %mul3A_1030, %add3A_1112 : i32
      %dma_start3A_1114 = arith.constant 0 : i32
      %dma_start3A_1115 = tpu.memref_slice %arg13[%add3A_1113, %dma_start3A_1114] : memref<10240x128xf32, #tpu.memory_space<vmem_shared>> -> memref<128x128xf32, #tpu.memory_space<vmem_shared>>
      %dma_start3A_1116 = arith.constant 0 : i32
      %dma_start3A_1117 = tpu.memref_slice %arg13[%add3A_1113, %dma_start3A_1116] : memref<10240x128xf32, #tpu.memory_space<vmem_shared>> -> memref<128x128xf32, #tpu.memory_space<vmem_shared>>
      tpu.enqueue_dma source(%dma_start3A_1117 : memref<128x128xf32, #tpu.memory_space<vmem_shared>>) target(%arg10 : memref<128x128xf32, #tpu.memory_space<vmem>>) target_semaphore(%arg14 : memref<!tpu.dma_semaphore, #tpu.memory_space<semaphore_mem>>)
      %add3A_1118 = arith.constant 0 : i32
      %add3A_1119 = arith.addi %mul3A_1030, %add3A_1118 : i32
      %dma_wait3A_1120 = arith.constant 0 : i32
      %dma_wait3A_1121 = tpu.memref_slice %arg13[%add3A_1119, %dma_wait3A_1120] : memref<10240x128xf32, #tpu.memory_space<vmem_shared>> -> memref<128x128xf32, #tpu.memory_space<vmem_shared>>
      %dma_wait3A_1122 = arith.constant 0 : i32
      %dma_wait3A_1123 = tpu.memref_slice %arg13[%add3A_1119, %dma_wait3A_1122] : memref<10240x128xf32, #tpu.memory_space<vmem_shared>> -> memref<128x128xf32, #tpu.memory_space<vmem_shared>>
      tpu.wait_dma2 semaphore(%arg14 : memref<!tpu.dma_semaphore, #tpu.memory_space<semaphore_mem>>) src(%dma_wait3A_1123 : memref<128x128xf32, #tpu.memory_space<vmem_shared>>) dst(%arg10 : memref<128x128xf32, #tpu.memory_space<vmem>>)
      %add3A_1124 = arith.constant 128 : i32
      %add3A_1125 = arith.addi %mul3A_1030, %add3A_1124 : i32
      %dma_start3A_1126 = arith.constant 0 : i32
      %dma_start3A_1127 = tpu.memref_slice %arg13[%add3A_1125, %dma_start3A_1126] : memref<10240x128xf32, #tpu.memory_space<vmem_shared>> -> memref<128x128xf32, #tpu.memory_space<vmem_shared>>
      %dma_start3A_1128 = arith.constant 0 : i32
      %dma_start3A_1129 = tpu.memref_slice %arg13[%add3A_1125, %dma_start3A_1128] : memref<10240x128xf32, #tpu.memory_space<vmem_shared>> -> memref<128x128xf32, #tpu.memory_space<vmem_shared>>
      tpu.enqueue_dma source(%dma_start3A_1129 : memref<128x128xf32, #tpu.memory_space<vmem_shared>>) target(%arg11 : memref<128x128xf32, #tpu.memory_space<vmem>>) target_semaphore(%arg15 : memref<!tpu.dma_semaphore, #tpu.memory_space<semaphore_mem>>)
      %add3A_1130 = arith.constant 0 : i32
      %add3A_1131 = arith.addi %mul3A_1030, %add3A_1130 : i32
      "tpu.region"() ({
        %run_scoped3A = tpu.sem_alloc : memref<!tpu.dma_semaphore, #tpu.memory_space<semaphore_mem>>
        %dma_start3A_1182 = arith.constant 0 : i32
        %dma_start3A_1183 = tpu.memref_slice %arg5[%add3A_1131, %dma_start3A_1182] : memref<10240x128xf32, #tpu.memory_space<hbm>> -> memref<128x128xf32, #tpu.memory_space<hbm>>
        %dma_start3A_1184 = arith.constant 0 : i32
        %dma_start3A_1185 = tpu.memref_slice %arg5[%add3A_1131, %dma_start3A_1184] : memref<10240x128xf32, #tpu.memory_space<hbm>> -> memref<128x128xf32, #tpu.memory_space<hbm>>
        tpu.enqueue_dma source(%arg10 : memref<128x128xf32, #tpu.memory_space<vmem>>) target(%dma_start3A_1185 : memref<128x128xf32, #tpu.memory_space<hbm>>) target_semaphore(%run_scoped3A : memref<!tpu.dma_semaphore, #tpu.memory_space<semaphore_mem>>)
        %dma_wait3A_1186 = arith.constant 0 : i32
        %dma_wait3A_1187 = tpu.memref_slice %arg5[%add3A_1131, %dma_wait3A_1186] : memref<10240x128xf32, #tpu.memory_space<hbm>> -> memref<128x128xf32, #tpu.memory_space<hbm>>
        %dma_wait3A_1188 = arith.constant 0 : i32
        %dma_wait3A_1189 = tpu.memref_slice %arg5[%add3A_1131, %dma_wait3A_1188] : memref<10240x128xf32, #tpu.memory_space<hbm>> -> memref<128x128xf32, #tpu.memory_space<hbm>>
        tpu.wait_dma2 semaphore(%run_scoped3A : memref<!tpu.dma_semaphore, #tpu.memory_space<semaphore_mem>>) src(%arg10 : memref<128x128xf32, #tpu.memory_space<vmem>>) dst(%dma_wait3A_1189 : memref<128x128xf32, #tpu.memory_space<hbm>>)
        tpu.yield
      }) : () -> ()
      %add3A_1132 = arith.constant 128 : i32
      %add3A_1133 = arith.addi %mul3A_1030, %add3A_1132 : i32
      %dma_wait3A_1134 = arith.constant 0 : i32
      %dma_wait3A_1135 = tpu.memref_slice %arg13[%add3A_1133, %dma_wait3A_1134] : memref<10240x128xf32, #tpu.memory_space<vmem_shared>> -> memref<128x128xf32, #tpu.memory_space<vmem_shared>>
      %dma_wait3A_1136 = arith.constant 0 : i32
      %dma_wait3A_1137 = tpu.memref_slice %arg13[%add3A_1133, %dma_wait3A_1136] : memref<10240x128xf32, #tpu.memory_space<vmem_shared>> -> memref<128x128xf32, #tpu.memory_space<vmem_shared>>
      tpu.wait_dma2 semaphore(%arg15 : memref<!tpu.dma_semaphore, #tpu.memory_space<semaphore_mem>>) src(%dma_wait3A_1137 : memref<128x128xf32, #tpu.memory_space<vmem_shared>>) dst(%arg11 : memref<128x128xf32, #tpu.memory_space<vmem>>)
      %add3A_1138 = arith.constant 256 : i32
      %add3A_1139 = arith.addi %mul3A_1030, %add3A_1138 : i32
      %dma_start3A_1140 = arith.constant 0 : i32
      %dma_start3A_1141 = tpu.memref_slice %arg13[%add3A_1139, %dma_start3A_1140] : memref<10240x128xf32, #tpu.memory_space<vmem_shared>> -> memref<128x128xf32, #tpu.memory_space<vmem_shared>>
      %dma_start3A_1142 = arith.constant 0 : i32
      %dma_start3A_1143 = tpu.memref_slice %arg13[%add3A_1139, %dma_start3A_1142] : memref<10240x128xf32, #tpu.memory_space<vmem_shared>> -> memref<128x128xf32, #tpu.memory_space<vmem_shared>>
      tpu.enqueue_dma source(%dma_start3A_1143 : memref<128x128xf32, #tpu.memory_space<vmem_shared>>) target(%arg10 : memref<128x128xf32, #tpu.memory_space<vmem>>) target_semaphore(%arg14 : memref<!tpu.dma_semaphore, #tpu.memory_space<semaphore_mem>>)
      %add3A_1144 = arith.constant 128 : i32
      %add3A_1145 = arith.addi %mul3A_1030, %add3A_1144 : i32
      "tpu.region"() ({
        %run_scoped3A = tpu.sem_alloc : memref<!tpu.dma_semaphore, #tpu.memory_space<semaphore_mem>>
        %dma_start3A_1182 = arith.constant 0 : i32
        %dma_start3A_1183 = tpu.memref_slice %arg5[%add3A_1145, %dma_start3A_1182] : memref<10240x128xf32, #tpu.memory_space<hbm>> -> memref<128x128xf32, #tpu.memory_space<hbm>>
        %dma_start3A_1184 = arith.constant 0 : i32
        %dma_start3A_1185 = tpu.memref_slice %arg5[%add3A_1145, %dma_start3A_1184] : memref<10240x128xf32, #tpu.memory_space<hbm>> -> memref<128x128xf32, #tpu.memory_space<hbm>>
        tpu.enqueue_dma source(%arg11 : memref<128x128xf32, #tpu.memory_space<vmem>>) target(%dma_start3A_1185 : memref<128x128xf32, #tpu.memory_space<hbm>>) target_semaphore(%run_scoped3A : memref<!tpu.dma_semaphore, #tpu.memory_space<semaphore_mem>>)
        %dma_wait3A_1186 = arith.constant 0 : i32
        %dma_wait3A_1187 = tpu.memref_slice %arg5[%add3A_1145, %dma_wait3A_1186] : memref<10240x128xf32, #tpu.memory_space<hbm>> -> memref<128x128xf32, #tpu.memory_space<hbm>>
        %dma_wait3A_1188 = arith.constant 0 : i32
        %dma_wait3A_1189 = tpu.memref_slice %arg5[%add3A_1145, %dma_wait3A_1188] : memref<10240x128xf32, #tpu.memory_space<hbm>> -> memref<128x128xf32, #tpu.memory_space<hbm>>
        tpu.wait_dma2 semaphore(%run_scoped3A : memref<!tpu.dma_semaphore, #tpu.memory_space<semaphore_mem>>) src(%arg11 : memref<128x128xf32, #tpu.memory_space<vmem>>) dst(%dma_wait3A_1189 : memref<128x128xf32, #tpu.memory_space<hbm>>)
        tpu.yield
      }) : () -> ()
      %add3A_1146 = arith.constant 256 : i32
      %add3A_1147 = arith.addi %mul3A_1030, %add3A_1146 : i32
      %dma_wait3A_1148 = arith.constant 0 : i32
      %dma_wait3A_1149 = tpu.memref_slice %arg13[%add3A_1147, %dma_wait3A_1148] : memref<10240x128xf32, #tpu.memory_space<vmem_shared>> -> memref<128x128xf32, #tpu.memory_space<vmem_shared>>
      %dma_wait3A_1150 = arith.constant 0 : i32
      %dma_wait3A_1151 = tpu.memref_slice %arg13[%add3A_1147, %dma_wait3A_1150] : memref<10240x128xf32, #tpu.memory_space<vmem_shared>> -> memref<128x128xf32, #tpu.memory_space<vmem_shared>>
      tpu.wait_dma2 semaphore(%arg14 : memref<!tpu.dma_semaphore, #tpu.memory_space<semaphore_mem>>) src(%dma_wait3A_1151 : memref<128x128xf32, #tpu.memory_space<vmem_shared>>) dst(%arg10 : memref<128x128xf32, #tpu.memory_space<vmem>>)
      %add3A_1152 = arith.constant 384 : i32
      %add3A_1153 = arith.addi %mul3A_1030, %add3A_1152 : i32
      %dma_start3A_1154 = arith.constant 0 : i32
      %dma_start3A_1155 = tpu.memref_slice %arg13[%add3A_1153, %dma_start3A_1154] : memref<10240x128xf32, #tpu.memory_space<vmem_shared>> -> memref<128x128xf32, #tpu.memory_space<vmem_shared>>
      %dma_start3A_1156 = arith.constant 0 : i32
      %dma_start3A_1157 = tpu.memref_slice %arg13[%add3A_1153, %dma_start3A_1156] : memref<10240x128xf32, #tpu.memory_space<vmem_shared>> -> memref<128x128xf32, #tpu.memory_space<vmem_shared>>
      tpu.enqueue_dma source(%dma_start3A_1157 : memref<128x128xf32, #tpu.memory_space<vmem_shared>>) target(%arg11 : memref<128x128xf32, #tpu.memory_space<vmem>>) target_semaphore(%arg15 : memref<!tpu.dma_semaphore, #tpu.memory_space<semaphore_mem>>)
      %add3A_1158 = arith.constant 256 : i32
      %add3A_1159 = arith.addi %mul3A_1030, %add3A_1158 : i32
      "tpu.region"() ({
        %run_scoped3A = tpu.sem_alloc : memref<!tpu.dma_semaphore, #tpu.memory_space<semaphore_mem>>
        %dma_start3A_1182 = arith.constant 0 : i32
        %dma_start3A_1183 = tpu.memref_slice %arg5[%add3A_1159, %dma_start3A_1182] : memref<10240x128xf32, #tpu.memory_space<hbm>> -> memref<128x128xf32, #tpu.memory_space<hbm>>
        %dma_start3A_1184 = arith.constant 0 : i32
        %dma_start3A_1185 = tpu.memref_slice %arg5[%add3A_1159, %dma_start3A_1184] : memref<10240x128xf32, #tpu.memory_space<hbm>> -> memref<128x128xf32, #tpu.memory_space<hbm>>
        tpu.enqueue_dma source(%arg10 : memref<128x128xf32, #tpu.memory_space<vmem>>) target(%dma_start3A_1185 : memref<128x128xf32, #tpu.memory_space<hbm>>) target_semaphore(%run_scoped3A : memref<!tpu.dma_semaphore, #tpu.memory_space<semaphore_mem>>)
        %dma_wait3A_1186 = arith.constant 0 : i32
        %dma_wait3A_1187 = tpu.memref_slice %arg5[%add3A_1159, %dma_wait3A_1186] : memref<10240x128xf32, #tpu.memory_space<hbm>> -> memref<128x128xf32, #tpu.memory_space<hbm>>
        %dma_wait3A_1188 = arith.constant 0 : i32
        %dma_wait3A_1189 = tpu.memref_slice %arg5[%add3A_1159, %dma_wait3A_1188] : memref<10240x128xf32, #tpu.memory_space<hbm>> -> memref<128x128xf32, #tpu.memory_space<hbm>>
        tpu.wait_dma2 semaphore(%run_scoped3A : memref<!tpu.dma_semaphore, #tpu.memory_space<semaphore_mem>>) src(%arg10 : memref<128x128xf32, #tpu.memory_space<vmem>>) dst(%dma_wait3A_1189 : memref<128x128xf32, #tpu.memory_space<hbm>>)
        tpu.yield
      }) : () -> ()
      %add3A_1160 = arith.constant 384 : i32
      %add3A_1161 = arith.addi %mul3A_1030, %add3A_1160 : i32
      %dma_wait3A_1162 = arith.constant 0 : i32
      %dma_wait3A_1163 = tpu.memref_slice %arg13[%add3A_1161, %dma_wait3A_1162] : memref<10240x128xf32, #tpu.memory_space<vmem_shared>> -> memref<128x128xf32, #tpu.memory_space<vmem_shared>>
      %dma_wait3A_1164 = arith.constant 0 : i32
      %dma_wait3A_1165 = tpu.memref_slice %arg13[%add3A_1161, %dma_wait3A_1164] : memref<10240x128xf32, #tpu.memory_space<vmem_shared>> -> memref<128x128xf32, #tpu.memory_space<vmem_shared>>
      tpu.wait_dma2 semaphore(%arg15 : memref<!tpu.dma_semaphore, #tpu.memory_space<semaphore_mem>>) src(%dma_wait3A_1165 : memref<128x128xf32, #tpu.memory_space<vmem_shared>>) dst(%arg11 : memref<128x128xf32, #tpu.memory_space<vmem>>)
      %add3A_1166 = arith.constant 512 : i32
      %add3A_1167 = arith.addi %mul3A_1030, %add3A_1166 : i32
      %dma_start3A_1168 = arith.constant 0 : i32
      %dma_start3A_1169 = tpu.memref_slice %arg13[%add3A_1167, %dma_start3A_1168] : memref<10240x128xf32, #tpu.memory_space<vmem_shared>> -> memref<128x128xf32, #tpu.memory_space<vmem_shared>>
      %dma_start3A_1170 = arith.constant 0 : i32
      %dma_start3A_1171 = tpu.memref_slice %arg13[%add3A_1167, %dma_start3A_1170] : memref<10240x128xf32, #tpu.memory_space<vmem_shared>> -> memref<128x128xf32, #tpu.memory_space<vmem_shared>>
      tpu.enqueue_dma source(%dma_start3A_1171 : memref<128x128xf32, #tpu.memory_space<vmem_shared>>) target(%arg10 : memref<128x128xf32, #tpu.memory_space<vmem>>) target_semaphore(%arg14 : memref<!tpu.dma_semaphore, #tpu.memory_space<semaphore_mem>>)
      %add3A_1172 = arith.constant 384 : i32
      %add3A_1173 = arith.addi %mul3A_1030, %add3A_1172 : i32
      "tpu.region"() ({
        %run_scoped3A = tpu.sem_alloc : memref<!tpu.dma_semaphore, #tpu.memory_space<semaphore_mem>>
        %dma_start3A_1182 = arith.constant 0 : i32
        %dma_start3A_1183 = tpu.memref_slice %arg5[%add3A_1173, %dma_start3A_1182] : memref<10240x128xf32, #tpu.memory_space<hbm>> -> memref<128x128xf32, #tpu.memory_space<hbm>>
        %dma_start3A_1184 = arith.constant 0 : i32
        %dma_start3A_1185 = tpu.memref_slice %arg5[%add3A_1173, %dma_start3A_1184] : memref<10240x128xf32, #tpu.memory_space<hbm>> -> memref<128x128xf32, #tpu.memory_space<hbm>>
        tpu.enqueue_dma source(%arg11 : memref<128x128xf32, #tpu.memory_space<vmem>>) target(%dma_start3A_1185 : memref<128x128xf32, #tpu.memory_space<hbm>>) target_semaphore(%run_scoped3A : memref<!tpu.dma_semaphore, #tpu.memory_space<semaphore_mem>>)
        %dma_wait3A_1186 = arith.constant 0 : i32
        %dma_wait3A_1187 = tpu.memref_slice %arg5[%add3A_1173, %dma_wait3A_1186] : memref<10240x128xf32, #tpu.memory_space<hbm>> -> memref<128x128xf32, #tpu.memory_space<hbm>>
        %dma_wait3A_1188 = arith.constant 0 : i32
        %dma_wait3A_1189 = tpu.memref_slice %arg5[%add3A_1173, %dma_wait3A_1188] : memref<10240x128xf32, #tpu.memory_space<hbm>> -> memref<128x128xf32, #tpu.memory_space<hbm>>
        tpu.wait_dma2 semaphore(%run_scoped3A : memref<!tpu.dma_semaphore, #tpu.memory_space<semaphore_mem>>) src(%arg11 : memref<128x128xf32, #tpu.memory_space<vmem>>) dst(%dma_wait3A_1189 : memref<128x128xf32, #tpu.memory_space<hbm>>)
        tpu.yield
      }) : () -> ()
      %add3A_1174 = arith.constant 512 : i32
      %add3A_1175 = arith.addi %mul3A_1030, %add3A_1174 : i32
      %dma_wait3A_1176 = arith.constant 0 : i32
      %dma_wait3A_1177 = tpu.memref_slice %arg13[%add3A_1175, %dma_wait3A_1176] : memref<10240x128xf32, #tpu.memory_space<vmem_shared>> -> memref<128x128xf32, #tpu.memory_space<vmem_shared>>
      %dma_wait3A_1178 = arith.constant 0 : i32
      %dma_wait3A_1179 = tpu.memref_slice %arg13[%add3A_1175, %dma_wait3A_1178] : memref<10240x128xf32, #tpu.memory_space<vmem_shared>> -> memref<128x128xf32, #tpu.memory_space<vmem_shared>>
      tpu.wait_dma2 semaphore(%arg14 : memref<!tpu.dma_semaphore, #tpu.memory_space<semaphore_mem>>) src(%dma_wait3A_1179 : memref<128x128xf32, #tpu.memory_space<vmem_shared>>) dst(%arg10 : memref<128x128xf32, #tpu.memory_space<vmem>>)
      %add3A_1180 = arith.constant 512 : i32
      %add3A_1181 = arith.addi %mul3A_1030, %add3A_1180 : i32
      "tpu.region"() ({
        %run_scoped3A = tpu.sem_alloc : memref<!tpu.dma_semaphore, #tpu.memory_space<semaphore_mem>>
        %dma_start3A_1182 = arith.constant 0 : i32
        %dma_start3A_1183 = tpu.memref_slice %arg5[%add3A_1181, %dma_start3A_1182] : memref<10240x128xf32, #tpu.memory_space<hbm>> -> memref<128x128xf32, #tpu.memory_space<hbm>>
        %dma_start3A_1184 = arith.constant 0 : i32
        %dma_start3A_1185 = tpu.memref_slice %arg5[%add3A_1181, %dma_start3A_1184] : memref<10240x128xf32, #tpu.memory_space<hbm>> -> memref<128x128xf32, #tpu.memory_space<hbm>>
        tpu.enqueue_dma source(%arg10 : memref<128x128xf32, #tpu.memory_space<vmem>>) target(%dma_start3A_1185 : memref<128x128xf32, #tpu.memory_space<hbm>>) target_semaphore(%run_scoped3A : memref<!tpu.dma_semaphore, #tpu.memory_space<semaphore_mem>>)
        %dma_wait3A_1186 = arith.constant 0 : i32
        %dma_wait3A_1187 = tpu.memref_slice %arg5[%add3A_1181, %dma_wait3A_1186] : memref<10240x128xf32, #tpu.memory_space<hbm>> -> memref<128x128xf32, #tpu.memory_space<hbm>>
        %dma_wait3A_1188 = arith.constant 0 : i32
        %dma_wait3A_1189 = tpu.memref_slice %arg5[%add3A_1181, %dma_wait3A_1188] : memref<10240x128xf32, #tpu.memory_space<hbm>> -> memref<128x128xf32, #tpu.memory_space<hbm>>
        tpu.wait_dma2 semaphore(%run_scoped3A : memref<!tpu.dma_semaphore, #tpu.memory_space<semaphore_mem>>) src(%arg10 : memref<128x128xf32, #tpu.memory_space<vmem>>) dst(%dma_wait3A_1189 : memref<128x128xf32, #tpu.memory_space<hbm>>)
        tpu.yield
      }) : () -> ()
    } else {
    }
    return
  }
}

#map = affine_map<(d0, d1) -> (0)>
module attributes {stable_mosaic.version = 14 : i64} {
  func.func @_deg_call(%arg0: i32, %arg1: i32, %arg2: memref<640000xi32, #tpu.memory_space<hbm>>, %arg3: memref<10240xf32, #tpu.memory_space<hbm>>, %arg4: memref<10240xf32, #tpu.memory_space<hbm>>, %arg5: memref<128xi32, #tpu.memory_space<vmem>>, %arg6: memref<128xi32, #tpu.memory_space<vmem>>, %arg7: memref<128xi32, #tpu.memory_space<vmem>>, %arg8: memref<128xi32, #tpu.memory_space<vmem>>, %arg9: memref<16xi32, #tpu.memory_space<vmem>>, %arg10: memref<128xf32, #tpu.memory_space<vmem>>, %arg11: memref<640xf32, #tpu.memory_space<vmem>>, %arg12: memref<10240xf32, #tpu.memory_space<vmem_shared>>, %arg13: memref<!tpu.dma_semaphore, #tpu.memory_space<semaphore_mem>>, %arg14: memref<!tpu.dma_semaphore, #tpu.memory_space<semaphore_mem>>, %arg15: memref<!tpu.dma_semaphore, #tpu.memory_space<semaphore_mem>>, %arg16: memref<!tpu.dma_semaphore, #tpu.memory_space<semaphore_mem>>, %arg17: memref<!tpu.dma_semaphore, #tpu.memory_space<semaphore_mem>>, %arg18: memref<!tpu.dma_semaphore, #tpu.memory_space<semaphore_mem>>, %arg19: memref<!tpu.dma_semaphore, #tpu.memory_space<semaphore_mem>>, %arg20: memref<!tpu.dma_semaphore, #tpu.memory_space<semaphore_mem>>) attributes {dimension_semantics = [#tpu.dimension_semantics<core_parallel>, #tpu.dimension_semantics<subcore_parallel>], iteration_bounds = array<i64: 2, 16>, scalar_prefetch = 0 : i64, scratch_operands = 16 : i64, tpu.core_type = #tpu.core_type<sc_vector_subcore>, window_params = [{transform_indices = #map}, {transform_indices = #map}, {transform_indices = #map}]} {
    %mul3A = arith.constant 16 : i32
    %mul3A_0 = arith.muli %arg0, %mul3A : i32
    %add3A = arith.addi %mul3A_0, %arg1 : i32
    %mul3A_1 = arith.constant 10000 : i32
    %mul3A_2 = arith.muli %add3A, %mul3A_1 : i32
    %add3A_3 = arith.constant 320000 : i32
    %add3A_4 = arith.addi %add3A_3, %mul3A_2 : i32
    %broadcast_in_dim3A = arith.constant 0.000000e+00 : f32
    %broadcast_in_dim3A_5 = vector.broadcast %broadcast_in_dim3A : f32 to vector<16xf32>
    %swap3A = arith.constant 0 : index
    %swap3A_6 = tpu.vector_load %arg11[%swap3A] {strides = array<i32>} : memref<640xf32, #tpu.memory_space<vmem>>, vector<16xf32>,
    %swap3A_7 = vector.shape_cast %swap3A_6 : vector<16xf32> to vector<16xf32>
    %swap3A_8 = vector.shape_cast %broadcast_in_dim3A_5 : vector<16xf32> to vector<16xf32>
    tpu.vector_store %arg11[%swap3A], %swap3A_8 {strides = array<i32>} : memref<640xf32, #tpu.memory_space<vmem>>, vector<16xf32>,
    %broadcast_in_dim3A_9 = arith.constant 0.000000e+00 : f32
    %broadcast_in_dim3A_10 = vector.broadcast %broadcast_in_dim3A_9 : f32 to vector<16xf32>
    %swap3A_11 = arith.constant 16 : index
    %swap3A_12 = tpu.vector_load %arg11[%swap3A_11] {strides = array<i32>} : memref<640xf32, #tpu.memory_space<vmem>>, vector<16xf32>,
    %swap3A_13 = vector.shape_cast %swap3A_12 : vector<16xf32> to vector<16xf32>
    %swap3A_14 = vector.shape_cast %broadcast_in_dim3A_10 : vector<16xf32> to vector<16xf32>
    tpu.vector_store %arg11[%swap3A_11], %swap3A_14 {strides = array<i32>} : memref<640xf32, #tpu.memory_space<vmem>>, vector<16xf32>,
    %broadcast_in_dim3A_15 = arith.constant 0.000000e+00 : f32
    %broadcast_in_dim3A_16 = vector.broadcast %broadcast_in_dim3A_15 : f32 to vector<16xf32>
    %swap3A_17 = arith.constant 32 : index
    %swap3A_18 = tpu.vector_load %arg11[%swap3A_17] {strides = array<i32>} : memref<640xf32, #tpu.memory_space<vmem>>, vector<16xf32>,
    %swap3A_19 = vector.shape_cast %swap3A_18 : vector<16xf32> to vector<16xf32>
    %swap3A_20 = vector.shape_cast %broadcast_in_dim3A_16 : vector<16xf32> to vector<16xf32>
    tpu.vector_store %arg11[%swap3A_17], %swap3A_20 {strides = array<i32>} : memref<640xf32, #tpu.memory_space<vmem>>, vector<16xf32>,
    %broadcast_in_dim3A_21 = arith.constant 0.000000e+00 : f32
    %broadcast_in_dim3A_22 = vector.broadcast %broadcast_in_dim3A_21 : f32 to vector<16xf32>
    %swap3A_23 = arith.constant 48 : index
    %swap3A_24 = tpu.vector_load %arg11[%swap3A_23] {strides = array<i32>} : memref<640xf32, #tpu.memory_space<vmem>>, vector<16xf32>,
    %swap3A_25 = vector.shape_cast %swap3A_24 : vector<16xf32> to vector<16xf32>
    %swap3A_26 = vector.shape_cast %broadcast_in_dim3A_22 : vector<16xf32> to vector<16xf32>
    tpu.vector_store %arg11[%swap3A_23], %swap3A_26 {strides = array<i32>} : memref<640xf32, #tpu.memory_space<vmem>>, vector<16xf32>,
    %broadcast_in_dim3A_27 = arith.constant 0.000000e+00 : f32
    %broadcast_in_dim3A_28 = vector.broadcast %broadcast_in_dim3A_27 : f32 to vector<16xf32>
    %swap3A_29 = arith.constant 64 : index
    %swap3A_30 = tpu.vector_load %arg11[%swap3A_29] {strides = array<i32>} : memref<640xf32, #tpu.memory_space<vmem>>, vector<16xf32>,
    %swap3A_31 = vector.shape_cast %swap3A_30 : vector<16xf32> to vector<16xf32>
    %swap3A_32 = vector.shape_cast %broadcast_in_dim3A_28 : vector<16xf32> to vector<16xf32>
    tpu.vector_store %arg11[%swap3A_29], %swap3A_32 {strides = array<i32>} : memref<640xf32, #tpu.memory_space<vmem>>, vector<16xf32>,
    %broadcast_in_dim3A_33 = arith.constant 0.000000e+00 : f32
    %broadcast_in_dim3A_34 = vector.broadcast %broadcast_in_dim3A_33 : f32 to vector<16xf32>
    %swap3A_35 = arith.constant 80 : index
    %swap3A_36 = tpu.vector_load %arg11[%swap3A_35] {strides = array<i32>} : memref<640xf32, #tpu.memory_space<vmem>>, vector<16xf32>,
    %swap3A_37 = vector.shape_cast %swap3A_36 : vector<16xf32> to vector<16xf32>
    %swap3A_38 = vector.shape_cast %broadcast_in_dim3A_34 : vector<16xf32> to vector<16xf32>
    tpu.vector_store %arg11[%swap3A_35], %swap3A_38 {strides = array<i32>} : memref<640xf32, #tpu.memory_space<vmem>>, vector<16xf32>,
    %broadcast_in_dim3A_39 = arith.constant 0.000000e+00 : f32
    %broadcast_in_dim3A_40 = vector.broadcast %broadcast_in_dim3A_39 : f32 to vector<16xf32>
    %swap3A_41 = arith.constant 96 : index
    %swap3A_42 = tpu.vector_load %arg11[%swap3A_41] {strides = array<i32>} : memref<640xf32, #tpu.memory_space<vmem>>, vector<16xf32>,
    %swap3A_43 = vector.shape_cast %swap3A_42 : vector<16xf32> to vector<16xf32>
    %swap3A_44 = vector.shape_cast %broadcast_in_dim3A_40 : vector<16xf32> to vector<16xf32>
    tpu.vector_store %arg11[%swap3A_41], %swap3A_44 {strides = array<i32>} : memref<640xf32, #tpu.memory_space<vmem>>, vector<16xf32>,
    %broadcast_in_dim3A_45 = arith.constant 0.000000e+00 : f32
    %broadcast_in_dim3A_46 = vector.broadcast %broadcast_in_dim3A_45 : f32 to vector<16xf32>
    %swap3A_47 = arith.constant 112 : index
    %swap3A_48 = tpu.vector_load %arg11[%swap3A_47] {strides = array<i32>} : memref<640xf32, #tpu.memory_space<vmem>>, vector<16xf32>,
    %swap3A_49 = vector.shape_cast %swap3A_48 : vector<16xf32> to vector<16xf32>
    %swap3A_50 = vector.shape_cast %broadcast_in_dim3A_46 : vector<16xf32> to vector<16xf32>
    tpu.vector_store %arg11[%swap3A_47], %swap3A_50 {strides = array<i32>} : memref<640xf32, #tpu.memory_space<vmem>>, vector<16xf32>,
    %broadcast_in_dim3A_51 = arith.constant 0.000000e+00 : f32
    %broadcast_in_dim3A_52 = vector.broadcast %broadcast_in_dim3A_51 : f32 to vector<16xf32>
    %swap3A_53 = arith.constant 128 : index
    %swap3A_54 = tpu.vector_load %arg11[%swap3A_53] {strides = array<i32>} : memref<640xf32, #tpu.memory_space<vmem>>, vector<16xf32>,
    %swap3A_55 = vector.shape_cast %swap3A_54 : vector<16xf32> to vector<16xf32>
    %swap3A_56 = vector.shape_cast %broadcast_in_dim3A_52 : vector<16xf32> to vector<16xf32>
    tpu.vector_store %arg11[%swap3A_53], %swap3A_56 {strides = array<i32>} : memref<640xf32, #tpu.memory_space<vmem>>, vector<16xf32>,
    %broadcast_in_dim3A_57 = arith.constant 0.000000e+00 : f32
    %broadcast_in_dim3A_58 = vector.broadcast %broadcast_in_dim3A_57 : f32 to vector<16xf32>
    %swap3A_59 = arith.constant 144 : index
    %swap3A_60 = tpu.vector_load %arg11[%swap3A_59] {strides = array<i32>} : memref<640xf32, #tpu.memory_space<vmem>>, vector<16xf32>,
    %swap3A_61 = vector.shape_cast %swap3A_60 : vector<16xf32> to vector<16xf32>
    %swap3A_62 = vector.shape_cast %broadcast_in_dim3A_58 : vector<16xf32> to vector<16xf32>
    tpu.vector_store %arg11[%swap3A_59], %swap3A_62 {strides = array<i32>} : memref<640xf32, #tpu.memory_space<vmem>>, vector<16xf32>,
    %broadcast_in_dim3A_63 = arith.constant 0.000000e+00 : f32
    %broadcast_in_dim3A_64 = vector.broadcast %broadcast_in_dim3A_63 : f32 to vector<16xf32>
    %swap3A_65 = arith.constant 160 : index
    %swap3A_66 = tpu.vector_load %arg11[%swap3A_65] {strides = array<i32>} : memref<640xf32, #tpu.memory_space<vmem>>, vector<16xf32>,
    %swap3A_67 = vector.shape_cast %swap3A_66 : vector<16xf32> to vector<16xf32>
    %swap3A_68 = vector.shape_cast %broadcast_in_dim3A_64 : vector<16xf32> to vector<16xf32>
    tpu.vector_store %arg11[%swap3A_65], %swap3A_68 {strides = array<i32>} : memref<640xf32, #tpu.memory_space<vmem>>, vector<16xf32>,
    %broadcast_in_dim3A_69 = arith.constant 0.000000e+00 : f32
    %broadcast_in_dim3A_70 = vector.broadcast %broadcast_in_dim3A_69 : f32 to vector<16xf32>
    %swap3A_71 = arith.constant 176 : index
    %swap3A_72 = tpu.vector_load %arg11[%swap3A_71] {strides = array<i32>} : memref<640xf32, #tpu.memory_space<vmem>>, vector<16xf32>,
    %swap3A_73 = vector.shape_cast %swap3A_72 : vector<16xf32> to vector<16xf32>
    %swap3A_74 = vector.shape_cast %broadcast_in_dim3A_70 : vector<16xf32> to vector<16xf32>
    tpu.vector_store %arg11[%swap3A_71], %swap3A_74 {strides = array<i32>} : memref<640xf32, #tpu.memory_space<vmem>>, vector<16xf32>,
    %broadcast_in_dim3A_75 = arith.constant 0.000000e+00 : f32
    %broadcast_in_dim3A_76 = vector.broadcast %broadcast_in_dim3A_75 : f32 to vector<16xf32>
    %swap3A_77 = arith.constant 192 : index
    %swap3A_78 = tpu.vector_load %arg11[%swap3A_77] {strides = array<i32>} : memref<640xf32, #tpu.memory_space<vmem>>, vector<16xf32>,
    %swap3A_79 = vector.shape_cast %swap3A_78 : vector<16xf32> to vector<16xf32>
    %swap3A_80 = vector.shape_cast %broadcast_in_dim3A_76 : vector<16xf32> to vector<16xf32>
    tpu.vector_store %arg11[%swap3A_77], %swap3A_80 {strides = array<i32>} : memref<640xf32, #tpu.memory_space<vmem>>, vector<16xf32>,
    %broadcast_in_dim3A_81 = arith.constant 0.000000e+00 : f32
    %broadcast_in_dim3A_82 = vector.broadcast %broadcast_in_dim3A_81 : f32 to vector<16xf32>
    %swap3A_83 = arith.constant 208 : index
    %swap3A_84 = tpu.vector_load %arg11[%swap3A_83] {strides = array<i32>} : memref<640xf32, #tpu.memory_space<vmem>>, vector<16xf32>,
    %swap3A_85 = vector.shape_cast %swap3A_84 : vector<16xf32> to vector<16xf32>
    %swap3A_86 = vector.shape_cast %broadcast_in_dim3A_82 : vector<16xf32> to vector<16xf32>
    tpu.vector_store %arg11[%swap3A_83], %swap3A_86 {strides = array<i32>} : memref<640xf32, #tpu.memory_space<vmem>>, vector<16xf32>,
    %broadcast_in_dim3A_87 = arith.constant 0.000000e+00 : f32
    %broadcast_in_dim3A_88 = vector.broadcast %broadcast_in_dim3A_87 : f32 to vector<16xf32>
    %swap3A_89 = arith.constant 224 : index
    %swap3A_90 = tpu.vector_load %arg11[%swap3A_89] {strides = array<i32>} : memref<640xf32, #tpu.memory_space<vmem>>, vector<16xf32>,
    %swap3A_91 = vector.shape_cast %swap3A_90 : vector<16xf32> to vector<16xf32>
    %swap3A_92 = vector.shape_cast %broadcast_in_dim3A_88 : vector<16xf32> to vector<16xf32>
    tpu.vector_store %arg11[%swap3A_89], %swap3A_92 {strides = array<i32>} : memref<640xf32, #tpu.memory_space<vmem>>, vector<16xf32>,
    %broadcast_in_dim3A_93 = arith.constant 0.000000e+00 : f32
    %broadcast_in_dim3A_94 = vector.broadcast %broadcast_in_dim3A_93 : f32 to vector<16xf32>
    %swap3A_95 = arith.constant 240 : index
    %swap3A_96 = tpu.vector_load %arg11[%swap3A_95] {strides = array<i32>} : memref<640xf32, #tpu.memory_space<vmem>>, vector<16xf32>,
    %swap3A_97 = vector.shape_cast %swap3A_96 : vector<16xf32> to vector<16xf32>
    %swap3A_98 = vector.shape_cast %broadcast_in_dim3A_94 : vector<16xf32> to vector<16xf32>
    tpu.vector_store %arg11[%swap3A_95], %swap3A_98 {strides = array<i32>} : memref<640xf32, #tpu.memory_space<vmem>>, vector<16xf32>,
    %broadcast_in_dim3A_99 = arith.constant 0.000000e+00 : f32
    %broadcast_in_dim3A_100 = vector.broadcast %broadcast_in_dim3A_99 : f32 to vector<16xf32>
    %swap3A_101 = arith.constant 256 : index
    %swap3A_102 = tpu.vector_load %arg11[%swap3A_101] {strides = array<i32>} : memref<640xf32, #tpu.memory_space<vmem>>, vector<16xf32>,
    %swap3A_103 = vector.shape_cast %swap3A_102 : vector<16xf32> to vector<16xf32>
    %swap3A_104 = vector.shape_cast %broadcast_in_dim3A_100 : vector<16xf32> to vector<16xf32>
    tpu.vector_store %arg11[%swap3A_101], %swap3A_104 {strides = array<i32>} : memref<640xf32, #tpu.memory_space<vmem>>, vector<16xf32>,
    %broadcast_in_dim3A_105 = arith.constant 0.000000e+00 : f32
    %broadcast_in_dim3A_106 = vector.broadcast %broadcast_in_dim3A_105 : f32 to vector<16xf32>
    %swap3A_107 = arith.constant 272 : index
    %swap3A_108 = tpu.vector_load %arg11[%swap3A_107] {strides = array<i32>} : memref<640xf32, #tpu.memory_space<vmem>>, vector<16xf32>,
    %swap3A_109 = vector.shape_cast %swap3A_108 : vector<16xf32> to vector<16xf32>
    %swap3A_110 = vector.shape_cast %broadcast_in_dim3A_106 : vector<16xf32> to vector<16xf32>
    tpu.vector_store %arg11[%swap3A_107], %swap3A_110 {strides = array<i32>} : memref<640xf32, #tpu.memory_space<vmem>>, vector<16xf32>,
    %broadcast_in_dim3A_111 = arith.constant 0.000000e+00 : f32
    %broadcast_in_dim3A_112 = vector.broadcast %broadcast_in_dim3A_111 : f32 to vector<16xf32>
    %swap3A_113 = arith.constant 288 : index
    %swap3A_114 = tpu.vector_load %arg11[%swap3A_113] {strides = array<i32>} : memref<640xf32, #tpu.memory_space<vmem>>, vector<16xf32>,
    %swap3A_115 = vector.shape_cast %swap3A_114 : vector<16xf32> to vector<16xf32>
    %swap3A_116 = vector.shape_cast %broadcast_in_dim3A_112 : vector<16xf32> to vector<16xf32>
    tpu.vector_store %arg11[%swap3A_113], %swap3A_116 {strides = array<i32>} : memref<640xf32, #tpu.memory_space<vmem>>, vector<16xf32>,
    %broadcast_in_dim3A_117 = arith.constant 0.000000e+00 : f32
    %broadcast_in_dim3A_118 = vector.broadcast %broadcast_in_dim3A_117 : f32 to vector<16xf32>
    %swap3A_119 = arith.constant 304 : index
    %swap3A_120 = tpu.vector_load %arg11[%swap3A_119] {strides = array<i32>} : memref<640xf32, #tpu.memory_space<vmem>>, vector<16xf32>,
    %swap3A_121 = vector.shape_cast %swap3A_120 : vector<16xf32> to vector<16xf32>
    %swap3A_122 = vector.shape_cast %broadcast_in_dim3A_118 : vector<16xf32> to vector<16xf32>
    tpu.vector_store %arg11[%swap3A_119], %swap3A_122 {strides = array<i32>} : memref<640xf32, #tpu.memory_space<vmem>>, vector<16xf32>,
    %broadcast_in_dim3A_123 = arith.constant 0.000000e+00 : f32
    %broadcast_in_dim3A_124 = vector.broadcast %broadcast_in_dim3A_123 : f32 to vector<16xf32>
    %swap3A_125 = arith.constant 320 : index
    %swap3A_126 = tpu.vector_load %arg11[%swap3A_125] {strides = array<i32>} : memref<640xf32, #tpu.memory_space<vmem>>, vector<16xf32>,
    %swap3A_127 = vector.shape_cast %swap3A_126 : vector<16xf32> to vector<16xf32>
    %swap3A_128 = vector.shape_cast %broadcast_in_dim3A_124 : vector<16xf32> to vector<16xf32>
    tpu.vector_store %arg11[%swap3A_125], %swap3A_128 {strides = array<i32>} : memref<640xf32, #tpu.memory_space<vmem>>, vector<16xf32>,
    %broadcast_in_dim3A_129 = arith.constant 0.000000e+00 : f32
    %broadcast_in_dim3A_130 = vector.broadcast %broadcast_in_dim3A_129 : f32 to vector<16xf32>
    %swap3A_131 = arith.constant 336 : index
    %swap3A_132 = tpu.vector_load %arg11[%swap3A_131] {strides = array<i32>} : memref<640xf32, #tpu.memory_space<vmem>>, vector<16xf32>,
    %swap3A_133 = vector.shape_cast %swap3A_132 : vector<16xf32> to vector<16xf32>
    %swap3A_134 = vector.shape_cast %broadcast_in_dim3A_130 : vector<16xf32> to vector<16xf32>
    tpu.vector_store %arg11[%swap3A_131], %swap3A_134 {strides = array<i32>} : memref<640xf32, #tpu.memory_space<vmem>>, vector<16xf32>,
    %broadcast_in_dim3A_135 = arith.constant 0.000000e+00 : f32
    %broadcast_in_dim3A_136 = vector.broadcast %broadcast_in_dim3A_135 : f32 to vector<16xf32>
    %swap3A_137 = arith.constant 352 : index
    %swap3A_138 = tpu.vector_load %arg11[%swap3A_137] {strides = array<i32>} : memref<640xf32, #tpu.memory_space<vmem>>, vector<16xf32>,
    %swap3A_139 = vector.shape_cast %swap3A_138 : vector<16xf32> to vector<16xf32>
    %swap3A_140 = vector.shape_cast %broadcast_in_dim3A_136 : vector<16xf32> to vector<16xf32>
    tpu.vector_store %arg11[%swap3A_137], %swap3A_140 {strides = array<i32>} : memref<640xf32, #tpu.memory_space<vmem>>, vector<16xf32>,
    %broadcast_in_dim3A_141 = arith.constant 0.000000e+00 : f32
    %broadcast_in_dim3A_142 = vector.broadcast %broadcast_in_dim3A_141 : f32 to vector<16xf32>
    %swap3A_143 = arith.constant 368 : index
    %swap3A_144 = tpu.vector_load %arg11[%swap3A_143] {strides = array<i32>} : memref<640xf32, #tpu.memory_space<vmem>>, vector<16xf32>,
    %swap3A_145 = vector.shape_cast %swap3A_144 : vector<16xf32> to vector<16xf32>
    %swap3A_146 = vector.shape_cast %broadcast_in_dim3A_142 : vector<16xf32> to vector<16xf32>
    tpu.vector_store %arg11[%swap3A_143], %swap3A_146 {strides = array<i32>} : memref<640xf32, #tpu.memory_space<vmem>>, vector<16xf32>,
    %broadcast_in_dim3A_147 = arith.constant 0.000000e+00 : f32
    %broadcast_in_dim3A_148 = vector.broadcast %broadcast_in_dim3A_147 : f32 to vector<16xf32>
    %swap3A_149 = arith.constant 384 : index
    %swap3A_150 = tpu.vector_load %arg11[%swap3A_149] {strides = array<i32>} : memref<640xf32, #tpu.memory_space<vmem>>, vector<16xf32>,
    %swap3A_151 = vector.shape_cast %swap3A_150 : vector<16xf32> to vector<16xf32>
    %swap3A_152 = vector.shape_cast %broadcast_in_dim3A_148 : vector<16xf32> to vector<16xf32>
    tpu.vector_store %arg11[%swap3A_149], %swap3A_152 {strides = array<i32>} : memref<640xf32, #tpu.memory_space<vmem>>, vector<16xf32>,
    %broadcast_in_dim3A_153 = arith.constant 0.000000e+00 : f32
    %broadcast_in_dim3A_154 = vector.broadcast %broadcast_in_dim3A_153 : f32 to vector<16xf32>
    %swap3A_155 = arith.constant 400 : index
    %swap3A_156 = tpu.vector_load %arg11[%swap3A_155] {strides = array<i32>} : memref<640xf32, #tpu.memory_space<vmem>>, vector<16xf32>,
    %swap3A_157 = vector.shape_cast %swap3A_156 : vector<16xf32> to vector<16xf32>
    %swap3A_158 = vector.shape_cast %broadcast_in_dim3A_154 : vector<16xf32> to vector<16xf32>
    tpu.vector_store %arg11[%swap3A_155], %swap3A_158 {strides = array<i32>} : memref<640xf32, #tpu.memory_space<vmem>>, vector<16xf32>,
    %broadcast_in_dim3A_159 = arith.constant 0.000000e+00 : f32
    %broadcast_in_dim3A_160 = vector.broadcast %broadcast_in_dim3A_159 : f32 to vector<16xf32>
    %swap3A_161 = arith.constant 416 : index
    %swap3A_162 = tpu.vector_load %arg11[%swap3A_161] {strides = array<i32>} : memref<640xf32, #tpu.memory_space<vmem>>, vector<16xf32>,
    %swap3A_163 = vector.shape_cast %swap3A_162 : vector<16xf32> to vector<16xf32>
    %swap3A_164 = vector.shape_cast %broadcast_in_dim3A_160 : vector<16xf32> to vector<16xf32>
    tpu.vector_store %arg11[%swap3A_161], %swap3A_164 {strides = array<i32>} : memref<640xf32, #tpu.memory_space<vmem>>, vector<16xf32>,
    %broadcast_in_dim3A_165 = arith.constant 0.000000e+00 : f32
    %broadcast_in_dim3A_166 = vector.broadcast %broadcast_in_dim3A_165 : f32 to vector<16xf32>
    %swap3A_167 = arith.constant 432 : index
    %swap3A_168 = tpu.vector_load %arg11[%swap3A_167] {strides = array<i32>} : memref<640xf32, #tpu.memory_space<vmem>>, vector<16xf32>,
    %swap3A_169 = vector.shape_cast %swap3A_168 : vector<16xf32> to vector<16xf32>
    %swap3A_170 = vector.shape_cast %broadcast_in_dim3A_166 : vector<16xf32> to vector<16xf32>
    tpu.vector_store %arg11[%swap3A_167], %swap3A_170 {strides = array<i32>} : memref<640xf32, #tpu.memory_space<vmem>>, vector<16xf32>,
    %broadcast_in_dim3A_171 = arith.constant 0.000000e+00 : f32
    %broadcast_in_dim3A_172 = vector.broadcast %broadcast_in_dim3A_171 : f32 to vector<16xf32>
    %swap3A_173 = arith.constant 448 : index
    %swap3A_174 = tpu.vector_load %arg11[%swap3A_173] {strides = array<i32>} : memref<640xf32, #tpu.memory_space<vmem>>, vector<16xf32>,
    %swap3A_175 = vector.shape_cast %swap3A_174 : vector<16xf32> to vector<16xf32>
    %swap3A_176 = vector.shape_cast %broadcast_in_dim3A_172 : vector<16xf32> to vector<16xf32>
    tpu.vector_store %arg11[%swap3A_173], %swap3A_176 {strides = array<i32>} : memref<640xf32, #tpu.memory_space<vmem>>, vector<16xf32>,
    %broadcast_in_dim3A_177 = arith.constant 0.000000e+00 : f32
    %broadcast_in_dim3A_178 = vector.broadcast %broadcast_in_dim3A_177 : f32 to vector<16xf32>
    %swap3A_179 = arith.constant 464 : index
    %swap3A_180 = tpu.vector_load %arg11[%swap3A_179] {strides = array<i32>} : memref<640xf32, #tpu.memory_space<vmem>>, vector<16xf32>,
    %swap3A_181 = vector.shape_cast %swap3A_180 : vector<16xf32> to vector<16xf32>
    %swap3A_182 = vector.shape_cast %broadcast_in_dim3A_178 : vector<16xf32> to vector<16xf32>
    tpu.vector_store %arg11[%swap3A_179], %swap3A_182 {strides = array<i32>} : memref<640xf32, #tpu.memory_space<vmem>>, vector<16xf32>,
    %broadcast_in_dim3A_183 = arith.constant 0.000000e+00 : f32
    %broadcast_in_dim3A_184 = vector.broadcast %broadcast_in_dim3A_183 : f32 to vector<16xf32>
    %swap3A_185 = arith.constant 480 : index
    %swap3A_186 = tpu.vector_load %arg11[%swap3A_185] {strides = array<i32>} : memref<640xf32, #tpu.memory_space<vmem>>, vector<16xf32>,
    %swap3A_187 = vector.shape_cast %swap3A_186 : vector<16xf32> to vector<16xf32>
    %swap3A_188 = vector.shape_cast %broadcast_in_dim3A_184 : vector<16xf32> to vector<16xf32>
    tpu.vector_store %arg11[%swap3A_185], %swap3A_188 {strides = array<i32>} : memref<640xf32, #tpu.memory_space<vmem>>, vector<16xf32>,
    %broadcast_in_dim3A_189 = arith.constant 0.000000e+00 : f32
    %broadcast_in_dim3A_190 = vector.broadcast %broadcast_in_dim3A_189 : f32 to vector<16xf32>
    %swap3A_191 = arith.constant 496 : index
    %swap3A_192 = tpu.vector_load %arg11[%swap3A_191] {strides = array<i32>} : memref<640xf32, #tpu.memory_space<vmem>>, vector<16xf32>,
    %swap3A_193 = vector.shape_cast %swap3A_192 : vector<16xf32> to vector<16xf32>
    %swap3A_194 = vector.shape_cast %broadcast_in_dim3A_190 : vector<16xf32> to vector<16xf32>
    tpu.vector_store %arg11[%swap3A_191], %swap3A_194 {strides = array<i32>} : memref<640xf32, #tpu.memory_space<vmem>>, vector<16xf32>,
    %broadcast_in_dim3A_195 = arith.constant 0.000000e+00 : f32
    %broadcast_in_dim3A_196 = vector.broadcast %broadcast_in_dim3A_195 : f32 to vector<16xf32>
    %swap3A_197 = arith.constant 512 : index
    %swap3A_198 = tpu.vector_load %arg11[%swap3A_197] {strides = array<i32>} : memref<640xf32, #tpu.memory_space<vmem>>, vector<16xf32>,
    %swap3A_199 = vector.shape_cast %swap3A_198 : vector<16xf32> to vector<16xf32>
    %swap3A_200 = vector.shape_cast %broadcast_in_dim3A_196 : vector<16xf32> to vector<16xf32>
    tpu.vector_store %arg11[%swap3A_197], %swap3A_200 {strides = array<i32>} : memref<640xf32, #tpu.memory_space<vmem>>, vector<16xf32>,
    %broadcast_in_dim3A_201 = arith.constant 0.000000e+00 : f32
    %broadcast_in_dim3A_202 = vector.broadcast %broadcast_in_dim3A_201 : f32 to vector<16xf32>
    %swap3A_203 = arith.constant 528 : index
    %swap3A_204 = tpu.vector_load %arg11[%swap3A_203] {strides = array<i32>} : memref<640xf32, #tpu.memory_space<vmem>>, vector<16xf32>,
    %swap3A_205 = vector.shape_cast %swap3A_204 : vector<16xf32> to vector<16xf32>
    %swap3A_206 = vector.shape_cast %broadcast_in_dim3A_202 : vector<16xf32> to vector<16xf32>
    tpu.vector_store %arg11[%swap3A_203], %swap3A_206 {strides = array<i32>} : memref<640xf32, #tpu.memory_space<vmem>>, vector<16xf32>,
    %broadcast_in_dim3A_207 = arith.constant 0.000000e+00 : f32
    %broadcast_in_dim3A_208 = vector.broadcast %broadcast_in_dim3A_207 : f32 to vector<16xf32>
    %swap3A_209 = arith.constant 544 : index
    %swap3A_210 = tpu.vector_load %arg11[%swap3A_209] {strides = array<i32>} : memref<640xf32, #tpu.memory_space<vmem>>, vector<16xf32>,
    %swap3A_211 = vector.shape_cast %swap3A_210 : vector<16xf32> to vector<16xf32>
    %swap3A_212 = vector.shape_cast %broadcast_in_dim3A_208 : vector<16xf32> to vector<16xf32>
    tpu.vector_store %arg11[%swap3A_209], %swap3A_212 {strides = array<i32>} : memref<640xf32, #tpu.memory_space<vmem>>, vector<16xf32>,
    %broadcast_in_dim3A_213 = arith.constant 0.000000e+00 : f32
    %broadcast_in_dim3A_214 = vector.broadcast %broadcast_in_dim3A_213 : f32 to vector<16xf32>
    %swap3A_215 = arith.constant 560 : index
    %swap3A_216 = tpu.vector_load %arg11[%swap3A_215] {strides = array<i32>} : memref<640xf32, #tpu.memory_space<vmem>>, vector<16xf32>,
    %swap3A_217 = vector.shape_cast %swap3A_216 : vector<16xf32> to vector<16xf32>
    %swap3A_218 = vector.shape_cast %broadcast_in_dim3A_214 : vector<16xf32> to vector<16xf32>
    tpu.vector_store %arg11[%swap3A_215], %swap3A_218 {strides = array<i32>} : memref<640xf32, #tpu.memory_space<vmem>>, vector<16xf32>,
    %broadcast_in_dim3A_219 = arith.constant 0.000000e+00 : f32
    %broadcast_in_dim3A_220 = vector.broadcast %broadcast_in_dim3A_219 : f32 to vector<16xf32>
    %swap3A_221 = arith.constant 576 : index
    %swap3A_222 = tpu.vector_load %arg11[%swap3A_221] {strides = array<i32>} : memref<640xf32, #tpu.memory_space<vmem>>, vector<16xf32>,
    %swap3A_223 = vector.shape_cast %swap3A_222 : vector<16xf32> to vector<16xf32>
    %swap3A_224 = vector.shape_cast %broadcast_in_dim3A_220 : vector<16xf32> to vector<16xf32>
    tpu.vector_store %arg11[%swap3A_221], %swap3A_224 {strides = array<i32>} : memref<640xf32, #tpu.memory_space<vmem>>, vector<16xf32>,
    %broadcast_in_dim3A_225 = arith.constant 0.000000e+00 : f32
    %broadcast_in_dim3A_226 = vector.broadcast %broadcast_in_dim3A_225 : f32 to vector<16xf32>
    %swap3A_227 = arith.constant 592 : index
    %swap3A_228 = tpu.vector_load %arg11[%swap3A_227] {strides = array<i32>} : memref<640xf32, #tpu.memory_space<vmem>>, vector<16xf32>,
    %swap3A_229 = vector.shape_cast %swap3A_228 : vector<16xf32> to vector<16xf32>
    %swap3A_230 = vector.shape_cast %broadcast_in_dim3A_226 : vector<16xf32> to vector<16xf32>
    tpu.vector_store %arg11[%swap3A_227], %swap3A_230 {strides = array<i32>} : memref<640xf32, #tpu.memory_space<vmem>>, vector<16xf32>,
    %broadcast_in_dim3A_231 = arith.constant 0.000000e+00 : f32
    %broadcast_in_dim3A_232 = vector.broadcast %broadcast_in_dim3A_231 : f32 to vector<16xf32>
    %swap3A_233 = arith.constant 608 : index
    %swap3A_234 = tpu.vector_load %arg11[%swap3A_233] {strides = array<i32>} : memref<640xf32, #tpu.memory_space<vmem>>, vector<16xf32>,
    %swap3A_235 = vector.shape_cast %swap3A_234 : vector<16xf32> to vector<16xf32>
    %swap3A_236 = vector.shape_cast %broadcast_in_dim3A_232 : vector<16xf32> to vector<16xf32>
    tpu.vector_store %arg11[%swap3A_233], %swap3A_236 {strides = array<i32>} : memref<640xf32, #tpu.memory_space<vmem>>, vector<16xf32>,
    %broadcast_in_dim3A_237 = arith.constant 0.000000e+00 : f32
    %broadcast_in_dim3A_238 = vector.broadcast %broadcast_in_dim3A_237 : f32 to vector<16xf32>
    %swap3A_239 = arith.constant 624 : index
    %swap3A_240 = tpu.vector_load %arg11[%swap3A_239] {strides = array<i32>} : memref<640xf32, #tpu.memory_space<vmem>>, vector<16xf32>,
    %swap3A_241 = vector.shape_cast %swap3A_240 : vector<16xf32> to vector<16xf32>
    %swap3A_242 = vector.shape_cast %broadcast_in_dim3A_238 : vector<16xf32> to vector<16xf32>
    tpu.vector_store %arg11[%swap3A_239], %swap3A_242 {strides = array<i32>} : memref<640xf32, #tpu.memory_space<vmem>>, vector<16xf32>,
    %broadcast_in_dim3A_243 = arith.constant 1.000000e+00 : f32
    %broadcast_in_dim3A_244 = vector.broadcast %broadcast_in_dim3A_243 : f32 to vector<16xf32>
    %swap3A_245 = arith.constant 0 : index
    %swap3A_246 = tpu.vector_load %arg10[%swap3A_245] {strides = array<i32>} : memref<128xf32, #tpu.memory_space<vmem>>, vector<16xf32>,
    %swap3A_247 = vector.shape_cast %swap3A_246 : vector<16xf32> to vector<16xf32>
    %swap3A_248 = vector.shape_cast %broadcast_in_dim3A_244 : vector<16xf32> to vector<16xf32>
    tpu.vector_store %arg10[%swap3A_245], %swap3A_248 {strides = array<i32>} : memref<128xf32, #tpu.memory_space<vmem>>, vector<16xf32>,
    %broadcast_in_dim3A_249 = arith.constant 1.000000e+00 : f32
    %broadcast_in_dim3A_250 = vector.broadcast %broadcast_in_dim3A_249 : f32 to vector<16xf32>
    %swap3A_251 = arith.constant 16 : index
    %swap3A_252 = tpu.vector_load %arg10[%swap3A_251] {strides = array<i32>} : memref<128xf32, #tpu.memory_space<vmem>>, vector<16xf32>,
    %swap3A_253 = vector.shape_cast %swap3A_252 : vector<16xf32> to vector<16xf32>
    %swap3A_254 = vector.shape_cast %broadcast_in_dim3A_250 : vector<16xf32> to vector<16xf32>
    tpu.vector_store %arg10[%swap3A_251], %swap3A_254 {strides = array<i32>} : memref<128xf32, #tpu.memory_space<vmem>>, vector<16xf32>,
    %broadcast_in_dim3A_255 = arith.constant 1.000000e+00 : f32
    %broadcast_in_dim3A_256 = vector.broadcast %broadcast_in_dim3A_255 : f32 to vector<16xf32>
    %swap3A_257 = arith.constant 32 : index
    %swap3A_258 = tpu.vector_load %arg10[%swap3A_257] {strides = array<i32>} : memref<128xf32, #tpu.memory_space<vmem>>, vector<16xf32>,
    %swap3A_259 = vector.shape_cast %swap3A_258 : vector<16xf32> to vector<16xf32>
    %swap3A_260 = vector.shape_cast %broadcast_in_dim3A_256 : vector<16xf32> to vector<16xf32>
    tpu.vector_store %arg10[%swap3A_257], %swap3A_260 {strides = array<i32>} : memref<128xf32, #tpu.memory_space<vmem>>, vector<16xf32>,
    %broadcast_in_dim3A_261 = arith.constant 1.000000e+00 : f32
    %broadcast_in_dim3A_262 = vector.broadcast %broadcast_in_dim3A_261 : f32 to vector<16xf32>
    %swap3A_263 = arith.constant 48 : index
    %swap3A_264 = tpu.vector_load %arg10[%swap3A_263] {strides = array<i32>} : memref<128xf32, #tpu.memory_space<vmem>>, vector<16xf32>,
    %swap3A_265 = vector.shape_cast %swap3A_264 : vector<16xf32> to vector<16xf32>
    %swap3A_266 = vector.shape_cast %broadcast_in_dim3A_262 : vector<16xf32> to vector<16xf32>
    tpu.vector_store %arg10[%swap3A_263], %swap3A_266 {strides = array<i32>} : memref<128xf32, #tpu.memory_space<vmem>>, vector<16xf32>,
    %broadcast_in_dim3A_267 = arith.constant 1.000000e+00 : f32
    %broadcast_in_dim3A_268 = vector.broadcast %broadcast_in_dim3A_267 : f32 to vector<16xf32>
    %swap3A_269 = arith.constant 64 : index
    %swap3A_270 = tpu.vector_load %arg10[%swap3A_269] {strides = array<i32>} : memref<128xf32, #tpu.memory_space<vmem>>, vector<16xf32>,
    %swap3A_271 = vector.shape_cast %swap3A_270 : vector<16xf32> to vector<16xf32>
    %swap3A_272 = vector.shape_cast %broadcast_in_dim3A_268 : vector<16xf32> to vector<16xf32>
    tpu.vector_store %arg10[%swap3A_269], %swap3A_272 {strides = array<i32>} : memref<128xf32, #tpu.memory_space<vmem>>, vector<16xf32>,
    %broadcast_in_dim3A_273 = arith.constant 1.000000e+00 : f32
    %broadcast_in_dim3A_274 = vector.broadcast %broadcast_in_dim3A_273 : f32 to vector<16xf32>
    %swap3A_275 = arith.constant 80 : index
    %swap3A_276 = tpu.vector_load %arg10[%swap3A_275] {strides = array<i32>} : memref<128xf32, #tpu.memory_space<vmem>>, vector<16xf32>,
    %swap3A_277 = vector.shape_cast %swap3A_276 : vector<16xf32> to vector<16xf32>
    %swap3A_278 = vector.shape_cast %broadcast_in_dim3A_274 : vector<16xf32> to vector<16xf32>
    tpu.vector_store %arg10[%swap3A_275], %swap3A_278 {strides = array<i32>} : memref<128xf32, #tpu.memory_space<vmem>>, vector<16xf32>,
    %broadcast_in_dim3A_279 = arith.constant 1.000000e+00 : f32
    %broadcast_in_dim3A_280 = vector.broadcast %broadcast_in_dim3A_279 : f32 to vector<16xf32>
    %swap3A_281 = arith.constant 96 : index
    %swap3A_282 = tpu.vector_load %arg10[%swap3A_281] {strides = array<i32>} : memref<128xf32, #tpu.memory_space<vmem>>, vector<16xf32>,
    %swap3A_283 = vector.shape_cast %swap3A_282 : vector<16xf32> to vector<16xf32>
    %swap3A_284 = vector.shape_cast %broadcast_in_dim3A_280 : vector<16xf32> to vector<16xf32>
    tpu.vector_store %arg10[%swap3A_281], %swap3A_284 {strides = array<i32>} : memref<128xf32, #tpu.memory_space<vmem>>, vector<16xf32>,
    %broadcast_in_dim3A_285 = arith.constant 1.000000e+00 : f32
    %broadcast_in_dim3A_286 = vector.broadcast %broadcast_in_dim3A_285 : f32 to vector<16xf32>
    %swap3A_287 = arith.constant 112 : index
    %swap3A_288 = tpu.vector_load %arg10[%swap3A_287] {strides = array<i32>} : memref<128xf32, #tpu.memory_space<vmem>>, vector<16xf32>,
    %swap3A_289 = vector.shape_cast %swap3A_288 : vector<16xf32> to vector<16xf32>
    %swap3A_290 = vector.shape_cast %broadcast_in_dim3A_286 : vector<16xf32> to vector<16xf32>
    tpu.vector_store %arg10[%swap3A_287], %swap3A_290 {strides = array<i32>} : memref<128xf32, #tpu.memory_space<vmem>>, vector<16xf32>,
    %mul3A_291 = arith.constant 640 : i32
    %mul3A_292 = arith.muli %arg1, %mul3A_291 : i32
    "tpu.region"() ({
      %run_scoped3A = tpu.sem_alloc : memref<!tpu.dma_semaphore, #tpu.memory_space<semaphore_mem>>
      %dma_start3A_378 = tpu.memref_slice %arg12[%mul3A_292] : memref<10240xf32, #tpu.memory_space<vmem_shared>> -> memref<640xf32, #tpu.memory_space<vmem_shared>>
      %dma_start3A_379 = tpu.memref_slice %arg12[%mul3A_292] : memref<10240xf32, #tpu.memory_space<vmem_shared>> -> memref<640xf32, #tpu.memory_space<vmem_shared>>
      tpu.enqueue_dma source(%arg11 : memref<640xf32, #tpu.memory_space<vmem>>) target(%dma_start3A_379 : memref<640xf32, #tpu.memory_space<vmem_shared>>) target_semaphore(%run_scoped3A : memref<!tpu.dma_semaphore, #tpu.memory_space<semaphore_mem>>)
      %dma_wait3A_380 = tpu.memref_slice %arg12[%mul3A_292] : memref<10240xf32, #tpu.memory_space<vmem_shared>> -> memref<640xf32, #tpu.memory_space<vmem_shared>>
      %dma_wait3A_381 = tpu.memref_slice %arg12[%mul3A_292] : memref<10240xf32, #tpu.memory_space<vmem_shared>> -> memref<640xf32, #tpu.memory_space<vmem_shared>>
      tpu.wait_dma2 semaphore(%run_scoped3A : memref<!tpu.dma_semaphore, #tpu.memory_space<semaphore_mem>>) src(%arg11 : memref<640xf32, #tpu.memory_space<vmem>>) dst(%dma_wait3A_381 : memref<640xf32, #tpu.memory_space<vmem_shared>>)
      tpu.yield
    }) : () -> ()
    %barrier3A = arith.constant 0 : index
    tpu.barrier barrier_id(%barrier3A)
    %add3A_293 = arith.constant 0 : i32
    %add3A_294 = arith.addi %add3A_4, %add3A_293 : i32
    %dma_start3A = tpu.memref_slice %arg2[%add3A_294] : memref<640000xi32, #tpu.memory_space<hbm>> -> memref<128xi32, #tpu.memory_space<hbm>>
    %dma_start3A_295 = tpu.memref_slice %arg2[%add3A_294] : memref<640000xi32, #tpu.memory_space<hbm>> -> memref<128xi32, #tpu.memory_space<hbm>>
    tpu.enqueue_dma source(%dma_start3A_295 : memref<128xi32, #tpu.memory_space<hbm>>) target(%arg5 : memref<128xi32, #tpu.memory_space<vmem>>) target_semaphore(%arg13 : memref<!tpu.dma_semaphore, #tpu.memory_space<semaphore_mem>>)
    %add3A_296 = arith.constant 128 : i32
    %add3A_297 = arith.addi %add3A_4, %add3A_296 : i32
    %dma_start3A_298 = tpu.memref_slice %arg2[%add3A_297] : memref<640000xi32, #tpu.memory_space<hbm>> -> memref<128xi32, #tpu.memory_space<hbm>>
    %dma_start3A_299 = tpu.memref_slice %arg2[%add3A_297] : memref<640000xi32, #tpu.memory_space<hbm>> -> memref<128xi32, #tpu.memory_space<hbm>>
    tpu.enqueue_dma source(%dma_start3A_299 : memref<128xi32, #tpu.memory_space<hbm>>) target(%arg6 : memref<128xi32, #tpu.memory_space<vmem>>) target_semaphore(%arg14 : memref<!tpu.dma_semaphore, #tpu.memory_space<semaphore_mem>>)
    %add3A_300 = arith.constant 256 : i32
    %add3A_301 = arith.addi %add3A_4, %add3A_300 : i32
    %dma_start3A_302 = tpu.memref_slice %arg2[%add3A_301] : memref<640000xi32, #tpu.memory_space<hbm>> -> memref<128xi32, #tpu.memory_space<hbm>>
    %dma_start3A_303 = tpu.memref_slice %arg2[%add3A_301] : memref<640000xi32, #tpu.memory_space<hbm>> -> memref<128xi32, #tpu.memory_space<hbm>>
    tpu.enqueue_dma source(%dma_start3A_303 : memref<128xi32, #tpu.memory_space<hbm>>) target(%arg7 : memref<128xi32, #tpu.memory_space<vmem>>) target_semaphore(%arg15 : memref<!tpu.dma_semaphore, #tpu.memory_space<semaphore_mem>>)
    %add3A_304 = arith.constant 384 : i32
    %add3A_305 = arith.addi %add3A_4, %add3A_304 : i32
    %dma_start3A_306 = tpu.memref_slice %arg2[%add3A_305] : memref<640000xi32, #tpu.memory_space<hbm>> -> memref<128xi32, #tpu.memory_space<hbm>>
    %dma_start3A_307 = tpu.memref_slice %arg2[%add3A_305] : memref<640000xi32, #tpu.memory_space<hbm>> -> memref<128xi32, #tpu.memory_space<hbm>>
    tpu.enqueue_dma source(%dma_start3A_307 : memref<128xi32, #tpu.memory_space<hbm>>) target(%arg8 : memref<128xi32, #tpu.memory_space<vmem>>) target_semaphore(%arg16 : memref<!tpu.dma_semaphore, #tpu.memory_space<semaphore_mem>>)
    %scan3A = arith.constant 0 : i32
    %scan3A_308 = arith.constant 0 : i32
    %scan3A_309 = arith.constant 18 : i32
    %scan3A_310 = arith.addi %scan3A_308, %scan3A_309 : i32
    %scan3A_311 = arith.constant 1 : i32
    scf.for %scan3A_378 = %scan3A_308 to %scan3A_310 step %scan3A_311  : i32 {
      %mul3A_379 = arith.constant 4 : i32
      %mul3A_380 = arith.muli %mul3A_379, %scan3A_378 : i32
      %add3A_381 = arith.constant 0 : i32
      %add3A_382 = arith.addi %mul3A_380, %add3A_381 : i32
      %mul3A_383 = arith.constant 128 : i32
      %mul3A_384 = arith.muli %add3A_382, %mul3A_383 : i32
      %add3A_385 = arith.addi %add3A_4, %mul3A_384 : i32
      %dma_wait3A_386 = tpu.memref_slice %arg2[%add3A_385] : memref<640000xi32, #tpu.memory_space<hbm>> -> memref<128xi32, #tpu.memory_space<hbm>>
      %dma_wait3A_387 = tpu.memref_slice %arg2[%add3A_385] : memref<640000xi32, #tpu.memory_space<hbm>> -> memref<128xi32, #tpu.memory_space<hbm>>
      tpu.wait_dma2 semaphore(%arg13 : memref<!tpu.dma_semaphore, #tpu.memory_space<semaphore_mem>>) src(%dma_wait3A_387 : memref<128xi32, #tpu.memory_space<hbm>>) dst(%arg5 : memref<128xi32, #tpu.memory_space<vmem>>)
      %dma_start3A_388 = arith.constant 0 : i32
      %dma_start3A_389 = tpu.memref_slice %arg12[%dma_start3A_388] : memref<10240xf32, #tpu.memory_space<vmem_shared>> -> memref<10240xf32, #tpu.memory_space<vmem_shared>>
      tpu.enqueue_indirect_dma source(%arg10 : memref<128xf32, #tpu.memory_space<vmem>>) target(%dma_start3A_389 : memref<10240xf32, #tpu.memory_space<vmem_shared>>) offsets(%arg5 : memref<128xi32, #tpu.memory_space<vmem>>) semaphore(%arg17 : memref<!tpu.dma_semaphore, #tpu.memory_space<semaphore_mem>>) {add = true}
      %mul3A_390 = arith.constant 4 : i32
      %mul3A_391 = arith.muli %mul3A_390, %scan3A_378 : i32
      %add3A_392 = arith.constant 1 : i32
      %add3A_393 = arith.addi %mul3A_391, %add3A_392 : i32
      %mul3A_394 = arith.constant 128 : i32
      %mul3A_395 = arith.muli %add3A_393, %mul3A_394 : i32
      %add3A_396 = arith.addi %add3A_4, %mul3A_395 : i32
      %dma_wait3A_397 = tpu.memref_slice %arg2[%add3A_396] : memref<640000xi32, #tpu.memory_space<hbm>> -> memref<128xi32, #tpu.memory_space<hbm>>
      %dma_wait3A_398 = tpu.memref_slice %arg2[%add3A_396] : memref<640000xi32, #tpu.memory_space<hbm>> -> memref<128xi32, #tpu.memory_space<hbm>>
      tpu.wait_dma2 semaphore(%arg14 : memref<!tpu.dma_semaphore, #tpu.memory_space<semaphore_mem>>) src(%dma_wait3A_398 : memref<128xi32, #tpu.memory_space<hbm>>) dst(%arg6 : memref<128xi32, #tpu.memory_space<vmem>>)
      %dma_start3A_399 = arith.constant 0 : i32
      %dma_start3A_400 = tpu.memref_slice %arg12[%dma_start3A_399] : memref<10240xf32, #tpu.memory_space<vmem_shared>> -> memref<10240xf32, #tpu.memory_space<vmem_shared>>
      tpu.enqueue_indirect_dma source(%arg10 : memref<128xf32, #tpu.memory_space<vmem>>) target(%dma_start3A_400 : memref<10240xf32, #tpu.memory_space<vmem_shared>>) offsets(%arg6 : memref<128xi32, #tpu.memory_space<vmem>>) semaphore(%arg18 : memref<!tpu.dma_semaphore, #tpu.memory_space<semaphore_mem>>) {add = true}
      %mul3A_401 = arith.constant 4 : i32
      %mul3A_402 = arith.muli %mul3A_401, %scan3A_378 : i32
      %add3A_403 = arith.constant 2 : i32
      %add3A_404 = arith.addi %mul3A_402, %add3A_403 : i32
      %mul3A_405 = arith.constant 128 : i32
      %mul3A_406 = arith.muli %add3A_404, %mul3A_405 : i32
      %add3A_407 = arith.addi %add3A_4, %mul3A_406 : i32
      %dma_wait3A_408 = tpu.memref_slice %arg2[%add3A_407] : memref<640000xi32, #tpu.memory_space<hbm>> -> memref<128xi32, #tpu.memory_space<hbm>>
      %dma_wait3A_409 = tpu.memref_slice %arg2[%add3A_407] : memref<640000xi32, #tpu.memory_space<hbm>> -> memref<128xi32, #tpu.memory_space<hbm>>
      tpu.wait_dma2 semaphore(%arg15 : memref<!tpu.dma_semaphore, #tpu.memory_space<semaphore_mem>>) src(%dma_wait3A_409 : memref<128xi32, #tpu.memory_space<hbm>>) dst(%arg7 : memref<128xi32, #tpu.memory_space<vmem>>)
      %dma_start3A_410 = arith.constant 0 : i32
      %dma_start3A_411 = tpu.memref_slice %arg12[%dma_start3A_410] : memref<10240xf32, #tpu.memory_space<vmem_shared>> -> memref<10240xf32, #tpu.memory_space<vmem_shared>>
      tpu.enqueue_indirect_dma source(%arg10 : memref<128xf32, #tpu.memory_space<vmem>>) target(%dma_start3A_411 : memref<10240xf32, #tpu.memory_space<vmem_shared>>) offsets(%arg7 : memref<128xi32, #tpu.memory_space<vmem>>) semaphore(%arg19 : memref<!tpu.dma_semaphore, #tpu.memory_space<semaphore_mem>>) {add = true}
      %mul3A_412 = arith.constant 4 : i32
      %mul3A_413 = arith.muli %mul3A_412, %scan3A_378 : i32
      %add3A_414 = arith.constant 3 : i32
      %add3A_415 = arith.addi %mul3A_413, %add3A_414 : i32
      %mul3A_416 = arith.constant 128 : i32
      %mul3A_417 = arith.muli %add3A_415, %mul3A_416 : i32
      %add3A_418 = arith.addi %add3A_4, %mul3A_417 : i32
      %dma_wait3A_419 = tpu.memref_slice %arg2[%add3A_418] : memref<640000xi32, #tpu.memory_space<hbm>> -> memref<128xi32, #tpu.memory_space<hbm>>
      %dma_wait3A_420 = tpu.memref_slice %arg2[%add3A_418] : memref<640000xi32, #tpu.memory_space<hbm>> -> memref<128xi32, #tpu.memory_space<hbm>>
      tpu.wait_dma2 semaphore(%arg16 : memref<!tpu.dma_semaphore, #tpu.memory_space<semaphore_mem>>) src(%dma_wait3A_420 : memref<128xi32, #tpu.memory_space<hbm>>) dst(%arg8 : memref<128xi32, #tpu.memory_space<vmem>>)
      %dma_start3A_421 = arith.constant 0 : i32
      %dma_start3A_422 = tpu.memref_slice %arg12[%dma_start3A_421] : memref<10240xf32, #tpu.memory_space<vmem_shared>> -> memref<10240xf32, #tpu.memory_space<vmem_shared>>
      tpu.enqueue_indirect_dma source(%arg10 : memref<128xf32, #tpu.memory_space<vmem>>) target(%dma_start3A_422 : memref<10240xf32, #tpu.memory_space<vmem_shared>>) offsets(%arg8 : memref<128xi32, #tpu.memory_space<vmem>>) semaphore(%arg20 : memref<!tpu.dma_semaphore, #tpu.memory_space<semaphore_mem>>) {add = true}
      %mul3A_423 = arith.constant 4 : i32
      %mul3A_424 = arith.muli %mul3A_423, %scan3A_378 : i32
      %add3A_425 = arith.constant 0 : i32
      %add3A_426 = arith.addi %mul3A_424, %add3A_425 : i32
      %dma_wait3A_427 = arith.constant 0 : i32
      %dma_wait3A_428 = tpu.memref_slice %arg12[%dma_wait3A_427] : memref<10240xf32, #tpu.memory_space<vmem_shared>> -> memref<10240xf32, #tpu.memory_space<vmem_shared>>
      tpu.wait_indirect_dma semaphore(%arg17 : memref<!tpu.dma_semaphore, #tpu.memory_space<semaphore_mem>>) src(%arg10 : memref<128xf32, #tpu.memory_space<vmem>>) dst(%dma_wait3A_428 : memref<10240xf32, #tpu.memory_space<vmem_shared>>)
      %add3A_429 = arith.constant 4 : i32
      %add3A_430 = arith.addi %add3A_426, %add3A_429 : i32
      %mul3A_431 = arith.constant 128 : i32
      %mul3A_432 = arith.muli %add3A_430, %mul3A_431 : i32
      %add3A_433 = arith.addi %add3A_4, %mul3A_432 : i32
      %dma_start3A_434 = tpu.memref_slice %arg2[%add3A_433] : memref<640000xi32, #tpu.memory_space<hbm>> -> memref<128xi32, #tpu.memory_space<hbm>>
      %dma_start3A_435 = tpu.memref_slice %arg2[%add3A_433] : memref<640000xi32, #tpu.memory_space<hbm>> -> memref<128xi32, #tpu.memory_space<hbm>>
      tpu.enqueue_dma source(%dma_start3A_435 : memref<128xi32, #tpu.memory_space<hbm>>) target(%arg5 : memref<128xi32, #tpu.memory_space<vmem>>) target_semaphore(%arg13 : memref<!tpu.dma_semaphore, #tpu.memory_space<semaphore_mem>>)
      %mul3A_436 = arith.constant 4 : i32
      %mul3A_437 = arith.muli %mul3A_436, %scan3A_378 : i32
      %add3A_438 = arith.constant 1 : i32
      %add3A_439 = arith.addi %mul3A_437, %add3A_438 : i32
      %dma_wait3A_440 = arith.constant 0 : i32
      %dma_wait3A_441 = tpu.memref_slice %arg12[%dma_wait3A_440] : memref<10240xf32, #tpu.memory_space<vmem_shared>> -> memref<10240xf32, #tpu.memory_space<vmem_shared>>
      tpu.wait_indirect_dma semaphore(%arg18 : memref<!tpu.dma_semaphore, #tpu.memory_space<semaphore_mem>>) src(%arg10 : memref<128xf32, #tpu.memory_space<vmem>>) dst(%dma_wait3A_441 : memref<10240xf32, #tpu.memory_space<vmem_shared>>)
      %add3A_442 = arith.constant 4 : i32
      %add3A_443 = arith.addi %add3A_439, %add3A_442 : i32
      %mul3A_444 = arith.constant 128 : i32
      %mul3A_445 = arith.muli %add3A_443, %mul3A_444 : i32
      %add3A_446 = arith.addi %add3A_4, %mul3A_445 : i32
      %dma_start3A_447 = tpu.memref_slice %arg2[%add3A_446] : memref<640000xi32, #tpu.memory_space<hbm>> -> memref<128xi32, #tpu.memory_space<hbm>>
      %dma_start3A_448 = tpu.memref_slice %arg2[%add3A_446] : memref<640000xi32, #tpu.memory_space<hbm>> -> memref<128xi32, #tpu.memory_space<hbm>>
      tpu.enqueue_dma source(%dma_start3A_448 : memref<128xi32, #tpu.memory_space<hbm>>) target(%arg6 : memref<128xi32, #tpu.memory_space<vmem>>) target_semaphore(%arg14 : memref<!tpu.dma_semaphore, #tpu.memory_space<semaphore_mem>>)
      %mul3A_449 = arith.constant 4 : i32
      %mul3A_450 = arith.muli %mul3A_449, %scan3A_378 : i32
      %add3A_451 = arith.constant 2 : i32
      %add3A_452 = arith.addi %mul3A_450, %add3A_451 : i32
      %dma_wait3A_453 = arith.constant 0 : i32
      %dma_wait3A_454 = tpu.memref_slice %arg12[%dma_wait3A_453] : memref<10240xf32, #tpu.memory_space<vmem_shared>> -> memref<10240xf32, #tpu.memory_space<vmem_shared>>
      tpu.wait_indirect_dma semaphore(%arg19 : memref<!tpu.dma_semaphore, #tpu.memory_space<semaphore_mem>>) src(%arg10 : memref<128xf32, #tpu.memory_space<vmem>>) dst(%dma_wait3A_454 : memref<10240xf32, #tpu.memory_space<vmem_shared>>)
      %add3A_455 = arith.constant 4 : i32
      %add3A_456 = arith.addi %add3A_452, %add3A_455 : i32
      %mul3A_457 = arith.constant 128 : i32
      %mul3A_458 = arith.muli %add3A_456, %mul3A_457 : i32
      %add3A_459 = arith.addi %add3A_4, %mul3A_458 : i32
      %dma_start3A_460 = tpu.memref_slice %arg2[%add3A_459] : memref<640000xi32, #tpu.memory_space<hbm>> -> memref<128xi32, #tpu.memory_space<hbm>>
      %dma_start3A_461 = tpu.memref_slice %arg2[%add3A_459] : memref<640000xi32, #tpu.memory_space<hbm>> -> memref<128xi32, #tpu.memory_space<hbm>>
      tpu.enqueue_dma source(%dma_start3A_461 : memref<128xi32, #tpu.memory_space<hbm>>) target(%arg7 : memref<128xi32, #tpu.memory_space<vmem>>) target_semaphore(%arg15 : memref<!tpu.dma_semaphore, #tpu.memory_space<semaphore_mem>>)
      %mul3A_462 = arith.constant 4 : i32
      %mul3A_463 = arith.muli %mul3A_462, %scan3A_378 : i32
      %add3A_464 = arith.constant 3 : i32
      %add3A_465 = arith.addi %mul3A_463, %add3A_464 : i32
      %dma_wait3A_466 = arith.constant 0 : i32
      %dma_wait3A_467 = tpu.memref_slice %arg12[%dma_wait3A_466] : memref<10240xf32, #tpu.memory_space<vmem_shared>> -> memref<10240xf32, #tpu.memory_space<vmem_shared>>
      tpu.wait_indirect_dma semaphore(%arg20 : memref<!tpu.dma_semaphore, #tpu.memory_space<semaphore_mem>>) src(%arg10 : memref<128xf32, #tpu.memory_space<vmem>>) dst(%dma_wait3A_467 : memref<10240xf32, #tpu.memory_space<vmem_shared>>)
      %add3A_468 = arith.constant 4 : i32
      %add3A_469 = arith.addi %add3A_465, %add3A_468 : i32
      %mul3A_470 = arith.constant 128 : i32
      %mul3A_471 = arith.muli %add3A_469, %mul3A_470 : i32
      %add3A_472 = arith.addi %add3A_4, %mul3A_471 : i32
      %dma_start3A_473 = tpu.memref_slice %arg2[%add3A_472] : memref<640000xi32, #tpu.memory_space<hbm>> -> memref<128xi32, #tpu.memory_space<hbm>>
      %dma_start3A_474 = tpu.memref_slice %arg2[%add3A_472] : memref<640000xi32, #tpu.memory_space<hbm>> -> memref<128xi32, #tpu.memory_space<hbm>>
      tpu.enqueue_dma source(%dma_start3A_474 : memref<128xi32, #tpu.memory_space<hbm>>) target(%arg8 : memref<128xi32, #tpu.memory_space<vmem>>) target_semaphore(%arg16 : memref<!tpu.dma_semaphore, #tpu.memory_space<semaphore_mem>>)
    }
    %scan3A_312 = arith.constant 18 : i32
    %add3A_313 = arith.constant 9216 : i32
    %add3A_314 = arith.addi %add3A_4, %add3A_313 : i32
    %dma_wait3A = tpu.memref_slice %arg2[%add3A_314] : memref<640000xi32, #tpu.memory_space<hbm>> -> memref<128xi32, #tpu.memory_space<hbm>>
    %dma_wait3A_315 = tpu.memref_slice %arg2[%add3A_314] : memref<640000xi32, #tpu.memory_space<hbm>> -> memref<128xi32, #tpu.memory_space<hbm>>
    tpu.wait_dma2 semaphore(%arg13 : memref<!tpu.dma_semaphore, #tpu.memory_space<semaphore_mem>>) src(%dma_wait3A_315 : memref<128xi32, #tpu.memory_space<hbm>>) dst(%arg5 : memref<128xi32, #tpu.memory_space<vmem>>)
    %dma_start3A_316 = arith.constant 0 : i32
    %dma_start3A_317 = tpu.memref_slice %arg12[%dma_start3A_316] : memref<10240xf32, #tpu.memory_space<vmem_shared>> -> memref<10240xf32, #tpu.memory_space<vmem_shared>>
    tpu.enqueue_indirect_dma source(%arg10 : memref<128xf32, #tpu.memory_space<vmem>>) target(%dma_start3A_317 : memref<10240xf32, #tpu.memory_space<vmem_shared>>) offsets(%arg5 : memref<128xi32, #tpu.memory_space<vmem>>) semaphore(%arg17 : memref<!tpu.dma_semaphore, #tpu.memory_space<semaphore_mem>>) {add = true}
    %add3A_318 = arith.constant 9344 : i32
    %add3A_319 = arith.addi %add3A_4, %add3A_318 : i32
    %dma_wait3A_320 = tpu.memref_slice %arg2[%add3A_319] : memref<640000xi32, #tpu.memory_space<hbm>> -> memref<128xi32, #tpu.memory_space<hbm>>
    %dma_wait3A_321 = tpu.memref_slice %arg2[%add3A_319] : memref<640000xi32, #tpu.memory_space<hbm>> -> memref<128xi32, #tpu.memory_space<hbm>>
    tpu.wait_dma2 semaphore(%arg14 : memref<!tpu.dma_semaphore, #tpu.memory_space<semaphore_mem>>) src(%dma_wait3A_321 : memref<128xi32, #tpu.memory_space<hbm>>) dst(%arg6 : memref<128xi32, #tpu.memory_space<vmem>>)
    %dma_start3A_322 = arith.constant 0 : i32
    %dma_start3A_323 = tpu.memref_slice %arg12[%dma_start3A_322] : memref<10240xf32, #tpu.memory_space<vmem_shared>> -> memref<10240xf32, #tpu.memory_space<vmem_shared>>
    tpu.enqueue_indirect_dma source(%arg10 : memref<128xf32, #tpu.memory_space<vmem>>) target(%dma_start3A_323 : memref<10240xf32, #tpu.memory_space<vmem_shared>>) offsets(%arg6 : memref<128xi32, #tpu.memory_space<vmem>>) semaphore(%arg18 : memref<!tpu.dma_semaphore, #tpu.memory_space<semaphore_mem>>) {add = true}
    %add3A_324 = arith.constant 9472 : i32
    %add3A_325 = arith.addi %add3A_4, %add3A_324 : i32
    %dma_wait3A_326 = tpu.memref_slice %arg2[%add3A_325] : memref<640000xi32, #tpu.memory_space<hbm>> -> memref<128xi32, #tpu.memory_space<hbm>>
    %dma_wait3A_327 = tpu.memref_slice %arg2[%add3A_325] : memref<640000xi32, #tpu.memory_space<hbm>> -> memref<128xi32, #tpu.memory_space<hbm>>
    tpu.wait_dma2 semaphore(%arg15 : memref<!tpu.dma_semaphore, #tpu.memory_space<semaphore_mem>>) src(%dma_wait3A_327 : memref<128xi32, #tpu.memory_space<hbm>>) dst(%arg7 : memref<128xi32, #tpu.memory_space<vmem>>)
    %dma_start3A_328 = arith.constant 0 : i32
    %dma_start3A_329 = tpu.memref_slice %arg12[%dma_start3A_328] : memref<10240xf32, #tpu.memory_space<vmem_shared>> -> memref<10240xf32, #tpu.memory_space<vmem_shared>>
    tpu.enqueue_indirect_dma source(%arg10 : memref<128xf32, #tpu.memory_space<vmem>>) target(%dma_start3A_329 : memref<10240xf32, #tpu.memory_space<vmem_shared>>) offsets(%arg7 : memref<128xi32, #tpu.memory_space<vmem>>) semaphore(%arg19 : memref<!tpu.dma_semaphore, #tpu.memory_space<semaphore_mem>>) {add = true}
    %add3A_330 = arith.constant 9600 : i32
    %add3A_331 = arith.addi %add3A_4, %add3A_330 : i32
    %dma_wait3A_332 = tpu.memref_slice %arg2[%add3A_331] : memref<640000xi32, #tpu.memory_space<hbm>> -> memref<128xi32, #tpu.memory_space<hbm>>
    %dma_wait3A_333 = tpu.memref_slice %arg2[%add3A_331] : memref<640000xi32, #tpu.memory_space<hbm>> -> memref<128xi32, #tpu.memory_space<hbm>>
    tpu.wait_dma2 semaphore(%arg16 : memref<!tpu.dma_semaphore, #tpu.memory_space<semaphore_mem>>) src(%dma_wait3A_333 : memref<128xi32, #tpu.memory_space<hbm>>) dst(%arg8 : memref<128xi32, #tpu.memory_space<vmem>>)
    %dma_start3A_334 = arith.constant 0 : i32
    %dma_start3A_335 = tpu.memref_slice %arg12[%dma_start3A_334] : memref<10240xf32, #tpu.memory_space<vmem_shared>> -> memref<10240xf32, #tpu.memory_space<vmem_shared>>
    tpu.enqueue_indirect_dma source(%arg10 : memref<128xf32, #tpu.memory_space<vmem>>) target(%dma_start3A_335 : memref<10240xf32, #tpu.memory_space<vmem_shared>>) offsets(%arg8 : memref<128xi32, #tpu.memory_space<vmem>>) semaphore(%arg20 : memref<!tpu.dma_semaphore, #tpu.memory_space<semaphore_mem>>) {add = true}
    %dma_wait3A_336 = arith.constant 0 : i32
    %dma_wait3A_337 = tpu.memref_slice %arg12[%dma_wait3A_336] : memref<10240xf32, #tpu.memory_space<vmem_shared>> -> memref<10240xf32, #tpu.memory_space<vmem_shared>>
    tpu.wait_indirect_dma semaphore(%arg17 : memref<!tpu.dma_semaphore, #tpu.memory_space<semaphore_mem>>) src(%arg10 : memref<128xf32, #tpu.memory_space<vmem>>) dst(%dma_wait3A_337 : memref<10240xf32, #tpu.memory_space<vmem_shared>>)
    %add3A_338 = arith.constant 9728 : i32
    %add3A_339 = arith.addi %add3A_4, %add3A_338 : i32
    %dma_start3A_340 = tpu.memref_slice %arg2[%add3A_339] : memref<640000xi32, #tpu.memory_space<hbm>> -> memref<128xi32, #tpu.memory_space<hbm>>
    %dma_start3A_341 = tpu.memref_slice %arg2[%add3A_339] : memref<640000xi32, #tpu.memory_space<hbm>> -> memref<128xi32, #tpu.memory_space<hbm>>
    tpu.enqueue_dma source(%dma_start3A_341 : memref<128xi32, #tpu.memory_space<hbm>>) target(%arg5 : memref<128xi32, #tpu.memory_space<vmem>>) target_semaphore(%arg13 : memref<!tpu.dma_semaphore, #tpu.memory_space<semaphore_mem>>)
    %dma_wait3A_342 = arith.constant 0 : i32
    %dma_wait3A_343 = tpu.memref_slice %arg12[%dma_wait3A_342] : memref<10240xf32, #tpu.memory_space<vmem_shared>> -> memref<10240xf32, #tpu.memory_space<vmem_shared>>
    tpu.wait_indirect_dma semaphore(%arg18 : memref<!tpu.dma_semaphore, #tpu.memory_space<semaphore_mem>>) src(%arg10 : memref<128xf32, #tpu.memory_space<vmem>>) dst(%dma_wait3A_343 : memref<10240xf32, #tpu.memory_space<vmem_shared>>)
    %add3A_344 = arith.constant 9856 : i32
    %add3A_345 = arith.addi %add3A_4, %add3A_344 : i32
    %dma_start3A_346 = tpu.memref_slice %arg2[%add3A_345] : memref<640000xi32, #tpu.memory_space<hbm>> -> memref<128xi32, #tpu.memory_space<hbm>>
    %dma_start3A_347 = tpu.memref_slice %arg2[%add3A_345] : memref<640000xi32, #tpu.memory_space<hbm>> -> memref<128xi32, #tpu.memory_space<hbm>>
    tpu.enqueue_dma source(%dma_start3A_347 : memref<128xi32, #tpu.memory_space<hbm>>) target(%arg6 : memref<128xi32, #tpu.memory_space<vmem>>) target_semaphore(%arg14 : memref<!tpu.dma_semaphore, #tpu.memory_space<semaphore_mem>>)
    %dma_wait3A_348 = arith.constant 0 : i32
    %dma_wait3A_349 = tpu.memref_slice %arg12[%dma_wait3A_348] : memref<10240xf32, #tpu.memory_space<vmem_shared>> -> memref<10240xf32, #tpu.memory_space<vmem_shared>>
    tpu.wait_indirect_dma semaphore(%arg19 : memref<!tpu.dma_semaphore, #tpu.memory_space<semaphore_mem>>) src(%arg10 : memref<128xf32, #tpu.memory_space<vmem>>) dst(%dma_wait3A_349 : memref<10240xf32, #tpu.memory_space<vmem_shared>>)
    %dma_wait3A_350 = arith.constant 0 : i32
    %dma_wait3A_351 = tpu.memref_slice %arg12[%dma_wait3A_350] : memref<10240xf32, #tpu.memory_space<vmem_shared>> -> memref<10240xf32, #tpu.memory_space<vmem_shared>>
    tpu.wait_indirect_dma semaphore(%arg20 : memref<!tpu.dma_semaphore, #tpu.memory_space<semaphore_mem>>) src(%arg10 : memref<128xf32, #tpu.memory_space<vmem>>) dst(%dma_wait3A_351 : memref<10240xf32, #tpu.memory_space<vmem_shared>>)
    %add3A_352 = arith.constant 9728 : i32
    %add3A_353 = arith.addi %add3A_4, %add3A_352 : i32
    %dma_wait3A_354 = tpu.memref_slice %arg2[%add3A_353] : memref<640000xi32, #tpu.memory_space<hbm>> -> memref<128xi32, #tpu.memory_space<hbm>>
    %dma_wait3A_355 = tpu.memref_slice %arg2[%add3A_353] : memref<640000xi32, #tpu.memory_space<hbm>> -> memref<128xi32, #tpu.memory_space<hbm>>
    tpu.wait_dma2 semaphore(%arg13 : memref<!tpu.dma_semaphore, #tpu.memory_space<semaphore_mem>>) src(%dma_wait3A_355 : memref<128xi32, #tpu.memory_space<hbm>>) dst(%arg5 : memref<128xi32, #tpu.memory_space<vmem>>)
    %dma_start3A_356 = arith.constant 0 : i32
    %dma_start3A_357 = tpu.memref_slice %arg12[%dma_start3A_356] : memref<10240xf32, #tpu.memory_space<vmem_shared>> -> memref<10240xf32, #tpu.memory_space<vmem_shared>>
    tpu.enqueue_indirect_dma source(%arg10 : memref<128xf32, #tpu.memory_space<vmem>>) target(%dma_start3A_357 : memref<10240xf32, #tpu.memory_space<vmem_shared>>) offsets(%arg5 : memref<128xi32, #tpu.memory_space<vmem>>) semaphore(%arg17 : memref<!tpu.dma_semaphore, #tpu.memory_space<semaphore_mem>>) {add = true}
    %add3A_358 = arith.constant 9856 : i32
    %add3A_359 = arith.addi %add3A_4, %add3A_358 : i32
    %dma_wait3A_360 = tpu.memref_slice %arg2[%add3A_359] : memref<640000xi32, #tpu.memory_space<hbm>> -> memref<128xi32, #tpu.memory_space<hbm>>
    %dma_wait3A_361 = tpu.memref_slice %arg2[%add3A_359] : memref<640000xi32, #tpu.memory_space<hbm>> -> memref<128xi32, #tpu.memory_space<hbm>>
    tpu.wait_dma2 semaphore(%arg14 : memref<!tpu.dma_semaphore, #tpu.memory_space<semaphore_mem>>) src(%dma_wait3A_361 : memref<128xi32, #tpu.memory_space<hbm>>) dst(%arg6 : memref<128xi32, #tpu.memory_space<vmem>>)
    %dma_start3A_362 = arith.constant 0 : i32
    %dma_start3A_363 = tpu.memref_slice %arg12[%dma_start3A_362] : memref<10240xf32, #tpu.memory_space<vmem_shared>> -> memref<10240xf32, #tpu.memory_space<vmem_shared>>
    tpu.enqueue_indirect_dma source(%arg10 : memref<128xf32, #tpu.memory_space<vmem>>) target(%dma_start3A_363 : memref<10240xf32, #tpu.memory_space<vmem_shared>>) offsets(%arg6 : memref<128xi32, #tpu.memory_space<vmem>>) semaphore(%arg18 : memref<!tpu.dma_semaphore, #tpu.memory_space<semaphore_mem>>) {add = true}
    %dma_wait3A_364 = arith.constant 0 : i32
    %dma_wait3A_365 = tpu.memref_slice %arg12[%dma_wait3A_364] : memref<10240xf32, #tpu.memory_space<vmem_shared>> -> memref<10240xf32, #tpu.memory_space<vmem_shared>>
    tpu.wait_indirect_dma semaphore(%arg17 : memref<!tpu.dma_semaphore, #tpu.memory_space<semaphore_mem>>) src(%arg10 : memref<128xf32, #tpu.memory_space<vmem>>) dst(%dma_wait3A_365 : memref<10240xf32, #tpu.memory_space<vmem_shared>>)
    %dma_wait3A_366 = arith.constant 0 : i32
    %dma_wait3A_367 = tpu.memref_slice %arg12[%dma_wait3A_366] : memref<10240xf32, #tpu.memory_space<vmem_shared>> -> memref<10240xf32, #tpu.memory_space<vmem_shared>>
    tpu.wait_indirect_dma semaphore(%arg18 : memref<!tpu.dma_semaphore, #tpu.memory_space<semaphore_mem>>) src(%arg10 : memref<128xf32, #tpu.memory_space<vmem>>) dst(%dma_wait3A_367 : memref<10240xf32, #tpu.memory_space<vmem_shared>>)
    %add3A_368 = arith.constant 9984 : i32
    %add3A_369 = arith.addi %add3A_4, %add3A_368 : i32
    "tpu.region"() ({
      %run_scoped3A = tpu.sem_alloc : memref<!tpu.dma_semaphore, #tpu.memory_space<semaphore_mem>>
      %dma_start3A_378 = tpu.memref_slice %arg2[%add3A_369] : memref<640000xi32, #tpu.memory_space<hbm>> -> memref<16xi32, #tpu.memory_space<hbm>>
      %dma_start3A_379 = tpu.memref_slice %arg2[%add3A_369] : memref<640000xi32, #tpu.memory_space<hbm>> -> memref<16xi32, #tpu.memory_space<hbm>>
      tpu.enqueue_dma source(%dma_start3A_379 : memref<16xi32, #tpu.memory_space<hbm>>) target(%arg9 : memref<16xi32, #tpu.memory_space<vmem>>) target_semaphore(%run_scoped3A : memref<!tpu.dma_semaphore, #tpu.memory_space<semaphore_mem>>)
      %dma_wait3A_380 = tpu.memref_slice %arg2[%add3A_369] : memref<640000xi32, #tpu.memory_space<hbm>> -> memref<16xi32, #tpu.memory_space<hbm>>
      %dma_wait3A_381 = tpu.memref_slice %arg2[%add3A_369] : memref<640000xi32, #tpu.memory_space<hbm>> -> memref<16xi32, #tpu.memory_space<hbm>>
      tpu.wait_dma2 semaphore(%run_scoped3A : memref<!tpu.dma_semaphore, #tpu.memory_space<semaphore_mem>>) src(%dma_wait3A_381 : memref<16xi32, #tpu.memory_space<hbm>>) dst(%arg9 : memref<16xi32, #tpu.memory_space<vmem>>)
      tpu.yield
    }) : () -> ()
    "tpu.region"() ({
      %run_scoped3A = tpu.sem_alloc : memref<!tpu.dma_semaphore, #tpu.memory_space<semaphore_mem>>
      %dma_start3A_378 = arith.constant 0 : i32
      %dma_start3A_379 = tpu.memref_slice %arg10[%dma_start3A_378] : memref<128xf32, #tpu.memory_space<vmem>> -> memref<16xf32, #tpu.memory_space<vmem>>
      %dma_start3A_380 = arith.constant 0 : i32
      %dma_start3A_381 = tpu.memref_slice %arg12[%dma_start3A_380] : memref<10240xf32, #tpu.memory_space<vmem_shared>> -> memref<10240xf32, #tpu.memory_space<vmem_shared>>
      tpu.enqueue_indirect_dma source(%dma_start3A_379 : memref<16xf32, #tpu.memory_space<vmem>>) target(%dma_start3A_381 : memref<10240xf32, #tpu.memory_space<vmem_shared>>) offsets(%arg9 : memref<16xi32, #tpu.memory_space<vmem>>) semaphore(%run_scoped3A : memref<!tpu.dma_semaphore, #tpu.memory_space<semaphore_mem>>) {add = true}
      %dma_wait3A_382 = arith.constant 0 : i32
      %dma_wait3A_383 = tpu.memref_slice %arg10[%dma_wait3A_382] : memref<128xf32, #tpu.memory_space<vmem>> -> memref<16xf32, #tpu.memory_space<vmem>>
      %dma_wait3A_384 = arith.constant 0 : i32
      %dma_wait3A_385 = tpu.memref_slice %arg12[%dma_wait3A_384] : memref<10240xf32, #tpu.memory_space<vmem_shared>> -> memref<10240xf32, #tpu.memory_space<vmem_shared>>
      tpu.wait_indirect_dma semaphore(%run_scoped3A : memref<!tpu.dma_semaphore, #tpu.memory_space<semaphore_mem>>) src(%dma_wait3A_383 : memref<16xf32, #tpu.memory_space<vmem>>) dst(%dma_wait3A_385 : memref<10240xf32, #tpu.memory_space<vmem_shared>>)
      tpu.yield
    }) : () -> ()
    %barrier3A_370 = arith.constant 0 : index
    tpu.barrier barrier_id(%barrier3A_370)
    "tpu.region"() ({
      %run_scoped3A = tpu.sem_alloc : memref<!tpu.dma_semaphore, #tpu.memory_space<semaphore_mem>>
      %dma_start3A_378 = tpu.memref_slice %arg12[%mul3A_292] : memref<10240xf32, #tpu.memory_space<vmem_shared>> -> memref<640xf32, #tpu.memory_space<vmem_shared>>
      %dma_start3A_379 = tpu.memref_slice %arg12[%mul3A_292] : memref<10240xf32, #tpu.memory_space<vmem_shared>> -> memref<640xf32, #tpu.memory_space<vmem_shared>>
      tpu.enqueue_dma source(%dma_start3A_379 : memref<640xf32, #tpu.memory_space<vmem_shared>>) target(%arg11 : memref<640xf32, #tpu.memory_space<vmem>>) target_semaphore(%run_scoped3A : memref<!tpu.dma_semaphore, #tpu.memory_space<semaphore_mem>>)
      %dma_wait3A_380 = tpu.memref_slice %arg12[%mul3A_292] : memref<10240xf32, #tpu.memory_space<vmem_shared>> -> memref<640xf32, #tpu.memory_space<vmem_shared>>
      %dma_wait3A_381 = tpu.memref_slice %arg12[%mul3A_292] : memref<10240xf32, #tpu.memory_space<vmem_shared>> -> memref<640xf32, #tpu.memory_space<vmem_shared>>
      tpu.wait_dma2 semaphore(%run_scoped3A : memref<!tpu.dma_semaphore, #tpu.memory_space<semaphore_mem>>) src(%dma_wait3A_381 : memref<640xf32, #tpu.memory_space<vmem_shared>>) dst(%arg11 : memref<640xf32, #tpu.memory_space<vmem>>)
      tpu.yield
    }) : () -> ()
    %eq3A = arith.constant 0 : i32
    %eq3A_371 = arith.cmpi eq, %arg0, %eq3A : i32
    %convert_element_type3A = arith.extui %eq3A_371 : i1 to i32
    %cond3A = arith.constant 0 : i32
    %cond3A_372 = arith.cmpi ne, %convert_element_type3A, %cond3A : i32
    scf.if %cond3A_372 {
      "tpu.region"() ({
        %run_scoped3A = tpu.sem_alloc : memref<!tpu.dma_semaphore, #tpu.memory_space<semaphore_mem>>
        %dma_start3A_378 = tpu.memref_slice %arg3[%mul3A_292] : memref<10240xf32, #tpu.memory_space<hbm>> -> memref<640xf32, #tpu.memory_space<hbm>>
        %dma_start3A_379 = tpu.memref_slice %arg3[%mul3A_292] : memref<10240xf32, #tpu.memory_space<hbm>> -> memref<640xf32, #tpu.memory_space<hbm>>
        tpu.enqueue_dma source(%arg11 : memref<640xf32, #tpu.memory_space<vmem>>) target(%dma_start3A_379 : memref<640xf32, #tpu.memory_space<hbm>>) target_semaphore(%run_scoped3A : memref<!tpu.dma_semaphore, #tpu.memory_space<semaphore_mem>>)
        %dma_wait3A_380 = tpu.memref_slice %arg3[%mul3A_292] : memref<10240xf32, #tpu.memory_space<hbm>> -> memref<640xf32, #tpu.memory_space<hbm>>
        %dma_wait3A_381 = tpu.memref_slice %arg3[%mul3A_292] : memref<10240xf32, #tpu.memory_space<hbm>> -> memref<640xf32, #tpu.memory_space<hbm>>
        tpu.wait_dma2 semaphore(%run_scoped3A : memref<!tpu.dma_semaphore, #tpu.memory_space<semaphore_mem>>) src(%arg11 : memref<640xf32, #tpu.memory_space<vmem>>) dst(%dma_wait3A_381 : memref<640xf32, #tpu.memory_space<hbm>>)
        tpu.yield
      }) : () -> ()
    } else {
    }
    %eq3A_373 = arith.constant 1 : i32
    %eq3A_374 = arith.cmpi eq, %arg0, %eq3A_373 : i32
    %convert_element_type3A_375 = arith.extui %eq3A_374 : i1 to i32
    %cond3A_376 = arith.constant 0 : i32
    %cond3A_377 = arith.cmpi ne, %convert_element_type3A_375, %cond3A_376 : i32
    scf.if %cond3A_377 {
      "tpu.region"() ({
        %run_scoped3A = tpu.sem_alloc : memref<!tpu.dma_semaphore, #tpu.memory_space<semaphore_mem>>
        %dma_start3A_378 = tpu.memref_slice %arg4[%mul3A_292] : memref<10240xf32, #tpu.memory_space<hbm>> -> memref<640xf32, #tpu.memory_space<hbm>>
        %dma_start3A_379 = tpu.memref_slice %arg4[%mul3A_292] : memref<10240xf32, #tpu.memory_space<hbm>> -> memref<640xf32, #tpu.memory_space<hbm>>
        tpu.enqueue_dma source(%arg11 : memref<640xf32, #tpu.memory_space<vmem>>) target(%dma_start3A_379 : memref<640xf32, #tpu.memory_space<hbm>>) target_semaphore(%run_scoped3A : memref<!tpu.dma_semaphore, #tpu.memory_space<semaphore_mem>>)
        %dma_wait3A_380 = tpu.memref_slice %arg4[%mul3A_292] : memref<10240xf32, #tpu.memory_space<hbm>> -> memref<640xf32, #tpu.memory_space<hbm>>
        %dma_wait3A_381 = tpu.memref_slice %arg4[%mul3A_292] : memref<10240xf32, #tpu.memory_space<hbm>> -> memref<640xf32, #tpu.memory_space<hbm>>
        tpu.wait_dma2 semaphore(%run_scoped3A : memref<!tpu.dma_semaphore, #tpu.memory_space<semaphore_mem>>) src(%arg11 : memref<640xf32, #tpu.memory_space<vmem>>) dst(%dma_wait3A_381 : memref<640xf32, #tpu.memory_space<hbm>>)
        tpu.yield
      }) : () -> ()
    } else {
    }
    return
  }
}

#map = affine_map<(d0, d1) -> (0, 0)>
#map1 = affine_map<(d0, d1) -> (0)>
module attributes {stable_mosaic.version = 14 : i64} {
  func.func @_scat_call(%arg0: i32, %arg1: i32, %arg2: memref<10240x128xf32, #tpu.memory_space<hbm>>, %arg3: memref<640000xi32, #tpu.memory_space<hbm>>, %arg4: memref<10240x128xf32, #tpu.memory_space<hbm>>, %arg5: memref<10240x128xf32, #tpu.memory_space<hbm>>, %arg6: memref<10000xi32, #tpu.memory_space<vmem>>, %arg7: memref<128xi32, #tpu.memory_space<vmem>>, %arg8: memref<128xi32, #tpu.memory_space<vmem>>, %arg9: memref<16xi32, #tpu.memory_space<vmem>>, %arg10: memref<128x128xf32, #tpu.memory_space<vmem>>, %arg11: memref<128x128xf32, #tpu.memory_space<vmem>>, %arg12: memref<16x128xf32, #tpu.memory_space<vmem>>, %arg13: memref<10240x128xf32, #tpu.memory_space<vmem_shared>>, %arg14: memref<!tpu.dma_semaphore, #tpu.memory_space<semaphore_mem>>, %arg15: memref<!tpu.dma_semaphore, #tpu.memory_space<semaphore_mem>>, %arg16: memref<!tpu.dma_semaphore, #tpu.memory_space<semaphore_mem>>, %arg17: memref<!tpu.dma_semaphore, #tpu.memory_space<semaphore_mem>>, %arg18: memref<!tpu.dma_semaphore, #tpu.memory_space<semaphore_mem>>, %arg19: memref<!tpu.dma_semaphore, #tpu.memory_space<semaphore_mem>>) attributes {dimension_semantics = [#tpu.dimension_semantics<core_parallel>, #tpu.dimension_semantics<subcore_parallel>], iteration_bounds = array<i64: 2, 16>, scalar_prefetch = 0 : i64, scratch_operands = 14 : i64, tpu.core_type = #tpu.core_type<sc_vector_subcore>, window_params = [{transform_indices = #map}, {transform_indices = #map1}, {transform_indices = #map}, {transform_indices = #map}]} {
    %mul3A = arith.constant 16 : i32
    %mul3A_0 = arith.muli %arg0, %mul3A : i32
    %add3A = arith.addi %mul3A_0, %arg1 : i32
    %mul3A_1 = arith.constant 10000 : i32
    %mul3A_2 = arith.muli %add3A, %mul3A_1 : i32
    %mul3A_3 = arith.constant 10000 : i32
    %mul3A_4 = arith.muli %add3A, %mul3A_3 : i32
    %add3A_5 = arith.constant 320000 : i32
    %add3A_6 = arith.addi %add3A_5, %mul3A_4 : i32
    %broadcast_in_dim3A = arith.constant 0.000000e+00 : f32
    %broadcast_in_dim3A_7 = vector.broadcast %broadcast_in_dim3A : f32 to vector<16xf32>
    %swap3A = arith.constant 0 : i32
    %swap3A_8 = arith.index_cast %swap3A : i32 to index
    %swap3A_9 = arith.constant 0 : index
    %swap3A_10 = tpu.vector_load %arg12[%swap3A_8, %swap3A_9] {strides = array<i32>} : memref<16x128xf32, #tpu.memory_space<vmem>>, vector<1x16xf32>,
    %swap3A_11 = vector.shape_cast %swap3A_10 : vector<1x16xf32> to vector<16xf32>
    %swap3A_12 = vector.shape_cast %broadcast_in_dim3A_7 : vector<16xf32> to vector<1x16xf32>
    tpu.vector_store %arg12[%swap3A_8, %swap3A_9], %swap3A_12 {strides = array<i32>} : memref<16x128xf32, #tpu.memory_space<vmem>>, vector<1x16xf32>,
    %broadcast_in_dim3A_13 = arith.constant 0.000000e+00 : f32
    %broadcast_in_dim3A_14 = vector.broadcast %broadcast_in_dim3A_13 : f32 to vector<16xf32>
    %swap3A_15 = arith.constant 0 : i32
    %swap3A_16 = arith.index_cast %swap3A_15 : i32 to index
    %swap3A_17 = arith.constant 16 : index
    %swap3A_18 = tpu.vector_load %arg12[%swap3A_16, %swap3A_17] {strides = array<i32>} : memref<16x128xf32, #tpu.memory_space<vmem>>, vector<1x16xf32>,
    %swap3A_19 = vector.shape_cast %swap3A_18 : vector<1x16xf32> to vector<16xf32>
    %swap3A_20 = vector.shape_cast %broadcast_in_dim3A_14 : vector<16xf32> to vector<1x16xf32>
    tpu.vector_store %arg12[%swap3A_16, %swap3A_17], %swap3A_20 {strides = array<i32>} : memref<16x128xf32, #tpu.memory_space<vmem>>, vector<1x16xf32>,
    %broadcast_in_dim3A_21 = arith.constant 0.000000e+00 : f32
    %broadcast_in_dim3A_22 = vector.broadcast %broadcast_in_dim3A_21 : f32 to vector<16xf32>
    %swap3A_23 = arith.constant 0 : i32
    %swap3A_24 = arith.index_cast %swap3A_23 : i32 to index
    %swap3A_25 = arith.constant 32 : index
    %swap3A_26 = tpu.vector_load %arg12[%swap3A_24, %swap3A_25] {strides = array<i32>} : memref<16x128xf32, #tpu.memory_space<vmem>>, vector<1x16xf32>,
    %swap3A_27 = vector.shape_cast %swap3A_26 : vector<1x16xf32> to vector<16xf32>
    %swap3A_28 = vector.shape_cast %broadcast_in_dim3A_22 : vector<16xf32> to vector<1x16xf32>
    tpu.vector_store %arg12[%swap3A_24, %swap3A_25], %swap3A_28 {strides = array<i32>} : memref<16x128xf32, #tpu.memory_space<vmem>>, vector<1x16xf32>,
    %broadcast_in_dim3A_29 = arith.constant 0.000000e+00 : f32
    %broadcast_in_dim3A_30 = vector.broadcast %broadcast_in_dim3A_29 : f32 to vector<16xf32>
    %swap3A_31 = arith.constant 0 : i32
    %swap3A_32 = arith.index_cast %swap3A_31 : i32 to index
    %swap3A_33 = arith.constant 48 : index
    %swap3A_34 = tpu.vector_load %arg12[%swap3A_32, %swap3A_33] {strides = array<i32>} : memref<16x128xf32, #tpu.memory_space<vmem>>, vector<1x16xf32>,
    %swap3A_35 = vector.shape_cast %swap3A_34 : vector<1x16xf32> to vector<16xf32>
    %swap3A_36 = vector.shape_cast %broadcast_in_dim3A_30 : vector<16xf32> to vector<1x16xf32>
    tpu.vector_store %arg12[%swap3A_32, %swap3A_33], %swap3A_36 {strides = array<i32>} : memref<16x128xf32, #tpu.memory_space<vmem>>, vector<1x16xf32>,
    %broadcast_in_dim3A_37 = arith.constant 0.000000e+00 : f32
    %broadcast_in_dim3A_38 = vector.broadcast %broadcast_in_dim3A_37 : f32 to vector<16xf32>
    %swap3A_39 = arith.constant 0 : i32
    %swap3A_40 = arith.index_cast %swap3A_39 : i32 to index
    %swap3A_41 = arith.constant 64 : index
    %swap3A_42 = tpu.vector_load %arg12[%swap3A_40, %swap3A_41] {strides = array<i32>} : memref<16x128xf32, #tpu.memory_space<vmem>>, vector<1x16xf32>,
    %swap3A_43 = vector.shape_cast %swap3A_42 : vector<1x16xf32> to vector<16xf32>
    %swap3A_44 = vector.shape_cast %broadcast_in_dim3A_38 : vector<16xf32> to vector<1x16xf32>
    tpu.vector_store %arg12[%swap3A_40, %swap3A_41], %swap3A_44 {strides = array<i32>} : memref<16x128xf32, #tpu.memory_space<vmem>>, vector<1x16xf32>,
    %broadcast_in_dim3A_45 = arith.constant 0.000000e+00 : f32
    %broadcast_in_dim3A_46 = vector.broadcast %broadcast_in_dim3A_45 : f32 to vector<16xf32>
    %swap3A_47 = arith.constant 0 : i32
    %swap3A_48 = arith.index_cast %swap3A_47 : i32 to index
    %swap3A_49 = arith.constant 80 : index
    %swap3A_50 = tpu.vector_load %arg12[%swap3A_48, %swap3A_49] {strides = array<i32>} : memref<16x128xf32, #tpu.memory_space<vmem>>, vector<1x16xf32>,
    %swap3A_51 = vector.shape_cast %swap3A_50 : vector<1x16xf32> to vector<16xf32>
    %swap3A_52 = vector.shape_cast %broadcast_in_dim3A_46 : vector<16xf32> to vector<1x16xf32>
    tpu.vector_store %arg12[%swap3A_48, %swap3A_49], %swap3A_52 {strides = array<i32>} : memref<16x128xf32, #tpu.memory_space<vmem>>, vector<1x16xf32>,
    %broadcast_in_dim3A_53 = arith.constant 0.000000e+00 : f32
    %broadcast_in_dim3A_54 = vector.broadcast %broadcast_in_dim3A_53 : f32 to vector<16xf32>
    %swap3A_55 = arith.constant 0 : i32
    %swap3A_56 = arith.index_cast %swap3A_55 : i32 to index
    %swap3A_57 = arith.constant 96 : index
    %swap3A_58 = tpu.vector_load %arg12[%swap3A_56, %swap3A_57] {strides = array<i32>} : memref<16x128xf32, #tpu.memory_space<vmem>>, vector<1x16xf32>,
    %swap3A_59 = vector.shape_cast %swap3A_58 : vector<1x16xf32> to vector<16xf32>
    %swap3A_60 = vector.shape_cast %broadcast_in_dim3A_54 : vector<16xf32> to vector<1x16xf32>
    tpu.vector_store %arg12[%swap3A_56, %swap3A_57], %swap3A_60 {strides = array<i32>} : memref<16x128xf32, #tpu.memory_space<vmem>>, vector<1x16xf32>,
    %broadcast_in_dim3A_61 = arith.constant 0.000000e+00 : f32
    %broadcast_in_dim3A_62 = vector.broadcast %broadcast_in_dim3A_61 : f32 to vector<16xf32>
    %swap3A_63 = arith.constant 0 : i32
    %swap3A_64 = arith.index_cast %swap3A_63 : i32 to index
    %swap3A_65 = arith.constant 112 : index
    %swap3A_66 = tpu.vector_load %arg12[%swap3A_64, %swap3A_65] {strides = array<i32>} : memref<16x128xf32, #tpu.memory_space<vmem>>, vector<1x16xf32>,
    %swap3A_67 = vector.shape_cast %swap3A_66 : vector<1x16xf32> to vector<16xf32>
    %swap3A_68 = vector.shape_cast %broadcast_in_dim3A_62 : vector<16xf32> to vector<1x16xf32>
    tpu.vector_store %arg12[%swap3A_64, %swap3A_65], %swap3A_68 {strides = array<i32>} : memref<16x128xf32, #tpu.memory_space<vmem>>, vector<1x16xf32>,
    %broadcast_in_dim3A_69 = arith.constant 0.000000e+00 : f32
    %broadcast_in_dim3A_70 = vector.broadcast %broadcast_in_dim3A_69 : f32 to vector<16xf32>
    %swap3A_71 = arith.constant 1 : i32
    %swap3A_72 = arith.index_cast %swap3A_71 : i32 to index
    %swap3A_73 = arith.constant 0 : index
    %swap3A_74 = tpu.vector_load %arg12[%swap3A_72, %swap3A_73] {strides = array<i32>} : memref<16x128xf32, #tpu.memory_space<vmem>>, vector<1x16xf32>,
    %swap3A_75 = vector.shape_cast %swap3A_74 : vector<1x16xf32> to vector<16xf32>
    %swap3A_76 = vector.shape_cast %broadcast_in_dim3A_70 : vector<16xf32> to vector<1x16xf32>
    tpu.vector_store %arg12[%swap3A_72, %swap3A_73], %swap3A_76 {strides = array<i32>} : memref<16x128xf32, #tpu.memory_space<vmem>>, vector<1x16xf32>,
    %broadcast_in_dim3A_77 = arith.constant 0.000000e+00 : f32
    %broadcast_in_dim3A_78 = vector.broadcast %broadcast_in_dim3A_77 : f32 to vector<16xf32>
    %swap3A_79 = arith.constant 1 : i32
    %swap3A_80 = arith.index_cast %swap3A_79 : i32 to index
    %swap3A_81 = arith.constant 16 : index
    %swap3A_82 = tpu.vector_load %arg12[%swap3A_80, %swap3A_81] {strides = array<i32>} : memref<16x128xf32, #tpu.memory_space<vmem>>, vector<1x16xf32>,
    %swap3A_83 = vector.shape_cast %swap3A_82 : vector<1x16xf32> to vector<16xf32>
    %swap3A_84 = vector.shape_cast %broadcast_in_dim3A_78 : vector<16xf32> to vector<1x16xf32>
    tpu.vector_store %arg12[%swap3A_80, %swap3A_81], %swap3A_84 {strides = array<i32>} : memref<16x128xf32, #tpu.memory_space<vmem>>, vector<1x16xf32>,
    %broadcast_in_dim3A_85 = arith.constant 0.000000e+00 : f32
    %broadcast_in_dim3A_86 = vector.broadcast %broadcast_in_dim3A_85 : f32 to vector<16xf32>
    %swap3A_87 = arith.constant 1 : i32
    %swap3A_88 = arith.index_cast %swap3A_87 : i32 to index
    %swap3A_89 = arith.constant 32 : index
    %swap3A_90 = tpu.vector_load %arg12[%swap3A_88, %swap3A_89] {strides = array<i32>} : memref<16x128xf32, #tpu.memory_space<vmem>>, vector<1x16xf32>,
    %swap3A_91 = vector.shape_cast %swap3A_90 : vector<1x16xf32> to vector<16xf32>
    %swap3A_92 = vector.shape_cast %broadcast_in_dim3A_86 : vector<16xf32> to vector<1x16xf32>
    tpu.vector_store %arg12[%swap3A_88, %swap3A_89], %swap3A_92 {strides = array<i32>} : memref<16x128xf32, #tpu.memory_space<vmem>>, vector<1x16xf32>,
    %broadcast_in_dim3A_93 = arith.constant 0.000000e+00 : f32
    %broadcast_in_dim3A_94 = vector.broadcast %broadcast_in_dim3A_93 : f32 to vector<16xf32>
    %swap3A_95 = arith.constant 1 : i32
    %swap3A_96 = arith.index_cast %swap3A_95 : i32 to index
    %swap3A_97 = arith.constant 48 : index
    %swap3A_98 = tpu.vector_load %arg12[%swap3A_96, %swap3A_97] {strides = array<i32>} : memref<16x128xf32, #tpu.memory_space<vmem>>, vector<1x16xf32>,
    %swap3A_99 = vector.shape_cast %swap3A_98 : vector<1x16xf32> to vector<16xf32>
    %swap3A_100 = vector.shape_cast %broadcast_in_dim3A_94 : vector<16xf32> to vector<1x16xf32>
    tpu.vector_store %arg12[%swap3A_96, %swap3A_97], %swap3A_100 {strides = array<i32>} : memref<16x128xf32, #tpu.memory_space<vmem>>, vector<1x16xf32>,
    %broadcast_in_dim3A_101 = arith.constant 0.000000e+00 : f32
    %broadcast_in_dim3A_102 = vector.broadcast %broadcast_in_dim3A_101 : f32 to vector<16xf32>
    %swap3A_103 = arith.constant 1 : i32
    %swap3A_104 = arith.index_cast %swap3A_103 : i32 to index
    %swap3A_105 = arith.constant 64 : index
    %swap3A_106 = tpu.vector_load %arg12[%swap3A_104, %swap3A_105] {strides = array<i32>} : memref<16x128xf32, #tpu.memory_space<vmem>>, vector<1x16xf32>,
    %swap3A_107 = vector.shape_cast %swap3A_106 : vector<1x16xf32> to vector<16xf32>
    %swap3A_108 = vector.shape_cast %broadcast_in_dim3A_102 : vector<16xf32> to vector<1x16xf32>
    tpu.vector_store %arg12[%swap3A_104, %swap3A_105], %swap3A_108 {strides = array<i32>} : memref<16x128xf32, #tpu.memory_space<vmem>>, vector<1x16xf32>,
    %broadcast_in_dim3A_109 = arith.constant 0.000000e+00 : f32
    %broadcast_in_dim3A_110 = vector.broadcast %broadcast_in_dim3A_109 : f32 to vector<16xf32>
    %swap3A_111 = arith.constant 1 : i32
    %swap3A_112 = arith.index_cast %swap3A_111 : i32 to index
    %swap3A_113 = arith.constant 80 : index
    %swap3A_114 = tpu.vector_load %arg12[%swap3A_112, %swap3A_113] {strides = array<i32>} : memref<16x128xf32, #tpu.memory_space<vmem>>, vector<1x16xf32>,
    %swap3A_115 = vector.shape_cast %swap3A_114 : vector<1x16xf32> to vector<16xf32>
    %swap3A_116 = vector.shape_cast %broadcast_in_dim3A_110 : vector<16xf32> to vector<1x16xf32>
    tpu.vector_store %arg12[%swap3A_112, %swap3A_113], %swap3A_116 {strides = array<i32>} : memref<16x128xf32, #tpu.memory_space<vmem>>, vector<1x16xf32>,
    %broadcast_in_dim3A_117 = arith.constant 0.000000e+00 : f32
    %broadcast_in_dim3A_118 = vector.broadcast %broadcast_in_dim3A_117 : f32 to vector<16xf32>
    %swap3A_119 = arith.constant 1 : i32
    %swap3A_120 = arith.index_cast %swap3A_119 : i32 to index
    %swap3A_121 = arith.constant 96 : index
    %swap3A_122 = tpu.vector_load %arg12[%swap3A_120, %swap3A_121] {strides = array<i32>} : memref<16x128xf32, #tpu.memory_space<vmem>>, vector<1x16xf32>,
    %swap3A_123 = vector.shape_cast %swap3A_122 : vector<1x16xf32> to vector<16xf32>
    %swap3A_124 = vector.shape_cast %broadcast_in_dim3A_118 : vector<16xf32> to vector<1x16xf32>
    tpu.vector_store %arg12[%swap3A_120, %swap3A_121], %swap3A_124 {strides = array<i32>} : memref<16x128xf32, #tpu.memory_space<vmem>>, vector<1x16xf32>,
    %broadcast_in_dim3A_125 = arith.constant 0.000000e+00 : f32
    %broadcast_in_dim3A_126 = vector.broadcast %broadcast_in_dim3A_125 : f32 to vector<16xf32>
    %swap3A_127 = arith.constant 1 : i32
    %swap3A_128 = arith.index_cast %swap3A_127 : i32 to index
    %swap3A_129 = arith.constant 112 : index
    %swap3A_130 = tpu.vector_load %arg12[%swap3A_128, %swap3A_129] {strides = array<i32>} : memref<16x128xf32, #tpu.memory_space<vmem>>, vector<1x16xf32>,
    %swap3A_131 = vector.shape_cast %swap3A_130 : vector<1x16xf32> to vector<16xf32>
    %swap3A_132 = vector.shape_cast %broadcast_in_dim3A_126 : vector<16xf32> to vector<1x16xf32>
    tpu.vector_store %arg12[%swap3A_128, %swap3A_129], %swap3A_132 {strides = array<i32>} : memref<16x128xf32, #tpu.memory_space<vmem>>, vector<1x16xf32>,
    %broadcast_in_dim3A_133 = arith.constant 0.000000e+00 : f32
    %broadcast_in_dim3A_134 = vector.broadcast %broadcast_in_dim3A_133 : f32 to vector<16xf32>
    %swap3A_135 = arith.constant 2 : i32
    %swap3A_136 = arith.index_cast %swap3A_135 : i32 to index
    %swap3A_137 = arith.constant 0 : index
    %swap3A_138 = tpu.vector_load %arg12[%swap3A_136, %swap3A_137] {strides = array<i32>} : memref<16x128xf32, #tpu.memory_space<vmem>>, vector<1x16xf32>,
    %swap3A_139 = vector.shape_cast %swap3A_138 : vector<1x16xf32> to vector<16xf32>
    %swap3A_140 = vector.shape_cast %broadcast_in_dim3A_134 : vector<16xf32> to vector<1x16xf32>
    tpu.vector_store %arg12[%swap3A_136, %swap3A_137], %swap3A_140 {strides = array<i32>} : memref<16x128xf32, #tpu.memory_space<vmem>>, vector<1x16xf32>,
    %broadcast_in_dim3A_141 = arith.constant 0.000000e+00 : f32
    %broadcast_in_dim3A_142 = vector.broadcast %broadcast_in_dim3A_141 : f32 to vector<16xf32>
    %swap3A_143 = arith.constant 2 : i32
    %swap3A_144 = arith.index_cast %swap3A_143 : i32 to index
    %swap3A_145 = arith.constant 16 : index
    %swap3A_146 = tpu.vector_load %arg12[%swap3A_144, %swap3A_145] {strides = array<i32>} : memref<16x128xf32, #tpu.memory_space<vmem>>, vector<1x16xf32>,
    %swap3A_147 = vector.shape_cast %swap3A_146 : vector<1x16xf32> to vector<16xf32>
    %swap3A_148 = vector.shape_cast %broadcast_in_dim3A_142 : vector<16xf32> to vector<1x16xf32>
    tpu.vector_store %arg12[%swap3A_144, %swap3A_145], %swap3A_148 {strides = array<i32>} : memref<16x128xf32, #tpu.memory_space<vmem>>, vector<1x16xf32>,
    %broadcast_in_dim3A_149 = arith.constant 0.000000e+00 : f32
    %broadcast_in_dim3A_150 = vector.broadcast %broadcast_in_dim3A_149 : f32 to vector<16xf32>
    %swap3A_151 = arith.constant 2 : i32
    %swap3A_152 = arith.index_cast %swap3A_151 : i32 to index
    %swap3A_153 = arith.constant 32 : index
    %swap3A_154 = tpu.vector_load %arg12[%swap3A_152, %swap3A_153] {strides = array<i32>} : memref<16x128xf32, #tpu.memory_space<vmem>>, vector<1x16xf32>,
    %swap3A_155 = vector.shape_cast %swap3A_154 : vector<1x16xf32> to vector<16xf32>
    %swap3A_156 = vector.shape_cast %broadcast_in_dim3A_150 : vector<16xf32> to vector<1x16xf32>
    tpu.vector_store %arg12[%swap3A_152, %swap3A_153], %swap3A_156 {strides = array<i32>} : memref<16x128xf32, #tpu.memory_space<vmem>>, vector<1x16xf32>,
    %broadcast_in_dim3A_157 = arith.constant 0.000000e+00 : f32
    %broadcast_in_dim3A_158 = vector.broadcast %broadcast_in_dim3A_157 : f32 to vector<16xf32>
    %swap3A_159 = arith.constant 2 : i32
    %swap3A_160 = arith.index_cast %swap3A_159 : i32 to index
    %swap3A_161 = arith.constant 48 : index
    %swap3A_162 = tpu.vector_load %arg12[%swap3A_160, %swap3A_161] {strides = array<i32>} : memref<16x128xf32, #tpu.memory_space<vmem>>, vector<1x16xf32>,
    %swap3A_163 = vector.shape_cast %swap3A_162 : vector<1x16xf32> to vector<16xf32>
    %swap3A_164 = vector.shape_cast %broadcast_in_dim3A_158 : vector<16xf32> to vector<1x16xf32>
    tpu.vector_store %arg12[%swap3A_160, %swap3A_161], %swap3A_164 {strides = array<i32>} : memref<16x128xf32, #tpu.memory_space<vmem>>, vector<1x16xf32>,
    %broadcast_in_dim3A_165 = arith.constant 0.000000e+00 : f32
    %broadcast_in_dim3A_166 = vector.broadcast %broadcast_in_dim3A_165 : f32 to vector<16xf32>
    %swap3A_167 = arith.constant 2 : i32
    %swap3A_168 = arith.index_cast %swap3A_167 : i32 to index
    %swap3A_169 = arith.constant 64 : index
    %swap3A_170 = tpu.vector_load %arg12[%swap3A_168, %swap3A_169] {strides = array<i32>} : memref<16x128xf32, #tpu.memory_space<vmem>>, vector<1x16xf32>,
    %swap3A_171 = vector.shape_cast %swap3A_170 : vector<1x16xf32> to vector<16xf32>
    %swap3A_172 = vector.shape_cast %broadcast_in_dim3A_166 : vector<16xf32> to vector<1x16xf32>
    tpu.vector_store %arg12[%swap3A_168, %swap3A_169], %swap3A_172 {strides = array<i32>} : memref<16x128xf32, #tpu.memory_space<vmem>>, vector<1x16xf32>,
    %broadcast_in_dim3A_173 = arith.constant 0.000000e+00 : f32
    %broadcast_in_dim3A_174 = vector.broadcast %broadcast_in_dim3A_173 : f32 to vector<16xf32>
    %swap3A_175 = arith.constant 2 : i32
    %swap3A_176 = arith.index_cast %swap3A_175 : i32 to index
    %swap3A_177 = arith.constant 80 : index
    %swap3A_178 = tpu.vector_load %arg12[%swap3A_176, %swap3A_177] {strides = array<i32>} : memref<16x128xf32, #tpu.memory_space<vmem>>, vector<1x16xf32>,
    %swap3A_179 = vector.shape_cast %swap3A_178 : vector<1x16xf32> to vector<16xf32>
    %swap3A_180 = vector.shape_cast %broadcast_in_dim3A_174 : vector<16xf32> to vector<1x16xf32>
    tpu.vector_store %arg12[%swap3A_176, %swap3A_177], %swap3A_180 {strides = array<i32>} : memref<16x128xf32, #tpu.memory_space<vmem>>, vector<1x16xf32>,
    %broadcast_in_dim3A_181 = arith.constant 0.000000e+00 : f32
    %broadcast_in_dim3A_182 = vector.broadcast %broadcast_in_dim3A_181 : f32 to vector<16xf32>
    %swap3A_183 = arith.constant 2 : i32
    %swap3A_184 = arith.index_cast %swap3A_183 : i32 to index
    %swap3A_185 = arith.constant 96 : index
    %swap3A_186 = tpu.vector_load %arg12[%swap3A_184, %swap3A_185] {strides = array<i32>} : memref<16x128xf32, #tpu.memory_space<vmem>>, vector<1x16xf32>,
    %swap3A_187 = vector.shape_cast %swap3A_186 : vector<1x16xf32> to vector<16xf32>
    %swap3A_188 = vector.shape_cast %broadcast_in_dim3A_182 : vector<16xf32> to vector<1x16xf32>
    tpu.vector_store %arg12[%swap3A_184, %swap3A_185], %swap3A_188 {strides = array<i32>} : memref<16x128xf32, #tpu.memory_space<vmem>>, vector<1x16xf32>,
    %broadcast_in_dim3A_189 = arith.constant 0.000000e+00 : f32
    %broadcast_in_dim3A_190 = vector.broadcast %broadcast_in_dim3A_189 : f32 to vector<16xf32>
    %swap3A_191 = arith.constant 2 : i32
    %swap3A_192 = arith.index_cast %swap3A_191 : i32 to index
    %swap3A_193 = arith.constant 112 : index
    %swap3A_194 = tpu.vector_load %arg12[%swap3A_192, %swap3A_193] {strides = array<i32>} : memref<16x128xf32, #tpu.memory_space<vmem>>, vector<1x16xf32>,
    %swap3A_195 = vector.shape_cast %swap3A_194 : vector<1x16xf32> to vector<16xf32>
    %swap3A_196 = vector.shape_cast %broadcast_in_dim3A_190 : vector<16xf32> to vector<1x16xf32>
    tpu.vector_store %arg12[%swap3A_192, %swap3A_193], %swap3A_196 {strides = array<i32>} : memref<16x128xf32, #tpu.memory_space<vmem>>, vector<1x16xf32>,
    %broadcast_in_dim3A_197 = arith.constant 0.000000e+00 : f32
    %broadcast_in_dim3A_198 = vector.broadcast %broadcast_in_dim3A_197 : f32 to vector<16xf32>
    %swap3A_199 = arith.constant 3 : i32
    %swap3A_200 = arith.index_cast %swap3A_199 : i32 to index
    %swap3A_201 = arith.constant 0 : index
    %swap3A_202 = tpu.vector_load %arg12[%swap3A_200, %swap3A_201] {strides = array<i32>} : memref<16x128xf32, #tpu.memory_space<vmem>>, vector<1x16xf32>,
    %swap3A_203 = vector.shape_cast %swap3A_202 : vector<1x16xf32> to vector<16xf32>
    %swap3A_204 = vector.shape_cast %broadcast_in_dim3A_198 : vector<16xf32> to vector<1x16xf32>
    tpu.vector_store %arg12[%swap3A_200, %swap3A_201], %swap3A_204 {strides = array<i32>} : memref<16x128xf32, #tpu.memory_space<vmem>>, vector<1x16xf32>,
    %broadcast_in_dim3A_205 = arith.constant 0.000000e+00 : f32
    %broadcast_in_dim3A_206 = vector.broadcast %broadcast_in_dim3A_205 : f32 to vector<16xf32>
    %swap3A_207 = arith.constant 3 : i32
    %swap3A_208 = arith.index_cast %swap3A_207 : i32 to index
    %swap3A_209 = arith.constant 16 : index
    %swap3A_210 = tpu.vector_load %arg12[%swap3A_208, %swap3A_209] {strides = array<i32>} : memref<16x128xf32, #tpu.memory_space<vmem>>, vector<1x16xf32>,
    %swap3A_211 = vector.shape_cast %swap3A_210 : vector<1x16xf32> to vector<16xf32>
    %swap3A_212 = vector.shape_cast %broadcast_in_dim3A_206 : vector<16xf32> to vector<1x16xf32>
    tpu.vector_store %arg12[%swap3A_208, %swap3A_209], %swap3A_212 {strides = array<i32>} : memref<16x128xf32, #tpu.memory_space<vmem>>, vector<1x16xf32>,
    %broadcast_in_dim3A_213 = arith.constant 0.000000e+00 : f32
    %broadcast_in_dim3A_214 = vector.broadcast %broadcast_in_dim3A_213 : f32 to vector<16xf32>
    %swap3A_215 = arith.constant 3 : i32
    %swap3A_216 = arith.index_cast %swap3A_215 : i32 to index
    %swap3A_217 = arith.constant 32 : index
    %swap3A_218 = tpu.vector_load %arg12[%swap3A_216, %swap3A_217] {strides = array<i32>} : memref<16x128xf32, #tpu.memory_space<vmem>>, vector<1x16xf32>,
    %swap3A_219 = vector.shape_cast %swap3A_218 : vector<1x16xf32> to vector<16xf32>
    %swap3A_220 = vector.shape_cast %broadcast_in_dim3A_214 : vector<16xf32> to vector<1x16xf32>
    tpu.vector_store %arg12[%swap3A_216, %swap3A_217], %swap3A_220 {strides = array<i32>} : memref<16x128xf32, #tpu.memory_space<vmem>>, vector<1x16xf32>,
    %broadcast_in_dim3A_221 = arith.constant 0.000000e+00 : f32
    %broadcast_in_dim3A_222 = vector.broadcast %broadcast_in_dim3A_221 : f32 to vector<16xf32>
    %swap3A_223 = arith.constant 3 : i32
    %swap3A_224 = arith.index_cast %swap3A_223 : i32 to index
    %swap3A_225 = arith.constant 48 : index
    %swap3A_226 = tpu.vector_load %arg12[%swap3A_224, %swap3A_225] {strides = array<i32>} : memref<16x128xf32, #tpu.memory_space<vmem>>, vector<1x16xf32>,
    %swap3A_227 = vector.shape_cast %swap3A_226 : vector<1x16xf32> to vector<16xf32>
    %swap3A_228 = vector.shape_cast %broadcast_in_dim3A_222 : vector<16xf32> to vector<1x16xf32>
    tpu.vector_store %arg12[%swap3A_224, %swap3A_225], %swap3A_228 {strides = array<i32>} : memref<16x128xf32, #tpu.memory_space<vmem>>, vector<1x16xf32>,
    %broadcast_in_dim3A_229 = arith.constant 0.000000e+00 : f32
    %broadcast_in_dim3A_230 = vector.broadcast %broadcast_in_dim3A_229 : f32 to vector<16xf32>
    %swap3A_231 = arith.constant 3 : i32
    %swap3A_232 = arith.index_cast %swap3A_231 : i32 to index
    %swap3A_233 = arith.constant 64 : index
    %swap3A_234 = tpu.vector_load %arg12[%swap3A_232, %swap3A_233] {strides = array<i32>} : memref<16x128xf32, #tpu.memory_space<vmem>>, vector<1x16xf32>,
    %swap3A_235 = vector.shape_cast %swap3A_234 : vector<1x16xf32> to vector<16xf32>
    %swap3A_236 = vector.shape_cast %broadcast_in_dim3A_230 : vector<16xf32> to vector<1x16xf32>
    tpu.vector_store %arg12[%swap3A_232, %swap3A_233], %swap3A_236 {strides = array<i32>} : memref<16x128xf32, #tpu.memory_space<vmem>>, vector<1x16xf32>,
    %broadcast_in_dim3A_237 = arith.constant 0.000000e+00 : f32
    %broadcast_in_dim3A_238 = vector.broadcast %broadcast_in_dim3A_237 : f32 to vector<16xf32>
    %swap3A_239 = arith.constant 3 : i32
    %swap3A_240 = arith.index_cast %swap3A_239 : i32 to index
    %swap3A_241 = arith.constant 80 : index
    %swap3A_242 = tpu.vector_load %arg12[%swap3A_240, %swap3A_241] {strides = array<i32>} : memref<16x128xf32, #tpu.memory_space<vmem>>, vector<1x16xf32>,
    %swap3A_243 = vector.shape_cast %swap3A_242 : vector<1x16xf32> to vector<16xf32>
    %swap3A_244 = vector.shape_cast %broadcast_in_dim3A_238 : vector<16xf32> to vector<1x16xf32>
    tpu.vector_store %arg12[%swap3A_240, %swap3A_241], %swap3A_244 {strides = array<i32>} : memref<16x128xf32, #tpu.memory_space<vmem>>, vector<1x16xf32>,
    %broadcast_in_dim3A_245 = arith.constant 0.000000e+00 : f32
    %broadcast_in_dim3A_246 = vector.broadcast %broadcast_in_dim3A_245 : f32 to vector<16xf32>
    %swap3A_247 = arith.constant 3 : i32
    %swap3A_248 = arith.index_cast %swap3A_247 : i32 to index
    %swap3A_249 = arith.constant 96 : index
    %swap3A_250 = tpu.vector_load %arg12[%swap3A_248, %swap3A_249] {strides = array<i32>} : memref<16x128xf32, #tpu.memory_space<vmem>>, vector<1x16xf32>,
    %swap3A_251 = vector.shape_cast %swap3A_250 : vector<1x16xf32> to vector<16xf32>
    %swap3A_252 = vector.shape_cast %broadcast_in_dim3A_246 : vector<16xf32> to vector<1x16xf32>
    tpu.vector_store %arg12[%swap3A_248, %swap3A_249], %swap3A_252 {strides = array<i32>} : memref<16x128xf32, #tpu.memory_space<vmem>>, vector<1x16xf32>,
    %broadcast_in_dim3A_253 = arith.constant 0.000000e+00 : f32
    %broadcast_in_dim3A_254 = vector.broadcast %broadcast_in_dim3A_253 : f32 to vector<16xf32>
    %swap3A_255 = arith.constant 3 : i32
    %swap3A_256 = arith.index_cast %swap3A_255 : i32 to index
    %swap3A_257 = arith.constant 112 : index
    %swap3A_258 = tpu.vector_load %arg12[%swap3A_256, %swap3A_257] {strides = array<i32>} : memref<16x128xf32, #tpu.memory_space<vmem>>, vector<1x16xf32>,
    %swap3A_259 = vector.shape_cast %swap3A_258 : vector<1x16xf32> to vector<16xf32>
    %swap3A_260 = vector.shape_cast %broadcast_in_dim3A_254 : vector<16xf32> to vector<1x16xf32>
    tpu.vector_store %arg12[%swap3A_256, %swap3A_257], %swap3A_260 {strides = array<i32>} : memref<16x128xf32, #tpu.memory_space<vmem>>, vector<1x16xf32>,
    %broadcast_in_dim3A_261 = arith.constant 0.000000e+00 : f32
    %broadcast_in_dim3A_262 = vector.broadcast %broadcast_in_dim3A_261 : f32 to vector<16xf32>
    %swap3A_263 = arith.constant 4 : i32
    %swap3A_264 = arith.index_cast %swap3A_263 : i32 to index
    %swap3A_265 = arith.constant 0 : index
    %swap3A_266 = tpu.vector_load %arg12[%swap3A_264, %swap3A_265] {strides = array<i32>} : memref<16x128xf32, #tpu.memory_space<vmem>>, vector<1x16xf32>,
    %swap3A_267 = vector.shape_cast %swap3A_266 : vector<1x16xf32> to vector<16xf32>
    %swap3A_268 = vector.shape_cast %broadcast_in_dim3A_262 : vector<16xf32> to vector<1x16xf32>
    tpu.vector_store %arg12[%swap3A_264, %swap3A_265], %swap3A_268 {strides = array<i32>} : memref<16x128xf32, #tpu.memory_space<vmem>>, vector<1x16xf32>,
    %broadcast_in_dim3A_269 = arith.constant 0.000000e+00 : f32
    %broadcast_in_dim3A_270 = vector.broadcast %broadcast_in_dim3A_269 : f32 to vector<16xf32>
    %swap3A_271 = arith.constant 4 : i32
    %swap3A_272 = arith.index_cast %swap3A_271 : i32 to index
    %swap3A_273 = arith.constant 16 : index
    %swap3A_274 = tpu.vector_load %arg12[%swap3A_272, %swap3A_273] {strides = array<i32>} : memref<16x128xf32, #tpu.memory_space<vmem>>, vector<1x16xf32>,
    %swap3A_275 = vector.shape_cast %swap3A_274 : vector<1x16xf32> to vector<16xf32>
    %swap3A_276 = vector.shape_cast %broadcast_in_dim3A_270 : vector<16xf32> to vector<1x16xf32>
    tpu.vector_store %arg12[%swap3A_272, %swap3A_273], %swap3A_276 {strides = array<i32>} : memref<16x128xf32, #tpu.memory_space<vmem>>, vector<1x16xf32>,
    %broadcast_in_dim3A_277 = arith.constant 0.000000e+00 : f32
    %broadcast_in_dim3A_278 = vector.broadcast %broadcast_in_dim3A_277 : f32 to vector<16xf32>
    %swap3A_279 = arith.constant 4 : i32
    %swap3A_280 = arith.index_cast %swap3A_279 : i32 to index
    %swap3A_281 = arith.constant 32 : index
    %swap3A_282 = tpu.vector_load %arg12[%swap3A_280, %swap3A_281] {strides = array<i32>} : memref<16x128xf32, #tpu.memory_space<vmem>>, vector<1x16xf32>,
    %swap3A_283 = vector.shape_cast %swap3A_282 : vector<1x16xf32> to vector<16xf32>
    %swap3A_284 = vector.shape_cast %broadcast_in_dim3A_278 : vector<16xf32> to vector<1x16xf32>
    tpu.vector_store %arg12[%swap3A_280, %swap3A_281], %swap3A_284 {strides = array<i32>} : memref<16x128xf32, #tpu.memory_space<vmem>>, vector<1x16xf32>,
    %broadcast_in_dim3A_285 = arith.constant 0.000000e+00 : f32
    %broadcast_in_dim3A_286 = vector.broadcast %broadcast_in_dim3A_285 : f32 to vector<16xf32>
    %swap3A_287 = arith.constant 4 : i32
    %swap3A_288 = arith.index_cast %swap3A_287 : i32 to index
    %swap3A_289 = arith.constant 48 : index
    %swap3A_290 = tpu.vector_load %arg12[%swap3A_288, %swap3A_289] {strides = array<i32>} : memref<16x128xf32, #tpu.memory_space<vmem>>, vector<1x16xf32>,
    %swap3A_291 = vector.shape_cast %swap3A_290 : vector<1x16xf32> to vector<16xf32>
    %swap3A_292 = vector.shape_cast %broadcast_in_dim3A_286 : vector<16xf32> to vector<1x16xf32>
    tpu.vector_store %arg12[%swap3A_288, %swap3A_289], %swap3A_292 {strides = array<i32>} : memref<16x128xf32, #tpu.memory_space<vmem>>, vector<1x16xf32>,
    %broadcast_in_dim3A_293 = arith.constant 0.000000e+00 : f32
    %broadcast_in_dim3A_294 = vector.broadcast %broadcast_in_dim3A_293 : f32 to vector<16xf32>
    %swap3A_295 = arith.constant 4 : i32
    %swap3A_296 = arith.index_cast %swap3A_295 : i32 to index
    %swap3A_297 = arith.constant 64 : index
    %swap3A_298 = tpu.vector_load %arg12[%swap3A_296, %swap3A_297] {strides = array<i32>} : memref<16x128xf32, #tpu.memory_space<vmem>>, vector<1x16xf32>,
    %swap3A_299 = vector.shape_cast %swap3A_298 : vector<1x16xf32> to vector<16xf32>
    %swap3A_300 = vector.shape_cast %broadcast_in_dim3A_294 : vector<16xf32> to vector<1x16xf32>
    tpu.vector_store %arg12[%swap3A_296, %swap3A_297], %swap3A_300 {strides = array<i32>} : memref<16x128xf32, #tpu.memory_space<vmem>>, vector<1x16xf32>,
    %broadcast_in_dim3A_301 = arith.constant 0.000000e+00 : f32
    %broadcast_in_dim3A_302 = vector.broadcast %broadcast_in_dim3A_301 : f32 to vector<16xf32>
    %swap3A_303 = arith.constant 4 : i32
    %swap3A_304 = arith.index_cast %swap3A_303 : i32 to index
    %swap3A_305 = arith.constant 80 : index
    %swap3A_306 = tpu.vector_load %arg12[%swap3A_304, %swap3A_305] {strides = array<i32>} : memref<16x128xf32, #tpu.memory_space<vmem>>, vector<1x16xf32>,
    %swap3A_307 = vector.shape_cast %swap3A_306 : vector<1x16xf32> to vector<16xf32>
    %swap3A_308 = vector.shape_cast %broadcast_in_dim3A_302 : vector<16xf32> to vector<1x16xf32>
    tpu.vector_store %arg12[%swap3A_304, %swap3A_305], %swap3A_308 {strides = array<i32>} : memref<16x128xf32, #tpu.memory_space<vmem>>, vector<1x16xf32>,
    %broadcast_in_dim3A_309 = arith.constant 0.000000e+00 : f32
    %broadcast_in_dim3A_310 = vector.broadcast %broadcast_in_dim3A_309 : f32 to vector<16xf32>
    %swap3A_311 = arith.constant 4 : i32
    %swap3A_312 = arith.index_cast %swap3A_311 : i32 to index
    %swap3A_313 = arith.constant 96 : index
    %swap3A_314 = tpu.vector_load %arg12[%swap3A_312, %swap3A_313] {strides = array<i32>} : memref<16x128xf32, #tpu.memory_space<vmem>>, vector<1x16xf32>,
    %swap3A_315 = vector.shape_cast %swap3A_314 : vector<1x16xf32> to vector<16xf32>
    %swap3A_316 = vector.shape_cast %broadcast_in_dim3A_310 : vector<16xf32> to vector<1x16xf32>
    tpu.vector_store %arg12[%swap3A_312, %swap3A_313], %swap3A_316 {strides = array<i32>} : memref<16x128xf32, #tpu.memory_space<vmem>>, vector<1x16xf32>,
    %broadcast_in_dim3A_317 = arith.constant 0.000000e+00 : f32
    %broadcast_in_dim3A_318 = vector.broadcast %broadcast_in_dim3A_317 : f32 to vector<16xf32>
    %swap3A_319 = arith.constant 4 : i32
    %swap3A_320 = arith.index_cast %swap3A_319 : i32 to index
    %swap3A_321 = arith.constant 112 : index
    %swap3A_322 = tpu.vector_load %arg12[%swap3A_320, %swap3A_321] {strides = array<i32>} : memref<16x128xf32, #tpu.memory_space<vmem>>, vector<1x16xf32>,
    %swap3A_323 = vector.shape_cast %swap3A_322 : vector<1x16xf32> to vector<16xf32>
    %swap3A_324 = vector.shape_cast %broadcast_in_dim3A_318 : vector<16xf32> to vector<1x16xf32>
    tpu.vector_store %arg12[%swap3A_320, %swap3A_321], %swap3A_324 {strides = array<i32>} : memref<16x128xf32, #tpu.memory_space<vmem>>, vector<1x16xf32>,
    %broadcast_in_dim3A_325 = arith.constant 0.000000e+00 : f32
    %broadcast_in_dim3A_326 = vector.broadcast %broadcast_in_dim3A_325 : f32 to vector<16xf32>
    %swap3A_327 = arith.constant 5 : i32
    %swap3A_328 = arith.index_cast %swap3A_327 : i32 to index
    %swap3A_329 = arith.constant 0 : index
    %swap3A_330 = tpu.vector_load %arg12[%swap3A_328, %swap3A_329] {strides = array<i32>} : memref<16x128xf32, #tpu.memory_space<vmem>>, vector<1x16xf32>,
    %swap3A_331 = vector.shape_cast %swap3A_330 : vector<1x16xf32> to vector<16xf32>
    %swap3A_332 = vector.shape_cast %broadcast_in_dim3A_326 : vector<16xf32> to vector<1x16xf32>
    tpu.vector_store %arg12[%swap3A_328, %swap3A_329], %swap3A_332 {strides = array<i32>} : memref<16x128xf32, #tpu.memory_space<vmem>>, vector<1x16xf32>,
    %broadcast_in_dim3A_333 = arith.constant 0.000000e+00 : f32
    %broadcast_in_dim3A_334 = vector.broadcast %broadcast_in_dim3A_333 : f32 to vector<16xf32>
    %swap3A_335 = arith.constant 5 : i32
    %swap3A_336 = arith.index_cast %swap3A_335 : i32 to index
    %swap3A_337 = arith.constant 16 : index
    %swap3A_338 = tpu.vector_load %arg12[%swap3A_336, %swap3A_337] {strides = array<i32>} : memref<16x128xf32, #tpu.memory_space<vmem>>, vector<1x16xf32>,
    %swap3A_339 = vector.shape_cast %swap3A_338 : vector<1x16xf32> to vector<16xf32>
    %swap3A_340 = vector.shape_cast %broadcast_in_dim3A_334 : vector<16xf32> to vector<1x16xf32>
    tpu.vector_store %arg12[%swap3A_336, %swap3A_337], %swap3A_340 {strides = array<i32>} : memref<16x128xf32, #tpu.memory_space<vmem>>, vector<1x16xf32>,
    %broadcast_in_dim3A_341 = arith.constant 0.000000e+00 : f32
    %broadcast_in_dim3A_342 = vector.broadcast %broadcast_in_dim3A_341 : f32 to vector<16xf32>
    %swap3A_343 = arith.constant 5 : i32
    %swap3A_344 = arith.index_cast %swap3A_343 : i32 to index
    %swap3A_345 = arith.constant 32 : index
    %swap3A_346 = tpu.vector_load %arg12[%swap3A_344, %swap3A_345] {strides = array<i32>} : memref<16x128xf32, #tpu.memory_space<vmem>>, vector<1x16xf32>,
    %swap3A_347 = vector.shape_cast %swap3A_346 : vector<1x16xf32> to vector<16xf32>
    %swap3A_348 = vector.shape_cast %broadcast_in_dim3A_342 : vector<16xf32> to vector<1x16xf32>
    tpu.vector_store %arg12[%swap3A_344, %swap3A_345], %swap3A_348 {strides = array<i32>} : memref<16x128xf32, #tpu.memory_space<vmem>>, vector<1x16xf32>,
    %broadcast_in_dim3A_349 = arith.constant 0.000000e+00 : f32
    %broadcast_in_dim3A_350 = vector.broadcast %broadcast_in_dim3A_349 : f32 to vector<16xf32>
    %swap3A_351 = arith.constant 5 : i32
    %swap3A_352 = arith.index_cast %swap3A_351 : i32 to index
    %swap3A_353 = arith.constant 48 : index
    %swap3A_354 = tpu.vector_load %arg12[%swap3A_352, %swap3A_353] {strides = array<i32>} : memref<16x128xf32, #tpu.memory_space<vmem>>, vector<1x16xf32>,
    %swap3A_355 = vector.shape_cast %swap3A_354 : vector<1x16xf32> to vector<16xf32>
    %swap3A_356 = vector.shape_cast %broadcast_in_dim3A_350 : vector<16xf32> to vector<1x16xf32>
    tpu.vector_store %arg12[%swap3A_352, %swap3A_353], %swap3A_356 {strides = array<i32>} : memref<16x128xf32, #tpu.memory_space<vmem>>, vector<1x16xf32>,
    %broadcast_in_dim3A_357 = arith.constant 0.000000e+00 : f32
    %broadcast_in_dim3A_358 = vector.broadcast %broadcast_in_dim3A_357 : f32 to vector<16xf32>
    %swap3A_359 = arith.constant 5 : i32
    %swap3A_360 = arith.index_cast %swap3A_359 : i32 to index
    %swap3A_361 = arith.constant 64 : index
    %swap3A_362 = tpu.vector_load %arg12[%swap3A_360, %swap3A_361] {strides = array<i32>} : memref<16x128xf32, #tpu.memory_space<vmem>>, vector<1x16xf32>,
    %swap3A_363 = vector.shape_cast %swap3A_362 : vector<1x16xf32> to vector<16xf32>
    %swap3A_364 = vector.shape_cast %broadcast_in_dim3A_358 : vector<16xf32> to vector<1x16xf32>
    tpu.vector_store %arg12[%swap3A_360, %swap3A_361], %swap3A_364 {strides = array<i32>} : memref<16x128xf32, #tpu.memory_space<vmem>>, vector<1x16xf32>,
    %broadcast_in_dim3A_365 = arith.constant 0.000000e+00 : f32
    %broadcast_in_dim3A_366 = vector.broadcast %broadcast_in_dim3A_365 : f32 to vector<16xf32>
    %swap3A_367 = arith.constant 5 : i32
    %swap3A_368 = arith.index_cast %swap3A_367 : i32 to index
    %swap3A_369 = arith.constant 80 : index
    %swap3A_370 = tpu.vector_load %arg12[%swap3A_368, %swap3A_369] {strides = array<i32>} : memref<16x128xf32, #tpu.memory_space<vmem>>, vector<1x16xf32>,
    %swap3A_371 = vector.shape_cast %swap3A_370 : vector<1x16xf32> to vector<16xf32>
    %swap3A_372 = vector.shape_cast %broadcast_in_dim3A_366 : vector<16xf32> to vector<1x16xf32>
    tpu.vector_store %arg12[%swap3A_368, %swap3A_369], %swap3A_372 {strides = array<i32>} : memref<16x128xf32, #tpu.memory_space<vmem>>, vector<1x16xf32>,
    %broadcast_in_dim3A_373 = arith.constant 0.000000e+00 : f32
    %broadcast_in_dim3A_374 = vector.broadcast %broadcast_in_dim3A_373 : f32 to vector<16xf32>
    %swap3A_375 = arith.constant 5 : i32
    %swap3A_376 = arith.index_cast %swap3A_375 : i32 to index
    %swap3A_377 = arith.constant 96 : index
    %swap3A_378 = tpu.vector_load %arg12[%swap3A_376, %swap3A_377] {strides = array<i32>} : memref<16x128xf32, #tpu.memory_space<vmem>>, vector<1x16xf32>,
    %swap3A_379 = vector.shape_cast %swap3A_378 : vector<1x16xf32> to vector<16xf32>
    %swap3A_380 = vector.shape_cast %broadcast_in_dim3A_374 : vector<16xf32> to vector<1x16xf32>
    tpu.vector_store %arg12[%swap3A_376, %swap3A_377], %swap3A_380 {strides = array<i32>} : memref<16x128xf32, #tpu.memory_space<vmem>>, vector<1x16xf32>,
    %broadcast_in_dim3A_381 = arith.constant 0.000000e+00 : f32
    %broadcast_in_dim3A_382 = vector.broadcast %broadcast_in_dim3A_381 : f32 to vector<16xf32>
    %swap3A_383 = arith.constant 5 : i32
    %swap3A_384 = arith.index_cast %swap3A_383 : i32 to index
    %swap3A_385 = arith.constant 112 : index
    %swap3A_386 = tpu.vector_load %arg12[%swap3A_384, %swap3A_385] {strides = array<i32>} : memref<16x128xf32, #tpu.memory_space<vmem>>, vector<1x16xf32>,
    %swap3A_387 = vector.shape_cast %swap3A_386 : vector<1x16xf32> to vector<16xf32>
    %swap3A_388 = vector.shape_cast %broadcast_in_dim3A_382 : vector<16xf32> to vector<1x16xf32>
    tpu.vector_store %arg12[%swap3A_384, %swap3A_385], %swap3A_388 {strides = array<i32>} : memref<16x128xf32, #tpu.memory_space<vmem>>, vector<1x16xf32>,
    %broadcast_in_dim3A_389 = arith.constant 0.000000e+00 : f32
    %broadcast_in_dim3A_390 = vector.broadcast %broadcast_in_dim3A_389 : f32 to vector<16xf32>
    %swap3A_391 = arith.constant 6 : i32
    %swap3A_392 = arith.index_cast %swap3A_391 : i32 to index
    %swap3A_393 = arith.constant 0 : index
    %swap3A_394 = tpu.vector_load %arg12[%swap3A_392, %swap3A_393] {strides = array<i32>} : memref<16x128xf32, #tpu.memory_space<vmem>>, vector<1x16xf32>,
    %swap3A_395 = vector.shape_cast %swap3A_394 : vector<1x16xf32> to vector<16xf32>
    %swap3A_396 = vector.shape_cast %broadcast_in_dim3A_390 : vector<16xf32> to vector<1x16xf32>
    tpu.vector_store %arg12[%swap3A_392, %swap3A_393], %swap3A_396 {strides = array<i32>} : memref<16x128xf32, #tpu.memory_space<vmem>>, vector<1x16xf32>,
    %broadcast_in_dim3A_397 = arith.constant 0.000000e+00 : f32
    %broadcast_in_dim3A_398 = vector.broadcast %broadcast_in_dim3A_397 : f32 to vector<16xf32>
    %swap3A_399 = arith.constant 6 : i32
    %swap3A_400 = arith.index_cast %swap3A_399 : i32 to index
    %swap3A_401 = arith.constant 16 : index
    %swap3A_402 = tpu.vector_load %arg12[%swap3A_400, %swap3A_401] {strides = array<i32>} : memref<16x128xf32, #tpu.memory_space<vmem>>, vector<1x16xf32>,
    %swap3A_403 = vector.shape_cast %swap3A_402 : vector<1x16xf32> to vector<16xf32>
    %swap3A_404 = vector.shape_cast %broadcast_in_dim3A_398 : vector<16xf32> to vector<1x16xf32>
    tpu.vector_store %arg12[%swap3A_400, %swap3A_401], %swap3A_404 {strides = array<i32>} : memref<16x128xf32, #tpu.memory_space<vmem>>, vector<1x16xf32>,
    %broadcast_in_dim3A_405 = arith.constant 0.000000e+00 : f32
    %broadcast_in_dim3A_406 = vector.broadcast %broadcast_in_dim3A_405 : f32 to vector<16xf32>
    %swap3A_407 = arith.constant 6 : i32
    %swap3A_408 = arith.index_cast %swap3A_407 : i32 to index
    %swap3A_409 = arith.constant 32 : index
    %swap3A_410 = tpu.vector_load %arg12[%swap3A_408, %swap3A_409] {strides = array<i32>} : memref<16x128xf32, #tpu.memory_space<vmem>>, vector<1x16xf32>,
    %swap3A_411 = vector.shape_cast %swap3A_410 : vector<1x16xf32> to vector<16xf32>
    %swap3A_412 = vector.shape_cast %broadcast_in_dim3A_406 : vector<16xf32> to vector<1x16xf32>
    tpu.vector_store %arg12[%swap3A_408, %swap3A_409], %swap3A_412 {strides = array<i32>} : memref<16x128xf32, #tpu.memory_space<vmem>>, vector<1x16xf32>,
    %broadcast_in_dim3A_413 = arith.constant 0.000000e+00 : f32
    %broadcast_in_dim3A_414 = vector.broadcast %broadcast_in_dim3A_413 : f32 to vector<16xf32>
    %swap3A_415 = arith.constant 6 : i32
    %swap3A_416 = arith.index_cast %swap3A_415 : i32 to index
    %swap3A_417 = arith.constant 48 : index
    %swap3A_418 = tpu.vector_load %arg12[%swap3A_416, %swap3A_417] {strides = array<i32>} : memref<16x128xf32, #tpu.memory_space<vmem>>, vector<1x16xf32>,
    %swap3A_419 = vector.shape_cast %swap3A_418 : vector<1x16xf32> to vector<16xf32>
    %swap3A_420 = vector.shape_cast %broadcast_in_dim3A_414 : vector<16xf32> to vector<1x16xf32>
    tpu.vector_store %arg12[%swap3A_416, %swap3A_417], %swap3A_420 {strides = array<i32>} : memref<16x128xf32, #tpu.memory_space<vmem>>, vector<1x16xf32>,
    %broadcast_in_dim3A_421 = arith.constant 0.000000e+00 : f32
    %broadcast_in_dim3A_422 = vector.broadcast %broadcast_in_dim3A_421 : f32 to vector<16xf32>
    %swap3A_423 = arith.constant 6 : i32
    %swap3A_424 = arith.index_cast %swap3A_423 : i32 to index
    %swap3A_425 = arith.constant 64 : index
    %swap3A_426 = tpu.vector_load %arg12[%swap3A_424, %swap3A_425] {strides = array<i32>} : memref<16x128xf32, #tpu.memory_space<vmem>>, vector<1x16xf32>,
    %swap3A_427 = vector.shape_cast %swap3A_426 : vector<1x16xf32> to vector<16xf32>
    %swap3A_428 = vector.shape_cast %broadcast_in_dim3A_422 : vector<16xf32> to vector<1x16xf32>
    tpu.vector_store %arg12[%swap3A_424, %swap3A_425], %swap3A_428 {strides = array<i32>} : memref<16x128xf32, #tpu.memory_space<vmem>>, vector<1x16xf32>,
    %broadcast_in_dim3A_429 = arith.constant 0.000000e+00 : f32
    %broadcast_in_dim3A_430 = vector.broadcast %broadcast_in_dim3A_429 : f32 to vector<16xf32>
    %swap3A_431 = arith.constant 6 : i32
    %swap3A_432 = arith.index_cast %swap3A_431 : i32 to index
    %swap3A_433 = arith.constant 80 : index
    %swap3A_434 = tpu.vector_load %arg12[%swap3A_432, %swap3A_433] {strides = array<i32>} : memref<16x128xf32, #tpu.memory_space<vmem>>, vector<1x16xf32>,
    %swap3A_435 = vector.shape_cast %swap3A_434 : vector<1x16xf32> to vector<16xf32>
    %swap3A_436 = vector.shape_cast %broadcast_in_dim3A_430 : vector<16xf32> to vector<1x16xf32>
    tpu.vector_store %arg12[%swap3A_432, %swap3A_433], %swap3A_436 {strides = array<i32>} : memref<16x128xf32, #tpu.memory_space<vmem>>, vector<1x16xf32>,
    %broadcast_in_dim3A_437 = arith.constant 0.000000e+00 : f32
    %broadcast_in_dim3A_438 = vector.broadcast %broadcast_in_dim3A_437 : f32 to vector<16xf32>
    %swap3A_439 = arith.constant 6 : i32
    %swap3A_440 = arith.index_cast %swap3A_439 : i32 to index
    %swap3A_441 = arith.constant 96 : index
    %swap3A_442 = tpu.vector_load %arg12[%swap3A_440, %swap3A_441] {strides = array<i32>} : memref<16x128xf32, #tpu.memory_space<vmem>>, vector<1x16xf32>,
    %swap3A_443 = vector.shape_cast %swap3A_442 : vector<1x16xf32> to vector<16xf32>
    %swap3A_444 = vector.shape_cast %broadcast_in_dim3A_438 : vector<16xf32> to vector<1x16xf32>
    tpu.vector_store %arg12[%swap3A_440, %swap3A_441], %swap3A_444 {strides = array<i32>} : memref<16x128xf32, #tpu.memory_space<vmem>>, vector<1x16xf32>,
    %broadcast_in_dim3A_445 = arith.constant 0.000000e+00 : f32
    %broadcast_in_dim3A_446 = vector.broadcast %broadcast_in_dim3A_445 : f32 to vector<16xf32>
    %swap3A_447 = arith.constant 6 : i32
    %swap3A_448 = arith.index_cast %swap3A_447 : i32 to index
    %swap3A_449 = arith.constant 112 : index
    %swap3A_450 = tpu.vector_load %arg12[%swap3A_448, %swap3A_449] {strides = array<i32>} : memref<16x128xf32, #tpu.memory_space<vmem>>, vector<1x16xf32>,
    %swap3A_451 = vector.shape_cast %swap3A_450 : vector<1x16xf32> to vector<16xf32>
    %swap3A_452 = vector.shape_cast %broadcast_in_dim3A_446 : vector<16xf32> to vector<1x16xf32>
    tpu.vector_store %arg12[%swap3A_448, %swap3A_449], %swap3A_452 {strides = array<i32>} : memref<16x128xf32, #tpu.memory_space<vmem>>, vector<1x16xf32>,
    %broadcast_in_dim3A_453 = arith.constant 0.000000e+00 : f32
    %broadcast_in_dim3A_454 = vector.broadcast %broadcast_in_dim3A_453 : f32 to vector<16xf32>
    %swap3A_455 = arith.constant 7 : i32
    %swap3A_456 = arith.index_cast %swap3A_455 : i32 to index
    %swap3A_457 = arith.constant 0 : index
    %swap3A_458 = tpu.vector_load %arg12[%swap3A_456, %swap3A_457] {strides = array<i32>} : memref<16x128xf32, #tpu.memory_space<vmem>>, vector<1x16xf32>,
    %swap3A_459 = vector.shape_cast %swap3A_458 : vector<1x16xf32> to vector<16xf32>
    %swap3A_460 = vector.shape_cast %broadcast_in_dim3A_454 : vector<16xf32> to vector<1x16xf32>
    tpu.vector_store %arg12[%swap3A_456, %swap3A_457], %swap3A_460 {strides = array<i32>} : memref<16x128xf32, #tpu.memory_space<vmem>>, vector<1x16xf32>,
    %broadcast_in_dim3A_461 = arith.constant 0.000000e+00 : f32
    %broadcast_in_dim3A_462 = vector.broadcast %broadcast_in_dim3A_461 : f32 to vector<16xf32>
    %swap3A_463 = arith.constant 7 : i32
    %swap3A_464 = arith.index_cast %swap3A_463 : i32 to index
    %swap3A_465 = arith.constant 16 : index
    %swap3A_466 = tpu.vector_load %arg12[%swap3A_464, %swap3A_465] {strides = array<i32>} : memref<16x128xf32, #tpu.memory_space<vmem>>, vector<1x16xf32>,
    %swap3A_467 = vector.shape_cast %swap3A_466 : vector<1x16xf32> to vector<16xf32>
    %swap3A_468 = vector.shape_cast %broadcast_in_dim3A_462 : vector<16xf32> to vector<1x16xf32>
    tpu.vector_store %arg12[%swap3A_464, %swap3A_465], %swap3A_468 {strides = array<i32>} : memref<16x128xf32, #tpu.memory_space<vmem>>, vector<1x16xf32>,
    %broadcast_in_dim3A_469 = arith.constant 0.000000e+00 : f32
    %broadcast_in_dim3A_470 = vector.broadcast %broadcast_in_dim3A_469 : f32 to vector<16xf32>
    %swap3A_471 = arith.constant 7 : i32
    %swap3A_472 = arith.index_cast %swap3A_471 : i32 to index
    %swap3A_473 = arith.constant 32 : index
    %swap3A_474 = tpu.vector_load %arg12[%swap3A_472, %swap3A_473] {strides = array<i32>} : memref<16x128xf32, #tpu.memory_space<vmem>>, vector<1x16xf32>,
    %swap3A_475 = vector.shape_cast %swap3A_474 : vector<1x16xf32> to vector<16xf32>
    %swap3A_476 = vector.shape_cast %broadcast_in_dim3A_470 : vector<16xf32> to vector<1x16xf32>
    tpu.vector_store %arg12[%swap3A_472, %swap3A_473], %swap3A_476 {strides = array<i32>} : memref<16x128xf32, #tpu.memory_space<vmem>>, vector<1x16xf32>,
    %broadcast_in_dim3A_477 = arith.constant 0.000000e+00 : f32
    %broadcast_in_dim3A_478 = vector.broadcast %broadcast_in_dim3A_477 : f32 to vector<16xf32>
    %swap3A_479 = arith.constant 7 : i32
    %swap3A_480 = arith.index_cast %swap3A_479 : i32 to index
    %swap3A_481 = arith.constant 48 : index
    %swap3A_482 = tpu.vector_load %arg12[%swap3A_480, %swap3A_481] {strides = array<i32>} : memref<16x128xf32, #tpu.memory_space<vmem>>, vector<1x16xf32>,
    %swap3A_483 = vector.shape_cast %swap3A_482 : vector<1x16xf32> to vector<16xf32>
    %swap3A_484 = vector.shape_cast %broadcast_in_dim3A_478 : vector<16xf32> to vector<1x16xf32>
    tpu.vector_store %arg12[%swap3A_480, %swap3A_481], %swap3A_484 {strides = array<i32>} : memref<16x128xf32, #tpu.memory_space<vmem>>, vector<1x16xf32>,
    %broadcast_in_dim3A_485 = arith.constant 0.000000e+00 : f32
    %broadcast_in_dim3A_486 = vector.broadcast %broadcast_in_dim3A_485 : f32 to vector<16xf32>
    %swap3A_487 = arith.constant 7 : i32
    %swap3A_488 = arith.index_cast %swap3A_487 : i32 to index
    %swap3A_489 = arith.constant 64 : index
    %swap3A_490 = tpu.vector_load %arg12[%swap3A_488, %swap3A_489] {strides = array<i32>} : memref<16x128xf32, #tpu.memory_space<vmem>>, vector<1x16xf32>,
    %swap3A_491 = vector.shape_cast %swap3A_490 : vector<1x16xf32> to vector<16xf32>
    %swap3A_492 = vector.shape_cast %broadcast_in_dim3A_486 : vector<16xf32> to vector<1x16xf32>
    tpu.vector_store %arg12[%swap3A_488, %swap3A_489], %swap3A_492 {strides = array<i32>} : memref<16x128xf32, #tpu.memory_space<vmem>>, vector<1x16xf32>,
    %broadcast_in_dim3A_493 = arith.constant 0.000000e+00 : f32
    %broadcast_in_dim3A_494 = vector.broadcast %broadcast_in_dim3A_493 : f32 to vector<16xf32>
    %swap3A_495 = arith.constant 7 : i32
    %swap3A_496 = arith.index_cast %swap3A_495 : i32 to index
    %swap3A_497 = arith.constant 80 : index
    %swap3A_498 = tpu.vector_load %arg12[%swap3A_496, %swap3A_497] {strides = array<i32>} : memref<16x128xf32, #tpu.memory_space<vmem>>, vector<1x16xf32>,
    %swap3A_499 = vector.shape_cast %swap3A_498 : vector<1x16xf32> to vector<16xf32>
    %swap3A_500 = vector.shape_cast %broadcast_in_dim3A_494 : vector<16xf32> to vector<1x16xf32>
    tpu.vector_store %arg12[%swap3A_496, %swap3A_497], %swap3A_500 {strides = array<i32>} : memref<16x128xf32, #tpu.memory_space<vmem>>, vector<1x16xf32>,
    %broadcast_in_dim3A_501 = arith.constant 0.000000e+00 : f32
    %broadcast_in_dim3A_502 = vector.broadcast %broadcast_in_dim3A_501 : f32 to vector<16xf32>
    %swap3A_503 = arith.constant 7 : i32
    %swap3A_504 = arith.index_cast %swap3A_503 : i32 to index
    %swap3A_505 = arith.constant 96 : index
    %swap3A_506 = tpu.vector_load %arg12[%swap3A_504, %swap3A_505] {strides = array<i32>} : memref<16x128xf32, #tpu.memory_space<vmem>>, vector<1x16xf32>,
    %swap3A_507 = vector.shape_cast %swap3A_506 : vector<1x16xf32> to vector<16xf32>
    %swap3A_508 = vector.shape_cast %broadcast_in_dim3A_502 : vector<16xf32> to vector<1x16xf32>
    tpu.vector_store %arg12[%swap3A_504, %swap3A_505], %swap3A_508 {strides = array<i32>} : memref<16x128xf32, #tpu.memory_space<vmem>>, vector<1x16xf32>,
    %broadcast_in_dim3A_509 = arith.constant 0.000000e+00 : f32
    %broadcast_in_dim3A_510 = vector.broadcast %broadcast_in_dim3A_509 : f32 to vector<16xf32>
    %swap3A_511 = arith.constant 7 : i32
    %swap3A_512 = arith.index_cast %swap3A_511 : i32 to index
    %swap3A_513 = arith.constant 112 : index
    %swap3A_514 = tpu.vector_load %arg12[%swap3A_512, %swap3A_513] {strides = array<i32>} : memref<16x128xf32, #tpu.memory_space<vmem>>, vector<1x16xf32>,
    %swap3A_515 = vector.shape_cast %swap3A_514 : vector<1x16xf32> to vector<16xf32>
    %swap3A_516 = vector.shape_cast %broadcast_in_dim3A_510 : vector<16xf32> to vector<1x16xf32>
    tpu.vector_store %arg12[%swap3A_512, %swap3A_513], %swap3A_516 {strides = array<i32>} : memref<16x128xf32, #tpu.memory_space<vmem>>, vector<1x16xf32>,
    %broadcast_in_dim3A_517 = arith.constant 0.000000e+00 : f32
    %broadcast_in_dim3A_518 = vector.broadcast %broadcast_in_dim3A_517 : f32 to vector<16xf32>
    %swap3A_519 = arith.constant 8 : i32
    %swap3A_520 = arith.index_cast %swap3A_519 : i32 to index
    %swap3A_521 = arith.constant 0 : index
    %swap3A_522 = tpu.vector_load %arg12[%swap3A_520, %swap3A_521] {strides = array<i32>} : memref<16x128xf32, #tpu.memory_space<vmem>>, vector<1x16xf32>,
    %swap3A_523 = vector.shape_cast %swap3A_522 : vector<1x16xf32> to vector<16xf32>
    %swap3A_524 = vector.shape_cast %broadcast_in_dim3A_518 : vector<16xf32> to vector<1x16xf32>
    tpu.vector_store %arg12[%swap3A_520, %swap3A_521], %swap3A_524 {strides = array<i32>} : memref<16x128xf32, #tpu.memory_space<vmem>>, vector<1x16xf32>,
    %broadcast_in_dim3A_525 = arith.constant 0.000000e+00 : f32
    %broadcast_in_dim3A_526 = vector.broadcast %broadcast_in_dim3A_525 : f32 to vector<16xf32>
    %swap3A_527 = arith.constant 8 : i32
    %swap3A_528 = arith.index_cast %swap3A_527 : i32 to index
    %swap3A_529 = arith.constant 16 : index
    %swap3A_530 = tpu.vector_load %arg12[%swap3A_528, %swap3A_529] {strides = array<i32>} : memref<16x128xf32, #tpu.memory_space<vmem>>, vector<1x16xf32>,
    %swap3A_531 = vector.shape_cast %swap3A_530 : vector<1x16xf32> to vector<16xf32>
    %swap3A_532 = vector.shape_cast %broadcast_in_dim3A_526 : vector<16xf32> to vector<1x16xf32>
    tpu.vector_store %arg12[%swap3A_528, %swap3A_529], %swap3A_532 {strides = array<i32>} : memref<16x128xf32, #tpu.memory_space<vmem>>, vector<1x16xf32>,
    %broadcast_in_dim3A_533 = arith.constant 0.000000e+00 : f32
    %broadcast_in_dim3A_534 = vector.broadcast %broadcast_in_dim3A_533 : f32 to vector<16xf32>
    %swap3A_535 = arith.constant 8 : i32
    %swap3A_536 = arith.index_cast %swap3A_535 : i32 to index
    %swap3A_537 = arith.constant 32 : index
    %swap3A_538 = tpu.vector_load %arg12[%swap3A_536, %swap3A_537] {strides = array<i32>} : memref<16x128xf32, #tpu.memory_space<vmem>>, vector<1x16xf32>,
    %swap3A_539 = vector.shape_cast %swap3A_538 : vector<1x16xf32> to vector<16xf32>
    %swap3A_540 = vector.shape_cast %broadcast_in_dim3A_534 : vector<16xf32> to vector<1x16xf32>
    tpu.vector_store %arg12[%swap3A_536, %swap3A_537], %swap3A_540 {strides = array<i32>} : memref<16x128xf32, #tpu.memory_space<vmem>>, vector<1x16xf32>,
    %broadcast_in_dim3A_541 = arith.constant 0.000000e+00 : f32
    %broadcast_in_dim3A_542 = vector.broadcast %broadcast_in_dim3A_541 : f32 to vector<16xf32>
    %swap3A_543 = arith.constant 8 : i32
    %swap3A_544 = arith.index_cast %swap3A_543 : i32 to index
    %swap3A_545 = arith.constant 48 : index
    %swap3A_546 = tpu.vector_load %arg12[%swap3A_544, %swap3A_545] {strides = array<i32>} : memref<16x128xf32, #tpu.memory_space<vmem>>, vector<1x16xf32>,
    %swap3A_547 = vector.shape_cast %swap3A_546 : vector<1x16xf32> to vector<16xf32>
    %swap3A_548 = vector.shape_cast %broadcast_in_dim3A_542 : vector<16xf32> to vector<1x16xf32>
    tpu.vector_store %arg12[%swap3A_544, %swap3A_545], %swap3A_548 {strides = array<i32>} : memref<16x128xf32, #tpu.memory_space<vmem>>, vector<1x16xf32>,
    %broadcast_in_dim3A_549 = arith.constant 0.000000e+00 : f32
    %broadcast_in_dim3A_550 = vector.broadcast %broadcast_in_dim3A_549 : f32 to vector<16xf32>
    %swap3A_551 = arith.constant 8 : i32
    %swap3A_552 = arith.index_cast %swap3A_551 : i32 to index
    %swap3A_553 = arith.constant 64 : index
    %swap3A_554 = tpu.vector_load %arg12[%swap3A_552, %swap3A_553] {strides = array<i32>} : memref<16x128xf32, #tpu.memory_space<vmem>>, vector<1x16xf32>,
    %swap3A_555 = vector.shape_cast %swap3A_554 : vector<1x16xf32> to vector<16xf32>
    %swap3A_556 = vector.shape_cast %broadcast_in_dim3A_550 : vector<16xf32> to vector<1x16xf32>
    tpu.vector_store %arg12[%swap3A_552, %swap3A_553], %swap3A_556 {strides = array<i32>} : memref<16x128xf32, #tpu.memory_space<vmem>>, vector<1x16xf32>,
    %broadcast_in_dim3A_557 = arith.constant 0.000000e+00 : f32
    %broadcast_in_dim3A_558 = vector.broadcast %broadcast_in_dim3A_557 : f32 to vector<16xf32>
    %swap3A_559 = arith.constant 8 : i32
    %swap3A_560 = arith.index_cast %swap3A_559 : i32 to index
    %swap3A_561 = arith.constant 80 : index
    %swap3A_562 = tpu.vector_load %arg12[%swap3A_560, %swap3A_561] {strides = array<i32>} : memref<16x128xf32, #tpu.memory_space<vmem>>, vector<1x16xf32>,
    %swap3A_563 = vector.shape_cast %swap3A_562 : vector<1x16xf32> to vector<16xf32>
    %swap3A_564 = vector.shape_cast %broadcast_in_dim3A_558 : vector<16xf32> to vector<1x16xf32>
    tpu.vector_store %arg12[%swap3A_560, %swap3A_561], %swap3A_564 {strides = array<i32>} : memref<16x128xf32, #tpu.memory_space<vmem>>, vector<1x16xf32>,
    %broadcast_in_dim3A_565 = arith.constant 0.000000e+00 : f32
    %broadcast_in_dim3A_566 = vector.broadcast %broadcast_in_dim3A_565 : f32 to vector<16xf32>
    %swap3A_567 = arith.constant 8 : i32
    %swap3A_568 = arith.index_cast %swap3A_567 : i32 to index
    %swap3A_569 = arith.constant 96 : index
    %swap3A_570 = tpu.vector_load %arg12[%swap3A_568, %swap3A_569] {strides = array<i32>} : memref<16x128xf32, #tpu.memory_space<vmem>>, vector<1x16xf32>,
    %swap3A_571 = vector.shape_cast %swap3A_570 : vector<1x16xf32> to vector<16xf32>
    %swap3A_572 = vector.shape_cast %broadcast_in_dim3A_566 : vector<16xf32> to vector<1x16xf32>
    tpu.vector_store %arg12[%swap3A_568, %swap3A_569], %swap3A_572 {strides = array<i32>} : memref<16x128xf32, #tpu.memory_space<vmem>>, vector<1x16xf32>,
    %broadcast_in_dim3A_573 = arith.constant 0.000000e+00 : f32
    %broadcast_in_dim3A_574 = vector.broadcast %broadcast_in_dim3A_573 : f32 to vector<16xf32>
    %swap3A_575 = arith.constant 8 : i32
    %swap3A_576 = arith.index_cast %swap3A_575 : i32 to index
    %swap3A_577 = arith.constant 112 : index
    %swap3A_578 = tpu.vector_load %arg12[%swap3A_576, %swap3A_577] {strides = array<i32>} : memref<16x128xf32, #tpu.memory_space<vmem>>, vector<1x16xf32>,
    %swap3A_579 = vector.shape_cast %swap3A_578 : vector<1x16xf32> to vector<16xf32>
    %swap3A_580 = vector.shape_cast %broadcast_in_dim3A_574 : vector<16xf32> to vector<1x16xf32>
    tpu.vector_store %arg12[%swap3A_576, %swap3A_577], %swap3A_580 {strides = array<i32>} : memref<16x128xf32, #tpu.memory_space<vmem>>, vector<1x16xf32>,
    %broadcast_in_dim3A_581 = arith.constant 0.000000e+00 : f32
    %broadcast_in_dim3A_582 = vector.broadcast %broadcast_in_dim3A_581 : f32 to vector<16xf32>
    %swap3A_583 = arith.constant 9 : i32
    %swap3A_584 = arith.index_cast %swap3A_583 : i32 to index
    %swap3A_585 = arith.constant 0 : index
    %swap3A_586 = tpu.vector_load %arg12[%swap3A_584, %swap3A_585] {strides = array<i32>} : memref<16x128xf32, #tpu.memory_space<vmem>>, vector<1x16xf32>,
    %swap3A_587 = vector.shape_cast %swap3A_586 : vector<1x16xf32> to vector<16xf32>
    %swap3A_588 = vector.shape_cast %broadcast_in_dim3A_582 : vector<16xf32> to vector<1x16xf32>
    tpu.vector_store %arg12[%swap3A_584, %swap3A_585], %swap3A_588 {strides = array<i32>} : memref<16x128xf32, #tpu.memory_space<vmem>>, vector<1x16xf32>,
    %broadcast_in_dim3A_589 = arith.constant 0.000000e+00 : f32
    %broadcast_in_dim3A_590 = vector.broadcast %broadcast_in_dim3A_589 : f32 to vector<16xf32>
    %swap3A_591 = arith.constant 9 : i32
    %swap3A_592 = arith.index_cast %swap3A_591 : i32 to index
    %swap3A_593 = arith.constant 16 : index
    %swap3A_594 = tpu.vector_load %arg12[%swap3A_592, %swap3A_593] {strides = array<i32>} : memref<16x128xf32, #tpu.memory_space<vmem>>, vector<1x16xf32>,
    %swap3A_595 = vector.shape_cast %swap3A_594 : vector<1x16xf32> to vector<16xf32>
    %swap3A_596 = vector.shape_cast %broadcast_in_dim3A_590 : vector<16xf32> to vector<1x16xf32>
    tpu.vector_store %arg12[%swap3A_592, %swap3A_593], %swap3A_596 {strides = array<i32>} : memref<16x128xf32, #tpu.memory_space<vmem>>, vector<1x16xf32>,
    %broadcast_in_dim3A_597 = arith.constant 0.000000e+00 : f32
    %broadcast_in_dim3A_598 = vector.broadcast %broadcast_in_dim3A_597 : f32 to vector<16xf32>
    %swap3A_599 = arith.constant 9 : i32
    %swap3A_600 = arith.index_cast %swap3A_599 : i32 to index
    %swap3A_601 = arith.constant 32 : index
    %swap3A_602 = tpu.vector_load %arg12[%swap3A_600, %swap3A_601] {strides = array<i32>} : memref<16x128xf32, #tpu.memory_space<vmem>>, vector<1x16xf32>,
    %swap3A_603 = vector.shape_cast %swap3A_602 : vector<1x16xf32> to vector<16xf32>
    %swap3A_604 = vector.shape_cast %broadcast_in_dim3A_598 : vector<16xf32> to vector<1x16xf32>
    tpu.vector_store %arg12[%swap3A_600, %swap3A_601], %swap3A_604 {strides = array<i32>} : memref<16x128xf32, #tpu.memory_space<vmem>>, vector<1x16xf32>,
    %broadcast_in_dim3A_605 = arith.constant 0.000000e+00 : f32
    %broadcast_in_dim3A_606 = vector.broadcast %broadcast_in_dim3A_605 : f32 to vector<16xf32>
    %swap3A_607 = arith.constant 9 : i32
    %swap3A_608 = arith.index_cast %swap3A_607 : i32 to index
    %swap3A_609 = arith.constant 48 : index
    %swap3A_610 = tpu.vector_load %arg12[%swap3A_608, %swap3A_609] {strides = array<i32>} : memref<16x128xf32, #tpu.memory_space<vmem>>, vector<1x16xf32>,
    %swap3A_611 = vector.shape_cast %swap3A_610 : vector<1x16xf32> to vector<16xf32>
    %swap3A_612 = vector.shape_cast %broadcast_in_dim3A_606 : vector<16xf32> to vector<1x16xf32>
    tpu.vector_store %arg12[%swap3A_608, %swap3A_609], %swap3A_612 {strides = array<i32>} : memref<16x128xf32, #tpu.memory_space<vmem>>, vector<1x16xf32>,
    %broadcast_in_dim3A_613 = arith.constant 0.000000e+00 : f32
    %broadcast_in_dim3A_614 = vector.broadcast %broadcast_in_dim3A_613 : f32 to vector<16xf32>
    %swap3A_615 = arith.constant 9 : i32
    %swap3A_616 = arith.index_cast %swap3A_615 : i32 to index
    %swap3A_617 = arith.constant 64 : index
    %swap3A_618 = tpu.vector_load %arg12[%swap3A_616, %swap3A_617] {strides = array<i32>} : memref<16x128xf32, #tpu.memory_space<vmem>>, vector<1x16xf32>,
    %swap3A_619 = vector.shape_cast %swap3A_618 : vector<1x16xf32> to vector<16xf32>
    %swap3A_620 = vector.shape_cast %broadcast_in_dim3A_614 : vector<16xf32> to vector<1x16xf32>
    tpu.vector_store %arg12[%swap3A_616, %swap3A_617], %swap3A_620 {strides = array<i32>} : memref<16x128xf32, #tpu.memory_space<vmem>>, vector<1x16xf32>,
    %broadcast_in_dim3A_621 = arith.constant 0.000000e+00 : f32
    %broadcast_in_dim3A_622 = vector.broadcast %broadcast_in_dim3A_621 : f32 to vector<16xf32>
    %swap3A_623 = arith.constant 9 : i32
    %swap3A_624 = arith.index_cast %swap3A_623 : i32 to index
    %swap3A_625 = arith.constant 80 : index
    %swap3A_626 = tpu.vector_load %arg12[%swap3A_624, %swap3A_625] {strides = array<i32>} : memref<16x128xf32, #tpu.memory_space<vmem>>, vector<1x16xf32>,
    %swap3A_627 = vector.shape_cast %swap3A_626 : vector<1x16xf32> to vector<16xf32>
    %swap3A_628 = vector.shape_cast %broadcast_in_dim3A_622 : vector<16xf32> to vector<1x16xf32>
    tpu.vector_store %arg12[%swap3A_624, %swap3A_625], %swap3A_628 {strides = array<i32>} : memref<16x128xf32, #tpu.memory_space<vmem>>, vector<1x16xf32>,
    %broadcast_in_dim3A_629 = arith.constant 0.000000e+00 : f32
    %broadcast_in_dim3A_630 = vector.broadcast %broadcast_in_dim3A_629 : f32 to vector<16xf32>
    %swap3A_631 = arith.constant 9 : i32
    %swap3A_632 = arith.index_cast %swap3A_631 : i32 to index
    %swap3A_633 = arith.constant 96 : index
    %swap3A_634 = tpu.vector_load %arg12[%swap3A_632, %swap3A_633] {strides = array<i32>} : memref<16x128xf32, #tpu.memory_space<vmem>>, vector<1x16xf32>,
    %swap3A_635 = vector.shape_cast %swap3A_634 : vector<1x16xf32> to vector<16xf32>
    %swap3A_636 = vector.shape_cast %broadcast_in_dim3A_630 : vector<16xf32> to vector<1x16xf32>
    tpu.vector_store %arg12[%swap3A_632, %swap3A_633], %swap3A_636 {strides = array<i32>} : memref<16x128xf32, #tpu.memory_space<vmem>>, vector<1x16xf32>,
    %broadcast_in_dim3A_637 = arith.constant 0.000000e+00 : f32
    %broadcast_in_dim3A_638 = vector.broadcast %broadcast_in_dim3A_637 : f32 to vector<16xf32>
    %swap3A_639 = arith.constant 9 : i32
    %swap3A_640 = arith.index_cast %swap3A_639 : i32 to index
    %swap3A_641 = arith.constant 112 : index
    %swap3A_642 = tpu.vector_load %arg12[%swap3A_640, %swap3A_641] {strides = array<i32>} : memref<16x128xf32, #tpu.memory_space<vmem>>, vector<1x16xf32>,
    %swap3A_643 = vector.shape_cast %swap3A_642 : vector<1x16xf32> to vector<16xf32>
    %swap3A_644 = vector.shape_cast %broadcast_in_dim3A_638 : vector<16xf32> to vector<1x16xf32>
    tpu.vector_store %arg12[%swap3A_640, %swap3A_641], %swap3A_644 {strides = array<i32>} : memref<16x128xf32, #tpu.memory_space<vmem>>, vector<1x16xf32>,
    %broadcast_in_dim3A_645 = arith.constant 0.000000e+00 : f32
    %broadcast_in_dim3A_646 = vector.broadcast %broadcast_in_dim3A_645 : f32 to vector<16xf32>
    %swap3A_647 = arith.constant 10 : i32
    %swap3A_648 = arith.index_cast %swap3A_647 : i32 to index
    %swap3A_649 = arith.constant 0 : index
    %swap3A_650 = tpu.vector_load %arg12[%swap3A_648, %swap3A_649] {strides = array<i32>} : memref<16x128xf32, #tpu.memory_space<vmem>>, vector<1x16xf32>,
    %swap3A_651 = vector.shape_cast %swap3A_650 : vector<1x16xf32> to vector<16xf32>
    %swap3A_652 = vector.shape_cast %broadcast_in_dim3A_646 : vector<16xf32> to vector<1x16xf32>
    tpu.vector_store %arg12[%swap3A_648, %swap3A_649], %swap3A_652 {strides = array<i32>} : memref<16x128xf32, #tpu.memory_space<vmem>>, vector<1x16xf32>,
    %broadcast_in_dim3A_653 = arith.constant 0.000000e+00 : f32
    %broadcast_in_dim3A_654 = vector.broadcast %broadcast_in_dim3A_653 : f32 to vector<16xf32>
    %swap3A_655 = arith.constant 10 : i32
    %swap3A_656 = arith.index_cast %swap3A_655 : i32 to index
    %swap3A_657 = arith.constant 16 : index
    %swap3A_658 = tpu.vector_load %arg12[%swap3A_656, %swap3A_657] {strides = array<i32>} : memref<16x128xf32, #tpu.memory_space<vmem>>, vector<1x16xf32>,
    %swap3A_659 = vector.shape_cast %swap3A_658 : vector<1x16xf32> to vector<16xf32>
    %swap3A_660 = vector.shape_cast %broadcast_in_dim3A_654 : vector<16xf32> to vector<1x16xf32>
    tpu.vector_store %arg12[%swap3A_656, %swap3A_657], %swap3A_660 {strides = array<i32>} : memref<16x128xf32, #tpu.memory_space<vmem>>, vector<1x16xf32>,
    %broadcast_in_dim3A_661 = arith.constant 0.000000e+00 : f32
    %broadcast_in_dim3A_662 = vector.broadcast %broadcast_in_dim3A_661 : f32 to vector<16xf32>
    %swap3A_663 = arith.constant 10 : i32
    %swap3A_664 = arith.index_cast %swap3A_663 : i32 to index
    %swap3A_665 = arith.constant 32 : index
    %swap3A_666 = tpu.vector_load %arg12[%swap3A_664, %swap3A_665] {strides = array<i32>} : memref<16x128xf32, #tpu.memory_space<vmem>>, vector<1x16xf32>,
    %swap3A_667 = vector.shape_cast %swap3A_666 : vector<1x16xf32> to vector<16xf32>
    %swap3A_668 = vector.shape_cast %broadcast_in_dim3A_662 : vector<16xf32> to vector<1x16xf32>
    tpu.vector_store %arg12[%swap3A_664, %swap3A_665], %swap3A_668 {strides = array<i32>} : memref<16x128xf32, #tpu.memory_space<vmem>>, vector<1x16xf32>,
    %broadcast_in_dim3A_669 = arith.constant 0.000000e+00 : f32
    %broadcast_in_dim3A_670 = vector.broadcast %broadcast_in_dim3A_669 : f32 to vector<16xf32>
    %swap3A_671 = arith.constant 10 : i32
    %swap3A_672 = arith.index_cast %swap3A_671 : i32 to index
    %swap3A_673 = arith.constant 48 : index
    %swap3A_674 = tpu.vector_load %arg12[%swap3A_672, %swap3A_673] {strides = array<i32>} : memref<16x128xf32, #tpu.memory_space<vmem>>, vector<1x16xf32>,
    %swap3A_675 = vector.shape_cast %swap3A_674 : vector<1x16xf32> to vector<16xf32>
    %swap3A_676 = vector.shape_cast %broadcast_in_dim3A_670 : vector<16xf32> to vector<1x16xf32>
    tpu.vector_store %arg12[%swap3A_672, %swap3A_673], %swap3A_676 {strides = array<i32>} : memref<16x128xf32, #tpu.memory_space<vmem>>, vector<1x16xf32>,
    %broadcast_in_dim3A_677 = arith.constant 0.000000e+00 : f32
    %broadcast_in_dim3A_678 = vector.broadcast %broadcast_in_dim3A_677 : f32 to vector<16xf32>
    %swap3A_679 = arith.constant 10 : i32
    %swap3A_680 = arith.index_cast %swap3A_679 : i32 to index
    %swap3A_681 = arith.constant 64 : index
    %swap3A_682 = tpu.vector_load %arg12[%swap3A_680, %swap3A_681] {strides = array<i32>} : memref<16x128xf32, #tpu.memory_space<vmem>>, vector<1x16xf32>,
    %swap3A_683 = vector.shape_cast %swap3A_682 : vector<1x16xf32> to vector<16xf32>
    %swap3A_684 = vector.shape_cast %broadcast_in_dim3A_678 : vector<16xf32> to vector<1x16xf32>
    tpu.vector_store %arg12[%swap3A_680, %swap3A_681], %swap3A_684 {strides = array<i32>} : memref<16x128xf32, #tpu.memory_space<vmem>>, vector<1x16xf32>,
    %broadcast_in_dim3A_685 = arith.constant 0.000000e+00 : f32
    %broadcast_in_dim3A_686 = vector.broadcast %broadcast_in_dim3A_685 : f32 to vector<16xf32>
    %swap3A_687 = arith.constant 10 : i32
    %swap3A_688 = arith.index_cast %swap3A_687 : i32 to index
    %swap3A_689 = arith.constant 80 : index
    %swap3A_690 = tpu.vector_load %arg12[%swap3A_688, %swap3A_689] {strides = array<i32>} : memref<16x128xf32, #tpu.memory_space<vmem>>, vector<1x16xf32>,
    %swap3A_691 = vector.shape_cast %swap3A_690 : vector<1x16xf32> to vector<16xf32>
    %swap3A_692 = vector.shape_cast %broadcast_in_dim3A_686 : vector<16xf32> to vector<1x16xf32>
    tpu.vector_store %arg12[%swap3A_688, %swap3A_689], %swap3A_692 {strides = array<i32>} : memref<16x128xf32, #tpu.memory_space<vmem>>, vector<1x16xf32>,
    %broadcast_in_dim3A_693 = arith.constant 0.000000e+00 : f32
    %broadcast_in_dim3A_694 = vector.broadcast %broadcast_in_dim3A_693 : f32 to vector<16xf32>
    %swap3A_695 = arith.constant 10 : i32
    %swap3A_696 = arith.index_cast %swap3A_695 : i32 to index
    %swap3A_697 = arith.constant 96 : index
    %swap3A_698 = tpu.vector_load %arg12[%swap3A_696, %swap3A_697] {strides = array<i32>} : memref<16x128xf32, #tpu.memory_space<vmem>>, vector<1x16xf32>,
    %swap3A_699 = vector.shape_cast %swap3A_698 : vector<1x16xf32> to vector<16xf32>
    %swap3A_700 = vector.shape_cast %broadcast_in_dim3A_694 : vector<16xf32> to vector<1x16xf32>
    tpu.vector_store %arg12[%swap3A_696, %swap3A_697], %swap3A_700 {strides = array<i32>} : memref<16x128xf32, #tpu.memory_space<vmem>>, vector<1x16xf32>,
    %broadcast_in_dim3A_701 = arith.constant 0.000000e+00 : f32
    %broadcast_in_dim3A_702 = vector.broadcast %broadcast_in_dim3A_701 : f32 to vector<16xf32>
    %swap3A_703 = arith.constant 10 : i32
    %swap3A_704 = arith.index_cast %swap3A_703 : i32 to index
    %swap3A_705 = arith.constant 112 : index
    %swap3A_706 = tpu.vector_load %arg12[%swap3A_704, %swap3A_705] {strides = array<i32>} : memref<16x128xf32, #tpu.memory_space<vmem>>, vector<1x16xf32>,
    %swap3A_707 = vector.shape_cast %swap3A_706 : vector<1x16xf32> to vector<16xf32>
    %swap3A_708 = vector.shape_cast %broadcast_in_dim3A_702 : vector<16xf32> to vector<1x16xf32>
    tpu.vector_store %arg12[%swap3A_704, %swap3A_705], %swap3A_708 {strides = array<i32>} : memref<16x128xf32, #tpu.memory_space<vmem>>, vector<1x16xf32>,
    %broadcast_in_dim3A_709 = arith.constant 0.000000e+00 : f32
    %broadcast_in_dim3A_710 = vector.broadcast %broadcast_in_dim3A_709 : f32 to vector<16xf32>
    %swap3A_711 = arith.constant 11 : i32
    %swap3A_712 = arith.index_cast %swap3A_711 : i32 to index
    %swap3A_713 = arith.constant 0 : index
    %swap3A_714 = tpu.vector_load %arg12[%swap3A_712, %swap3A_713] {strides = array<i32>} : memref<16x128xf32, #tpu.memory_space<vmem>>, vector<1x16xf32>,
    %swap3A_715 = vector.shape_cast %swap3A_714 : vector<1x16xf32> to vector<16xf32>
    %swap3A_716 = vector.shape_cast %broadcast_in_dim3A_710 : vector<16xf32> to vector<1x16xf32>
    tpu.vector_store %arg12[%swap3A_712, %swap3A_713], %swap3A_716 {strides = array<i32>} : memref<16x128xf32, #tpu.memory_space<vmem>>, vector<1x16xf32>,
    %broadcast_in_dim3A_717 = arith.constant 0.000000e+00 : f32
    %broadcast_in_dim3A_718 = vector.broadcast %broadcast_in_dim3A_717 : f32 to vector<16xf32>
    %swap3A_719 = arith.constant 11 : i32
    %swap3A_720 = arith.index_cast %swap3A_719 : i32 to index
    %swap3A_721 = arith.constant 16 : index
    %swap3A_722 = tpu.vector_load %arg12[%swap3A_720, %swap3A_721] {strides = array<i32>} : memref<16x128xf32, #tpu.memory_space<vmem>>, vector<1x16xf32>,
    %swap3A_723 = vector.shape_cast %swap3A_722 : vector<1x16xf32> to vector<16xf32>
    %swap3A_724 = vector.shape_cast %broadcast_in_dim3A_718 : vector<16xf32> to vector<1x16xf32>
    tpu.vector_store %arg12[%swap3A_720, %swap3A_721], %swap3A_724 {strides = array<i32>} : memref<16x128xf32, #tpu.memory_space<vmem>>, vector<1x16xf32>,
    %broadcast_in_dim3A_725 = arith.constant 0.000000e+00 : f32
    %broadcast_in_dim3A_726 = vector.broadcast %broadcast_in_dim3A_725 : f32 to vector<16xf32>
    %swap3A_727 = arith.constant 11 : i32
    %swap3A_728 = arith.index_cast %swap3A_727 : i32 to index
    %swap3A_729 = arith.constant 32 : index
    %swap3A_730 = tpu.vector_load %arg12[%swap3A_728, %swap3A_729] {strides = array<i32>} : memref<16x128xf32, #tpu.memory_space<vmem>>, vector<1x16xf32>,
    %swap3A_731 = vector.shape_cast %swap3A_730 : vector<1x16xf32> to vector<16xf32>
    %swap3A_732 = vector.shape_cast %broadcast_in_dim3A_726 : vector<16xf32> to vector<1x16xf32>
    tpu.vector_store %arg12[%swap3A_728, %swap3A_729], %swap3A_732 {strides = array<i32>} : memref<16x128xf32, #tpu.memory_space<vmem>>, vector<1x16xf32>,
    %broadcast_in_dim3A_733 = arith.constant 0.000000e+00 : f32
    %broadcast_in_dim3A_734 = vector.broadcast %broadcast_in_dim3A_733 : f32 to vector<16xf32>
    %swap3A_735 = arith.constant 11 : i32
    %swap3A_736 = arith.index_cast %swap3A_735 : i32 to index
    %swap3A_737 = arith.constant 48 : index
    %swap3A_738 = tpu.vector_load %arg12[%swap3A_736, %swap3A_737] {strides = array<i32>} : memref<16x128xf32, #tpu.memory_space<vmem>>, vector<1x16xf32>,
    %swap3A_739 = vector.shape_cast %swap3A_738 : vector<1x16xf32> to vector<16xf32>
    %swap3A_740 = vector.shape_cast %broadcast_in_dim3A_734 : vector<16xf32> to vector<1x16xf32>
    tpu.vector_store %arg12[%swap3A_736, %swap3A_737], %swap3A_740 {strides = array<i32>} : memref<16x128xf32, #tpu.memory_space<vmem>>, vector<1x16xf32>,
    %broadcast_in_dim3A_741 = arith.constant 0.000000e+00 : f32
    %broadcast_in_dim3A_742 = vector.broadcast %broadcast_in_dim3A_741 : f32 to vector<16xf32>
    %swap3A_743 = arith.constant 11 : i32
    %swap3A_744 = arith.index_cast %swap3A_743 : i32 to index
    %swap3A_745 = arith.constant 64 : index
    %swap3A_746 = tpu.vector_load %arg12[%swap3A_744, %swap3A_745] {strides = array<i32>} : memref<16x128xf32, #tpu.memory_space<vmem>>, vector<1x16xf32>,
    %swap3A_747 = vector.shape_cast %swap3A_746 : vector<1x16xf32> to vector<16xf32>
    %swap3A_748 = vector.shape_cast %broadcast_in_dim3A_742 : vector<16xf32> to vector<1x16xf32>
    tpu.vector_store %arg12[%swap3A_744, %swap3A_745], %swap3A_748 {strides = array<i32>} : memref<16x128xf32, #tpu.memory_space<vmem>>, vector<1x16xf32>,
    %broadcast_in_dim3A_749 = arith.constant 0.000000e+00 : f32
    %broadcast_in_dim3A_750 = vector.broadcast %broadcast_in_dim3A_749 : f32 to vector<16xf32>
    %swap3A_751 = arith.constant 11 : i32
    %swap3A_752 = arith.index_cast %swap3A_751 : i32 to index
    %swap3A_753 = arith.constant 80 : index
    %swap3A_754 = tpu.vector_load %arg12[%swap3A_752, %swap3A_753] {strides = array<i32>} : memref<16x128xf32, #tpu.memory_space<vmem>>, vector<1x16xf32>,
    %swap3A_755 = vector.shape_cast %swap3A_754 : vector<1x16xf32> to vector<16xf32>
    %swap3A_756 = vector.shape_cast %broadcast_in_dim3A_750 : vector<16xf32> to vector<1x16xf32>
    tpu.vector_store %arg12[%swap3A_752, %swap3A_753], %swap3A_756 {strides = array<i32>} : memref<16x128xf32, #tpu.memory_space<vmem>>, vector<1x16xf32>,
    %broadcast_in_dim3A_757 = arith.constant 0.000000e+00 : f32
    %broadcast_in_dim3A_758 = vector.broadcast %broadcast_in_dim3A_757 : f32 to vector<16xf32>
    %swap3A_759 = arith.constant 11 : i32
    %swap3A_760 = arith.index_cast %swap3A_759 : i32 to index
    %swap3A_761 = arith.constant 96 : index
    %swap3A_762 = tpu.vector_load %arg12[%swap3A_760, %swap3A_761] {strides = array<i32>} : memref<16x128xf32, #tpu.memory_space<vmem>>, vector<1x16xf32>,
    %swap3A_763 = vector.shape_cast %swap3A_762 : vector<1x16xf32> to vector<16xf32>
    %swap3A_764 = vector.shape_cast %broadcast_in_dim3A_758 : vector<16xf32> to vector<1x16xf32>
    tpu.vector_store %arg12[%swap3A_760, %swap3A_761], %swap3A_764 {strides = array<i32>} : memref<16x128xf32, #tpu.memory_space<vmem>>, vector<1x16xf32>,
    %broadcast_in_dim3A_765 = arith.constant 0.000000e+00 : f32
    %broadcast_in_dim3A_766 = vector.broadcast %broadcast_in_dim3A_765 : f32 to vector<16xf32>
    %swap3A_767 = arith.constant 11 : i32
    %swap3A_768 = arith.index_cast %swap3A_767 : i32 to index
    %swap3A_769 = arith.constant 112 : index
    %swap3A_770 = tpu.vector_load %arg12[%swap3A_768, %swap3A_769] {strides = array<i32>} : memref<16x128xf32, #tpu.memory_space<vmem>>, vector<1x16xf32>,
    %swap3A_771 = vector.shape_cast %swap3A_770 : vector<1x16xf32> to vector<16xf32>
    %swap3A_772 = vector.shape_cast %broadcast_in_dim3A_766 : vector<16xf32> to vector<1x16xf32>
    tpu.vector_store %arg12[%swap3A_768, %swap3A_769], %swap3A_772 {strides = array<i32>} : memref<16x128xf32, #tpu.memory_space<vmem>>, vector<1x16xf32>,
    %broadcast_in_dim3A_773 = arith.constant 0.000000e+00 : f32
    %broadcast_in_dim3A_774 = vector.broadcast %broadcast_in_dim3A_773 : f32 to vector<16xf32>
    %swap3A_775 = arith.constant 12 : i32
    %swap3A_776 = arith.index_cast %swap3A_775 : i32 to index
    %swap3A_777 = arith.constant 0 : index
    %swap3A_778 = tpu.vector_load %arg12[%swap3A_776, %swap3A_777] {strides = array<i32>} : memref<16x128xf32, #tpu.memory_space<vmem>>, vector<1x16xf32>,
    %swap3A_779 = vector.shape_cast %swap3A_778 : vector<1x16xf32> to vector<16xf32>
    %swap3A_780 = vector.shape_cast %broadcast_in_dim3A_774 : vector<16xf32> to vector<1x16xf32>
    tpu.vector_store %arg12[%swap3A_776, %swap3A_777], %swap3A_780 {strides = array<i32>} : memref<16x128xf32, #tpu.memory_space<vmem>>, vector<1x16xf32>,
    %broadcast_in_dim3A_781 = arith.constant 0.000000e+00 : f32
    %broadcast_in_dim3A_782 = vector.broadcast %broadcast_in_dim3A_781 : f32 to vector<16xf32>
    %swap3A_783 = arith.constant 12 : i32
    %swap3A_784 = arith.index_cast %swap3A_783 : i32 to index
    %swap3A_785 = arith.constant 16 : index
    %swap3A_786 = tpu.vector_load %arg12[%swap3A_784, %swap3A_785] {strides = array<i32>} : memref<16x128xf32, #tpu.memory_space<vmem>>, vector<1x16xf32>,
    %swap3A_787 = vector.shape_cast %swap3A_786 : vector<1x16xf32> to vector<16xf32>
    %swap3A_788 = vector.shape_cast %broadcast_in_dim3A_782 : vector<16xf32> to vector<1x16xf32>
    tpu.vector_store %arg12[%swap3A_784, %swap3A_785], %swap3A_788 {strides = array<i32>} : memref<16x128xf32, #tpu.memory_space<vmem>>, vector<1x16xf32>,
    %broadcast_in_dim3A_789 = arith.constant 0.000000e+00 : f32
    %broadcast_in_dim3A_790 = vector.broadcast %broadcast_in_dim3A_789 : f32 to vector<16xf32>
    %swap3A_791 = arith.constant 12 : i32
    %swap3A_792 = arith.index_cast %swap3A_791 : i32 to index
    %swap3A_793 = arith.constant 32 : index
    %swap3A_794 = tpu.vector_load %arg12[%swap3A_792, %swap3A_793] {strides = array<i32>} : memref<16x128xf32, #tpu.memory_space<vmem>>, vector<1x16xf32>,
    %swap3A_795 = vector.shape_cast %swap3A_794 : vector<1x16xf32> to vector<16xf32>
    %swap3A_796 = vector.shape_cast %broadcast_in_dim3A_790 : vector<16xf32> to vector<1x16xf32>
    tpu.vector_store %arg12[%swap3A_792, %swap3A_793], %swap3A_796 {strides = array<i32>} : memref<16x128xf32, #tpu.memory_space<vmem>>, vector<1x16xf32>,
    %broadcast_in_dim3A_797 = arith.constant 0.000000e+00 : f32
    %broadcast_in_dim3A_798 = vector.broadcast %broadcast_in_dim3A_797 : f32 to vector<16xf32>
    %swap3A_799 = arith.constant 12 : i32
    %swap3A_800 = arith.index_cast %swap3A_799 : i32 to index
    %swap3A_801 = arith.constant 48 : index
    %swap3A_802 = tpu.vector_load %arg12[%swap3A_800, %swap3A_801] {strides = array<i32>} : memref<16x128xf32, #tpu.memory_space<vmem>>, vector<1x16xf32>,
    %swap3A_803 = vector.shape_cast %swap3A_802 : vector<1x16xf32> to vector<16xf32>
    %swap3A_804 = vector.shape_cast %broadcast_in_dim3A_798 : vector<16xf32> to vector<1x16xf32>
    tpu.vector_store %arg12[%swap3A_800, %swap3A_801], %swap3A_804 {strides = array<i32>} : memref<16x128xf32, #tpu.memory_space<vmem>>, vector<1x16xf32>,
    %broadcast_in_dim3A_805 = arith.constant 0.000000e+00 : f32
    %broadcast_in_dim3A_806 = vector.broadcast %broadcast_in_dim3A_805 : f32 to vector<16xf32>
    %swap3A_807 = arith.constant 12 : i32
    %swap3A_808 = arith.index_cast %swap3A_807 : i32 to index
    %swap3A_809 = arith.constant 64 : index
    %swap3A_810 = tpu.vector_load %arg12[%swap3A_808, %swap3A_809] {strides = array<i32>} : memref<16x128xf32, #tpu.memory_space<vmem>>, vector<1x16xf32>,
    %swap3A_811 = vector.shape_cast %swap3A_810 : vector<1x16xf32> to vector<16xf32>
    %swap3A_812 = vector.shape_cast %broadcast_in_dim3A_806 : vector<16xf32> to vector<1x16xf32>
    tpu.vector_store %arg12[%swap3A_808, %swap3A_809], %swap3A_812 {strides = array<i32>} : memref<16x128xf32, #tpu.memory_space<vmem>>, vector<1x16xf32>,
    %broadcast_in_dim3A_813 = arith.constant 0.000000e+00 : f32
    %broadcast_in_dim3A_814 = vector.broadcast %broadcast_in_dim3A_813 : f32 to vector<16xf32>
    %swap3A_815 = arith.constant 12 : i32
    %swap3A_816 = arith.index_cast %swap3A_815 : i32 to index
    %swap3A_817 = arith.constant 80 : index
    %swap3A_818 = tpu.vector_load %arg12[%swap3A_816, %swap3A_817] {strides = array<i32>} : memref<16x128xf32, #tpu.memory_space<vmem>>, vector<1x16xf32>,
    %swap3A_819 = vector.shape_cast %swap3A_818 : vector<1x16xf32> to vector<16xf32>
    %swap3A_820 = vector.shape_cast %broadcast_in_dim3A_814 : vector<16xf32> to vector<1x16xf32>
    tpu.vector_store %arg12[%swap3A_816, %swap3A_817], %swap3A_820 {strides = array<i32>} : memref<16x128xf32, #tpu.memory_space<vmem>>, vector<1x16xf32>,
    %broadcast_in_dim3A_821 = arith.constant 0.000000e+00 : f32
    %broadcast_in_dim3A_822 = vector.broadcast %broadcast_in_dim3A_821 : f32 to vector<16xf32>
    %swap3A_823 = arith.constant 12 : i32
    %swap3A_824 = arith.index_cast %swap3A_823 : i32 to index
    %swap3A_825 = arith.constant 96 : index
    %swap3A_826 = tpu.vector_load %arg12[%swap3A_824, %swap3A_825] {strides = array<i32>} : memref<16x128xf32, #tpu.memory_space<vmem>>, vector<1x16xf32>,
    %swap3A_827 = vector.shape_cast %swap3A_826 : vector<1x16xf32> to vector<16xf32>
    %swap3A_828 = vector.shape_cast %broadcast_in_dim3A_822 : vector<16xf32> to vector<1x16xf32>
    tpu.vector_store %arg12[%swap3A_824, %swap3A_825], %swap3A_828 {strides = array<i32>} : memref<16x128xf32, #tpu.memory_space<vmem>>, vector<1x16xf32>,
    %broadcast_in_dim3A_829 = arith.constant 0.000000e+00 : f32
    %broadcast_in_dim3A_830 = vector.broadcast %broadcast_in_dim3A_829 : f32 to vector<16xf32>
    %swap3A_831 = arith.constant 12 : i32
    %swap3A_832 = arith.index_cast %swap3A_831 : i32 to index
    %swap3A_833 = arith.constant 112 : index
    %swap3A_834 = tpu.vector_load %arg12[%swap3A_832, %swap3A_833] {strides = array<i32>} : memref<16x128xf32, #tpu.memory_space<vmem>>, vector<1x16xf32>,
    %swap3A_835 = vector.shape_cast %swap3A_834 : vector<1x16xf32> to vector<16xf32>
    %swap3A_836 = vector.shape_cast %broadcast_in_dim3A_830 : vector<16xf32> to vector<1x16xf32>
    tpu.vector_store %arg12[%swap3A_832, %swap3A_833], %swap3A_836 {strides = array<i32>} : memref<16x128xf32, #tpu.memory_space<vmem>>, vector<1x16xf32>,
    %broadcast_in_dim3A_837 = arith.constant 0.000000e+00 : f32
    %broadcast_in_dim3A_838 = vector.broadcast %broadcast_in_dim3A_837 : f32 to vector<16xf32>
    %swap3A_839 = arith.constant 13 : i32
    %swap3A_840 = arith.index_cast %swap3A_839 : i32 to index
    %swap3A_841 = arith.constant 0 : index
    %swap3A_842 = tpu.vector_load %arg12[%swap3A_840, %swap3A_841] {strides = array<i32>} : memref<16x128xf32, #tpu.memory_space<vmem>>, vector<1x16xf32>,
    %swap3A_843 = vector.shape_cast %swap3A_842 : vector<1x16xf32> to vector<16xf32>
    %swap3A_844 = vector.shape_cast %broadcast_in_dim3A_838 : vector<16xf32> to vector<1x16xf32>
    tpu.vector_store %arg12[%swap3A_840, %swap3A_841], %swap3A_844 {strides = array<i32>} : memref<16x128xf32, #tpu.memory_space<vmem>>, vector<1x16xf32>,
    %broadcast_in_dim3A_845 = arith.constant 0.000000e+00 : f32
    %broadcast_in_dim3A_846 = vector.broadcast %broadcast_in_dim3A_845 : f32 to vector<16xf32>
    %swap3A_847 = arith.constant 13 : i32
    %swap3A_848 = arith.index_cast %swap3A_847 : i32 to index
    %swap3A_849 = arith.constant 16 : index
    %swap3A_850 = tpu.vector_load %arg12[%swap3A_848, %swap3A_849] {strides = array<i32>} : memref<16x128xf32, #tpu.memory_space<vmem>>, vector<1x16xf32>,
    %swap3A_851 = vector.shape_cast %swap3A_850 : vector<1x16xf32> to vector<16xf32>
    %swap3A_852 = vector.shape_cast %broadcast_in_dim3A_846 : vector<16xf32> to vector<1x16xf32>
    tpu.vector_store %arg12[%swap3A_848, %swap3A_849], %swap3A_852 {strides = array<i32>} : memref<16x128xf32, #tpu.memory_space<vmem>>, vector<1x16xf32>,
    %broadcast_in_dim3A_853 = arith.constant 0.000000e+00 : f32
    %broadcast_in_dim3A_854 = vector.broadcast %broadcast_in_dim3A_853 : f32 to vector<16xf32>
    %swap3A_855 = arith.constant 13 : i32
    %swap3A_856 = arith.index_cast %swap3A_855 : i32 to index
    %swap3A_857 = arith.constant 32 : index
    %swap3A_858 = tpu.vector_load %arg12[%swap3A_856, %swap3A_857] {strides = array<i32>} : memref<16x128xf32, #tpu.memory_space<vmem>>, vector<1x16xf32>,
    %swap3A_859 = vector.shape_cast %swap3A_858 : vector<1x16xf32> to vector<16xf32>
    %swap3A_860 = vector.shape_cast %broadcast_in_dim3A_854 : vector<16xf32> to vector<1x16xf32>
    tpu.vector_store %arg12[%swap3A_856, %swap3A_857], %swap3A_860 {strides = array<i32>} : memref<16x128xf32, #tpu.memory_space<vmem>>, vector<1x16xf32>,
    %broadcast_in_dim3A_861 = arith.constant 0.000000e+00 : f32
    %broadcast_in_dim3A_862 = vector.broadcast %broadcast_in_dim3A_861 : f32 to vector<16xf32>
    %swap3A_863 = arith.constant 13 : i32
    %swap3A_864 = arith.index_cast %swap3A_863 : i32 to index
    %swap3A_865 = arith.constant 48 : index
    %swap3A_866 = tpu.vector_load %arg12[%swap3A_864, %swap3A_865] {strides = array<i32>} : memref<16x128xf32, #tpu.memory_space<vmem>>, vector<1x16xf32>,
    %swap3A_867 = vector.shape_cast %swap3A_866 : vector<1x16xf32> to vector<16xf32>
    %swap3A_868 = vector.shape_cast %broadcast_in_dim3A_862 : vector<16xf32> to vector<1x16xf32>
    tpu.vector_store %arg12[%swap3A_864, %swap3A_865], %swap3A_868 {strides = array<i32>} : memref<16x128xf32, #tpu.memory_space<vmem>>, vector<1x16xf32>,
    %broadcast_in_dim3A_869 = arith.constant 0.000000e+00 : f32
    %broadcast_in_dim3A_870 = vector.broadcast %broadcast_in_dim3A_869 : f32 to vector<16xf32>
    %swap3A_871 = arith.constant 13 : i32
    %swap3A_872 = arith.index_cast %swap3A_871 : i32 to index
    %swap3A_873 = arith.constant 64 : index
    %swap3A_874 = tpu.vector_load %arg12[%swap3A_872, %swap3A_873] {strides = array<i32>} : memref<16x128xf32, #tpu.memory_space<vmem>>, vector<1x16xf32>,
    %swap3A_875 = vector.shape_cast %swap3A_874 : vector<1x16xf32> to vector<16xf32>
    %swap3A_876 = vector.shape_cast %broadcast_in_dim3A_870 : vector<16xf32> to vector<1x16xf32>
    tpu.vector_store %arg12[%swap3A_872, %swap3A_873], %swap3A_876 {strides = array<i32>} : memref<16x128xf32, #tpu.memory_space<vmem>>, vector<1x16xf32>,
    %broadcast_in_dim3A_877 = arith.constant 0.000000e+00 : f32
    %broadcast_in_dim3A_878 = vector.broadcast %broadcast_in_dim3A_877 : f32 to vector<16xf32>
    %swap3A_879 = arith.constant 13 : i32
    %swap3A_880 = arith.index_cast %swap3A_879 : i32 to index
    %swap3A_881 = arith.constant 80 : index
    %swap3A_882 = tpu.vector_load %arg12[%swap3A_880, %swap3A_881] {strides = array<i32>} : memref<16x128xf32, #tpu.memory_space<vmem>>, vector<1x16xf32>,
    %swap3A_883 = vector.shape_cast %swap3A_882 : vector<1x16xf32> to vector<16xf32>
    %swap3A_884 = vector.shape_cast %broadcast_in_dim3A_878 : vector<16xf32> to vector<1x16xf32>
    tpu.vector_store %arg12[%swap3A_880, %swap3A_881], %swap3A_884 {strides = array<i32>} : memref<16x128xf32, #tpu.memory_space<vmem>>, vector<1x16xf32>,
    %broadcast_in_dim3A_885 = arith.constant 0.000000e+00 : f32
    %broadcast_in_dim3A_886 = vector.broadcast %broadcast_in_dim3A_885 : f32 to vector<16xf32>
    %swap3A_887 = arith.constant 13 : i32
    %swap3A_888 = arith.index_cast %swap3A_887 : i32 to index
    %swap3A_889 = arith.constant 96 : index
    %swap3A_890 = tpu.vector_load %arg12[%swap3A_888, %swap3A_889] {strides = array<i32>} : memref<16x128xf32, #tpu.memory_space<vmem>>, vector<1x16xf32>,
    %swap3A_891 = vector.shape_cast %swap3A_890 : vector<1x16xf32> to vector<16xf32>
    %swap3A_892 = vector.shape_cast %broadcast_in_dim3A_886 : vector<16xf32> to vector<1x16xf32>
    tpu.vector_store %arg12[%swap3A_888, %swap3A_889], %swap3A_892 {strides = array<i32>} : memref<16x128xf32, #tpu.memory_space<vmem>>, vector<1x16xf32>,
    %broadcast_in_dim3A_893 = arith.constant 0.000000e+00 : f32
    %broadcast_in_dim3A_894 = vector.broadcast %broadcast_in_dim3A_893 : f32 to vector<16xf32>
    %swap3A_895 = arith.constant 13 : i32
    %swap3A_896 = arith.index_cast %swap3A_895 : i32 to index
    %swap3A_897 = arith.constant 112 : index
    %swap3A_898 = tpu.vector_load %arg12[%swap3A_896, %swap3A_897] {strides = array<i32>} : memref<16x128xf32, #tpu.memory_space<vmem>>, vector<1x16xf32>,
    %swap3A_899 = vector.shape_cast %swap3A_898 : vector<1x16xf32> to vector<16xf32>
    %swap3A_900 = vector.shape_cast %broadcast_in_dim3A_894 : vector<16xf32> to vector<1x16xf32>
    tpu.vector_store %arg12[%swap3A_896, %swap3A_897], %swap3A_900 {strides = array<i32>} : memref<16x128xf32, #tpu.memory_space<vmem>>, vector<1x16xf32>,
    %broadcast_in_dim3A_901 = arith.constant 0.000000e+00 : f32
    %broadcast_in_dim3A_902 = vector.broadcast %broadcast_in_dim3A_901 : f32 to vector<16xf32>
    %swap3A_903 = arith.constant 14 : i32
    %swap3A_904 = arith.index_cast %swap3A_903 : i32 to index
    %swap3A_905 = arith.constant 0 : index
    %swap3A_906 = tpu.vector_load %arg12[%swap3A_904, %swap3A_905] {strides = array<i32>} : memref<16x128xf32, #tpu.memory_space<vmem>>, vector<1x16xf32>,
    %swap3A_907 = vector.shape_cast %swap3A_906 : vector<1x16xf32> to vector<16xf32>
    %swap3A_908 = vector.shape_cast %broadcast_in_dim3A_902 : vector<16xf32> to vector<1x16xf32>
    tpu.vector_store %arg12[%swap3A_904, %swap3A_905], %swap3A_908 {strides = array<i32>} : memref<16x128xf32, #tpu.memory_space<vmem>>, vector<1x16xf32>,
    %broadcast_in_dim3A_909 = arith.constant 0.000000e+00 : f32
    %broadcast_in_dim3A_910 = vector.broadcast %broadcast_in_dim3A_909 : f32 to vector<16xf32>
    %swap3A_911 = arith.constant 14 : i32
    %swap3A_912 = arith.index_cast %swap3A_911 : i32 to index
    %swap3A_913 = arith.constant 16 : index
    %swap3A_914 = tpu.vector_load %arg12[%swap3A_912, %swap3A_913] {strides = array<i32>} : memref<16x128xf32, #tpu.memory_space<vmem>>, vector<1x16xf32>,
    %swap3A_915 = vector.shape_cast %swap3A_914 : vector<1x16xf32> to vector<16xf32>
    %swap3A_916 = vector.shape_cast %broadcast_in_dim3A_910 : vector<16xf32> to vector<1x16xf32>
    tpu.vector_store %arg12[%swap3A_912, %swap3A_913], %swap3A_916 {strides = array<i32>} : memref<16x128xf32, #tpu.memory_space<vmem>>, vector<1x16xf32>,
    %broadcast_in_dim3A_917 = arith.constant 0.000000e+00 : f32
    %broadcast_in_dim3A_918 = vector.broadcast %broadcast_in_dim3A_917 : f32 to vector<16xf32>
    %swap3A_919 = arith.constant 14 : i32
    %swap3A_920 = arith.index_cast %swap3A_919 : i32 to index
    %swap3A_921 = arith.constant 32 : index
    %swap3A_922 = tpu.vector_load %arg12[%swap3A_920, %swap3A_921] {strides = array<i32>} : memref<16x128xf32, #tpu.memory_space<vmem>>, vector<1x16xf32>,
    %swap3A_923 = vector.shape_cast %swap3A_922 : vector<1x16xf32> to vector<16xf32>
    %swap3A_924 = vector.shape_cast %broadcast_in_dim3A_918 : vector<16xf32> to vector<1x16xf32>
    tpu.vector_store %arg12[%swap3A_920, %swap3A_921], %swap3A_924 {strides = array<i32>} : memref<16x128xf32, #tpu.memory_space<vmem>>, vector<1x16xf32>,
    %broadcast_in_dim3A_925 = arith.constant 0.000000e+00 : f32
    %broadcast_in_dim3A_926 = vector.broadcast %broadcast_in_dim3A_925 : f32 to vector<16xf32>
    %swap3A_927 = arith.constant 14 : i32
    %swap3A_928 = arith.index_cast %swap3A_927 : i32 to index
    %swap3A_929 = arith.constant 48 : index
    %swap3A_930 = tpu.vector_load %arg12[%swap3A_928, %swap3A_929] {strides = array<i32>} : memref<16x128xf32, #tpu.memory_space<vmem>>, vector<1x16xf32>,
    %swap3A_931 = vector.shape_cast %swap3A_930 : vector<1x16xf32> to vector<16xf32>
    %swap3A_932 = vector.shape_cast %broadcast_in_dim3A_926 : vector<16xf32> to vector<1x16xf32>
    tpu.vector_store %arg12[%swap3A_928, %swap3A_929], %swap3A_932 {strides = array<i32>} : memref<16x128xf32, #tpu.memory_space<vmem>>, vector<1x16xf32>,
    %broadcast_in_dim3A_933 = arith.constant 0.000000e+00 : f32
    %broadcast_in_dim3A_934 = vector.broadcast %broadcast_in_dim3A_933 : f32 to vector<16xf32>
    %swap3A_935 = arith.constant 14 : i32
    %swap3A_936 = arith.index_cast %swap3A_935 : i32 to index
    %swap3A_937 = arith.constant 64 : index
    %swap3A_938 = tpu.vector_load %arg12[%swap3A_936, %swap3A_937] {strides = array<i32>} : memref<16x128xf32, #tpu.memory_space<vmem>>, vector<1x16xf32>,
    %swap3A_939 = vector.shape_cast %swap3A_938 : vector<1x16xf32> to vector<16xf32>
    %swap3A_940 = vector.shape_cast %broadcast_in_dim3A_934 : vector<16xf32> to vector<1x16xf32>
    tpu.vector_store %arg12[%swap3A_936, %swap3A_937], %swap3A_940 {strides = array<i32>} : memref<16x128xf32, #tpu.memory_space<vmem>>, vector<1x16xf32>,
    %broadcast_in_dim3A_941 = arith.constant 0.000000e+00 : f32
    %broadcast_in_dim3A_942 = vector.broadcast %broadcast_in_dim3A_941 : f32 to vector<16xf32>
    %swap3A_943 = arith.constant 14 : i32
    %swap3A_944 = arith.index_cast %swap3A_943 : i32 to index
    %swap3A_945 = arith.constant 80 : index
    %swap3A_946 = tpu.vector_load %arg12[%swap3A_944, %swap3A_945] {strides = array<i32>} : memref<16x128xf32, #tpu.memory_space<vmem>>, vector<1x16xf32>,
    %swap3A_947 = vector.shape_cast %swap3A_946 : vector<1x16xf32> to vector<16xf32>
    %swap3A_948 = vector.shape_cast %broadcast_in_dim3A_942 : vector<16xf32> to vector<1x16xf32>
    tpu.vector_store %arg12[%swap3A_944, %swap3A_945], %swap3A_948 {strides = array<i32>} : memref<16x128xf32, #tpu.memory_space<vmem>>, vector<1x16xf32>,
    %broadcast_in_dim3A_949 = arith.constant 0.000000e+00 : f32
    %broadcast_in_dim3A_950 = vector.broadcast %broadcast_in_dim3A_949 : f32 to vector<16xf32>
    %swap3A_951 = arith.constant 14 : i32
    %swap3A_952 = arith.index_cast %swap3A_951 : i32 to index
    %swap3A_953 = arith.constant 96 : index
    %swap3A_954 = tpu.vector_load %arg12[%swap3A_952, %swap3A_953] {strides = array<i32>} : memref<16x128xf32, #tpu.memory_space<vmem>>, vector<1x16xf32>,
    %swap3A_955 = vector.shape_cast %swap3A_954 : vector<1x16xf32> to vector<16xf32>
    %swap3A_956 = vector.shape_cast %broadcast_in_dim3A_950 : vector<16xf32> to vector<1x16xf32>
    tpu.vector_store %arg12[%swap3A_952, %swap3A_953], %swap3A_956 {strides = array<i32>} : memref<16x128xf32, #tpu.memory_space<vmem>>, vector<1x16xf32>,
    %broadcast_in_dim3A_957 = arith.constant 0.000000e+00 : f32
    %broadcast_in_dim3A_958 = vector.broadcast %broadcast_in_dim3A_957 : f32 to vector<16xf32>
    %swap3A_959 = arith.constant 14 : i32
    %swap3A_960 = arith.index_cast %swap3A_959 : i32 to index
    %swap3A_961 = arith.constant 112 : index
    %swap3A_962 = tpu.vector_load %arg12[%swap3A_960, %swap3A_961] {strides = array<i32>} : memref<16x128xf32, #tpu.memory_space<vmem>>, vector<1x16xf32>,
    %swap3A_963 = vector.shape_cast %swap3A_962 : vector<1x16xf32> to vector<16xf32>
    %swap3A_964 = vector.shape_cast %broadcast_in_dim3A_958 : vector<16xf32> to vector<1x16xf32>
    tpu.vector_store %arg12[%swap3A_960, %swap3A_961], %swap3A_964 {strides = array<i32>} : memref<16x128xf32, #tpu.memory_space<vmem>>, vector<1x16xf32>,
    %broadcast_in_dim3A_965 = arith.constant 0.000000e+00 : f32
    %broadcast_in_dim3A_966 = vector.broadcast %broadcast_in_dim3A_965 : f32 to vector<16xf32>
    %swap3A_967 = arith.constant 15 : i32
    %swap3A_968 = arith.index_cast %swap3A_967 : i32 to index
    %swap3A_969 = arith.constant 0 : index
    %swap3A_970 = tpu.vector_load %arg12[%swap3A_968, %swap3A_969] {strides = array<i32>} : memref<16x128xf32, #tpu.memory_space<vmem>>, vector<1x16xf32>,
    %swap3A_971 = vector.shape_cast %swap3A_970 : vector<1x16xf32> to vector<16xf32>
    %swap3A_972 = vector.shape_cast %broadcast_in_dim3A_966 : vector<16xf32> to vector<1x16xf32>
    tpu.vector_store %arg12[%swap3A_968, %swap3A_969], %swap3A_972 {strides = array<i32>} : memref<16x128xf32, #tpu.memory_space<vmem>>, vector<1x16xf32>,
    %broadcast_in_dim3A_973 = arith.constant 0.000000e+00 : f32
    %broadcast_in_dim3A_974 = vector.broadcast %broadcast_in_dim3A_973 : f32 to vector<16xf32>
    %swap3A_975 = arith.constant 15 : i32
    %swap3A_976 = arith.index_cast %swap3A_975 : i32 to index
    %swap3A_977 = arith.constant 16 : index
    %swap3A_978 = tpu.vector_load %arg12[%swap3A_976, %swap3A_977] {strides = array<i32>} : memref<16x128xf32, #tpu.memory_space<vmem>>, vector<1x16xf32>,
    %swap3A_979 = vector.shape_cast %swap3A_978 : vector<1x16xf32> to vector<16xf32>
    %swap3A_980 = vector.shape_cast %broadcast_in_dim3A_974 : vector<16xf32> to vector<1x16xf32>
    tpu.vector_store %arg12[%swap3A_976, %swap3A_977], %swap3A_980 {strides = array<i32>} : memref<16x128xf32, #tpu.memory_space<vmem>>, vector<1x16xf32>,
    %broadcast_in_dim3A_981 = arith.constant 0.000000e+00 : f32
    %broadcast_in_dim3A_982 = vector.broadcast %broadcast_in_dim3A_981 : f32 to vector<16xf32>
    %swap3A_983 = arith.constant 15 : i32
    %swap3A_984 = arith.index_cast %swap3A_983 : i32 to index
    %swap3A_985 = arith.constant 32 : index
    %swap3A_986 = tpu.vector_load %arg12[%swap3A_984, %swap3A_985] {strides = array<i32>} : memref<16x128xf32, #tpu.memory_space<vmem>>, vector<1x16xf32>,
    %swap3A_987 = vector.shape_cast %swap3A_986 : vector<1x16xf32> to vector<16xf32>
    %swap3A_988 = vector.shape_cast %broadcast_in_dim3A_982 : vector<16xf32> to vector<1x16xf32>
    tpu.vector_store %arg12[%swap3A_984, %swap3A_985], %swap3A_988 {strides = array<i32>} : memref<16x128xf32, #tpu.memory_space<vmem>>, vector<1x16xf32>,
    %broadcast_in_dim3A_989 = arith.constant 0.000000e+00 : f32
    %broadcast_in_dim3A_990 = vector.broadcast %broadcast_in_dim3A_989 : f32 to vector<16xf32>
    %swap3A_991 = arith.constant 15 : i32
    %swap3A_992 = arith.index_cast %swap3A_991 : i32 to index
    %swap3A_993 = arith.constant 48 : index
    %swap3A_994 = tpu.vector_load %arg12[%swap3A_992, %swap3A_993] {strides = array<i32>} : memref<16x128xf32, #tpu.memory_space<vmem>>, vector<1x16xf32>,
    %swap3A_995 = vector.shape_cast %swap3A_994 : vector<1x16xf32> to vector<16xf32>
    %swap3A_996 = vector.shape_cast %broadcast_in_dim3A_990 : vector<16xf32> to vector<1x16xf32>
    tpu.vector_store %arg12[%swap3A_992, %swap3A_993], %swap3A_996 {strides = array<i32>} : memref<16x128xf32, #tpu.memory_space<vmem>>, vector<1x16xf32>,
    %broadcast_in_dim3A_997 = arith.constant 0.000000e+00 : f32
    %broadcast_in_dim3A_998 = vector.broadcast %broadcast_in_dim3A_997 : f32 to vector<16xf32>
    %swap3A_999 = arith.constant 15 : i32
    %swap3A_1000 = arith.index_cast %swap3A_999 : i32 to index
    %swap3A_1001 = arith.constant 64 : index
    %swap3A_1002 = tpu.vector_load %arg12[%swap3A_1000, %swap3A_1001] {strides = array<i32>} : memref<16x128xf32, #tpu.memory_space<vmem>>, vector<1x16xf32>,
    %swap3A_1003 = vector.shape_cast %swap3A_1002 : vector<1x16xf32> to vector<16xf32>
    %swap3A_1004 = vector.shape_cast %broadcast_in_dim3A_998 : vector<16xf32> to vector<1x16xf32>
    tpu.vector_store %arg12[%swap3A_1000, %swap3A_1001], %swap3A_1004 {strides = array<i32>} : memref<16x128xf32, #tpu.memory_space<vmem>>, vector<1x16xf32>,
    %broadcast_in_dim3A_1005 = arith.constant 0.000000e+00 : f32
    %broadcast_in_dim3A_1006 = vector.broadcast %broadcast_in_dim3A_1005 : f32 to vector<16xf32>
    %swap3A_1007 = arith.constant 15 : i32
    %swap3A_1008 = arith.index_cast %swap3A_1007 : i32 to index
    %swap3A_1009 = arith.constant 80 : index
    %swap3A_1010 = tpu.vector_load %arg12[%swap3A_1008, %swap3A_1009] {strides = array<i32>} : memref<16x128xf32, #tpu.memory_space<vmem>>, vector<1x16xf32>,
    %swap3A_1011 = vector.shape_cast %swap3A_1010 : vector<1x16xf32> to vector<16xf32>
    %swap3A_1012 = vector.shape_cast %broadcast_in_dim3A_1006 : vector<16xf32> to vector<1x16xf32>
    tpu.vector_store %arg12[%swap3A_1008, %swap3A_1009], %swap3A_1012 {strides = array<i32>} : memref<16x128xf32, #tpu.memory_space<vmem>>, vector<1x16xf32>,
    %broadcast_in_dim3A_1013 = arith.constant 0.000000e+00 : f32
    %broadcast_in_dim3A_1014 = vector.broadcast %broadcast_in_dim3A_1013 : f32 to vector<16xf32>
    %swap3A_1015 = arith.constant 15 : i32
    %swap3A_1016 = arith.index_cast %swap3A_1015 : i32 to index
    %swap3A_1017 = arith.constant 96 : index
    %swap3A_1018 = tpu.vector_load %arg12[%swap3A_1016, %swap3A_1017] {strides = array<i32>} : memref<16x128xf32, #tpu.memory_space<vmem>>, vector<1x16xf32>,
    %swap3A_1019 = vector.shape_cast %swap3A_1018 : vector<1x16xf32> to vector<16xf32>
    %swap3A_1020 = vector.shape_cast %broadcast_in_dim3A_1014 : vector<16xf32> to vector<1x16xf32>
    tpu.vector_store %arg12[%swap3A_1016, %swap3A_1017], %swap3A_1020 {strides = array<i32>} : memref<16x128xf32, #tpu.memory_space<vmem>>, vector<1x16xf32>,
    %broadcast_in_dim3A_1021 = arith.constant 0.000000e+00 : f32
    %broadcast_in_dim3A_1022 = vector.broadcast %broadcast_in_dim3A_1021 : f32 to vector<16xf32>
    %swap3A_1023 = arith.constant 15 : i32
    %swap3A_1024 = arith.index_cast %swap3A_1023 : i32 to index
    %swap3A_1025 = arith.constant 112 : index
    %swap3A_1026 = tpu.vector_load %arg12[%swap3A_1024, %swap3A_1025] {strides = array<i32>} : memref<16x128xf32, #tpu.memory_space<vmem>>, vector<1x16xf32>,
    %swap3A_1027 = vector.shape_cast %swap3A_1026 : vector<1x16xf32> to vector<16xf32>
    %swap3A_1028 = vector.shape_cast %broadcast_in_dim3A_1022 : vector<16xf32> to vector<1x16xf32>
    tpu.vector_store %arg12[%swap3A_1024, %swap3A_1025], %swap3A_1028 {strides = array<i32>} : memref<16x128xf32, #tpu.memory_space<vmem>>, vector<1x16xf32>,
    %mul3A_1029 = arith.constant 640 : i32
    %mul3A_1030 = arith.muli %arg1, %mul3A_1029 : i32
    %dma_start3A = tpu.memref_slice %arg3[%mul3A_2] : memref<640000xi32, #tpu.memory_space<hbm>> -> memref<10000xi32, #tpu.memory_space<hbm>>
    %dma_start3A_1031 = tpu.memref_slice %arg3[%mul3A_2] : memref<640000xi32, #tpu.memory_space<hbm>> -> memref<10000xi32, #tpu.memory_space<hbm>>
    tpu.enqueue_dma source(%dma_start3A_1031 : memref<10000xi32, #tpu.memory_space<hbm>>) target(%arg6 : memref<10000xi32, #tpu.memory_space<vmem>>) target_semaphore(%arg18 : memref<!tpu.dma_semaphore, #tpu.memory_space<semaphore_mem>>)
    %scan3A = arith.constant 0 : i32
    %scan3A_1032 = arith.constant 0 : i32
    %scan3A_1033 = arith.constant 40 : i32
    %scan3A_1034 = arith.addi %scan3A_1032, %scan3A_1033 : i32
    %scan3A_1035 = arith.constant 1 : i32
    scf.for %scan3A_1112 = %scan3A_1032 to %scan3A_1034 step %scan3A_1035  : i32 {
      %mul3A_1113 = arith.constant 16 : i32
      %mul3A_1114 = arith.muli %scan3A_1112, %mul3A_1113 : i32
      %add3A_1115 = arith.addi %mul3A_1030, %mul3A_1114 : i32
      %dma_start3A_1116 = arith.constant 0 : i32
      %dma_start3A_1117 = tpu.memref_slice %arg13[%add3A_1115, %dma_start3A_1116] : memref<10240x128xf32, #tpu.memory_space<vmem_shared>> -> memref<16x128xf32, #tpu.memory_space<vmem_shared>>
      %dma_start3A_1118 = arith.constant 0 : i32
      %dma_start3A_1119 = tpu.memref_slice %arg13[%add3A_1115, %dma_start3A_1118] : memref<10240x128xf32, #tpu.memory_space<vmem_shared>> -> memref<16x128xf32, #tpu.memory_space<vmem_shared>>
      tpu.enqueue_dma source(%arg12 : memref<16x128xf32, #tpu.memory_space<vmem>>) target(%dma_start3A_1119 : memref<16x128xf32, #tpu.memory_space<vmem_shared>>) target_semaphore(%arg19 : memref<!tpu.dma_semaphore, #tpu.memory_space<semaphore_mem>>)
    }
    %scan3A_1036 = arith.constant 40 : i32
    %scan3A_1037 = arith.constant 0 : i32
    %scan3A_1038 = arith.constant 0 : i32
    %scan3A_1039 = arith.constant 40 : i32
    %scan3A_1040 = arith.addi %scan3A_1038, %scan3A_1039 : i32
    %scan3A_1041 = arith.constant 1 : i32
    scf.for %scan3A_1112 = %scan3A_1038 to %scan3A_1040 step %scan3A_1041  : i32 {
      %dma_wait3A_1113 = arith.constant 0 : i32
      %dma_wait3A_1114 = tpu.memref_slice %arg13[%mul3A_1030, %dma_wait3A_1113] : memref<10240x128xf32, #tpu.memory_space<vmem_shared>> -> memref<16x128xf32, #tpu.memory_space<vmem_shared>>
      %dma_wait3A_1115 = arith.constant 0 : i32
      %dma_wait3A_1116 = tpu.memref_slice %arg13[%mul3A_1030, %dma_wait3A_1115] : memref<10240x128xf32, #tpu.memory_space<vmem_shared>> -> memref<16x128xf32, #tpu.memory_space<vmem_shared>>
      tpu.wait_dma2 semaphore(%arg19 : memref<!tpu.dma_semaphore, #tpu.memory_space<semaphore_mem>>) src(%arg12 : memref<16x128xf32, #tpu.memory_space<vmem>>) dst(%dma_wait3A_1116 : memref<16x128xf32, #tpu.memory_space<vmem_shared>>)
    }
    %scan3A_1042 = arith.constant 40 : i32
    %dma_wait3A = tpu.memref_slice %arg3[%mul3A_2] : memref<640000xi32, #tpu.memory_space<hbm>> -> memref<10000xi32, #tpu.memory_space<hbm>>
    %dma_wait3A_1043 = tpu.memref_slice %arg3[%mul3A_2] : memref<640000xi32, #tpu.memory_space<hbm>> -> memref<10000xi32, #tpu.memory_space<hbm>>
    tpu.wait_dma2 semaphore(%arg18 : memref<!tpu.dma_semaphore, #tpu.memory_space<semaphore_mem>>) src(%dma_wait3A_1043 : memref<10000xi32, #tpu.memory_space<hbm>>) dst(%arg6 : memref<10000xi32, #tpu.memory_space<vmem>>)
    %barrier3A = arith.constant 0 : index
    tpu.barrier barrier_id(%barrier3A)
    %add3A_1044 = arith.constant 0 : i32
    %add3A_1045 = arith.addi %add3A_6, %add3A_1044 : i32
    %dma_start3A_1046 = tpu.memref_slice %arg3[%add3A_1045] : memref<640000xi32, #tpu.memory_space<hbm>> -> memref<128xi32, #tpu.memory_space<hbm>>
    %dma_start3A_1047 = tpu.memref_slice %arg3[%add3A_1045] : memref<640000xi32, #tpu.memory_space<hbm>> -> memref<128xi32, #tpu.memory_space<hbm>>
    tpu.enqueue_dma source(%dma_start3A_1047 : memref<128xi32, #tpu.memory_space<hbm>>) target(%arg7 : memref<128xi32, #tpu.memory_space<vmem>>) target_semaphore(%arg16 : memref<!tpu.dma_semaphore, #tpu.memory_space<semaphore_mem>>)
    %dma_start3A_1048 = arith.constant 0 : i32
    %dma_start3A_1049 = tpu.memref_slice %arg6[%dma_start3A_1048] : memref<10000xi32, #tpu.memory_space<vmem>> -> memref<128xi32, #tpu.memory_space<vmem>>
    %dma_start3A_1050 = arith.constant 0 : i32
    %dma_start3A_1051 = arith.constant 0 : i32
    %dma_start3A_1052 = tpu.memref_slice %arg2[%dma_start3A_1050, %dma_start3A_1051] : memref<10240x128xf32, #tpu.memory_space<hbm>> -> memref<10240x128xf32, #tpu.memory_space<hbm>>
    tpu.enqueue_indirect_dma source(%dma_start3A_1052 : memref<10240x128xf32, #tpu.memory_space<hbm>>) target(%arg10 : memref<128x128xf32, #tpu.memory_space<vmem>>) offsets(%dma_start3A_1049 : memref<128xi32, #tpu.memory_space<vmem>>) semaphore(%arg14 : memref<!tpu.dma_semaphore, #tpu.memory_space<semaphore_mem>>)
    %add3A_1053 = arith.constant 128 : i32
    %add3A_1054 = arith.addi %add3A_6, %add3A_1053 : i32
    %dma_start3A_1055 = tpu.memref_slice %arg3[%add3A_1054] : memref<640000xi32, #tpu.memory_space<hbm>> -> memref<128xi32, #tpu.memory_space<hbm>>
    %dma_start3A_1056 = tpu.memref_slice %arg3[%add3A_1054] : memref<640000xi32, #tpu.memory_space<hbm>> -> memref<128xi32, #tpu.memory_space<hbm>>
    tpu.enqueue_dma source(%dma_start3A_1056 : memref<128xi32, #tpu.memory_space<hbm>>) target(%arg8 : memref<128xi32, #tpu.memory_space<vmem>>) target_semaphore(%arg17 : memref<!tpu.dma_semaphore, #tpu.memory_space<semaphore_mem>>)
    %dma_start3A_1057 = arith.constant 128 : i32
    %dma_start3A_1058 = tpu.memref_slice %arg6[%dma_start3A_1057] : memref<10000xi32, #tpu.memory_space<vmem>> -> memref<128xi32, #tpu.memory_space<vmem>>
    %dma_start3A_1059 = arith.constant 0 : i32
    %dma_start3A_1060 = arith.constant 0 : i32
    %dma_start3A_1061 = tpu.memref_slice %arg2[%dma_start3A_1059, %dma_start3A_1060] : memref<10240x128xf32, #tpu.memory_space<hbm>> -> memref<10240x128xf32, #tpu.memory_space<hbm>>
    tpu.enqueue_indirect_dma source(%dma_start3A_1061 : memref<10240x128xf32, #tpu.memory_space<hbm>>) target(%arg11 : memref<128x128xf32, #tpu.memory_space<vmem>>) offsets(%dma_start3A_1058 : memref<128xi32, #tpu.memory_space<vmem>>) semaphore(%arg15 : memref<!tpu.dma_semaphore, #tpu.memory_space<semaphore_mem>>)
    %scan3A_1062 = arith.constant 0 : i32
    %scan3A_1063 = arith.constant 0 : i32
    %scan3A_1064 = arith.constant 38 : i32
    %scan3A_1065 = arith.addi %scan3A_1063, %scan3A_1064 : i32
    %scan3A_1066 = arith.constant 1 : i32
    scf.for %scan3A_1112 = %scan3A_1063 to %scan3A_1065 step %scan3A_1066  : i32 {
      %mul3A_1113 = arith.constant 2 : i32
      %mul3A_1114 = arith.muli %mul3A_1113, %scan3A_1112 : i32
      %add3A_1115 = arith.constant 1 : i32
      %add3A_1116 = arith.addi %mul3A_1114, %add3A_1115 : i32
      %mul3A_1117 = arith.constant 128 : i32
      %mul3A_1118 = arith.muli %mul3A_1114, %mul3A_1117 : i32
      %dma_wait3A_1119 = tpu.memref_slice %arg6[%mul3A_1118] : memref<10000xi32, #tpu.memory_space<vmem>> -> memref<128xi32, #tpu.memory_space<vmem>>
      %dma_wait3A_1120 = arith.constant 0 : i32
      %dma_wait3A_1121 = arith.constant 0 : i32
      %dma_wait3A_1122 = tpu.memref_slice %arg2[%dma_wait3A_1120, %dma_wait3A_1121] : memref<10240x128xf32, #tpu.memory_space<hbm>> -> memref<10240x128xf32, #tpu.memory_space<hbm>>
      tpu.wait_indirect_dma semaphore(%arg14 : memref<!tpu.dma_semaphore, #tpu.memory_space<semaphore_mem>>) src(%dma_wait3A_1122 : memref<10240x128xf32, #tpu.memory_space<hbm>>) dst(%arg10 : memref<128x128xf32, #tpu.memory_space<vmem>>)
      %mul3A_1123 = arith.constant 128 : i32
      %mul3A_1124 = arith.muli %mul3A_1114, %mul3A_1123 : i32
      %add3A_1125 = arith.addi %add3A_6, %mul3A_1124 : i32
      %dma_wait3A_1126 = tpu.memref_slice %arg3[%add3A_1125] : memref<640000xi32, #tpu.memory_space<hbm>> -> memref<128xi32, #tpu.memory_space<hbm>>
      %dma_wait3A_1127 = tpu.memref_slice %arg3[%add3A_1125] : memref<640000xi32, #tpu.memory_space<hbm>> -> memref<128xi32, #tpu.memory_space<hbm>>
      tpu.wait_dma2 semaphore(%arg16 : memref<!tpu.dma_semaphore, #tpu.memory_space<semaphore_mem>>) src(%dma_wait3A_1127 : memref<128xi32, #tpu.memory_space<hbm>>) dst(%arg7 : memref<128xi32, #tpu.memory_space<vmem>>)
      "tpu.region"() ({
        %run_scoped3A = tpu.sem_alloc : memref<!tpu.dma_semaphore, #tpu.memory_space<semaphore_mem>>
        %dma_start3A_1169 = arith.constant 0 : i32
        %dma_start3A_1170 = arith.constant 0 : i32
        %dma_start3A_1171 = tpu.memref_slice %arg13[%dma_start3A_1169, %dma_start3A_1170] : memref<10240x128xf32, #tpu.memory_space<vmem_shared>> -> memref<10240x128xf32, #tpu.memory_space<vmem_shared>>
        tpu.enqueue_indirect_dma source(%arg10 : memref<128x128xf32, #tpu.memory_space<vmem>>) target(%dma_start3A_1171 : memref<10240x128xf32, #tpu.memory_space<vmem_shared>>) offsets(%arg7 : memref<128xi32, #tpu.memory_space<vmem>>) semaphore(%run_scoped3A : memref<!tpu.dma_semaphore, #tpu.memory_space<semaphore_mem>>) {add = true}
        %dma_wait3A_1172 = arith.constant 0 : i32
        %dma_wait3A_1173 = arith.constant 0 : i32
        %dma_wait3A_1174 = tpu.memref_slice %arg13[%dma_wait3A_1172, %dma_wait3A_1173] : memref<10240x128xf32, #tpu.memory_space<vmem_shared>> -> memref<10240x128xf32, #tpu.memory_space<vmem_shared>>
        tpu.wait_indirect_dma semaphore(%run_scoped3A : memref<!tpu.dma_semaphore, #tpu.memory_space<semaphore_mem>>) src(%arg10 : memref<128x128xf32, #tpu.memory_space<vmem>>) dst(%dma_wait3A_1174 : memref<10240x128xf32, #tpu.memory_space<vmem_shared>>)
        tpu.yield
      }) : () -> ()
      %add3A_1128 = arith.constant 2 : i32
      %add3A_1129 = arith.addi %mul3A_1114, %add3A_1128 : i32
      %mul3A_1130 = arith.constant 128 : i32
      %mul3A_1131 = arith.muli %add3A_1129, %mul3A_1130 : i32
      %add3A_1132 = arith.addi %add3A_6, %mul3A_1131 : i32
      %dma_start3A_1133 = tpu.memref_slice %arg3[%add3A_1132] : memref<640000xi32, #tpu.memory_space<hbm>> -> memref<128xi32, #tpu.memory_space<hbm>>
      %dma_start3A_1134 = tpu.memref_slice %arg3[%add3A_1132] : memref<640000xi32, #tpu.memory_space<hbm>> -> memref<128xi32, #tpu.memory_space<hbm>>
      tpu.enqueue_dma source(%dma_start3A_1134 : memref<128xi32, #tpu.memory_space<hbm>>) target(%arg7 : memref<128xi32, #tpu.memory_space<vmem>>) target_semaphore(%arg16 : memref<!tpu.dma_semaphore, #tpu.memory_space<semaphore_mem>>)
      %add3A_1135 = arith.constant 2 : i32
      %add3A_1136 = arith.addi %mul3A_1114, %add3A_1135 : i32
      %mul3A_1137 = arith.constant 128 : i32
      %mul3A_1138 = arith.muli %add3A_1136, %mul3A_1137 : i32
      %dma_start3A_1139 = tpu.memref_slice %arg6[%mul3A_1138] : memref<10000xi32, #tpu.memory_space<vmem>> -> memref<128xi32, #tpu.memory_space<vmem>>
      %dma_start3A_1140 = arith.constant 0 : i32
      %dma_start3A_1141 = arith.constant 0 : i32
      %dma_start3A_1142 = tpu.memref_slice %arg2[%dma_start3A_1140, %dma_start3A_1141] : memref<10240x128xf32, #tpu.memory_space<hbm>> -> memref<10240x128xf32, #tpu.memory_space<hbm>>
      tpu.enqueue_indirect_dma source(%dma_start3A_1142 : memref<10240x128xf32, #tpu.memory_space<hbm>>) target(%arg10 : memref<128x128xf32, #tpu.memory_space<vmem>>) offsets(%dma_start3A_1139 : memref<128xi32, #tpu.memory_space<vmem>>) semaphore(%arg14 : memref<!tpu.dma_semaphore, #tpu.memory_space<semaphore_mem>>)
      %mul3A_1143 = arith.constant 128 : i32
      %mul3A_1144 = arith.muli %add3A_1116, %mul3A_1143 : i32
      %dma_wait3A_1145 = tpu.memref_slice %arg6[%mul3A_1144] : memref<10000xi32, #tpu.memory_space<vmem>> -> memref<128xi32, #tpu.memory_space<vmem>>
      %dma_wait3A_1146 = arith.constant 0 : i32
      %dma_wait3A_1147 = arith.constant 0 : i32
      %dma_wait3A_1148 = tpu.memref_slice %arg2[%dma_wait3A_1146, %dma_wait3A_1147] : memref<10240x128xf32, #tpu.memory_space<hbm>> -> memref<10240x128xf32, #tpu.memory_space<hbm>>
      tpu.wait_indirect_dma semaphore(%arg15 : memref<!tpu.dma_semaphore, #tpu.memory_space<semaphore_mem>>) src(%dma_wait3A_1148 : memref<10240x128xf32, #tpu.memory_space<hbm>>) dst(%arg11 : memref<128x128xf32, #tpu.memory_space<vmem>>)
      %mul3A_1149 = arith.constant 128 : i32
      %mul3A_1150 = arith.muli %add3A_1116, %mul3A_1149 : i32
      %add3A_1151 = arith.addi %add3A_6, %mul3A_1150 : i32
      %dma_wait3A_1152 = tpu.memref_slice %arg3[%add3A_1151] : memref<640000xi32, #tpu.memory_space<hbm>> -> memref<128xi32, #tpu.memory_space<hbm>>
      %dma_wait3A_1153 = tpu.memref_slice %arg3[%add3A_1151] : memref<640000xi32, #tpu.memory_space<hbm>> -> memref<128xi32, #tpu.memory_space<hbm>>
      tpu.wait_dma2 semaphore(%arg17 : memref<!tpu.dma_semaphore, #tpu.memory_space<semaphore_mem>>) src(%dma_wait3A_1153 : memref<128xi32, #tpu.memory_space<hbm>>) dst(%arg8 : memref<128xi32, #tpu.memory_space<vmem>>)
      "tpu.region"() ({
        %run_scoped3A = tpu.sem_alloc : memref<!tpu.dma_semaphore, #tpu.memory_space<semaphore_mem>>
        %dma_start3A_1169 = arith.constant 0 : i32
        %dma_start3A_1170 = arith.constant 0 : i32
        %dma_start3A_1171 = tpu.memref_slice %arg13[%dma_start3A_1169, %dma_start3A_1170] : memref<10240x128xf32, #tpu.memory_space<vmem_shared>> -> memref<10240x128xf32, #tpu.memory_space<vmem_shared>>
        tpu.enqueue_indirect_dma source(%arg11 : memref<128x128xf32, #tpu.memory_space<vmem>>) target(%dma_start3A_1171 : memref<10240x128xf32, #tpu.memory_space<vmem_shared>>) offsets(%arg8 : memref<128xi32, #tpu.memory_space<vmem>>) semaphore(%run_scoped3A : memref<!tpu.dma_semaphore, #tpu.memory_space<semaphore_mem>>) {add = true}
        %dma_wait3A_1172 = arith.constant 0 : i32
        %dma_wait3A_1173 = arith.constant 0 : i32
        %dma_wait3A_1174 = tpu.memref_slice %arg13[%dma_wait3A_1172, %dma_wait3A_1173] : memref<10240x128xf32, #tpu.memory_space<vmem_shared>> -> memref<10240x128xf32, #tpu.memory_space<vmem_shared>>
        tpu.wait_indirect_dma semaphore(%run_scoped3A : memref<!tpu.dma_semaphore, #tpu.memory_space<semaphore_mem>>) src(%arg11 : memref<128x128xf32, #tpu.memory_space<vmem>>) dst(%dma_wait3A_1174 : memref<10240x128xf32, #tpu.memory_space<vmem_shared>>)
        tpu.yield
      }) : () -> ()
      %add3A_1154 = arith.constant 2 : i32
      %add3A_1155 = arith.addi %add3A_1116, %add3A_1154 : i32
      %mul3A_1156 = arith.constant 128 : i32
      %mul3A_1157 = arith.muli %add3A_1155, %mul3A_1156 : i32
      %add3A_1158 = arith.addi %add3A_6, %mul3A_1157 : i32
      %dma_start3A_1159 = tpu.memref_slice %arg3[%add3A_1158] : memref<640000xi32, #tpu.memory_space<hbm>> -> memref<128xi32, #tpu.memory_space<hbm>>
      %dma_start3A_1160 = tpu.memref_slice %arg3[%add3A_1158] : memref<640000xi32, #tpu.memory_space<hbm>> -> memref<128xi32, #tpu.memory_space<hbm>>
      tpu.enqueue_dma source(%dma_start3A_1160 : memref<128xi32, #tpu.memory_space<hbm>>) target(%arg8 : memref<128xi32, #tpu.memory_space<vmem>>) target_semaphore(%arg17 : memref<!tpu.dma_semaphore, #tpu.memory_space<semaphore_mem>>)
      %add3A_1161 = arith.constant 2 : i32
      %add3A_1162 = arith.addi %add3A_1116, %add3A_1161 : i32
      %mul3A_1163 = arith.constant 128 : i32
      %mul3A_1164 = arith.muli %add3A_1162, %mul3A_1163 : i32
      %dma_start3A_1165 = tpu.memref_slice %arg6[%mul3A_1164] : memref<10000xi32, #tpu.memory_space<vmem>> -> memref<128xi32, #tpu.memory_space<vmem>>
      %dma_start3A_1166 = arith.constant 0 : i32
      %dma_start3A_1167 = arith.constant 0 : i32
      %dma_start3A_1168 = tpu.memref_slice %arg2[%dma_start3A_1166, %dma_start3A_1167] : memref<10240x128xf32, #tpu.memory_space<hbm>> -> memref<10240x128xf32, #tpu.memory_space<hbm>>
      tpu.enqueue_indirect_dma source(%dma_start3A_1168 : memref<10240x128xf32, #tpu.memory_space<hbm>>) target(%arg11 : memref<128x128xf32, #tpu.memory_space<vmem>>) offsets(%dma_start3A_1165 : memref<128xi32, #tpu.memory_space<vmem>>) semaphore(%arg15 : memref<!tpu.dma_semaphore, #tpu.memory_space<semaphore_mem>>)
    }
    %scan3A_1067 = arith.constant 38 : i32
    %dma_wait3A_1068 = arith.constant 9728 : i32
    %dma_wait3A_1069 = tpu.memref_slice %arg6[%dma_wait3A_1068] : memref<10000xi32, #tpu.memory_space<vmem>> -> memref<128xi32, #tpu.memory_space<vmem>>
    %dma_wait3A_1070 = arith.constant 0 : i32
    %dma_wait3A_1071 = arith.constant 0 : i32
    %dma_wait3A_1072 = tpu.memref_slice %arg2[%dma_wait3A_1070, %dma_wait3A_1071] : memref<10240x128xf32, #tpu.memory_space<hbm>> -> memref<10240x128xf32, #tpu.memory_space<hbm>>
    tpu.wait_indirect_dma semaphore(%arg14 : memref<!tpu.dma_semaphore, #tpu.memory_space<semaphore_mem>>) src(%dma_wait3A_1072 : memref<10240x128xf32, #tpu.memory_space<hbm>>) dst(%arg10 : memref<128x128xf32, #tpu.memory_space<vmem>>)
    %add3A_1073 = arith.constant 9728 : i32
    %add3A_1074 = arith.addi %add3A_6, %add3A_1073 : i32
    %dma_wait3A_1075 = tpu.memref_slice %arg3[%add3A_1074] : memref<640000xi32, #tpu.memory_space<hbm>> -> memref<128xi32, #tpu.memory_space<hbm>>
    %dma_wait3A_1076 = tpu.memref_slice %arg3[%add3A_1074] : memref<640000xi32, #tpu.memory_space<hbm>> -> memref<128xi32, #tpu.memory_space<hbm>>
    tpu.wait_dma2 semaphore(%arg16 : memref<!tpu.dma_semaphore, #tpu.memory_space<semaphore_mem>>) src(%dma_wait3A_1076 : memref<128xi32, #tpu.memory_space<hbm>>) dst(%arg7 : memref<128xi32, #tpu.memory_space<vmem>>)
    "tpu.region"() ({
      %run_scoped3A = tpu.sem_alloc : memref<!tpu.dma_semaphore, #tpu.memory_space<semaphore_mem>>
      %dma_start3A_1112 = arith.constant 0 : i32
      %dma_start3A_1113 = arith.constant 0 : i32
      %dma_start3A_1114 = tpu.memref_slice %arg13[%dma_start3A_1112, %dma_start3A_1113] : memref<10240x128xf32, #tpu.memory_space<vmem_shared>> -> memref<10240x128xf32, #tpu.memory_space<vmem_shared>>
      tpu.enqueue_indirect_dma source(%arg10 : memref<128x128xf32, #tpu.memory_space<vmem>>) target(%dma_start3A_1114 : memref<10240x128xf32, #tpu.memory_space<vmem_shared>>) offsets(%arg7 : memref<128xi32, #tpu.memory_space<vmem>>) semaphore(%run_scoped3A : memref<!tpu.dma_semaphore, #tpu.memory_space<semaphore_mem>>) {add = true}
      %dma_wait3A_1115 = arith.constant 0 : i32
      %dma_wait3A_1116 = arith.constant 0 : i32
      %dma_wait3A_1117 = tpu.memref_slice %arg13[%dma_wait3A_1115, %dma_wait3A_1116] : memref<10240x128xf32, #tpu.memory_space<vmem_shared>> -> memref<10240x128xf32, #tpu.memory_space<vmem_shared>>
      tpu.wait_indirect_dma semaphore(%run_scoped3A : memref<!tpu.dma_semaphore, #tpu.memory_space<semaphore_mem>>) src(%arg10 : memref<128x128xf32, #tpu.memory_space<vmem>>) dst(%dma_wait3A_1117 : memref<10240x128xf32, #tpu.memory_space<vmem_shared>>)
      tpu.yield
    }) : () -> ()
    %dma_wait3A_1077 = arith.constant 9856 : i32
    %dma_wait3A_1078 = tpu.memref_slice %arg6[%dma_wait3A_1077] : memref<10000xi32, #tpu.memory_space<vmem>> -> memref<128xi32, #tpu.memory_space<vmem>>
    %dma_wait3A_1079 = arith.constant 0 : i32
    %dma_wait3A_1080 = arith.constant 0 : i32
    %dma_wait3A_1081 = tpu.memref_slice %arg2[%dma_wait3A_1079, %dma_wait3A_1080] : memref<10240x128xf32, #tpu.memory_space<hbm>> -> memref<10240x128xf32, #tpu.memory_space<hbm>>
    tpu.wait_indirect_dma semaphore(%arg15 : memref<!tpu.dma_semaphore, #tpu.memory_space<semaphore_mem>>) src(%dma_wait3A_1081 : memref<10240x128xf32, #tpu.memory_space<hbm>>) dst(%arg11 : memref<128x128xf32, #tpu.memory_space<vmem>>)
    %add3A_1082 = arith.constant 9856 : i32
    %add3A_1083 = arith.addi %add3A_6, %add3A_1082 : i32
    %dma_wait3A_1084 = tpu.memref_slice %arg3[%add3A_1083] : memref<640000xi32, #tpu.memory_space<hbm>> -> memref<128xi32, #tpu.memory_space<hbm>>
    %dma_wait3A_1085 = tpu.memref_slice %arg3[%add3A_1083] : memref<640000xi32, #tpu.memory_space<hbm>> -> memref<128xi32, #tpu.memory_space<hbm>>
    tpu.wait_dma2 semaphore(%arg17 : memref<!tpu.dma_semaphore, #tpu.memory_space<semaphore_mem>>) src(%dma_wait3A_1085 : memref<128xi32, #tpu.memory_space<hbm>>) dst(%arg8 : memref<128xi32, #tpu.memory_space<vmem>>)
    "tpu.region"() ({
      %run_scoped3A = tpu.sem_alloc : memref<!tpu.dma_semaphore, #tpu.memory_space<semaphore_mem>>
      %dma_start3A_1112 = arith.constant 0 : i32
      %dma_start3A_1113 = arith.constant 0 : i32
      %dma_start3A_1114 = tpu.memref_slice %arg13[%dma_start3A_1112, %dma_start3A_1113] : memref<10240x128xf32, #tpu.memory_space<vmem_shared>> -> memref<10240x128xf32, #tpu.memory_space<vmem_shared>>
      tpu.enqueue_indirect_dma source(%arg11 : memref<128x128xf32, #tpu.memory_space<vmem>>) target(%dma_start3A_1114 : memref<10240x128xf32, #tpu.memory_space<vmem_shared>>) offsets(%arg8 : memref<128xi32, #tpu.memory_space<vmem>>) semaphore(%run_scoped3A : memref<!tpu.dma_semaphore, #tpu.memory_space<semaphore_mem>>) {add = true}
      %dma_wait3A_1115 = arith.constant 0 : i32
      %dma_wait3A_1116 = arith.constant 0 : i32
      %dma_wait3A_1117 = tpu.memref_slice %arg13[%dma_wait3A_1115, %dma_wait3A_1116] : memref<10240x128xf32, #tpu.memory_space<vmem_shared>> -> memref<10240x128xf32, #tpu.memory_space<vmem_shared>>
      tpu.wait_indirect_dma semaphore(%run_scoped3A : memref<!tpu.dma_semaphore, #tpu.memory_space<semaphore_mem>>) src(%arg11 : memref<128x128xf32, #tpu.memory_space<vmem>>) dst(%dma_wait3A_1117 : memref<10240x128xf32, #tpu.memory_space<vmem_shared>>)
      tpu.yield
    }) : () -> ()
    %add3A_1086 = arith.constant 9984 : i32
    %add3A_1087 = arith.addi %add3A_6, %add3A_1086 : i32
    "tpu.region"() ({
      %run_scoped3A = tpu.sem_alloc : memref<!tpu.dma_semaphore, #tpu.memory_space<semaphore_mem>>
      %dma_start3A_1112 = tpu.memref_slice %arg3[%add3A_1087] : memref<640000xi32, #tpu.memory_space<hbm>> -> memref<16xi32, #tpu.memory_space<hbm>>
      %dma_start3A_1113 = tpu.memref_slice %arg3[%add3A_1087] : memref<640000xi32, #tpu.memory_space<hbm>> -> memref<16xi32, #tpu.memory_space<hbm>>
      tpu.enqueue_dma source(%dma_start3A_1113 : memref<16xi32, #tpu.memory_space<hbm>>) target(%arg9 : memref<16xi32, #tpu.memory_space<vmem>>) target_semaphore(%run_scoped3A : memref<!tpu.dma_semaphore, #tpu.memory_space<semaphore_mem>>)
      %dma_wait3A_1114 = tpu.memref_slice %arg3[%add3A_1087] : memref<640000xi32, #tpu.memory_space<hbm>> -> memref<16xi32, #tpu.memory_space<hbm>>
      %dma_wait3A_1115 = tpu.memref_slice %arg3[%add3A_1087] : memref<640000xi32, #tpu.memory_space<hbm>> -> memref<16xi32, #tpu.memory_space<hbm>>
      tpu.wait_dma2 semaphore(%run_scoped3A : memref<!tpu.dma_semaphore, #tpu.memory_space<semaphore_mem>>) src(%dma_wait3A_1115 : memref<16xi32, #tpu.memory_space<hbm>>) dst(%arg9 : memref<16xi32, #tpu.memory_space<vmem>>)
      tpu.yield
    }) : () -> ()
    %dma_start3A_1088 = arith.constant 0 : i32
    %dma_start3A_1089 = arith.constant 0 : i32
    %dma_start3A_1090 = tpu.memref_slice %arg10[%dma_start3A_1088, %dma_start3A_1089] : memref<128x128xf32, #tpu.memory_space<vmem>> -> memref<16x128xf32, #tpu.memory_space<vmem>>
    %dma_start3A_1091 = arith.constant 9984 : i32
    %dma_start3A_1092 = tpu.memref_slice %arg6[%dma_start3A_1091] : memref<10000xi32, #tpu.memory_space<vmem>> -> memref<16xi32, #tpu.memory_space<vmem>>
    %dma_start3A_1093 = arith.constant 0 : i32
    %dma_start3A_1094 = arith.constant 0 : i32
    %dma_start3A_1095 = tpu.memref_slice %arg2[%dma_start3A_1093, %dma_start3A_1094] : memref<10240x128xf32, #tpu.memory_space<hbm>> -> memref<10240x128xf32, #tpu.memory_space<hbm>>
    tpu.enqueue_indirect_dma source(%dma_start3A_1095 : memref<10240x128xf32, #tpu.memory_space<hbm>>) target(%dma_start3A_1090 : memref<16x128xf32, #tpu.memory_space<vmem>>) offsets(%dma_start3A_1092 : memref<16xi32, #tpu.memory_space<vmem>>) semaphore(%arg14 : memref<!tpu.dma_semaphore, #tpu.memory_space<semaphore_mem>>)
    %dma_wait3A_1096 = arith.constant 0 : i32
    %dma_wait3A_1097 = arith.constant 0 : i32
    %dma_wait3A_1098 = tpu.memref_slice %arg10[%dma_wait3A_1096, %dma_wait3A_1097] : memref<128x128xf32, #tpu.memory_space<vmem>> -> memref<16x128xf32, #tpu.memory_space<vmem>>
    %dma_wait3A_1099 = arith.constant 9984 : i32
    %dma_wait3A_1100 = tpu.memref_slice %arg6[%dma_wait3A_1099] : memref<10000xi32, #tpu.memory_space<vmem>> -> memref<16xi32, #tpu.memory_space<vmem>>
    %dma_wait3A_1101 = arith.constant 0 : i32
    %dma_wait3A_1102 = arith.constant 0 : i32
    %dma_wait3A_1103 = tpu.memref_slice %arg2[%dma_wait3A_1101, %dma_wait3A_1102] : memref<10240x128xf32, #tpu.memory_space<hbm>> -> memref<10240x128xf32, #tpu.memory_space<hbm>>
    tpu.wait_indirect_dma semaphore(%arg14 : memref<!tpu.dma_semaphore, #tpu.memory_space<semaphore_mem>>) src(%dma_wait3A_1103 : memref<10240x128xf32, #tpu.memory_space<hbm>>) dst(%dma_wait3A_1098 : memref<16x128xf32, #tpu.memory_space<vmem>>)
    "tpu.region"() ({
      %run_scoped3A = tpu.sem_alloc : memref<!tpu.dma_semaphore, #tpu.memory_space<semaphore_mem>>
      %dma_start3A_1112 = arith.constant 0 : i32
      %dma_start3A_1113 = arith.constant 0 : i32
      %dma_start3A_1114 = tpu.memref_slice %arg10[%dma_start3A_1112, %dma_start3A_1113] : memref<128x128xf32, #tpu.memory_space<vmem>> -> memref<16x128xf32, #tpu.memory_space<vmem>>
      %dma_start3A_1115 = arith.constant 0 : i32
      %dma_start3A_1116 = arith.constant 0 : i32
      %dma_start3A_1117 = tpu.memref_slice %arg13[%dma_start3A_1115, %dma_start3A_1116] : memref<10240x128xf32, #tpu.memory_space<vmem_shared>> -> memref<10240x128xf32, #tpu.memory_space<vmem_shared>>
      tpu.enqueue_indirect_dma source(%dma_start3A_1114 : memref<16x128xf32, #tpu.memory_space<vmem>>) target(%dma_start3A_1117 : memref<10240x128xf32, #tpu.memory_space<vmem_shared>>) offsets(%arg9 : memref<16xi32, #tpu.memory_space<vmem>>) semaphore(%run_scoped3A : memref<!tpu.dma_semaphore, #tpu.memory_space<semaphore_mem>>) {add = true}
      %dma_wait3A_1118 = arith.constant 0 : i32
      %dma_wait3A_1119 = arith.constant 0 : i32
      %dma_wait3A_1120 = tpu.memref_slice %arg10[%dma_wait3A_1118, %dma_wait3A_1119] : memref<128x128xf32, #tpu.memory_space<vmem>> -> memref<16x128xf32, #tpu.memory_space<vmem>>
      %dma_wait3A_1121 = arith.constant 0 : i32
      %dma_wait3A_1122 = arith.constant 0 : i32
      %dma_wait3A_1123 = tpu.memref_slice %arg13[%dma_wait3A_1121, %dma_wait3A_1122] : memref<10240x128xf32, #tpu.memory_space<vmem_shared>> -> memref<10240x128xf32, #tpu.memory_space<vmem_shared>>
      tpu.wait_indirect_dma semaphore(%run_scoped3A : memref<!tpu.dma_semaphore, #tpu.memory_space<semaphore_mem>>) src(%dma_wait3A_1120 : memref<16x128xf32, #tpu.memory_space<vmem>>) dst(%dma_wait3A_1123 : memref<10240x128xf32, #tpu.memory_space<vmem_shared>>)
      tpu.yield
    }) : () -> ()
    %barrier3A_1104 = arith.constant 0 : index
    tpu.barrier barrier_id(%barrier3A_1104)
    %eq3A = arith.constant 0 : i32
    %eq3A_1105 = arith.cmpi eq, %arg0, %eq3A : i32
    %convert_element_type3A = arith.extui %eq3A_1105 : i1 to i32
    %cond3A = arith.constant 0 : i32
    %cond3A_1106 = arith.cmpi ne, %convert_element_type3A, %cond3A : i32
    scf.if %cond3A_1106 {
      %add3A_1112 = arith.constant 0 : i32
      %add3A_1113 = arith.addi %mul3A_1030, %add3A_1112 : i32
      %dma_start3A_1114 = arith.constant 0 : i32
      %dma_start3A_1115 = tpu.memref_slice %arg13[%add3A_1113, %dma_start3A_1114] : memref<10240x128xf32, #tpu.memory_space<vmem_shared>> -> memref<128x128xf32, #tpu.memory_space<vmem_shared>>
      %dma_start3A_1116 = arith.constant 0 : i32
      %dma_start3A_1117 = tpu.memref_slice %arg13[%add3A_1113, %dma_start3A_1116] : memref<10240x128xf32, #tpu.memory_space<vmem_shared>> -> memref<128x128xf32, #tpu.memory_space<vmem_shared>>
      tpu.enqueue_dma source(%dma_start3A_1117 : memref<128x128xf32, #tpu.memory_space<vmem_shared>>) target(%arg10 : memref<128x128xf32, #tpu.memory_space<vmem>>) target_semaphore(%arg14 : memref<!tpu.dma_semaphore, #tpu.memory_space<semaphore_mem>>)
      %add3A_1118 = arith.constant 0 : i32
      %add3A_1119 = arith.addi %mul3A_1030, %add3A_1118 : i32
      %dma_wait3A_1120 = arith.constant 0 : i32
      %dma_wait3A_1121 = tpu.memref_slice %arg13[%add3A_1119, %dma_wait3A_1120] : memref<10240x128xf32, #tpu.memory_space<vmem_shared>> -> memref<128x128xf32, #tpu.memory_space<vmem_shared>>
      %dma_wait3A_1122 = arith.constant 0 : i32
      %dma_wait3A_1123 = tpu.memref_slice %arg13[%add3A_1119, %dma_wait3A_1122] : memref<10240x128xf32, #tpu.memory_space<vmem_shared>> -> memref<128x128xf32, #tpu.memory_space<vmem_shared>>
      tpu.wait_dma2 semaphore(%arg14 : memref<!tpu.dma_semaphore, #tpu.memory_space<semaphore_mem>>) src(%dma_wait3A_1123 : memref<128x128xf32, #tpu.memory_space<vmem_shared>>) dst(%arg10 : memref<128x128xf32, #tpu.memory_space<vmem>>)
      %add3A_1124 = arith.constant 128 : i32
      %add3A_1125 = arith.addi %mul3A_1030, %add3A_1124 : i32
      %dma_start3A_1126 = arith.constant 0 : i32
      %dma_start3A_1127 = tpu.memref_slice %arg13[%add3A_1125, %dma_start3A_1126] : memref<10240x128xf32, #tpu.memory_space<vmem_shared>> -> memref<128x128xf32, #tpu.memory_space<vmem_shared>>
      %dma_start3A_1128 = arith.constant 0 : i32
      %dma_start3A_1129 = tpu.memref_slice %arg13[%add3A_1125, %dma_start3A_1128] : memref<10240x128xf32, #tpu.memory_space<vmem_shared>> -> memref<128x128xf32, #tpu.memory_space<vmem_shared>>
      tpu.enqueue_dma source(%dma_start3A_1129 : memref<128x128xf32, #tpu.memory_space<vmem_shared>>) target(%arg11 : memref<128x128xf32, #tpu.memory_space<vmem>>) target_semaphore(%arg15 : memref<!tpu.dma_semaphore, #tpu.memory_space<semaphore_mem>>)
      %add3A_1130 = arith.constant 0 : i32
      %add3A_1131 = arith.addi %mul3A_1030, %add3A_1130 : i32
      "tpu.region"() ({
        %run_scoped3A = tpu.sem_alloc : memref<!tpu.dma_semaphore, #tpu.memory_space<semaphore_mem>>
        %dma_start3A_1182 = arith.constant 0 : i32
        %dma_start3A_1183 = tpu.memref_slice %arg4[%add3A_1131, %dma_start3A_1182] : memref<10240x128xf32, #tpu.memory_space<hbm>> -> memref<128x128xf32, #tpu.memory_space<hbm>>
        %dma_start3A_1184 = arith.constant 0 : i32
        %dma_start3A_1185 = tpu.memref_slice %arg4[%add3A_1131, %dma_start3A_1184] : memref<10240x128xf32, #tpu.memory_space<hbm>> -> memref<128x128xf32, #tpu.memory_space<hbm>>
        tpu.enqueue_dma source(%arg10 : memref<128x128xf32, #tpu.memory_space<vmem>>) target(%dma_start3A_1185 : memref<128x128xf32, #tpu.memory_space<hbm>>) target_semaphore(%run_scoped3A : memref<!tpu.dma_semaphore, #tpu.memory_space<semaphore_mem>>)
        %dma_wait3A_1186 = arith.constant 0 : i32
        %dma_wait3A_1187 = tpu.memref_slice %arg4[%add3A_1131, %dma_wait3A_1186] : memref<10240x128xf32, #tpu.memory_space<hbm>> -> memref<128x128xf32, #tpu.memory_space<hbm>>
        %dma_wait3A_1188 = arith.constant 0 : i32
        %dma_wait3A_1189 = tpu.memref_slice %arg4[%add3A_1131, %dma_wait3A_1188] : memref<10240x128xf32, #tpu.memory_space<hbm>> -> memref<128x128xf32, #tpu.memory_space<hbm>>
        tpu.wait_dma2 semaphore(%run_scoped3A : memref<!tpu.dma_semaphore, #tpu.memory_space<semaphore_mem>>) src(%arg10 : memref<128x128xf32, #tpu.memory_space<vmem>>) dst(%dma_wait3A_1189 : memref<128x128xf32, #tpu.memory_space<hbm>>)
        tpu.yield
      }) : () -> ()
      %add3A_1132 = arith.constant 128 : i32
      %add3A_1133 = arith.addi %mul3A_1030, %add3A_1132 : i32
      %dma_wait3A_1134 = arith.constant 0 : i32
      %dma_wait3A_1135 = tpu.memref_slice %arg13[%add3A_1133, %dma_wait3A_1134] : memref<10240x128xf32, #tpu.memory_space<vmem_shared>> -> memref<128x128xf32, #tpu.memory_space<vmem_shared>>
      %dma_wait3A_1136 = arith.constant 0 : i32
      %dma_wait3A_1137 = tpu.memref_slice %arg13[%add3A_1133, %dma_wait3A_1136] : memref<10240x128xf32, #tpu.memory_space<vmem_shared>> -> memref<128x128xf32, #tpu.memory_space<vmem_shared>>
      tpu.wait_dma2 semaphore(%arg15 : memref<!tpu.dma_semaphore, #tpu.memory_space<semaphore_mem>>) src(%dma_wait3A_1137 : memref<128x128xf32, #tpu.memory_space<vmem_shared>>) dst(%arg11 : memref<128x128xf32, #tpu.memory_space<vmem>>)
      %add3A_1138 = arith.constant 256 : i32
      %add3A_1139 = arith.addi %mul3A_1030, %add3A_1138 : i32
      %dma_start3A_1140 = arith.constant 0 : i32
      %dma_start3A_1141 = tpu.memref_slice %arg13[%add3A_1139, %dma_start3A_1140] : memref<10240x128xf32, #tpu.memory_space<vmem_shared>> -> memref<128x128xf32, #tpu.memory_space<vmem_shared>>
      %dma_start3A_1142 = arith.constant 0 : i32
      %dma_start3A_1143 = tpu.memref_slice %arg13[%add3A_1139, %dma_start3A_1142] : memref<10240x128xf32, #tpu.memory_space<vmem_shared>> -> memref<128x128xf32, #tpu.memory_space<vmem_shared>>
      tpu.enqueue_dma source(%dma_start3A_1143 : memref<128x128xf32, #tpu.memory_space<vmem_shared>>) target(%arg10 : memref<128x128xf32, #tpu.memory_space<vmem>>) target_semaphore(%arg14 : memref<!tpu.dma_semaphore, #tpu.memory_space<semaphore_mem>>)
      %add3A_1144 = arith.constant 128 : i32
      %add3A_1145 = arith.addi %mul3A_1030, %add3A_1144 : i32
      "tpu.region"() ({
        %run_scoped3A = tpu.sem_alloc : memref<!tpu.dma_semaphore, #tpu.memory_space<semaphore_mem>>
        %dma_start3A_1182 = arith.constant 0 : i32
        %dma_start3A_1183 = tpu.memref_slice %arg4[%add3A_1145, %dma_start3A_1182] : memref<10240x128xf32, #tpu.memory_space<hbm>> -> memref<128x128xf32, #tpu.memory_space<hbm>>
        %dma_start3A_1184 = arith.constant 0 : i32
        %dma_start3A_1185 = tpu.memref_slice %arg4[%add3A_1145, %dma_start3A_1184] : memref<10240x128xf32, #tpu.memory_space<hbm>> -> memref<128x128xf32, #tpu.memory_space<hbm>>
        tpu.enqueue_dma source(%arg11 : memref<128x128xf32, #tpu.memory_space<vmem>>) target(%dma_start3A_1185 : memref<128x128xf32, #tpu.memory_space<hbm>>) target_semaphore(%run_scoped3A : memref<!tpu.dma_semaphore, #tpu.memory_space<semaphore_mem>>)
        %dma_wait3A_1186 = arith.constant 0 : i32
        %dma_wait3A_1187 = tpu.memref_slice %arg4[%add3A_1145, %dma_wait3A_1186] : memref<10240x128xf32, #tpu.memory_space<hbm>> -> memref<128x128xf32, #tpu.memory_space<hbm>>
        %dma_wait3A_1188 = arith.constant 0 : i32
        %dma_wait3A_1189 = tpu.memref_slice %arg4[%add3A_1145, %dma_wait3A_1188] : memref<10240x128xf32, #tpu.memory_space<hbm>> -> memref<128x128xf32, #tpu.memory_space<hbm>>
        tpu.wait_dma2 semaphore(%run_scoped3A : memref<!tpu.dma_semaphore, #tpu.memory_space<semaphore_mem>>) src(%arg11 : memref<128x128xf32, #tpu.memory_space<vmem>>) dst(%dma_wait3A_1189 : memref<128x128xf32, #tpu.memory_space<hbm>>)
        tpu.yield
      }) : () -> ()
      %add3A_1146 = arith.constant 256 : i32
      %add3A_1147 = arith.addi %mul3A_1030, %add3A_1146 : i32
      %dma_wait3A_1148 = arith.constant 0 : i32
      %dma_wait3A_1149 = tpu.memref_slice %arg13[%add3A_1147, %dma_wait3A_1148] : memref<10240x128xf32, #tpu.memory_space<vmem_shared>> -> memref<128x128xf32, #tpu.memory_space<vmem_shared>>
      %dma_wait3A_1150 = arith.constant 0 : i32
      %dma_wait3A_1151 = tpu.memref_slice %arg13[%add3A_1147, %dma_wait3A_1150] : memref<10240x128xf32, #tpu.memory_space<vmem_shared>> -> memref<128x128xf32, #tpu.memory_space<vmem_shared>>
      tpu.wait_dma2 semaphore(%arg14 : memref<!tpu.dma_semaphore, #tpu.memory_space<semaphore_mem>>) src(%dma_wait3A_1151 : memref<128x128xf32, #tpu.memory_space<vmem_shared>>) dst(%arg10 : memref<128x128xf32, #tpu.memory_space<vmem>>)
      %add3A_1152 = arith.constant 384 : i32
      %add3A_1153 = arith.addi %mul3A_1030, %add3A_1152 : i32
      %dma_start3A_1154 = arith.constant 0 : i32
      %dma_start3A_1155 = tpu.memref_slice %arg13[%add3A_1153, %dma_start3A_1154] : memref<10240x128xf32, #tpu.memory_space<vmem_shared>> -> memref<128x128xf32, #tpu.memory_space<vmem_shared>>
      %dma_start3A_1156 = arith.constant 0 : i32
      %dma_start3A_1157 = tpu.memref_slice %arg13[%add3A_1153, %dma_start3A_1156] : memref<10240x128xf32, #tpu.memory_space<vmem_shared>> -> memref<128x128xf32, #tpu.memory_space<vmem_shared>>
      tpu.enqueue_dma source(%dma_start3A_1157 : memref<128x128xf32, #tpu.memory_space<vmem_shared>>) target(%arg11 : memref<128x128xf32, #tpu.memory_space<vmem>>) target_semaphore(%arg15 : memref<!tpu.dma_semaphore, #tpu.memory_space<semaphore_mem>>)
      %add3A_1158 = arith.constant 256 : i32
      %add3A_1159 = arith.addi %mul3A_1030, %add3A_1158 : i32
      "tpu.region"() ({
        %run_scoped3A = tpu.sem_alloc : memref<!tpu.dma_semaphore, #tpu.memory_space<semaphore_mem>>
        %dma_start3A_1182 = arith.constant 0 : i32
        %dma_start3A_1183 = tpu.memref_slice %arg4[%add3A_1159, %dma_start3A_1182] : memref<10240x128xf32, #tpu.memory_space<hbm>> -> memref<128x128xf32, #tpu.memory_space<hbm>>
        %dma_start3A_1184 = arith.constant 0 : i32
        %dma_start3A_1185 = tpu.memref_slice %arg4[%add3A_1159, %dma_start3A_1184] : memref<10240x128xf32, #tpu.memory_space<hbm>> -> memref<128x128xf32, #tpu.memory_space<hbm>>
        tpu.enqueue_dma source(%arg10 : memref<128x128xf32, #tpu.memory_space<vmem>>) target(%dma_start3A_1185 : memref<128x128xf32, #tpu.memory_space<hbm>>) target_semaphore(%run_scoped3A : memref<!tpu.dma_semaphore, #tpu.memory_space<semaphore_mem>>)
        %dma_wait3A_1186 = arith.constant 0 : i32
        %dma_wait3A_1187 = tpu.memref_slice %arg4[%add3A_1159, %dma_wait3A_1186] : memref<10240x128xf32, #tpu.memory_space<hbm>> -> memref<128x128xf32, #tpu.memory_space<hbm>>
        %dma_wait3A_1188 = arith.constant 0 : i32
        %dma_wait3A_1189 = tpu.memref_slice %arg4[%add3A_1159, %dma_wait3A_1188] : memref<10240x128xf32, #tpu.memory_space<hbm>> -> memref<128x128xf32, #tpu.memory_space<hbm>>
        tpu.wait_dma2 semaphore(%run_scoped3A : memref<!tpu.dma_semaphore, #tpu.memory_space<semaphore_mem>>) src(%arg10 : memref<128x128xf32, #tpu.memory_space<vmem>>) dst(%dma_wait3A_1189 : memref<128x128xf32, #tpu.memory_space<hbm>>)
        tpu.yield
      }) : () -> ()
      %add3A_1160 = arith.constant 384 : i32
      %add3A_1161 = arith.addi %mul3A_1030, %add3A_1160 : i32
      %dma_wait3A_1162 = arith.constant 0 : i32
      %dma_wait3A_1163 = tpu.memref_slice %arg13[%add3A_1161, %dma_wait3A_1162] : memref<10240x128xf32, #tpu.memory_space<vmem_shared>> -> memref<128x128xf32, #tpu.memory_space<vmem_shared>>
      %dma_wait3A_1164 = arith.constant 0 : i32
      %dma_wait3A_1165 = tpu.memref_slice %arg13[%add3A_1161, %dma_wait3A_1164] : memref<10240x128xf32, #tpu.memory_space<vmem_shared>> -> memref<128x128xf32, #tpu.memory_space<vmem_shared>>
      tpu.wait_dma2 semaphore(%arg15 : memref<!tpu.dma_semaphore, #tpu.memory_space<semaphore_mem>>) src(%dma_wait3A_1165 : memref<128x128xf32, #tpu.memory_space<vmem_shared>>) dst(%arg11 : memref<128x128xf32, #tpu.memory_space<vmem>>)
      %add3A_1166 = arith.constant 512 : i32
      %add3A_1167 = arith.addi %mul3A_1030, %add3A_1166 : i32
      %dma_start3A_1168 = arith.constant 0 : i32
      %dma_start3A_1169 = tpu.memref_slice %arg13[%add3A_1167, %dma_start3A_1168] : memref<10240x128xf32, #tpu.memory_space<vmem_shared>> -> memref<128x128xf32, #tpu.memory_space<vmem_shared>>
      %dma_start3A_1170 = arith.constant 0 : i32
      %dma_start3A_1171 = tpu.memref_slice %arg13[%add3A_1167, %dma_start3A_1170] : memref<10240x128xf32, #tpu.memory_space<vmem_shared>> -> memref<128x128xf32, #tpu.memory_space<vmem_shared>>
      tpu.enqueue_dma source(%dma_start3A_1171 : memref<128x128xf32, #tpu.memory_space<vmem_shared>>) target(%arg10 : memref<128x128xf32, #tpu.memory_space<vmem>>) target_semaphore(%arg14 : memref<!tpu.dma_semaphore, #tpu.memory_space<semaphore_mem>>)
      %add3A_1172 = arith.constant 384 : i32
      %add3A_1173 = arith.addi %mul3A_1030, %add3A_1172 : i32
      "tpu.region"() ({
        %run_scoped3A = tpu.sem_alloc : memref<!tpu.dma_semaphore, #tpu.memory_space<semaphore_mem>>
        %dma_start3A_1182 = arith.constant 0 : i32
        %dma_start3A_1183 = tpu.memref_slice %arg4[%add3A_1173, %dma_start3A_1182] : memref<10240x128xf32, #tpu.memory_space<hbm>> -> memref<128x128xf32, #tpu.memory_space<hbm>>
        %dma_start3A_1184 = arith.constant 0 : i32
        %dma_start3A_1185 = tpu.memref_slice %arg4[%add3A_1173, %dma_start3A_1184] : memref<10240x128xf32, #tpu.memory_space<hbm>> -> memref<128x128xf32, #tpu.memory_space<hbm>>
        tpu.enqueue_dma source(%arg11 : memref<128x128xf32, #tpu.memory_space<vmem>>) target(%dma_start3A_1185 : memref<128x128xf32, #tpu.memory_space<hbm>>) target_semaphore(%run_scoped3A : memref<!tpu.dma_semaphore, #tpu.memory_space<semaphore_mem>>)
        %dma_wait3A_1186 = arith.constant 0 : i32
        %dma_wait3A_1187 = tpu.memref_slice %arg4[%add3A_1173, %dma_wait3A_1186] : memref<10240x128xf32, #tpu.memory_space<hbm>> -> memref<128x128xf32, #tpu.memory_space<hbm>>
        %dma_wait3A_1188 = arith.constant 0 : i32
        %dma_wait3A_1189 = tpu.memref_slice %arg4[%add3A_1173, %dma_wait3A_1188] : memref<10240x128xf32, #tpu.memory_space<hbm>> -> memref<128x128xf32, #tpu.memory_space<hbm>>
        tpu.wait_dma2 semaphore(%run_scoped3A : memref<!tpu.dma_semaphore, #tpu.memory_space<semaphore_mem>>) src(%arg11 : memref<128x128xf32, #tpu.memory_space<vmem>>) dst(%dma_wait3A_1189 : memref<128x128xf32, #tpu.memory_space<hbm>>)
        tpu.yield
      }) : () -> ()
      %add3A_1174 = arith.constant 512 : i32
      %add3A_1175 = arith.addi %mul3A_1030, %add3A_1174 : i32
      %dma_wait3A_1176 = arith.constant 0 : i32
      %dma_wait3A_1177 = tpu.memref_slice %arg13[%add3A_1175, %dma_wait3A_1176] : memref<10240x128xf32, #tpu.memory_space<vmem_shared>> -> memref<128x128xf32, #tpu.memory_space<vmem_shared>>
      %dma_wait3A_1178 = arith.constant 0 : i32
      %dma_wait3A_1179 = tpu.memref_slice %arg13[%add3A_1175, %dma_wait3A_1178] : memref<10240x128xf32, #tpu.memory_space<vmem_shared>> -> memref<128x128xf32, #tpu.memory_space<vmem_shared>>
      tpu.wait_dma2 semaphore(%arg14 : memref<!tpu.dma_semaphore, #tpu.memory_space<semaphore_mem>>) src(%dma_wait3A_1179 : memref<128x128xf32, #tpu.memory_space<vmem_shared>>) dst(%arg10 : memref<128x128xf32, #tpu.memory_space<vmem>>)
      %add3A_1180 = arith.constant 512 : i32
      %add3A_1181 = arith.addi %mul3A_1030, %add3A_1180 : i32
      "tpu.region"() ({
        %run_scoped3A = tpu.sem_alloc : memref<!tpu.dma_semaphore, #tpu.memory_space<semaphore_mem>>
        %dma_start3A_1182 = arith.constant 0 : i32
        %dma_start3A_1183 = tpu.memref_slice %arg4[%add3A_1181, %dma_start3A_1182] : memref<10240x128xf32, #tpu.memory_space<hbm>> -> memref<128x128xf32, #tpu.memory_space<hbm>>
        %dma_start3A_1184 = arith.constant 0 : i32
        %dma_start3A_1185 = tpu.memref_slice %arg4[%add3A_1181, %dma_start3A_1184] : memref<10240x128xf32, #tpu.memory_space<hbm>> -> memref<128x128xf32, #tpu.memory_space<hbm>>
        tpu.enqueue_dma source(%arg10 : memref<128x128xf32, #tpu.memory_space<vmem>>) target(%dma_start3A_1185 : memref<128x128xf32, #tpu.memory_space<hbm>>) target_semaphore(%run_scoped3A : memref<!tpu.dma_semaphore, #tpu.memory_space<semaphore_mem>>)
        %dma_wait3A_1186 = arith.constant 0 : i32
        %dma_wait3A_1187 = tpu.memref_slice %arg4[%add3A_1181, %dma_wait3A_1186] : memref<10240x128xf32, #tpu.memory_space<hbm>> -> memref<128x128xf32, #tpu.memory_space<hbm>>
        %dma_wait3A_1188 = arith.constant 0 : i32
        %dma_wait3A_1189 = tpu.memref_slice %arg4[%add3A_1181, %dma_wait3A_1188] : memref<10240x128xf32, #tpu.memory_space<hbm>> -> memref<128x128xf32, #tpu.memory_space<hbm>>
        tpu.wait_dma2 semaphore(%run_scoped3A : memref<!tpu.dma_semaphore, #tpu.memory_space<semaphore_mem>>) src(%arg10 : memref<128x128xf32, #tpu.memory_space<vmem>>) dst(%dma_wait3A_1189 : memref<128x128xf32, #tpu.memory_space<hbm>>)
        tpu.yield
      }) : () -> ()
    } else {
    }
    %eq3A_1107 = arith.constant 1 : i32
    %eq3A_1108 = arith.cmpi eq, %arg0, %eq3A_1107 : i32
    %convert_element_type3A_1109 = arith.extui %eq3A_1108 : i1 to i32
    %cond3A_1110 = arith.constant 0 : i32
    %cond3A_1111 = arith.cmpi ne, %convert_element_type3A_1109, %cond3A_1110 : i32
    scf.if %cond3A_1111 {
      %add3A_1112 = arith.constant 0 : i32
      %add3A_1113 = arith.addi %mul3A_1030, %add3A_1112 : i32
      %dma_start3A_1114 = arith.constant 0 : i32
      %dma_start3A_1115 = tpu.memref_slice %arg13[%add3A_1113, %dma_start3A_1114] : memref<10240x128xf32, #tpu.memory_space<vmem_shared>> -> memref<128x128xf32, #tpu.memory_space<vmem_shared>>
      %dma_start3A_1116 = arith.constant 0 : i32
      %dma_start3A_1117 = tpu.memref_slice %arg13[%add3A_1113, %dma_start3A_1116] : memref<10240x128xf32, #tpu.memory_space<vmem_shared>> -> memref<128x128xf32, #tpu.memory_space<vmem_shared>>
      tpu.enqueue_dma source(%dma_start3A_1117 : memref<128x128xf32, #tpu.memory_space<vmem_shared>>) target(%arg10 : memref<128x128xf32, #tpu.memory_space<vmem>>) target_semaphore(%arg14 : memref<!tpu.dma_semaphore, #tpu.memory_space<semaphore_mem>>)
      %add3A_1118 = arith.constant 0 : i32
      %add3A_1119 = arith.addi %mul3A_1030, %add3A_1118 : i32
      %dma_wait3A_1120 = arith.constant 0 : i32
      %dma_wait3A_1121 = tpu.memref_slice %arg13[%add3A_1119, %dma_wait3A_1120] : memref<10240x128xf32, #tpu.memory_space<vmem_shared>> -> memref<128x128xf32, #tpu.memory_space<vmem_shared>>
      %dma_wait3A_1122 = arith.constant 0 : i32
      %dma_wait3A_1123 = tpu.memref_slice %arg13[%add3A_1119, %dma_wait3A_1122] : memref<10240x128xf32, #tpu.memory_space<vmem_shared>> -> memref<128x128xf32, #tpu.memory_space<vmem_shared>>
      tpu.wait_dma2 semaphore(%arg14 : memref<!tpu.dma_semaphore, #tpu.memory_space<semaphore_mem>>) src(%dma_wait3A_1123 : memref<128x128xf32, #tpu.memory_space<vmem_shared>>) dst(%arg10 : memref<128x128xf32, #tpu.memory_space<vmem>>)
      %add3A_1124 = arith.constant 128 : i32
      %add3A_1125 = arith.addi %mul3A_1030, %add3A_1124 : i32
      %dma_start3A_1126 = arith.constant 0 : i32
      %dma_start3A_1127 = tpu.memref_slice %arg13[%add3A_1125, %dma_start3A_1126] : memref<10240x128xf32, #tpu.memory_space<vmem_shared>> -> memref<128x128xf32, #tpu.memory_space<vmem_shared>>
      %dma_start3A_1128 = arith.constant 0 : i32
      %dma_start3A_1129 = tpu.memref_slice %arg13[%add3A_1125, %dma_start3A_1128] : memref<10240x128xf32, #tpu.memory_space<vmem_shared>> -> memref<128x128xf32, #tpu.memory_space<vmem_shared>>
      tpu.enqueue_dma source(%dma_start3A_1129 : memref<128x128xf32, #tpu.memory_space<vmem_shared>>) target(%arg11 : memref<128x128xf32, #tpu.memory_space<vmem>>) target_semaphore(%arg15 : memref<!tpu.dma_semaphore, #tpu.memory_space<semaphore_mem>>)
      %add3A_1130 = arith.constant 0 : i32
      %add3A_1131 = arith.addi %mul3A_1030, %add3A_1130 : i32
      "tpu.region"() ({
        %run_scoped3A = tpu.sem_alloc : memref<!tpu.dma_semaphore, #tpu.memory_space<semaphore_mem>>
        %dma_start3A_1182 = arith.constant 0 : i32
        %dma_start3A_1183 = tpu.memref_slice %arg5[%add3A_1131, %dma_start3A_1182] : memref<10240x128xf32, #tpu.memory_space<hbm>> -> memref<128x128xf32, #tpu.memory_space<hbm>>
        %dma_start3A_1184 = arith.constant 0 : i32
        %dma_start3A_1185 = tpu.memref_slice %arg5[%add3A_1131, %dma_start3A_1184] : memref<10240x128xf32, #tpu.memory_space<hbm>> -> memref<128x128xf32, #tpu.memory_space<hbm>>
        tpu.enqueue_dma source(%arg10 : memref<128x128xf32, #tpu.memory_space<vmem>>) target(%dma_start3A_1185 : memref<128x128xf32, #tpu.memory_space<hbm>>) target_semaphore(%run_scoped3A : memref<!tpu.dma_semaphore, #tpu.memory_space<semaphore_mem>>)
        %dma_wait3A_1186 = arith.constant 0 : i32
        %dma_wait3A_1187 = tpu.memref_slice %arg5[%add3A_1131, %dma_wait3A_1186] : memref<10240x128xf32, #tpu.memory_space<hbm>> -> memref<128x128xf32, #tpu.memory_space<hbm>>
        %dma_wait3A_1188 = arith.constant 0 : i32
        %dma_wait3A_1189 = tpu.memref_slice %arg5[%add3A_1131, %dma_wait3A_1188] : memref<10240x128xf32, #tpu.memory_space<hbm>> -> memref<128x128xf32, #tpu.memory_space<hbm>>
        tpu.wait_dma2 semaphore(%run_scoped3A : memref<!tpu.dma_semaphore, #tpu.memory_space<semaphore_mem>>) src(%arg10 : memref<128x128xf32, #tpu.memory_space<vmem>>) dst(%dma_wait3A_1189 : memref<128x128xf32, #tpu.memory_space<hbm>>)
        tpu.yield
      }) : () -> ()
      %add3A_1132 = arith.constant 128 : i32
      %add3A_1133 = arith.addi %mul3A_1030, %add3A_1132 : i32
      %dma_wait3A_1134 = arith.constant 0 : i32
      %dma_wait3A_1135 = tpu.memref_slice %arg13[%add3A_1133, %dma_wait3A_1134] : memref<10240x128xf32, #tpu.memory_space<vmem_shared>> -> memref<128x128xf32, #tpu.memory_space<vmem_shared>>
      %dma_wait3A_1136 = arith.constant 0 : i32
      %dma_wait3A_1137 = tpu.memref_slice %arg13[%add3A_1133, %dma_wait3A_1136] : memref<10240x128xf32, #tpu.memory_space<vmem_shared>> -> memref<128x128xf32, #tpu.memory_space<vmem_shared>>
      tpu.wait_dma2 semaphore(%arg15 : memref<!tpu.dma_semaphore, #tpu.memory_space<semaphore_mem>>) src(%dma_wait3A_1137 : memref<128x128xf32, #tpu.memory_space<vmem_shared>>) dst(%arg11 : memref<128x128xf32, #tpu.memory_space<vmem>>)
      %add3A_1138 = arith.constant 256 : i32
      %add3A_1139 = arith.addi %mul3A_1030, %add3A_1138 : i32
      %dma_start3A_1140 = arith.constant 0 : i32
      %dma_start3A_1141 = tpu.memref_slice %arg13[%add3A_1139, %dma_start3A_1140] : memref<10240x128xf32, #tpu.memory_space<vmem_shared>> -> memref<128x128xf32, #tpu.memory_space<vmem_shared>>
      %dma_start3A_1142 = arith.constant 0 : i32
      %dma_start3A_1143 = tpu.memref_slice %arg13[%add3A_1139, %dma_start3A_1142] : memref<10240x128xf32, #tpu.memory_space<vmem_shared>> -> memref<128x128xf32, #tpu.memory_space<vmem_shared>>
      tpu.enqueue_dma source(%dma_start3A_1143 : memref<128x128xf32, #tpu.memory_space<vmem_shared>>) target(%arg10 : memref<128x128xf32, #tpu.memory_space<vmem>>) target_semaphore(%arg14 : memref<!tpu.dma_semaphore, #tpu.memory_space<semaphore_mem>>)
      %add3A_1144 = arith.constant 128 : i32
      %add3A_1145 = arith.addi %mul3A_1030, %add3A_1144 : i32
      "tpu.region"() ({
        %run_scoped3A = tpu.sem_alloc : memref<!tpu.dma_semaphore, #tpu.memory_space<semaphore_mem>>
        %dma_start3A_1182 = arith.constant 0 : i32
        %dma_start3A_1183 = tpu.memref_slice %arg5[%add3A_1145, %dma_start3A_1182] : memref<10240x128xf32, #tpu.memory_space<hbm>> -> memref<128x128xf32, #tpu.memory_space<hbm>>
        %dma_start3A_1184 = arith.constant 0 : i32
        %dma_start3A_1185 = tpu.memref_slice %arg5[%add3A_1145, %dma_start3A_1184] : memref<10240x128xf32, #tpu.memory_space<hbm>> -> memref<128x128xf32, #tpu.memory_space<hbm>>
        tpu.enqueue_dma source(%arg11 : memref<128x128xf32, #tpu.memory_space<vmem>>) target(%dma_start3A_1185 : memref<128x128xf32, #tpu.memory_space<hbm>>) target_semaphore(%run_scoped3A : memref<!tpu.dma_semaphore, #tpu.memory_space<semaphore_mem>>)
        %dma_wait3A_1186 = arith.constant 0 : i32
        %dma_wait3A_1187 = tpu.memref_slice %arg5[%add3A_1145, %dma_wait3A_1186] : memref<10240x128xf32, #tpu.memory_space<hbm>> -> memref<128x128xf32, #tpu.memory_space<hbm>>
        %dma_wait3A_1188 = arith.constant 0 : i32
        %dma_wait3A_1189 = tpu.memref_slice %arg5[%add3A_1145, %dma_wait3A_1188] : memref<10240x128xf32, #tpu.memory_space<hbm>> -> memref<128x128xf32, #tpu.memory_space<hbm>>
        tpu.wait_dma2 semaphore(%run_scoped3A : memref<!tpu.dma_semaphore, #tpu.memory_space<semaphore_mem>>) src(%arg11 : memref<128x128xf32, #tpu.memory_space<vmem>>) dst(%dma_wait3A_1189 : memref<128x128xf32, #tpu.memory_space<hbm>>)
        tpu.yield
      }) : () -> ()
      %add3A_1146 = arith.constant 256 : i32
      %add3A_1147 = arith.addi %mul3A_1030, %add3A_1146 : i32
      %dma_wait3A_1148 = arith.constant 0 : i32
      %dma_wait3A_1149 = tpu.memref_slice %arg13[%add3A_1147, %dma_wait3A_1148] : memref<10240x128xf32, #tpu.memory_space<vmem_shared>> -> memref<128x128xf32, #tpu.memory_space<vmem_shared>>
      %dma_wait3A_1150 = arith.constant 0 : i32
      %dma_wait3A_1151 = tpu.memref_slice %arg13[%add3A_1147, %dma_wait3A_1150] : memref<10240x128xf32, #tpu.memory_space<vmem_shared>> -> memref<128x128xf32, #tpu.memory_space<vmem_shared>>
      tpu.wait_dma2 semaphore(%arg14 : memref<!tpu.dma_semaphore, #tpu.memory_space<semaphore_mem>>) src(%dma_wait3A_1151 : memref<128x128xf32, #tpu.memory_space<vmem_shared>>) dst(%arg10 : memref<128x128xf32, #tpu.memory_space<vmem>>)
      %add3A_1152 = arith.constant 384 : i32
      %add3A_1153 = arith.addi %mul3A_1030, %add3A_1152 : i32
      %dma_start3A_1154 = arith.constant 0 : i32
      %dma_start3A_1155 = tpu.memref_slice %arg13[%add3A_1153, %dma_start3A_1154] : memref<10240x128xf32, #tpu.memory_space<vmem_shared>> -> memref<128x128xf32, #tpu.memory_space<vmem_shared>>
      %dma_start3A_1156 = arith.constant 0 : i32
      %dma_start3A_1157 = tpu.memref_slice %arg13[%add3A_1153, %dma_start3A_1156] : memref<10240x128xf32, #tpu.memory_space<vmem_shared>> -> memref<128x128xf32, #tpu.memory_space<vmem_shared>>
      tpu.enqueue_dma source(%dma_start3A_1157 : memref<128x128xf32, #tpu.memory_space<vmem_shared>>) target(%arg11 : memref<128x128xf32, #tpu.memory_space<vmem>>) target_semaphore(%arg15 : memref<!tpu.dma_semaphore, #tpu.memory_space<semaphore_mem>>)
      %add3A_1158 = arith.constant 256 : i32
      %add3A_1159 = arith.addi %mul3A_1030, %add3A_1158 : i32
      "tpu.region"() ({
        %run_scoped3A = tpu.sem_alloc : memref<!tpu.dma_semaphore, #tpu.memory_space<semaphore_mem>>
        %dma_start3A_1182 = arith.constant 0 : i32
        %dma_start3A_1183 = tpu.memref_slice %arg5[%add3A_1159, %dma_start3A_1182] : memref<10240x128xf32, #tpu.memory_space<hbm>> -> memref<128x128xf32, #tpu.memory_space<hbm>>
        %dma_start3A_1184 = arith.constant 0 : i32
        %dma_start3A_1185 = tpu.memref_slice %arg5[%add3A_1159, %dma_start3A_1184] : memref<10240x128xf32, #tpu.memory_space<hbm>> -> memref<128x128xf32, #tpu.memory_space<hbm>>
        tpu.enqueue_dma source(%arg10 : memref<128x128xf32, #tpu.memory_space<vmem>>) target(%dma_start3A_1185 : memref<128x128xf32, #tpu.memory_space<hbm>>) target_semaphore(%run_scoped3A : memref<!tpu.dma_semaphore, #tpu.memory_space<semaphore_mem>>)
        %dma_wait3A_1186 = arith.constant 0 : i32
        %dma_wait3A_1187 = tpu.memref_slice %arg5[%add3A_1159, %dma_wait3A_1186] : memref<10240x128xf32, #tpu.memory_space<hbm>> -> memref<128x128xf32, #tpu.memory_space<hbm>>
        %dma_wait3A_1188 = arith.constant 0 : i32
        %dma_wait3A_1189 = tpu.memref_slice %arg5[%add3A_1159, %dma_wait3A_1188] : memref<10240x128xf32, #tpu.memory_space<hbm>> -> memref<128x128xf32, #tpu.memory_space<hbm>>
        tpu.wait_dma2 semaphore(%run_scoped3A : memref<!tpu.dma_semaphore, #tpu.memory_space<semaphore_mem>>) src(%arg10 : memref<128x128xf32, #tpu.memory_space<vmem>>) dst(%dma_wait3A_1189 : memref<128x128xf32, #tpu.memory_space<hbm>>)
        tpu.yield
      }) : () -> ()
      %add3A_1160 = arith.constant 384 : i32
      %add3A_1161 = arith.addi %mul3A_1030, %add3A_1160 : i32
      %dma_wait3A_1162 = arith.constant 0 : i32
      %dma_wait3A_1163 = tpu.memref_slice %arg13[%add3A_1161, %dma_wait3A_1162] : memref<10240x128xf32, #tpu.memory_space<vmem_shared>> -> memref<128x128xf32, #tpu.memory_space<vmem_shared>>
      %dma_wait3A_1164 = arith.constant 0 : i32
      %dma_wait3A_1165 = tpu.memref_slice %arg13[%add3A_1161, %dma_wait3A_1164] : memref<10240x128xf32, #tpu.memory_space<vmem_shared>> -> memref<128x128xf32, #tpu.memory_space<vmem_shared>>
      tpu.wait_dma2 semaphore(%arg15 : memref<!tpu.dma_semaphore, #tpu.memory_space<semaphore_mem>>) src(%dma_wait3A_1165 : memref<128x128xf32, #tpu.memory_space<vmem_shared>>) dst(%arg11 : memref<128x128xf32, #tpu.memory_space<vmem>>)
      %add3A_1166 = arith.constant 512 : i32
      %add3A_1167 = arith.addi %mul3A_1030, %add3A_1166 : i32
      %dma_start3A_1168 = arith.constant 0 : i32
      %dma_start3A_1169 = tpu.memref_slice %arg13[%add3A_1167, %dma_start3A_1168] : memref<10240x128xf32, #tpu.memory_space<vmem_shared>> -> memref<128x128xf32, #tpu.memory_space<vmem_shared>>
      %dma_start3A_1170 = arith.constant 0 : i32
      %dma_start3A_1171 = tpu.memref_slice %arg13[%add3A_1167, %dma_start3A_1170] : memref<10240x128xf32, #tpu.memory_space<vmem_shared>> -> memref<128x128xf32, #tpu.memory_space<vmem_shared>>
      tpu.enqueue_dma source(%dma_start3A_1171 : memref<128x128xf32, #tpu.memory_space<vmem_shared>>) target(%arg10 : memref<128x128xf32, #tpu.memory_space<vmem>>) target_semaphore(%arg14 : memref<!tpu.dma_semaphore, #tpu.memory_space<semaphore_mem>>)
      %add3A_1172 = arith.constant 384 : i32
      %add3A_1173 = arith.addi %mul3A_1030, %add3A_1172 : i32
      "tpu.region"() ({
        %run_scoped3A = tpu.sem_alloc : memref<!tpu.dma_semaphore, #tpu.memory_space<semaphore_mem>>
        %dma_start3A_1182 = arith.constant 0 : i32
        %dma_start3A_1183 = tpu.memref_slice %arg5[%add3A_1173, %dma_start3A_1182] : memref<10240x128xf32, #tpu.memory_space<hbm>> -> memref<128x128xf32, #tpu.memory_space<hbm>>
        %dma_start3A_1184 = arith.constant 0 : i32
        %dma_start3A_1185 = tpu.memref_slice %arg5[%add3A_1173, %dma_start3A_1184] : memref<10240x128xf32, #tpu.memory_space<hbm>> -> memref<128x128xf32, #tpu.memory_space<hbm>>
        tpu.enqueue_dma source(%arg11 : memref<128x128xf32, #tpu.memory_space<vmem>>) target(%dma_start3A_1185 : memref<128x128xf32, #tpu.memory_space<hbm>>) target_semaphore(%run_scoped3A : memref<!tpu.dma_semaphore, #tpu.memory_space<semaphore_mem>>)
        %dma_wait3A_1186 = arith.constant 0 : i32
        %dma_wait3A_1187 = tpu.memref_slice %arg5[%add3A_1173, %dma_wait3A_1186] : memref<10240x128xf32, #tpu.memory_space<hbm>> -> memref<128x128xf32, #tpu.memory_space<hbm>>
        %dma_wait3A_1188 = arith.constant 0 : i32
        %dma_wait3A_1189 = tpu.memref_slice %arg5[%add3A_1173, %dma_wait3A_1188] : memref<10240x128xf32, #tpu.memory_space<hbm>> -> memref<128x128xf32, #tpu.memory_space<hbm>>
        tpu.wait_dma2 semaphore(%run_scoped3A : memref<!tpu.dma_semaphore, #tpu.memory_space<semaphore_mem>>) src(%arg11 : memref<128x128xf32, #tpu.memory_space<vmem>>) dst(%dma_wait3A_1189 : memref<128x128xf32, #tpu.memory_space<hbm>>)
        tpu.yield
      }) : () -> ()
      %add3A_1174 = arith.constant 512 : i32
      %add3A_1175 = arith.addi %mul3A_1030, %add3A_1174 : i32
      %dma_wait3A_1176 = arith.constant 0 : i32
      %dma_wait3A_1177 = tpu.memref_slice %arg13[%add3A_1175, %dma_wait3A_1176] : memref<10240x128xf32, #tpu.memory_space<vmem_shared>> -> memref<128x128xf32, #tpu.memory_space<vmem_shared>>
      %dma_wait3A_1178 = arith.constant 0 : i32
      %dma_wait3A_1179 = tpu.memref_slice %arg13[%add3A_1175, %dma_wait3A_1178] : memref<10240x128xf32, #tpu.memory_space<vmem_shared>> -> memref<128x128xf32, #tpu.memory_space<vmem_shared>>
      tpu.wait_dma2 semaphore(%arg14 : memref<!tpu.dma_semaphore, #tpu.memory_space<semaphore_mem>>) src(%dma_wait3A_1179 : memref<128x128xf32, #tpu.memory_space<vmem_shared>>) dst(%arg10 : memref<128x128xf32, #tpu.memory_space<vmem>>)
      %add3A_1180 = arith.constant 512 : i32
      %add3A_1181 = arith.addi %mul3A_1030, %add3A_1180 : i32
      "tpu.region"() ({
        %run_scoped3A = tpu.sem_alloc : memref<!tpu.dma_semaphore, #tpu.memory_space<semaphore_mem>>
        %dma_start3A_1182 = arith.constant 0 : i32
        %dma_start3A_1183 = tpu.memref_slice %arg5[%add3A_1181, %dma_start3A_1182] : memref<10240x128xf32, #tpu.memory_space<hbm>> -> memref<128x128xf32, #tpu.memory_space<hbm>>
        %dma_start3A_1184 = arith.constant 0 : i32
        %dma_start3A_1185 = tpu.memref_slice %arg5[%add3A_1181, %dma_start3A_1184] : memref<10240x128xf32, #tpu.memory_space<hbm>> -> memref<128x128xf32, #tpu.memory_space<hbm>>
        tpu.enqueue_dma source(%arg10 : memref<128x128xf32, #tpu.memory_space<vmem>>) target(%dma_start3A_1185 : memref<128x128xf32, #tpu.memory_space<hbm>>) target_semaphore(%run_scoped3A : memref<!tpu.dma_semaphore, #tpu.memory_space<semaphore_mem>>)
        %dma_wait3A_1186 = arith.constant 0 : i32
        %dma_wait3A_1187 = tpu.memref_slice %arg5[%add3A_1181, %dma_wait3A_1186] : memref<10240x128xf32, #tpu.memory_space<hbm>> -> memref<128x128xf32, #tpu.memory_space<hbm>>
        %dma_wait3A_1188 = arith.constant 0 : i32
        %dma_wait3A_1189 = tpu.memref_slice %arg5[%add3A_1181, %dma_wait3A_1188] : memref<10240x128xf32, #tpu.memory_space<hbm>> -> memref<128x128xf32, #tpu.memory_space<hbm>>
        tpu.wait_dma2 semaphore(%run_scoped3A : memref<!tpu.dma_semaphore, #tpu.memory_space<semaphore_mem>>) src(%arg10 : memref<128x128xf32, #tpu.memory_space<vmem>>) dst(%dma_wait3A_1189 : memref<128x128xf32, #tpu.memory_space<hbm>>)
        tpu.yield
      }) : () -> ()
    } else {
    }
    return
  }
}

module attributes {stable_mosaic.version = 14 : i64} {
  func.func @_mm_body(%arg0: i32, %arg1: memref<1024x128xf32, #tpu.memory_space<vmem>>, %arg2: memref<128x128xf32, #tpu.memory_space<vmem>>, %arg3: memref<1024x128xf32, #tpu.memory_space<vmem>>) attributes {dimension_semantics = [#tpu.dimension_semantics<arbitrary>], iteration_bounds = array<i64: 10>, scalar_prefetch = 0 : i64, scratch_operands = 0 : i64, tpu.core_type = #tpu.core_type<tc>, window_params = [{transform_indices = @transform_0, window_bounds = array<i64: 1024, 128>}, {pipeline_mode = #tpu.pipeline_mode<synchronous>, transform_indices = @transform_1, window_bounds = array<i64: 128, 128>}, {transform_indices = @transform_2, window_bounds = array<i64: 1024, 128>}]} {
    %get3A = arith.constant 0 : index
    %get3A_0 = arith.constant 0 : index
    %get3A_1 = vector.load %arg1[%get3A, %get3A_0] : memref<1024x128xf32, #tpu.memory_space<vmem>>, vector<1024x128xf32>
    %get3A_2 = arith.constant 0 : index
    %get3A_3 = arith.constant 0 : index
    %get3A_4 = vector.load %arg2[%get3A_2, %get3A_3] : memref<128x128xf32, #tpu.memory_space<vmem>>, vector<128x128xf32>
    %dot_general3A = arith.constant dense<0.000000e+00> : vector<1024x128xf32>
    %dot_general3A_5 = tpu.matmul %get3A_1, %get3A_4, %dot_general3A {dimension_numbers = #tpu.dot_dimension_numbers<[1], [0], [0], [1], [0, 0, 1, 1], [], []>, transpose_lhs_hint = false} : vector<1024x128xf32>, vector<128x128xf32>, vector<1024x128xf32> -> vector<1024x128xf32>
    %swap3A = arith.constant 0 : index
    %swap3A_6 = arith.constant 0 : index
    %swap3A_7 = vector.load %arg3[%swap3A, %swap3A_6] : memref<1024x128xf32, #tpu.memory_space<vmem>>, vector<1024x128xf32>
    tpu.vector_store %arg3[%swap3A, %swap3A_6], %dot_general3A_5 {strides = array<i32>} : memref<1024x128xf32, #tpu.memory_space<vmem>>, vector<1024x128xf32>,
    return
  }
  func.func @transform_0(%arg0: i32) -> (i32, i32) {
    %c0_i32 = arith.constant 0 : i32
    %c0_i32_0 = arith.constant 0 : i32
    return %arg0, %c0_i32 : i32, i32
  }
  func.func @transform_1(%arg0: i32) -> (i32, i32) {
    %c0_i32 = arith.constant 0 : i32
    %c0_i32_0 = arith.constant 0 : i32
    %c0_i32_1 = arith.constant 0 : i32
    return %c0_i32, %c0_i32_0 : i32, i32
  }
  func.func @transform_2(%arg0: i32) -> (i32, i32) {
    %c0_i32 = arith.constant 0 : i32
    %c0_i32_0 = arith.constant 0 : i32
    return %arg0, %c0_i32 : i32, i32
  }
}

module attributes {stable_mosaic.version = 14 : i64} {
  func.func @_scale_body(%arg0: i32, %arg1: memref<1024x128xf32, #tpu.memory_space<vmem>>, %arg2: memref<1024xf32, #tpu.memory_space<vmem>>, %arg3: memref<1024xf32, #tpu.memory_space<vmem>>, %arg4: memref<1024x128xf32, #tpu.memory_space<vmem>>, %arg5: memref<1024x1xf32, #tpu.memory_space<vmem>>) attributes {dimension_semantics = [#tpu.dimension_semantics<arbitrary>], iteration_bounds = array<i64: 10>, scalar_prefetch = 0 : i64, scratch_operands = 0 : i64, tpu.core_type = #tpu.core_type<tc>, window_params = [{transform_indices = @transform_0, window_bounds = array<i64: 1024, 128>}, {transform_indices = @transform_1, window_bounds = array<i64: 1024>}, {transform_indices = @transform_2, window_bounds = array<i64: 1024>}, {transform_indices = @transform_3, window_bounds = array<i64: 1024, 128>}, {transform_indices = @transform_4, window_bounds = array<i64: 1024, 1>}]} {
    %get3A = arith.constant 0 : index
    %get3A_0 = vector.load %arg2[%get3A] : memref<1024xf32, #tpu.memory_space<vmem>>, vector<1024xf32>
    %get3A_1 = arith.constant 0 : index
    %get3A_2 = vector.load %arg3[%get3A_1] : memref<1024xf32, #tpu.memory_space<vmem>>, vector<1024xf32>
    %add3A = arith.addf %get3A_0, %get3A_2 : vector<1024xf32>
    %gt3A = arith.constant 0.000000e+00 : f32
    %gt3A_3 = vector.broadcast %gt3A : f32 to vector<1024xf32>
    %gt3A_4 = arith.cmpf ogt, %add3A, %gt3A_3 : vector<1024xf32>
    %gt3A_5 = arith.constant 0.000000e+00 : f32
    %gt3A_6 = vector.broadcast %gt3A_5 : f32 to vector<1024xf32>
    %gt3A_7 = arith.cmpf ogt, %add3A, %gt3A_6 : vector<1024xf32>
    %jit3A = arith.constant 1.000000e+00 : f32
    %broadcast_in_dim3A = vector.broadcast %jit3A : f32 to vector<1024xf32>
    %select_n3A = arith.select %gt3A_7, %add3A, %broadcast_in_dim3A : vector<1024xi1>, vector<1024xf32>
    %rsqrt3A = math.rsqrt %select_n3A : vector<1024xf32>
    %jit3A_8 = arith.constant 0.000000e+00 : f32
    %broadcast_in_dim3A_9 = vector.broadcast %jit3A_8 : f32 to vector<1024xf32>
    %select_n3A_10 = arith.select %gt3A_4, %rsqrt3A, %broadcast_in_dim3A_9 : vector<1024xi1>, vector<1024xf32>
    %broadcast_in_dim3A_11 = vector.shape_cast %select_n3A_10 : vector<1024xf32> to vector<1024x1xf32>
    %get3A_12 = arith.constant 0 : index
    %get3A_13 = arith.constant 0 : index
    %get3A_14 = vector.load %arg1[%get3A_12, %get3A_13] : memref<1024x128xf32, #tpu.memory_space<vmem>>, vector<1024x128xf32>
    %mul3A = vector.broadcast %broadcast_in_dim3A_11 : vector<1024x1xf32> to vector<1024x128xf32>
    %mul3A_15 = arith.mulf %get3A_14, %mul3A : vector<1024x128xf32>
    %swap3A = arith.constant 0 : index
    %swap3A_16 = arith.constant 0 : index
    %swap3A_17 = vector.load %arg4[%swap3A, %swap3A_16] : memref<1024x128xf32, #tpu.memory_space<vmem>>, vector<1024x128xf32>
    tpu.vector_store %arg4[%swap3A, %swap3A_16], %mul3A_15 {strides = array<i32>} : memref<1024x128xf32, #tpu.memory_space<vmem>>, vector<1024x128xf32>,
    %swap3A_18 = arith.constant 0 : index
    %swap3A_19 = arith.constant 0 : index
    %swap3A_20 = vector.load %arg5[%swap3A_18, %swap3A_19] : memref<1024x1xf32, #tpu.memory_space<vmem>>, vector<1024x1xf32>
    tpu.vector_store %arg5[%swap3A_18, %swap3A_19], %broadcast_in_dim3A_11 {strides = array<i32>} : memref<1024x1xf32, #tpu.memory_space<vmem>>, vector<1024x1xf32>,
    return
  }
  func.func @transform_0(%arg0: i32) -> (i32, i32) {
    %c0_i32 = arith.constant 0 : i32
    %c0_i32_0 = arith.constant 0 : i32
    return %arg0, %c0_i32 : i32, i32
  }
  func.func @transform_1(%arg0: i32) -> i32 {
    %c0_i32 = arith.constant 0 : i32
    return %arg0 : i32
  }
  func.func @transform_2(%arg0: i32) -> i32 {
    %c0_i32 = arith.constant 0 : i32
    return %arg0 : i32
  }
  func.func @transform_3(%arg0: i32) -> (i32, i32) {
    %c0_i32 = arith.constant 0 : i32
    %c0_i32_0 = arith.constant 0 : i32
    return %arg0, %c0_i32 : i32, i32
  }
  func.func @transform_4(%arg0: i32) -> (i32, i32) {
    %c0_i32 = arith.constant 0 : i32
    %c0_i32_0 = arith.constant 0 : i32
    return %arg0, %c0_i32 : i32, i32
  }
}

module attributes {stable_mosaic.version = 14 : i64} {
  func.func @_l2_body(%arg0: i32, %arg1: memref<1024x128xf32, #tpu.memory_space<vmem>>, %arg2: memref<1024x128xf32, #tpu.memory_space<vmem>>, %arg3: memref<1024x1xf32, #tpu.memory_space<vmem>>, %arg4: memref<1x128xf32, #tpu.memory_space<vmem>>, %arg5: memref<128x128xf32, #tpu.memory_space<vmem>>, %arg6: memref<1024x128xf32, #tpu.memory_space<vmem>>) attributes {dimension_semantics = [#tpu.dimension_semantics<arbitrary>], iteration_bounds = array<i64: 10>, scalar_prefetch = 0 : i64, scratch_operands = 0 : i64, tpu.core_type = #tpu.core_type<tc>, window_params = [{transform_indices = @transform_0, window_bounds = array<i64: 1024, 128>}, {transform_indices = @transform_1, window_bounds = array<i64: 1024, 128>}, {transform_indices = @transform_2, window_bounds = array<i64: 1024, 1>}, {pipeline_mode = #tpu.pipeline_mode<synchronous>, transform_indices = @transform_3, window_bounds = array<i64: 1, 128>}, {pipeline_mode = #tpu.pipeline_mode<synchronous>, transform_indices = @transform_4, window_bounds = array<i64: 128, 128>}, {transform_indices = @transform_5, window_bounds = array<i64: 1024, 128>}]} {
    %get3A = arith.constant 0 : index
    %get3A_0 = arith.constant 0 : index
    %get3A_1 = vector.load %arg3[%get3A, %get3A_0] : memref<1024x1xf32, #tpu.memory_space<vmem>>, vector<1024x1xf32>
    %get3A_2 = arith.constant 0 : index
    %get3A_3 = arith.constant 0 : index
    %get3A_4 = vector.load %arg1[%get3A_2, %get3A_3] : memref<1024x128xf32, #tpu.memory_space<vmem>>, vector<1024x128xf32>
    %get3A_5 = arith.constant 0 : index
    %get3A_6 = arith.constant 0 : index
    %get3A_7 = vector.load %arg2[%get3A_5, %get3A_6] : memref<1024x128xf32, #tpu.memory_space<vmem>>, vector<1024x128xf32>
    %add3A = arith.addf %get3A_4, %get3A_7 : vector<1024x128xf32>
    %mul3A = vector.broadcast %get3A_1 : vector<1024x1xf32> to vector<1024x128xf32>
    %mul3A_8 = arith.mulf %add3A, %mul3A : vector<1024x128xf32>
    %get3A_9 = arith.constant 0 : index
    %get3A_10 = arith.constant 0 : index
    %get3A_11 = vector.load %arg4[%get3A_9, %get3A_10] : memref<1x128xf32, #tpu.memory_space<vmem>>, vector<1x128xf32>
    %add3A_12 = vector.broadcast %get3A_11 : vector<1x128xf32> to vector<1024x128xf32>
    %add3A_13 = arith.addf %mul3A_8, %add3A_12 : vector<1024x128xf32>
    %max3A = arith.constant 0.000000e+00 : f32
    %max3A_14 = vector.broadcast %max3A : f32 to vector<1024x128xf32>
    %max3A_15 = arith.maximumf %add3A_13, %max3A_14 : vector<1024x128xf32>
    %get3A_16 = arith.constant 0 : index
    %get3A_17 = arith.constant 0 : index
    %get3A_18 = vector.load %arg5[%get3A_16, %get3A_17] : memref<128x128xf32, #tpu.memory_space<vmem>>, vector<128x128xf32>
    %dot_general3A = arith.constant dense<0.000000e+00> : vector<1024x128xf32>
    %dot_general3A_19 = tpu.matmul %max3A_15, %get3A_18, %dot_general3A {dimension_numbers = #tpu.dot_dimension_numbers<[1], [0], [0], [1], [0, 0, 1, 1], [], []>, transpose_lhs_hint = false} : vector<1024x128xf32>, vector<128x128xf32>, vector<1024x128xf32> -> vector<1024x128xf32>
    %mul3A_20 = vector.broadcast %get3A_1 : vector<1024x1xf32> to vector<1024x128xf32>
    %mul3A_21 = arith.mulf %dot_general3A_19, %mul3A_20 : vector<1024x128xf32>
    %swap3A = arith.constant 0 : index
    %swap3A_22 = arith.constant 0 : index
    %swap3A_23 = vector.load %arg6[%swap3A, %swap3A_22] : memref<1024x128xf32, #tpu.memory_space<vmem>>, vector<1024x128xf32>
    tpu.vector_store %arg6[%swap3A, %swap3A_22], %mul3A_21 {strides = array<i32>} : memref<1024x128xf32, #tpu.memory_space<vmem>>, vector<1024x128xf32>,
    return
  }
  func.func @transform_0(%arg0: i32) -> (i32, i32) {
    %c0_i32 = arith.constant 0 : i32
    %c0_i32_0 = arith.constant 0 : i32
    return %arg0, %c0_i32 : i32, i32
  }
  func.func @transform_1(%arg0: i32) -> (i32, i32) {
    %c0_i32 = arith.constant 0 : i32
    %c0_i32_0 = arith.constant 0 : i32
    return %arg0, %c0_i32 : i32, i32
  }
  func.func @transform_2(%arg0: i32) -> (i32, i32) {
    %c0_i32 = arith.constant 0 : i32
    %c0_i32_0 = arith.constant 0 : i32
    return %arg0, %c0_i32 : i32, i32
  }
  func.func @transform_3(%arg0: i32) -> (i32, i32) {
    %c0_i32 = arith.constant 0 : i32
    %c0_i32_0 = arith.constant 0 : i32
    %c0_i32_1 = arith.constant 0 : i32
    return %c0_i32, %c0_i32_0 : i32, i32
  }
  func.func @transform_4(%arg0: i32) -> (i32, i32) {
    %c0_i32 = arith.constant 0 : i32
    %c0_i32_0 = arith.constant 0 : i32
    %c0_i32_1 = arith.constant 0 : i32
    return %c0_i32, %c0_i32_0 : i32, i32
  }
  func.func @transform_5(%arg0: i32) -> (i32, i32) {
    %c0_i32 = arith.constant 0 : i32
    %c0_i32_0 = arith.constant 0 : i32
    return %arg0, %c0_i32 : i32, i32
  }
}

module attributes {stable_mosaic.version = 14 : i64} {
  func.func @_comb_body(%arg0: i32, %arg1: memref<1024x128xf32, #tpu.memory_space<vmem>>, %arg2: memref<1024x128xf32, #tpu.memory_space<vmem>>, %arg3: memref<1024x1xf32, #tpu.memory_space<vmem>>, %arg4: memref<1x128xf32, #tpu.memory_space<vmem>>, %arg5: memref<1024x128xf32, #tpu.memory_space<vmem>>) attributes {dimension_semantics = [#tpu.dimension_semantics<arbitrary>], iteration_bounds = array<i64: 10>, scalar_prefetch = 0 : i64, scratch_operands = 0 : i64, tpu.core_type = #tpu.core_type<tc>, window_params = [{transform_indices = @transform_0, window_bounds = array<i64: 1024, 128>}, {transform_indices = @transform_1, window_bounds = array<i64: 1024, 128>}, {transform_indices = @transform_2, window_bounds = array<i64: 1024, 1>}, {pipeline_mode = #tpu.pipeline_mode<synchronous>, transform_indices = @transform_3, window_bounds = array<i64: 1, 128>}, {transform_indices = @transform_4, window_bounds = array<i64: 1024, 128>}]} {
    %get3A = arith.constant 0 : index
    %get3A_0 = arith.constant 0 : index
    %get3A_1 = vector.load %arg1[%get3A, %get3A_0] : memref<1024x128xf32, #tpu.memory_space<vmem>>, vector<1024x128xf32>
    %get3A_2 = arith.constant 0 : index
    %get3A_3 = arith.constant 0 : index
    %get3A_4 = vector.load %arg2[%get3A_2, %get3A_3] : memref<1024x128xf32, #tpu.memory_space<vmem>>, vector<1024x128xf32>
    %add3A = arith.addf %get3A_1, %get3A_4 : vector<1024x128xf32>
    %get3A_5 = arith.constant 0 : index
    %get3A_6 = arith.constant 0 : index
    %get3A_7 = vector.load %arg3[%get3A_5, %get3A_6] : memref<1024x1xf32, #tpu.memory_space<vmem>>, vector<1024x1xf32>
    %mul3A = vector.broadcast %get3A_7 : vector<1024x1xf32> to vector<1024x128xf32>
    %mul3A_8 = arith.mulf %add3A, %mul3A : vector<1024x128xf32>
    %get3A_9 = arith.constant 0 : index
    %get3A_10 = arith.constant 0 : index
    %get3A_11 = vector.load %arg4[%get3A_9, %get3A_10] : memref<1x128xf32, #tpu.memory_space<vmem>>, vector<1x128xf32>
    %add3A_12 = vector.broadcast %get3A_11 : vector<1x128xf32> to vector<1024x128xf32>
    %add3A_13 = arith.addf %mul3A_8, %add3A_12 : vector<1024x128xf32>
    %swap3A = arith.constant 0 : index
    %swap3A_14 = arith.constant 0 : index
    %swap3A_15 = vector.load %arg5[%swap3A, %swap3A_14] : memref<1024x128xf32, #tpu.memory_space<vmem>>, vector<1024x128xf32>
    tpu.vector_store %arg5[%swap3A, %swap3A_14], %add3A_13 {strides = array<i32>} : memref<1024x128xf32, #tpu.memory_space<vmem>>, vector<1024x128xf32>,
    return
  }
  func.func @transform_0(%arg0: i32) -> (i32, i32) {
    %c0_i32 = arith.constant 0 : i32
    %c0_i32_0 = arith.constant 0 : i32
    return %arg0, %c0_i32 : i32, i32
  }
  func.func @transform_1(%arg0: i32) -> (i32, i32) {
    %c0_i32 = arith.constant 0 : i32
    %c0_i32_0 = arith.constant 0 : i32
    return %arg0, %c0_i32 : i32, i32
  }
  func.func @transform_2(%arg0: i32) -> (i32, i32) {
    %c0_i32 = arith.constant 0 : i32
    %c0_i32_0 = arith.constant 0 : i32
    return %arg0, %c0_i32 : i32, i32
  }
  func.func @transform_3(%arg0: i32) -> (i32, i32) {
    %c0_i32 = arith.constant 0 : i32
    %c0_i32_0 = arith.constant 0 : i32
    %c0_i32_1 = arith.constant 0 : i32
    return %c0_i32, %c0_i32_0 : i32, i32
  }
  func.func @transform_4(%arg0: i32) -> (i32, i32) {
    %c0_i32 = arith.constant 0 : i32
    %c0_i32_0 = arith.constant 0 : i32
    return %arg0, %c0_i32 : i32, i32
  }
}

</mosaic_0001>

<sc_bundles>
// kernel: kernel.12.cloned.1.call-start
scs
__scs_entry_jumppad:
0x0: {  	(pc) =	sbr.rel $0x88, $3  }
0x1: {  	(tag) =	ssettag $0x0;
	lr =	simm.s32 $0x1  }
0x2: {  	[smem:$0x3F9B] =	sst lr;
	_ =	strace $0xD0000000  }
0x3: {  	_ = 	snop  }
0x4: {  	_ = 	snop  }
0x5: {  	_ = 	snop  }
0x6: {  	_ = 	snop  }
0x7: {  	_ = 	snop  }
__scs_overlays_trampoline_lowered:
0x8: {  	[smem:$0x3FAA] =	sst s0  }
0x9: {  	[smem:$0x3FAB] =	sst s1  }
0xa: {  	[smem:$0x3FAC] =	sst s2  }
0xb: {  	[smem:$0x3FAD] =	sst s3  }
0xc: {  	[smem:$0x3FAE] =	sst s4  }
0xd: {  	[smem:$0x3FAF] =	sst s5  }
0xe: {  	[smem:$0x3FB0] =	sst s6  }
0xf: {  	[smem:$0x3FB1] =	sst s7  }
0x10: {  	[smem:$0x3FB2] =	sst s8  }
0x11: {  	[smem:$0x3FB3] =	sst s9;
	s0 =	simm.s32 @!p0 $0x0  }
0x12: {  	s1 =	sld [smem:$0x3F99];
	s0 =	simm.s32 @p0 $0x1  }
0x13: {  	[smem:$0x3FB4] =	sst s0;
	s0 =	simm.s32 @!p1 $0x0  }
0x14: {  	s2 =	sld [smem:$0x3F98];
	s0 =	simm.s32 @p1 $0x1  }
0x15: {  	[smem:$0x3FB5] =	sst s0;
	s0 =	simm.s32 @!p2 $0x0  }
0x16: {  	s3 =	sld [smem:$0x3FDB];
	s0 =	simm.s32 @p2 $0x1  }
0x17: {  	s4 =	simm.s32 $0x1BF5;
	[smem:$0x3FB7] =	sst s0  }
0x18: {  	s0 =	sld [smem:$0x3F9A];
	_ =	swait.ge [sflag:s4], $0x0  }
0x19: {  	s7 =	sld [smem:$0x3F9B]  }
0x1a: {  	s8 =	sadd.s32 $0xFFFFE003, lr  }
0x1b: {  	s9 =	sadd.s32 $0xFFFFFEF7, lr;
	s5 =	simm.s32 $0xFFFFFFFF;
	p2 =	slt.u32 s8, $0xFFFFF086  }
0x1c: {  	p1 =	slt.u32 s9, $0xF7A;
	s5 =	simm.s32 @!p2 $0x0  }
0x1d: {  	s5 =	simm.s32 @p1 $0x1;
	p0 =	seq.s32 s7, s2  }
0x1e: {  	s7 =	smul.u32 @!p0 $0xF7A, s2;
	p2 =	seq.s32 @!p0 s5, $0x0  }
0x1f: {  	s9 =	smul.u32 $0xF7A, s1;
	s8 =	simm.s32 @!p0 $0x1BF5;
	p2 =	por !p2, p0  }
0x20: {  	[sflag:s8] =	ssyncset.s32 @!p0 $0xFFFFF086;
	s6 =	sadd.s32 @!p0 s3, s7;
	s7 =	simm.s32 @!p0 $0x108  }
0x21: {  	s3 =	sadd.s32 s3, s9;
	s6 =	sadd.s32 @!p0 $0x88, s6;
	s7 =	simm.s32 @p2 $0x1082  }
0x22: {  	[simem:s7], [sflag:s8] =	dma.local @!p0 [hbm:s6], $0xF7A  }
0x23: {  	s9 =	sor.u32 $0xD0000000, s2;
	s6 =	simm.s32 $0x108;
	_ =	swait.ge @!p0 [sflag:s8], $0x0  }
0x24: {  	s3 =	sadd.s32 $0x88, s3;
	s6 =	simm.s32 @!p1 $0x1082;
	[sflag:s4] =	ssyncset.s32 $0xFFFFF086  }
0x25: {  	[simem:s6], [sflag:s4] =	dma.local [hbm:s3], $0xF7A  }
0x26: {  	[smem:$0x3F9B] =	sst s1;
	(tag) =	ssettag s2;
	_ =	strace s9  }
0x27: {  	s1 =	sld [smem:$0x3FAB]  }
0x28: {  	s2 =	sld [smem:$0x3FAC]  }
0x29: {  	s4 =	sld [smem:$0x3FAE]  }
0x2a: {  	p0 =	seq.s32 s5, $0x0;
	s5 =	sld [smem:$0x3FAF]  }
0x2b: {  	s6 =	sld [smem:$0x3FB0]  }
0x2c: {  	s7 =	sld [smem:$0x3FB1]  }
0x2d: {  	s3 =	simm.s32 $0x108;
	s8 =	sld [smem:$0x3FB2]  }
0x2e: {  	s3 =	simm.s32 @!p0 $0x1082;
	s9 =	sld [smem:$0x3FB3]  }
0x2f: {  	lr =	sadd.s32 s0, s3;
	s0 =	sld [smem:$0x3FAA]  }
0x30: {  	s3 =	sld [smem:$0x3FAD]  }
0x31: {  	[smem:$0x3FB6] =	sst s10  }
0x32: {  	s10 =	sld [smem:$0x3FB4];
	_ =	sdelay $0x3  }
0x33: {  	p0 =	seq.s32 s10, $0x1;
	s10 =	sld [smem:$0x3FB6];
	_ =	sdelay $0x3  }
0x34: {  	[smem:$0x3FB6] =	sst s10  }
0x35: {  	s10 =	sld [smem:$0x3FB5];
	_ =	sdelay $0x3  }
0x36: {  	p1 =	seq.s32 s10, $0x1;
	s10 =	sld [smem:$0x3FB6];
	_ =	sdelay $0x3  }
0x37: {  	[smem:$0x3FB6] =	sst s10  }
0x38: {  	s10 =	sld [smem:$0x3FB7]  }
0x39: {  	_ = 	snop;
	(pc) =	sbr.ind lr, $3  }
0x3a: {  	_ = 	snop  }
0x3b: {  	_ = 	snop  }
0x3c: {  	p2 =	seq.s32 s10, $0x1;
	s10 =	sld [smem:$0x3FB6]  }
0x3d: {  	_ =	shalt  }
0x3e: {  	_ =	shalt  }
0x3f: {  	_ =	shalt  }
0x40: {  	_ =	shalt  }
0x41: {  	_ =	shalt  }
0x42: {  	_ =	shalt  }
0x43: {  	_ =	shalt  }
0x44: {  	_ =	shalt  }
0x45: {  	_ =	shalt  }
0x46: {  	_ =	shalt  }
0x47: {  	_ =	shalt  }
0x48: {  	_ =	shalt  }
0x49: {  	_ =	shalt  }
0x4a: {  	_ =	shalt  }
0x4b: {  	_ =	shalt  }
0x4c: {  	_ =	shalt  }
0x4d: {  	_ =	shalt  }
0x4e: {  	_ =	shalt  }
0x4f: {  	_ =	shalt  }
0x50: {  	_ =	shalt  }
0x51: {  	_ =	shalt  }
0x52: {  	_ =	shalt  }
0x53: {  	_ =	shalt  }
0x54: {  	_ =	shalt  }
0x55: {  	_ =	shalt  }
0x56: {  	_ =	shalt  }
0x57: {  	_ =	shalt  }
0x58: {  	_ =	shalt  }
0x59: {  	_ =	shalt  }
0x5a: {  	_ =	shalt  }
0x5b: {  	_ =	shalt  }
0x5c: {  	_ =	shalt  }
0x5d: {  	_ =	shalt  }
0x5e: {  	_ =	shalt  }
0x5f: {  	_ =	shalt  }
0x60: {  	_ =	shalt  }
0x61: {  	_ =	shalt  }
0x62: {  	_ =	shalt  }
0x63: {  	_ =	shalt  }
0x64: {  	_ =	shalt  }
0x65: {  	_ =	shalt  }
0x66: {  	_ =	shalt  }
0x67: {  	_ =	shalt  }
0x68: {  	_ =	shalt  }
0x69: {  	_ =	shalt  }
0x6a: {  	_ =	shalt  }
0x6b: {  	_ =	shalt  }
0x6c: {  	_ =	shalt  }
0x6d: {  	_ =	shalt  }
0x6e: {  	_ =	shalt  }
0x6f: {  	_ =	shalt  }
0x70: {  	_ =	shalt  }
0x71: {  	_ =	shalt  }
0x72: {  	_ =	shalt  }
0x73: {  	_ =	shalt  }
0x74: {  	_ =	shalt  }
0x75: {  	_ =	shalt  }
0x76: {  	_ =	shalt  }
0x77: {  	_ =	shalt  }
0x78: {  	_ =	shalt  }
0x79: {  	_ =	shalt  }
0x7a: {  	_ =	shalt  }
0x7b: {  	_ =	shalt  }
0x7c: {  	_ =	shalt  }
0x7d: {  	_ =	shalt  }
0x7e: {  	_ =	shalt  }
0x7f: {  	_ =	shalt  }
0x80: {  	_ =	shalt  }
0x81: {  	_ =	shalt  }
0x82: {  	_ =	shalt  }
0x83: {  	_ =	shalt  }
0x84: {  	_ =	shalt  }
0x85: {  	_ =	shalt  }
0x86: {  	_ =	shalt  }
0x87: {  	_ =	shalt  }
.Lfunc_end0:
.L_simem_size_0:
called_computation.1_lowered:
.L_overlay_start_0:
0x88: {  	s2 =	sld [smem:$0x3FD9]  }
0x89: {  	s3 =	sld [smem:$0x3FFE];
	_ =	sdelay $0x1  }
0x8a: {  	s1 =	srdreg.scid  }
0x8b: {  	s0 =	sand.u32 $0x1, s1  }
0x8c: {  	s17 =	sshll.u32 s0, $0xA;
	s2 =	sadd.s32 s3, s2  }
0x8d: {  	s2 =	sadd.s32 s2, s17  }
0x8e: {  	[smem:$0x3FC2] =	sst s2  }
0x8f: {  	_ = 	snop  }
0x90: {  	s2 =	sld [smem:$0x3FD0];
	(tm) =	ssettm $0x1  }
0x91: {  	s18 =	sld [smem:$0x3FFB];
	_ =	sdelay $0x3  }
0x92: {  	_ =	strace s18  }
0x93: {  	s3 =	sld [smem:$0x3FFC];
	_ =	sdelay $0x3  }
0x94: {  	_ =	strace s3  }
0x95: {  	s3 =	sld [smem:$0x3FFD];
	_ =	sdelay $0x3  }
0x96: {  	_ =	strace s3  }
0x97: {  	_ =	strace $0x8FFFFFFF  }
0x98: {  	s19 =	sld [smem:$0x3FDB];
	_ =	sdelay $0x1  }
0x99: {  	s4 =	simm.s32 $_scs_section_size  }
0x9a: {  	s5 =	simm.s32 $_size__tile_overlayer_lowered;
	s6 =	simm.s32 $_tile_overlayer_lowered  }
0x9b: {  	s22 =	simm.s32 $0x1BFF;
	s21 =	sshll.u32 s6, $0x1;
	s3 =	sadd.s32 s4, s19  }
0x9c: {  	s7 =	simm.s32 $0x0;
	s20 =	sshll.u32 s5, $0x1;
	s5 =	sadd.s32 s21, s3  }
0x9d: {  	[timem:s7], [sflag:s22] =	dma.local [hbm:s5], s20  }
0x9e: {  	_ =	swait.ge [sflag:s22], s20  }
0x9f: {  	s4 =	ssub.s32 $0x0, s20;
	[sflag:s22] =	ssyncset.done $0x0  }
0xa0: {  	[sflag:s22] =	ssyncadd.s32 s4;
	_ =	sdelay $0x1  }
0xa1: {  	s23 =	simm.s32 $0x1B8B  }
0xa2: {  	_ =	swait.ge [sflag:s23], $0x1  }
0xa3: {  	[sflag:s23] =	ssyncset.done $0x0  }
0xa4: {  	s25 =	simm.s32 $0x1B8E;
	s24 =	sld [smem:$0x3FFE];
	[sflag:s23] =	ssyncadd.s32 $0xFFFFFFFF  }
0xa5: {  	s26 =	simm.s32 $execute0_lowered;
	[smem:$0x3FD2] =	sst s25  }
0xa6: {  	s5 =	sshll.u32 s26, $0x1;
	_ =	strace $0x80000049;
	[dreg:$0x1] =	wrdreg $0xFFFFFFFF  }
0xa7: {  	s28 =	simm.s32 $_size_execute0_lowered;
	s3 =	sadd.s32 s3, s5;
	[dreg:$0x0] =	wrdreg $0x0  }
0xa8: {  	s5 =	sshll.u32 s28, $0x1;
	[dreg:$0x2] =	wrdreg s3  }
0xa9: {  	[dreg:$0x3] =	wrdreg s5  }
0xaa: {  	[dreg:$0x4] =	wrdreg $0xC0  }
0xab: {  	_ =	task [dreg:s7], $0x5FFFF  }
0xac: {  	[dreg:$0x1] =	wrdreg $0xFFFFFFFF  }
0xad: {  	[dreg:$0x0] =	wrdreg $0x60  }
0xae: {  	[dreg:$0x2] =	wrdreg s24  }
0xaf: {  	[dreg:$0x3] =	wrdreg s2  }
0xb0: {  	[dreg:$0x4] =	wrdreg $0xB1000  }
0xb1: {  	[dreg:$0x5] =	wrdreg $0x9  }
0xb2: {  	_ =	task.clear_ibuf [dreg:s7], $0x6FFFF;
	_ =	strace $0x90000049  }
0xb3: {  	s29 =	simm.s32 $0x9;
	_ =	strace $0x8000004B  }
0xb4: {  	_ =	swait.ge [sflag:s29], $0x1  }
0xb5: {  	[sflag:s29] =	ssyncadd.s32 $0xFFFFFFFF  }
0xb6: {  	_ =	strace $0x9000004B  }
0xb7: {  	_ =	sfence  }
0xb8: {  	s30 =	sld [smem:$0x0];
	_ =	sdelay $0x2  }
0xb9: {  	s31 =	sshll.u32 s1, $0xD;
	s1 =	sshrl.u32 s1, $0x2  }
0xba: {  	s3 =	sand.u32 $0x4000, s31;
	s1 =	sadd.s32 s1, s30  }
0xbb: {  	s0 =	sor.u32 s3, s0;
	s1 =	sshll.u32 s1, $0x11  }
0xbc: {  	s0 =	sor.u32 s1, s0  }
0xbd: {  	s0 =	sadd.s32 $0x8F2B, s0  }
0xbe: {  	[sflag:s0] =	ssyncadd.remote.s32 $0x1  }
0xbf: {  	_ =	sfence.sel $0xFFFF  }
0xc0: {  	[dreg:$0x0] =	wrdreg $0xFFFFFFFF;
	(pc) =	sbr.abs _section_cstart, $3  }
0xc1: {  	[dreg:$0x1] =	wrdreg $0xFFFFFFFF  }
0xc2: {  	_ =	task.clear_ibuf [dreg:s7], $0x2FFFF;
	_ =	strace $0x9FFFFFFF  }
0xc3: {  	(tm) =	ssettm $0x7FFFFFFF  }
tec
execute0_lowered:
.L_overlay_start_1:
0x0: {  	(tag) =	ssettag $0x1  }
0x1: {  	s2 =	rddreg [dreg:$0x0]  }
0x2: {  	s0 =	rddreg [dreg:$0x1]  }
0x3: {  	s1 =	rddreg [dreg:$0x2];
	s14 =	stileid.u32  }
0x4: {  	s3 =	srdreg.scid;
	s8 =	smul.u32 $0x50000, s14  }
0x5: {  	s5 =	sand.u32 $0x1, s3;
	s3 =	simm.s32 $0x0;
	s10 =	smul.u32 $0x280, s14  }
0x6: {  	s4 =	sshll.u32 s5, $0x4;
	[smem:$0x7FF] =	sst s3;
	s7 =	ssub.s32 $0x2, s5  }
0x7: {  	p0 =	seq.s32 s5, $0x1;
	s4 =	sor.u32 s14, s4;
	_ =	strace $0x8000004A  }
0x8: {  	s9 =	sshrl.u32 s7, $0x1;
	s20 =	sshrl.u32 s8, $0x2;
	s22 =	sadd.s32 $0x80, s10  }
0x9: {  	s24 =	sadd.s32 $0x100, s10;
	s13 =	sadd.s32 $0x180, s10;
	s10 =	sadd.s32 $0x200, s10  }
0xa: {  	s6 =	smul.u32 $0x2710, s4;
	s4 =	sadd.s32 $0x3A00, s2;
	s7 =	ssub.s32 s7, s9  }
0xb: {  	s12 =	sshll.u32 s24, $0x7;
	s26 =	sshll.u32 s13, $0x7;
	s8 =	sshll.u32 s22, $0x4  }
0xc: {  	s28 =	sshll.u32 s10, $0x7;
	s29 =	sshll.u32 s13, $0x4;
	s12 =	sadd.s32 s12, s1  }
0xd: {  	s13 =	simm.s32 $0x53A00;
	s7 =	smax.u32 s7, $0x1;
	[dreg:$0x9] =	wrdreg s12  }
0xe: {  	s6 =	sshrl.u32 s6, $0x3;
	s12 =	sadd.s32 s26, s1;
	[dreg:$0xc] =	wrdreg s7  }
0xf: {  	s13 =	simm.s32 @!p0 $0x2BA00;
	s19 =	sadd.s32 s0, s6;
	[dreg:$0xa] =	wrdreg s12  }
0x10: {  	s2 =	sadd.s32 s13, s2;
	s12 =	sadd.s32 s28, s1;
	[dreg:$0x4] =	wrdreg s19  }
0x11: {  	s8 =	sadd.s32 s2, s8;
	[dreg:$0xb] =	wrdreg s12  }
0x12: {  	s16 =	sadd.s32 s2, s29;
	[dreg:$0x10] =	wrdreg s8  }
0x13: {  	s21 =	sadd.s32 $0x9C40, s19;
	[dreg:$0x12] =	wrdreg s16  }
0x14: {  	s11 =	sadd.s32 $0x9C50, s19;
	[dreg:$0x5] =	wrdreg s21  }
0x15: {  	s6 =	sadd.s32 s20, s1;
	s9 =	sadd.s32 $0xA120, s19;
	[dreg:$0x6] =	wrdreg s11  }
0x16: {  	s25 =	smul.u32 $0x2800, s14;
	s31 =	sadd.s32 $0x800, s6;
	[dreg:$0x7] =	wrdreg s9  }
0x17: {  	s30 =	smul.u32 $0x2710, s14;
	s14 =	sadd.s32 $0x1000, s6;
	[dreg:$0xd] =	wrdreg s31  }
0x18: {  	s5 =	smul.u32 $0x27100, s5;
	s19 =	sadd.s32 $0x1800, s6;
	[dreg:$0xe] =	wrdreg s14  }
0x19: {  	s23 =	sshll.u32 s22, $0x7;
	s22 =	sadd.s32 $0x2800, s6;
	[dreg:$0x14] =	wrdreg s19  }
0x1a: {  	s26 =	sadd.s32 $0x3800, s6;
	[dreg:$0x16] =	wrdreg s22  }
0x1b: {  	s5 =	sadd.s32 s30, s5;
	s28 =	sadd.s32 $0x4000, s6;
	[dreg:$0x18] =	wrdreg s26  }
0x1c: {  	s17 =	sadd.s32 $0x4E380, s5;
	s29 =	sadd.s32 $0x4800, s6;
	[dreg:$0x19] =	wrdreg s28  }
0x1d: {  	s5 =	sadd.s32 $0x4E300, s5;
	s30 =	sadd.s32 $0x5000, s6;
	[dreg:$0x1a] =	wrdreg s29  }
0x1e: {  	s20 =	sshrl.u32 s5, $0x3;
	s5 =	sadd.s32 $0x6800, s6;
	[dreg:$0x1b] =	wrdreg s30  }
0x1f: {  	s7 =	sadd.s32 $0x7000, s6;
	[dreg:$0x1e] =	wrdreg s5  }
0x20: {  	s8 =	sadd.s32 $0x7800, s6;
	[dreg:$0x1f] =	wrdreg s7  }
0x21: {  	s12 =	sadd.s32 $0x9800, s6;
	[smem:$0x7E9] =	sst s8  }
0x22: {  	s13 =	sadd.s32 $0xA000, s6;
	[smem:$0x7ED] =	sst s12  }
0x23: {  	s16 =	sadd.s32 $0xB800, s6;
	[smem:$0x7EE] =	sst s13  }
0x24: {  	s18 =	sshrl.u32 s17, $0x3;
	s17 =	sadd.s32 $0xC000, s6;
	[smem:$0x7F1] =	sst s16  }
0x25: {  	s9 =	sadd.s32 s23, s1;
	[smem:$0x7F2] =	sst s17  }
0x26: {  	s11 =	sadd.s32 s2, s25;
	[dreg:$0x8] =	wrdreg s9  }
0x27: {  	s10 =	sshll.u32 s10, $0x4;
	s21 =	sadd.s32 $0x2000, s6;
	[dreg:$0xf] =	wrdreg s11  }
0x28: {  	s23 =	sadd.s32 s18, s0;
	s25 =	sadd.s32 $0x3000, s6;
	[dreg:$0x15] =	wrdreg s21  }
0x29: {  	s31 =	sadd.s32 $0x5800, s6;
	s14 =	sadd.s32 $0xA800, s6;
	[dreg:$0x17] =	wrdreg s25  }
0x2a: {  	s18 =	sadd.s32 $0xC800, s6;
	s19 =	sadd.s32 $0xD000, s6;
	[dreg:$0x1c] =	wrdreg s31  }
0x2b: {  	s22 =	sadd.s32 $0xE800, s6;
	s26 =	sadd.s32 $0xF800, s6;
	[smem:$0x7EF] =	sst s14  }
0x2c: {  	s28 =	sadd.s32 $0x10000, s6;
	s29 =	sadd.s32 $0x10800, s6;
	[smem:$0x7F3] =	sst s18  }
0x2d: {  	s30 =	sadd.s32 $0x11000, s6;
	s7 =	sadd.s32 $0x12800, s6;
	[smem:$0x7F4] =	sst s19  }
0x2e: {  	s8 =	sadd.s32 $0x13000, s6;
	s12 =	simm.s32 $0x5;
	[smem:$0x7F7] =	sst s22  }
0x2f: {  	s13 =	simm.s32 $0x2780;
	s16 =	simm.s32 $0x2800;
	[smem:$0x7F9] =	sst s26  }
0x30: {  	s17 =	simm.s32 $0x6900;
	s5 =	simm.s32 $0x4;
	[smem:$0x7FA] =	sst s28  }
0x31: {  	s9 =	sshll.u32 s24, $0x4;
	s24 =	sadd.s32 s20, s0;
	[smem:$0x7FB] =	sst s29  }
0x32: {  	s11 =	sadd.s32 $0x9000, s6;
	s20 =	sadd.s32 $0xD800, s6;
	[smem:$0x7FC] =	sst s30  }
0x33: {  	s21 =	sadd.s32 $0xE000, s6;
	s25 =	sadd.s32 $0xF000, s6;
	[smem:$0x7EC] =	sst s11  }
0x34: {  	s31 =	sadd.s32 $0x11800, s6;
	s14 =	simm.s32 $0x80;
	[smem:$0x7F5] =	sst s20  }
0x35: {  	s18 =	simm.s32 $0x1;
	s19 =	simm.s32 $0x3;
	[smem:$0x7F6] =	sst s21  }
0x36: {  	s22 =	simm.s32 $0x2880;
	s26 =	simm.s32 $0x0;
	[smem:$0x7F8] =	sst s25  }
0x37: {  	s15 =	sadd.s32 s2, s9;
	s2 =	sadd.s32 s2, s10;
	[smem:$0x7FD] =	sst s31  }
0x38: {  	s9 =	sadd.s32 $0x8000, s6;
	s10 =	sadd.s32 $0x8800, s6;
	[dreg:$0x11] =	wrdreg s15  }
0x39: {  	s11 =	simm.s32 $0x6;
	s20 =	simm.s32 $0x7;
	[dreg:$0x13] =	wrdreg s2  }
0x3a: {  	s21 =	simm.s32 $0x2;
	s25 =	simm.s32 $0x10;
	[smem:$0x7EA] =	sst s9  }
0x3b: {  	s2 =	sadd.s32 $0x6000, s6;
	[smem:$0x7EB] =	sst s10;
	s15 =	sadd.s32 $0xB000, s6  }
0x3c: {  	s9 =	sadd.s32 $0x13800, s6;
	s10 =	simm.s32 $0xA900;
	[dreg:$0x1d] =	wrdreg s2  }
0x3d: {  	v0 =	vimm.f32 $0.0e+00;
	[smem:$0x7F0] =	sst s15;
	s2 =	sadd.s32 $0x12000, s6;
	s15 =	simm.s32 $0x2900  }
.LBB2_1:
0x3e: {  	[tilespmem:$0xA900] =	vst v0  }
0x3f: {  	[tilespmem:$0xA910] =	vst v0  }
0x40: {  	[tilespmem:$0xA920] =	vst v0  }
0x41: {  	[tilespmem:$0xA930] =	vst v0  }
0x42: {  	[tilespmem:$0xA940] =	vst v0  }
0x43: {  	[tilespmem:$0xA950] =	vst v0  }
0x44: {  	[tilespmem:$0xA960] =	vst v0  }
0x45: {  	[tilespmem:$0xA970] =	vst v0  }
0x46: {  	[tilespmem:$0xA980] =	vst v0  }
0x47: {  	[tilespmem:$0xA990] =	vst v0  }
0x48: {  	[tilespmem:$0xA9A0] =	vst v0  }
0x49: {  	[tilespmem:$0xA9B0] =	vst v0  }
0x4a: {  	[tilespmem:$0xA9C0] =	vst v0  }
0x4b: {  	[tilespmem:$0xA9D0] =	vst v0  }
0x4c: {  	[tilespmem:$0xA9E0] =	vst v0  }
0x4d: {  	[tilespmem:$0xA9F0] =	vst v0  }
0x4e: {  	[tilespmem:$0xAA00] =	vst v0  }
0x4f: {  	[tilespmem:$0xAA10] =	vst v0  }
0x50: {  	[tilespmem:$0xAA20] =	vst v0  }
0x51: {  	[tilespmem:$0xAA30] =	vst v0  }
0x52: {  	[tilespmem:$0xAA40] =	vst v0  }
0x53: {  	[tilespmem:$0xAA50] =	vst v0  }
0x54: {  	[tilespmem:$0xAA60] =	vst v0  }
0x55: {  	[tilespmem:$0xAA70] =	vst v0  }
0x56: {  	[tilespmem:$0xAA80] =	vst v0  }
0x57: {  	[tilespmem:$0xAA90] =	vst v0  }
0x58: {  	[tilespmem:$0xAAA0] =	vst v0  }
0x59: {  	[tilespmem:$0xAAB0] =	vst v0  }
0x5a: {  	[tilespmem:$0xAAC0] =	vst v0  }
0x5b: {  	[tilespmem:$0xAAD0] =	vst v0  }
0x5c: {  	[tilespmem:$0xAAE0] =	vst v0  }
0x5d: {  	[tilespmem:$0xAAF0] =	vst v0  }
0x5e: {  	[tilespmem:$0xAB00] =	vst v0  }
0x5f: {  	[tilespmem:$0xAB10] =	vst v0  }
0x60: {  	[tilespmem:$0xAB20] =	vst v0  }
0x61: {  	[tilespmem:$0xAB30] =	vst v0  }
0x62: {  	[tilespmem:$0xAB40] =	vst v0  }
0x63: {  	[tilespmem:$0xAB50] =	vst v0  }
0x64: {  	[tilespmem:$0xAB60] =	vst v0  }
0x65: {  	[tilespmem:$0xAB70] =	vst v0  }
0x66: {  	[tilespmem:$0xAB80] =	vst v0  }
0x67: {  	[tilespmem:$0xAB90] =	vst v0  }
0x68: {  	[tilespmem:$0xABA0] =	vst v0  }
0x69: {  	[tilespmem:$0xABB0] =	vst v0  }
0x6a: {  	[tilespmem:$0xABC0] =	vst v0  }
0x6b: {  	[tilespmem:$0xABD0] =	vst v0  }
0x6c: {  	[tilespmem:$0xABE0] =	vst v0  }
0x6d: {  	[tilespmem:$0xABF0] =	vst v0  }
0x6e: {  	[tilespmem:$0xAC00] =	vst v0  }
0x6f: {  	[tilespmem:$0xAC10] =	vst v0  }
0x70: {  	[tilespmem:$0xAC20] =	vst v0  }
0x71: {  	[tilespmem:$0xAC30] =	vst v0  }
0x72: {  	[tilespmem:$0xAC40] =	vst v0  }
0x73: {  	[tilespmem:$0xAC50] =	vst v0  }
0x74: {  	[tilespmem:$0xAC60] =	vst v0  }
0x75: {  	[tilespmem:$0xAC70] =	vst v0  }
0x76: {  	[tilespmem:$0xAC80] =	vst v0  }
0x77: {  	[tilespmem:$0xAC90] =	vst v0  }
0x78: {  	[tilespmem:$0xACA0] =	vst v0  }
0x79: {  	[tilespmem:$0xACB0] =	vst v0  }
0x7a: {  	[tilespmem:$0xACC0] =	vst v0  }
0x7b: {  	[tilespmem:$0xACD0] =	vst v0  }
0x7c: {  	[tilespmem:$0xACE0] =	vst v0  }
0x7d: {  	[tilespmem:$0xACF0] =	vst v0  }
0x7e: {  	[tilespmem:$0xAD00] =	vst v0  }
0x7f: {  	[tilespmem:$0xAD10] =	vst v0  }
0x80: {  	[tilespmem:$0xAD20] =	vst v0  }
0x81: {  	[tilespmem:$0xAD30] =	vst v0  }
0x82: {  	[tilespmem:$0xAD40] =	vst v0  }
0x83: {  	[tilespmem:$0xAD50] =	vst v0  }
0x84: {  	[tilespmem:$0xAD60] =	vst v0  }
0x85: {  	[tilespmem:$0xAD70] =	vst v0  }
0x86: {  	[tilespmem:$0xAD80] =	vst v0  }
0x87: {  	[tilespmem:$0xAD90] =	vst v0  }
0x88: {  	[tilespmem:$0xADA0] =	vst v0  }
0x89: {  	[tilespmem:$0xADB0] =	vst v0  }
0x8a: {  	[tilespmem:$0xADC0] =	vst v0  }
0x8b: {  	[tilespmem:$0xADD0] =	vst v0  }
0x8c: {  	[tilespmem:$0xADE0] =	vst v0  }
0x8d: {  	[tilespmem:$0xADF0] =	vst v0  }
0x8e: {  	[tilespmem:$0xAE00] =	vst v0  }
0x8f: {  	[tilespmem:$0xAE10] =	vst v0  }
0x90: {  	[tilespmem:$0xAE20] =	vst v0  }
0x91: {  	[tilespmem:$0xAE30] =	vst v0  }
0x92: {  	[tilespmem:$0xAE40] =	vst v0  }
0x93: {  	[tilespmem:$0xAE50] =	vst v0  }
0x94: {  	[tilespmem:$0xAE60] =	vst v0  }
0x95: {  	[tilespmem:$0xAE70] =	vst v0  }
0x96: {  	[tilespmem:$0xAE80] =	vst v0  }
0x97: {  	[tilespmem:$0xAE90] =	vst v0  }
0x98: {  	[tilespmem:$0xAEA0] =	vst v0  }
0x99: {  	[tilespmem:$0xAEB0] =	vst v0  }
0x9a: {  	[tilespmem:$0xAEC0] =	vst v0  }
0x9b: {  	[tilespmem:$0xAED0] =	vst v0  }
0x9c: {  	[tilespmem:$0xAEE0] =	vst v0  }
0x9d: {  	[tilespmem:$0xAEF0] =	vst v0  }
0x9e: {  	[tilespmem:$0xAF00] =	vst v0  }
0x9f: {  	[tilespmem:$0xAF10] =	vst v0  }
0xa0: {  	[tilespmem:$0xAF20] =	vst v0  }
0xa1: {  	[tilespmem:$0xAF30] =	vst v0  }
0xa2: {  	[tilespmem:$0xAF40] =	vst v0  }
0xa3: {  	[tilespmem:$0xAF50] =	vst v0  }
0xa4: {  	[tilespmem:$0xAF60] =	vst v0  }
0xa5: {  	[tilespmem:$0xAF70] =	vst v0  }
0xa6: {  	[tilespmem:$0xAF80] =	vst v0  }
0xa7: {  	[tilespmem:$0xAF90] =	vst v0  }
0xa8: {  	[tilespmem:$0xAFA0] =	vst v0  }
0xa9: {  	[tilespmem:$0xAFB0] =	vst v0  }
0xaa: {  	[tilespmem:$0xAFC0] =	vst v0  }
0xab: {  	[tilespmem:$0xAFD0] =	vst v0  }
0xac: {  	[tilespmem:$0xAFE0] =	vst v0  }
0xad: {  	[tilespmem:$0xAFF0] =	vst v0  }
0xae: {  	[tilespmem:$0xB000] =	vst v0  }
0xaf: {  	[tilespmem:$0xB010] =	vst v0  }
0xb0: {  	[tilespmem:$0xB020] =	vst v0  }
0xb1: {  	[tilespmem:$0xB030] =	vst v0  }
0xb2: {  	[tilespmem:$0xB040] =	vst v0  }
0xb3: {  	[tilespmem:$0xB050] =	vst v0  }
0xb4: {  	[tilespmem:$0xB060] =	vst v0  }
0xb5: {  	[tilespmem:$0xB070] =	vst v0  }
0xb6: {  	[tilespmem:$0xB080] =	vst v0  }
0xb7: {  	[tilespmem:$0xB090] =	vst v0  }
0xb8: {  	[tilespmem:$0xB0A0] =	vst v0  }
0xb9: {  	[tilespmem:$0xB0B0] =	vst v0  }
0xba: {  	[tilespmem:$0xB0C0] =	vst v0  }
0xbb: {  	[tilespmem:$0xB0D0] =	vst v0  }
0xbc: {  	[tilespmem:$0xB0E0] =	vst v0  }
0xbd: {  	[tilespmem:$0xB0F0] =	vst v0;
	s0 =	rddreg [dreg:$0x4]  }
0xbe: {  	[tilespmem:s3], [sflag:$0x5] =	stream.linear.gather [hbm4b:s0+s3], $0x2710, $0x38;
	[tilespmem:$0x1F100] =	vst v63  }
0xbf: {  	s30 =	rddreg [dreg:$0xd]  }
0xc0: {  	[spmem:s6] =	stream.linear.scatter [tilespmem:s10], [sflag:$0x6], $0x800, $0x38;
	[tilespmem:$0x1F100] =	vst v63  }
0xc1: {  	s31 =	rddreg [dreg:$0xe]  }
0xc2: {  	[spmem:s30] =	stream.linear.scatter [tilespmem:s10], [sflag:$0x6], $0x800, $0x38;
	[tilespmem:$0x1F100] =	vst v63  }
0xc3: {  	s29 =	rddreg [dreg:$0x14]  }
0xc4: {  	[spmem:s31] =	stream.linear.scatter [tilespmem:s10], [sflag:$0x6], $0x800, $0x38;
	[tilespmem:$0x1F100] =	vst v63  }
0xc5: {  	s30 =	rddreg [dreg:$0x15]  }
0xc6: {  	[spmem:s29] =	stream.linear.scatter [tilespmem:s10], [sflag:$0x6], $0x800, $0x38;
	[tilespmem:$0x1F100] =	vst v63  }
0xc7: {  	s31 =	rddreg [dreg:$0x16]  }
0xc8: {  	[spmem:s30] =	stream.linear.scatter [tilespmem:s10], [sflag:$0x6], $0x800, $0x38;
	[tilespmem:$0x1F100] =	vst v63  }
0xc9: {  	s29 =	rddreg [dreg:$0x17]  }
0xca: {  	[spmem:s31] =	stream.linear.scatter [tilespmem:s10], [sflag:$0x6], $0x800, $0x38;
	[tilespmem:$0x1F100] =	vst v63  }
0xcb: {  	s30 =	rddreg [dreg:$0x18]  }
0xcc: {  	[spmem:s29] =	stream.linear.scatter [tilespmem:s10], [sflag:$0x6], $0x800, $0x38;
	[tilespmem:$0x1F100] =	vst v63  }
0xcd: {  	s31 =	rddreg [dreg:$0x19]  }
0xce: {  	[spmem:s30] =	stream.linear.scatter [tilespmem:s10], [sflag:$0x6], $0x800, $0x38;
	[tilespmem:$0x1F100] =	vst v63  }
0xcf: {  	s29 =	rddreg [dreg:$0x1a]  }
0xd0: {  	[spmem:s31] =	stream.linear.scatter [tilespmem:s10], [sflag:$0x6], $0x800, $0x38;
	[tilespmem:$0x1F100] =	vst v63  }
0xd1: {  	s30 =	rddreg [dreg:$0x1b]  }
0xd2: {  	[spmem:s29] =	stream.linear.scatter [tilespmem:s10], [sflag:$0x6], $0x800, $0x38;
	[tilespmem:$0x1F100] =	vst v63  }
0xd3: {  	s31 =	rddreg [dreg:$0x1c]  }
0xd4: {  	[spmem:s30] =	stream.linear.scatter [tilespmem:s10], [sflag:$0x6], $0x800, $0x38;
	[tilespmem:$0x1F100] =	vst v63  }
0xd5: {  	s29 =	rddreg [dreg:$0x1d]  }
0xd6: {  	[spmem:s31] =	stream.linear.scatter [tilespmem:s10], [sflag:$0x6], $0x800, $0x38;
	[tilespmem:$0x1F100] =	vst v63  }
0xd7: {  	s30 =	rddreg [dreg:$0x1e]  }
0xd8: {  	[spmem:s29] =	stream.linear.scatter [tilespmem:s10], [sflag:$0x6], $0x800, $0x38;
	[tilespmem:$0x1F100] =	vst v63  }
0xd9: {  	s31 =	rddreg [dreg:$0x1f]  }
0xda: {  	[spmem:s30] =	stream.linear.scatter [tilespmem:s10], [sflag:$0x6], $0x800, $0x38;
	[tilespmem:$0x1F100] =	vst v63  }
0xdb: {  	s29 =	sld [smem:$0x7E9]  }
0xdc: {  	[spmem:s31] =	stream.linear.scatter [tilespmem:s10], [sflag:$0x6], $0x800, $0x38;
	[tilespmem:$0x1F100] =	vst v63  }
0xdd: {  	s30 =	sld [smem:$0x7EA]  }
0xde: {  	[spmem:s29] =	stream.linear.scatter [tilespmem:s10], [sflag:$0x6], $0x800, $0x38;
	[tilespmem:$0x1F100] =	vst v63  }
0xdf: {  	s31 =	sld [smem:$0x7EB]  }
0xe0: {  	[spmem:s30] =	stream.linear.scatter [tilespmem:s10], [sflag:$0x6], $0x800, $0x38;
	[tilespmem:$0x1F100] =	vst v63  }
0xe1: {  	s29 =	sld [smem:$0x7EC]  }
0xe2: {  	[spmem:s31] =	stream.linear.scatter [tilespmem:s10], [sflag:$0x6], $0x800, $0x38;
	[tilespmem:$0x1F100] =	vst v63  }
0xe3: {  	s30 =	sld [smem:$0x7ED]  }
0xe4: {  	[spmem:s29] =	stream.linear.scatter [tilespmem:s10], [sflag:$0x6], $0x800, $0x38;
	[tilespmem:$0x1F100] =	vst v63  }
0xe5: {  	s31 =	sld [smem:$0x7EE]  }
0xe6: {  	[spmem:s30] =	stream.linear.scatter [tilespmem:s10], [sflag:$0x6], $0x800, $0x38;
	[tilespmem:$0x1F100] =	vst v63  }
0xe7: {  	s29 =	sld [smem:$0x7EF]  }
0xe8: {  	[spmem:s31] =	stream.linear.scatter [tilespmem:s10], [sflag:$0x6], $0x800, $0x38;
	[tilespmem:$0x1F100] =	vst v63  }
0xe9: {  	s30 =	sld [smem:$0x7F0]  }
0xea: {  	[spmem:s29] =	stream.linear.scatter [tilespmem:s10], [sflag:$0x6], $0x800, $0x38;
	[tilespmem:$0x1F100] =	vst v63  }
0xeb: {  	s31 =	sld [smem:$0x7F1]  }
0xec: {  	[spmem:s30] =	stream.linear.scatter [tilespmem:s10], [sflag:$0x6], $0x800, $0x38;
	[tilespmem:$0x1F100] =	vst v63  }
0xed: {  	s29 =	sld [smem:$0x7F2]  }
0xee: {  	[spmem:s31] =	stream.linear.scatter [tilespmem:s10], [sflag:$0x6], $0x800, $0x38;
	[tilespmem:$0x1F100] =	vst v63  }
0xef: {  	s30 =	sld [smem:$0x7F3]  }
0xf0: {  	[spmem:s29] =	stream.linear.scatter [tilespmem:s10], [sflag:$0x6], $0x800, $0x38;
	[tilespmem:$0x1F100] =	vst v63  }
0xf1: {  	s31 =	sld [smem:$0x7F4]  }
0xf2: {  	[spmem:s30] =	stream.linear.scatter [tilespmem:s10], [sflag:$0x6], $0x800, $0x38;
	[tilespmem:$0x1F100] =	vst v63  }
0xf3: {  	s29 =	sld [smem:$0x7F5]  }
0xf4: {  	[spmem:s31] =	stream.linear.scatter [tilespmem:s10], [sflag:$0x6], $0x800, $0x38;
	[tilespmem:$0x1F100] =	vst v63  }
0xf5: {  	s30 =	sld [smem:$0x7F6]  }
0xf6: {  	[spmem:s29] =	stream.linear.scatter [tilespmem:s10], [sflag:$0x6], $0x800, $0x38;
	[tilespmem:$0x1F100] =	vst v63  }
0xf7: {  	s31 =	sld [smem:$0x7F7]  }
0xf8: {  	[spmem:s30] =	stream.linear.scatter [tilespmem:s10], [sflag:$0x6], $0x800, $0x38;
	[tilespmem:$0x1F100] =	vst v63  }
0xf9: {  	s29 =	sld [smem:$0x7F8]  }
0xfa: {  	[spmem:s31] =	stream.linear.scatter [tilespmem:s10], [sflag:$0x6], $0x800, $0x38;
	[tilespmem:$0x1F100] =	vst v63  }
0xfb: {  	s30 =	sld [smem:$0x7F9]  }
0xfc: {  	[spmem:s29] =	stream.linear.scatter [tilespmem:s10], [sflag:$0x6], $0x800, $0x38;
	[tilespmem:$0x1F100] =	vst v63  }
0xfd: {  	s31 =	sld [smem:$0x7FA]  }
0xfe: {  	[spmem:s30] =	stream.linear.scatter [tilespmem:s10], [sflag:$0x6], $0x800, $0x38;
	[tilespmem:$0x1F100] =	vst v63  }
0xff: {  	s29 =	sld [smem:$0x7FB]  }
0x100: {  	[spmem:s31] =	stream.linear.scatter [tilespmem:s10], [sflag:$0x6], $0x800, $0x38;
	[tilespmem:$0x1F100] =	vst v63  }
0x101: {  	s30 =	sld [smem:$0x7FC]  }
0x102: {  	[spmem:s29] =	stream.linear.scatter [tilespmem:s10], [sflag:$0x6], $0x800, $0x38;
	[tilespmem:$0x1F100] =	vst v63  }
0x103: {  	s31 =	sld [smem:$0x7FD]  }
0x104: {  	[spmem:s30] =	stream.linear.scatter [tilespmem:s10], [sflag:$0x6], $0x800, $0x38;
	[tilespmem:$0x1F100] =	vst v63  }
0x105: {  	_ = 	snop  }
0x106: {  	[spmem:s31] =	stream.linear.scatter [tilespmem:s10], [sflag:$0x6], $0x800, $0x38;
	[tilespmem:$0x1F100] =	vst v63  }
0x107: {  	_ = 	snop  }
0x108: {  	[spmem:s2] =	stream.linear.scatter [tilespmem:s10], [sflag:$0x6], $0x800, $0x38;
	[tilespmem:$0x1F100] =	vst v63  }
0x109: {  	_ = 	snop  }
0x10a: {  	[spmem:s7] =	stream.linear.scatter [tilespmem:s10], [sflag:$0x6], $0x800, $0x38;
	[tilespmem:$0x1F100] =	vst v63  }
0x10b: {  	_ = 	snop  }
0x10c: {  	[spmem:s8] =	stream.linear.scatter [tilespmem:s10], [sflag:$0x6], $0x800, $0x38;
	[tilespmem:$0x1F100] =	vst v63  }
0x10d: {  	_ = 	snop  }
0x10e: {  	[spmem:s9] =	stream.linear.scatter [tilespmem:s10], [sflag:$0x6], $0x800, $0x38;
	[tilespmem:$0x1F100] =	vst v63  }
0x10f: {  	_ =	swait.ge [sflag:s11], $0x800  }
0x110: {  	s28 =	simm.s32 $0x27;
	[sflag:s11] =	ssyncset.done $0x0  }
.LBB2_2:
0x111: {  	p0 =	sne.s32 s28, $0x1;
	s28 =	sadd.s32 $0xFFFFFFFF, s28;
	[sflag:s11] =	ssyncadd.s32 $0xFFFFF800  }
.Ltmp0:
0x112: {  	(pc) =	sbr.rel @p0 .LBB2_2-.Ltmp0, $3  }
0x113: {  	_ =	sdelay $0x1  }
0x114: {  	_ =	swait.ge [sflag:s11], $0x800  }
0x115: {  	[sflag:s11] =	ssyncset.done $0x0  }
0x116: {  	[sflag:s11] =	ssyncadd.s32 $0xFFFFF800  }
0x117: {  	_ =	swait.ge [sflag:s12], $0x2710  }
0x118: {  	[sflag:s12] =	ssyncset.done $0x0  }
0x119: {  	[sflag:s12] =	ssyncadd.s32 $0xFFFFD8F0  }
0x11a: {  	[bflag:$0x0] =	sbarrier.arrive $0xFFFF  }
0x11b: {  	s28 =	simm.s32 $0x0;
	s0 =	rddreg [dreg:$0x5]  }
0x11c: {  	[tilespmem:s13], [sflag:$0x3] =	stream.linear.gather [hbm4b:s0+s28], $0x80, $0x38;
	[tilespmem:$0x1F100] =	vst v63  }
0x11d: {  	_ = 	snop  }
0x11e: {  	[tilespmem:s15], [sflag:$0x1] =	stream.indirect.gather [hbm4b:s4+s14], $0x80, s28, s14, $0xb8;
	[tilespmem:$0x1F100] =	vst v63  }
0x11f: {  	s31 =	rddreg [dreg:$0x6]  }
0x120: {  	[tilespmem:s16], [sflag:$0x4] =	stream.linear.gather [hbm4b:s31+s28], $0x80, $0x38;
	[tilespmem:$0x1F100] =	vst v63  }
0x121: {  	_ = 	snop  }
0x122: {  	[tilespmem:s17], [sflag:$0x2] =	stream.indirect.gather [hbm4b:s4+s14], $0x80, s14, s14, $0xb8;
	[tilespmem:$0x1F100] =	vst v63  }
0x123: {  	_ =	swait.ge [sflag:s18], $0x4000  }
0x124: {  	[sflag:s18] =	ssyncset.done $0x0  }
0x125: {  	[sflag:s18] =	ssyncadd.s32 $0xFFFFC000  }
0x126: {  	_ =	swait.ge [sflag:s19], $0x80  }
0x127: {  	[sflag:s19] =	ssyncset.done $0x0  }
0x128: {  	[sflag:s19] =	ssyncadd.s32 $0xFFFFFF80  }
0x129: {  	[spmem:s1] =	stream.indirect.scatter.add.f32 [tilespmem:s15], [sflag:$0x7], $0x80, s13, s14, $0xb8;
	[tilespmem:$0x1F100] =	vst v63  }
0x12a: {  	_ =	swait.ge [sflag:s20], $0x4000  }
0x12b: {  	[sflag:s20] =	ssyncset.done $0x0  }
0x12c: {  	s28 =	sadd.s32 $0x0, s24;
	[sflag:s20] =	ssyncadd.s32 $0xFFFFC000  }
0x12d: {  	[tilespmem:s13], [sflag:$0x3] =	stream.linear.gather [hbm4b:s28+s3], $0x80, $0x38;
	[tilespmem:$0x1F100] =	vst v63  }
0x12e: {  	s28 =	simm.s32 $0x100  }
0x12f: {  	[tilespmem:s15], [sflag:$0x1] =	stream.indirect.gather [hbm4b:s4+s14], $0x80, s28, s14, $0xb8;
	[tilespmem:$0x1F100] =	vst v63  }
0x130: {  	_ =	swait.ge [sflag:s21], $0x4000  }
0x131: {  	[sflag:s21] =	ssyncset.done $0x0  }
0x132: {  	[sflag:s21] =	ssyncadd.s32 $0xFFFFC000  }
0x133: {  	_ =	swait.ge [sflag:s5], $0x80  }
0x134: {  	[sflag:s5] =	ssyncset.done $0x0  }
0x135: {  	[sflag:s5] =	ssyncadd.s32 $0xFFFFFF80  }
0x136: {  	[spmem:s1] =	stream.indirect.scatter.add.f32 [tilespmem:s17], [sflag:$0x7], $0x80, s16, s14, $0xb8;
	[tilespmem:$0x1F100] =	vst v63  }
0x137: {  	_ =	swait.ge [sflag:s20], $0x4000  }
0x138: {  	[sflag:s20] =	ssyncset.done $0x0  }
0x139: {  	s28 =	sadd.s32 $0x0, s23;
	[sflag:s20] =	ssyncadd.s32 $0xFFFFC000  }
0x13a: {  	[tilespmem:s16], [sflag:$0x4] =	stream.linear.gather [hbm4b:s28+s3], $0x80, $0x38;
	[tilespmem:$0x1F100] =	vst v63  }
0x13b: {  	s29 =	simm.s32 $0x20;
	s30 =	simm.s32 $0x280;
	s28 =	simm.s32 $0x180  }
.LBB2_4:
0x13c: {  	[tilespmem:s17], [sflag:$0x2] =	stream.indirect.gather [hbm4b:s4+s14], $0x80, s28, s14, $0xb8;
	[tilespmem:$0x1F100] =	vst v63  }
0x13d: {  	s31 =	smov.u32 s29;
	s28 =	smov.u32 s30  }
0x13e: {  	p0 =	sne.s32 s29, $0x4A0;
	s29 =	sadd.s32 $0x20, s29;
	_ =	swait.ge [sflag:s18], $0x4000  }
0x13f: {  	[sflag:s18] =	ssyncset.done $0x0  }
0x140: {  	[sflag:s18] =	ssyncadd.s32 $0xFFFFC000  }
0x141: {  	_ =	swait.ge [sflag:s19], $0x80  }
0x142: {  	[sflag:s19] =	ssyncset.done $0x0  }
0x143: {  	[sflag:s19] =	ssyncadd.s32 $0xFFFFFF80  }
0x144: {  	[spmem:s1] =	stream.indirect.scatter.add.f32 [tilespmem:s15], [sflag:$0x7], $0x80, s13, s14, $0xb8;
	[tilespmem:$0x1F100] =	vst v63  }
0x145: {  	_ =	swait.ge [sflag:s20], $0x4000  }
0x146: {  	[sflag:s20] =	ssyncset.done $0x0  }
0x147: {  	s0 =	sadd.s32 s31, s24;
	[sflag:s20] =	ssyncadd.s32 $0xFFFFC000  }
0x148: {  	[tilespmem:s13], [sflag:$0x3] =	stream.linear.gather [hbm4b:s0+s3], $0x80, $0x38;
	[tilespmem:$0x1F100] =	vst v63  }
0x149: {  	s0 =	sadd.s32 $0xFFFFFF80, s30  }
0x14a: {  	[tilespmem:s15], [sflag:$0x1] =	stream.indirect.gather [hbm4b:s4+s14], $0x80, s0, s14, $0xb8;
	[tilespmem:$0x1F100] =	vst v63  }
0x14b: {  	_ =	swait.ge [sflag:s21], $0x4000  }
0x14c: {  	[sflag:s21] =	ssyncset.done $0x0  }
0x14d: {  	[sflag:s21] =	ssyncadd.s32 $0xFFFFC000  }
0x14e: {  	_ =	swait.ge [sflag:s5], $0x80  }
0x14f: {  	[sflag:s5] =	ssyncset.done $0x0  }
0x150: {  	[sflag:s5] =	ssyncadd.s32 $0xFFFFFF80  }
0x151: {  	[spmem:s1] =	stream.indirect.scatter.add.f32 [tilespmem:s17], [sflag:$0x7], $0x80, s16, s14, $0xb8;
	[tilespmem:$0x1F100] =	vst v63  }
.Ltmp1:
0x152: {  	_ =	swait.ge [sflag:s20], $0x4000;
	(pc) =	sbr.rel @p0 .LBB2_4-.Ltmp1, $4  }
0x153: {  	[sflag:s20] =	ssyncset.done $0x0  }
0x154: {  	s0 =	sadd.s32 s31, s23;
	[sflag:s20] =	ssyncadd.s32 $0xFFFFC000  }
0x155: {  	[tilespmem:s16], [sflag:$0x4] =	stream.linear.gather [hbm4b:s0+s3], $0x80, $0x38;
	[tilespmem:$0x1F100] =	vst v63  }
0x156: {  	s30 =	sadd.s32 $0x100, s30  }
0x157: {  	[tilespmem:s17], [sflag:$0x2] =	stream.indirect.gather [hbm4b:s4+s14], $0x80, s28, s14, $0xb8;
	[tilespmem:$0x1F100] =	vst v63  }
0x158: {  	_ =	swait.ge [sflag:s18], $0x4000  }
0x159: {  	[sflag:s18] =	ssyncset.done $0x0  }
0x15a: {  	[sflag:s18] =	ssyncadd.s32 $0xFFFFC000  }
0x15b: {  	_ =	swait.ge [sflag:s19], $0x80  }
0x15c: {  	[sflag:s19] =	ssyncset.done $0x0  }
0x15d: {  	[sflag:s19] =	ssyncadd.s32 $0xFFFFFF80  }
0x15e: {  	[spmem:s1] =	stream.indirect.scatter.add.f32 [tilespmem:s15], [sflag:$0x7], $0x80, s13, s14, $0xb8;
	[tilespmem:$0x1F100] =	vst v63  }
0x15f: {  	_ =	swait.ge [sflag:s20], $0x4000  }
0x160: {  	[sflag:s20] =	ssyncset.done $0x0  }
0x161: {  	[sflag:s20] =	ssyncadd.s32 $0xFFFFC000  }
0x162: {  	_ =	swait.ge [sflag:s21], $0x4000  }
0x163: {  	[sflag:s21] =	ssyncset.done $0x0  }
0x164: {  	[sflag:s21] =	ssyncadd.s32 $0xFFFFC000  }
0x165: {  	_ =	swait.ge [sflag:s5], $0x80  }
0x166: {  	[sflag:s5] =	ssyncset.done $0x0  }
0x167: {  	[sflag:s5] =	ssyncadd.s32 $0xFFFFFF80  }
0x168: {  	[spmem:s1] =	stream.indirect.scatter.add.f32 [tilespmem:s17], [sflag:$0x7], $0x80, s16, s14, $0xb8;
	[tilespmem:$0x1F100] =	vst v63  }
0x169: {  	_ =	swait.ge [sflag:s20], $0x4000  }
0x16a: {  	[sflag:s20] =	ssyncset.done $0x0  }
0x16b: {  	s0 =	rddreg [dreg:$0x7];
	[sflag:s20] =	ssyncadd.s32 $0xFFFFC000  }
0x16c: {  	[tilespmem:s22], [sflag:$0x7] =	stream.linear.gather [hbm4b:s0+s3], $0x10, $0x38;
	[tilespmem:$0x1F100] =	vst v63  }
0x16d: {  	_ =	swait.ge [sflag:s20], $0x10  }
0x16e: {  	[sflag:s20] =	ssyncset.done $0x0  }
0x16f: {  	s29 =	simm.s32 $0x2700;
	[sflag:s20] =	ssyncadd.s32 $0xFFFFFFF0  }
0x170: {  	[tilespmem:s15], [sflag:$0x1] =	stream.indirect.gather [hbm4b:s4+s25], $0x80, s29, s25, $0xb8;
	[tilespmem:$0x1F100] =	vst v63  }
0x171: {  	_ =	swait.ge [sflag:s18], $0x800  }
0x172: {  	[sflag:s18] =	ssyncset.done $0x0  }
0x173: {  	[sflag:s18] =	ssyncadd.s32 $0xFFFFF800  }
0x174: {  	[spmem:s1] =	stream.indirect.scatter.add.f32 [tilespmem:s15], [sflag:$0x7], $0x80, s22, s25, $0xb8;
	[tilespmem:$0x1F100] =	vst v63  }
0x175: {  	_ =	swait.ge [sflag:s20], $0x800  }
0x176: {  	[sflag:s20] =	ssyncset.done $0x0  }
0x177: {  	[sflag:s20] =	ssyncadd.s32 $0xFFFFF800  }
0x178: {  	[bflag:$0x0] =	sbarrier.arrive $0xFFFF  }
0x179: {  	[tilespmem:s15], [sflag:$0x1] =	stream.linear.gather [spmem:s6], $0x4000, $0x38;
	[tilespmem:$0x1F100] =	vst v63  }
0x17a: {  	_ =	swait.ge [sflag:s18], $0x4000  }
0x17b: {  	[sflag:s18] =	ssyncset.done $0x0  }
0x17c: {  	s30 =	rddreg [dreg:$0x8];
	[sflag:s18] =	ssyncadd.s32 $0xFFFFC000  }
0x17d: {  	[tilespmem:s17], [sflag:$0x2] =	stream.linear.gather [spmem:s30], $0x4000, $0x38;
	[tilespmem:$0x1F100] =	vst v63  }
0x17e: {  	s31 =	rddreg [dreg:$0xf]  }
0x17f: {  	[hbm4b:s31+s3] =	stream.linear.scatter [tilespmem:s15], [sflag:$0x7], $0x4000, $0x38;
	[tilespmem:$0x1F100] =	vst v63  }
0x180: {  	_ =	swait.ge [sflag:s20], $0x4000  }
0x181: {  	[sflag:s20] =	ssyncset.done $0x0  }
0x182: {  	[sflag:s20] =	ssyncadd.s32 $0xFFFFC000  }
0x183: {  	_ =	swait.ge [sflag:s21], $0x4000  }
0x184: {  	[sflag:s21] =	ssyncset.done $0x0  }
0x185: {  	s28 =	rddreg [dreg:$0x9];
	[sflag:s21] =	ssyncadd.s32 $0xFFFFC000  }
0x186: {  	[tilespmem:s15], [sflag:$0x1] =	stream.linear.gather [spmem:s28], $0x4000, $0x38;
	[tilespmem:$0x1F100] =	vst v63  }
0x187: {  	s29 =	rddreg [dreg:$0x10]  }
0x188: {  	[hbm4b:s29+s3] =	stream.linear.scatter [tilespmem:s17], [sflag:$0x7], $0x4000, $0x38;
	[tilespmem:$0x1F100] =	vst v63  }
0x189: {  	_ =	swait.ge [sflag:s20], $0x4000  }
0x18a: {  	[sflag:s20] =	ssyncset.done $0x0  }
0x18b: {  	[sflag:s20] =	ssyncadd.s32 $0xFFFFC000  }
0x18c: {  	_ =	swait.ge [sflag:s18], $0x4000  }
0x18d: {  	[sflag:s18] =	ssyncset.done $0x0  }
0x18e: {  	s30 =	rddreg [dreg:$0xa];
	[sflag:s18] =	ssyncadd.s32 $0xFFFFC000  }
0x18f: {  	[tilespmem:s17], [sflag:$0x2] =	stream.linear.gather [spmem:s30], $0x4000, $0x38;
	[tilespmem:$0x1F100] =	vst v63  }
0x190: {  	s31 =	rddreg [dreg:$0x11]  }
0x191: {  	[hbm4b:s31+s3] =	stream.linear.scatter [tilespmem:s15], [sflag:$0x7], $0x4000, $0x38;
	[tilespmem:$0x1F100] =	vst v63  }
0x192: {  	_ =	swait.ge [sflag:s20], $0x4000  }
0x193: {  	[sflag:s20] =	ssyncset.done $0x0  }
0x194: {  	[sflag:s20] =	ssyncadd.s32 $0xFFFFC000  }
0x195: {  	_ =	swait.ge [sflag:s21], $0x4000  }
0x196: {  	[sflag:s21] =	ssyncset.done $0x0  }
0x197: {  	s28 =	rddreg [dreg:$0xb];
	[sflag:s21] =	ssyncadd.s32 $0xFFFFC000  }
0x198: {  	[tilespmem:s15], [sflag:$0x1] =	stream.linear.gather [spmem:s28], $0x4000, $0x38;
	[tilespmem:$0x1F100] =	vst v63  }
0x199: {  	s29 =	rddreg [dreg:$0x12]  }
0x19a: {  	[hbm4b:s29+s3] =	stream.linear.scatter [tilespmem:s17], [sflag:$0x7], $0x4000, $0x38;
	[tilespmem:$0x1F100] =	vst v63  }
0x19b: {  	_ =	swait.ge [sflag:s20], $0x4000  }
0x19c: {  	[sflag:s20] =	ssyncset.done $0x0  }
0x19d: {  	[sflag:s20] =	ssyncadd.s32 $0xFFFFC000  }
0x19e: {  	_ =	swait.ge [sflag:s18], $0x4000  }
0x19f: {  	[sflag:s18] =	ssyncset.done $0x0  }
0x1a0: {  	s30 =	rddreg [dreg:$0x13];
	[sflag:s18] =	ssyncadd.s32 $0xFFFFC000  }
0x1a1: {  	[hbm4b:s30+s3] =	stream.linear.scatter [tilespmem:s15], [sflag:$0x7], $0x4000, $0x38;
	[tilespmem:$0x1F100] =	vst v63  }
0x1a2: {  	_ =	swait.ge [sflag:s20], $0x4000  }
0x1a3: {  	s26 =	sadd.s32 $0x1, s26;
	s31 =	rddreg [dreg:$0xc]  }
0x1a4: {  	p0 =	sne.s32 s26, s31  }
.Ltmp2:
0x1a5: {  	_ = 	snop;
	(pc) =	sbr.rel @p0 .LBB2_1-.Ltmp2, $3  }
0x1a6: {  	_ =	sdelay $0x1  }
0x1a7: {  	[sflag:s20] =	ssyncset.done $0x0  }
0x1a8: {  	[sflag:s20] =	ssyncadd.s32 $0xFFFFC000  }
0x1a9: {  	_ =	sfence.sel $0x180000  }
0x1aa: {  	[bflag:$0x0] =	sbarrier.arrive $0xFFFF  }
0x1ab: {  	_ =	strace $0x9000004A  }
0x1ac: {  	s0 =	stileid.u32;
	[bflag:$0x2] =	sbarrier.arrive $0xFFFF  }
0x1ad: {  	p0 =	sne.s32 s0, $0x0;
	s0 =	rddreg [dreg:$0x3]  }
0x1ae: {  	s0 =	sadd.s32 @!p0 $0x100000, s0  }
0x1af: {  	[sflag:s0] =	ssyncadd.tile.s32 @!p0 $0x1;
	_ =	shalt  }
.Lfunc_end2:
_tile_overlayer_lowered:
.L_overlay_start_2:
0x1b0: {  	(tag) =	ssettag $0x2  }
0x1b1: {  	s0 =	rddreg [dreg:$0x0];
	s2 =	stileid.u32  }
0x1b2: {  	s1 =	rddreg [dreg:$0x1];
	p0 =	sne.s32 s2, $0x0  }
0x1b3: {  	s3 =	rddreg [dreg:$0x2];
	[bflag:$0x3] =	sbarrier.arrive $0xFFFF;
	s2 =	simm.s32 @!p0 $0x1C07  }
0x1b4: {  	[timem:s3], [sflag:s2] =	dma.local @!p0 [hbm:s0], s1  }
0x1b5: {  	s0 =	simm.s32 @!p0 $0x7  }
0x1b6: {  	_ =	swait.ge @!p0 [sflag:s0], s1  }
0x1b7: {  	s1 =	ssub.s32 @!p0 $0x0, s1;
	[sflag:s0] =	ssyncset.done @!p0 $0x0  }
0x1b8: {  	[sflag:s0] =	ssyncadd.s32 @!p0 s1  }
0x1b9: {  	[bflag:$0x3] =	sbarrier.arrive $0xFFFF  }
0x1ba: {  	_ =	shalt  }

// kernel: kernel.15.cloned.1.call-start
scs
__scs_entry_jumppad:
0x0: {  	(pc) =	sbr.rel $0x88, $3  }
0x1: {  	(tag) =	ssettag $0x0;
	lr =	simm.s32 $0x1  }
0x2: {  	[smem:$0x3F9B] =	sst lr;
	_ =	strace $0xD0000000  }
0x3: {  	_ = 	snop  }
0x4: {  	_ = 	snop  }
0x5: {  	_ = 	snop  }
0x6: {  	_ = 	snop  }
0x7: {  	_ = 	snop  }
__scs_overlays_trampoline_lowered:
0x8: {  	[smem:$0x3FAA] =	sst s0  }
0x9: {  	[smem:$0x3FAB] =	sst s1  }
0xa: {  	[smem:$0x3FAC] =	sst s2  }
0xb: {  	[smem:$0x3FAD] =	sst s3  }
0xc: {  	[smem:$0x3FAE] =	sst s4  }
0xd: {  	[smem:$0x3FAF] =	sst s5  }
0xe: {  	[smem:$0x3FB0] =	sst s6  }
0xf: {  	[smem:$0x3FB1] =	sst s7  }
0x10: {  	[smem:$0x3FB2] =	sst s8  }
0x11: {  	[smem:$0x3FB3] =	sst s9;
	s0 =	simm.s32 @!p0 $0x0  }
0x12: {  	s1 =	sld [smem:$0x3F99];
	s0 =	simm.s32 @p0 $0x1  }
0x13: {  	[smem:$0x3FB4] =	sst s0;
	s0 =	simm.s32 @!p1 $0x0  }
0x14: {  	s2 =	sld [smem:$0x3F98];
	s0 =	simm.s32 @p1 $0x1  }
0x15: {  	[smem:$0x3FB5] =	sst s0;
	s0 =	simm.s32 @!p2 $0x0  }
0x16: {  	s3 =	sld [smem:$0x3FDB];
	s0 =	simm.s32 @p2 $0x1  }
0x17: {  	s4 =	simm.s32 $0x1BF5;
	[smem:$0x3FB7] =	sst s0  }
0x18: {  	s0 =	sld [smem:$0x3F9A];
	_ =	swait.ge [sflag:s4], $0x0  }
0x19: {  	s7 =	sld [smem:$0x3F9B]  }
0x1a: {  	s8 =	sadd.s32 $0xFFFFE003, lr  }
0x1b: {  	s9 =	sadd.s32 $0xFFFFFEF7, lr;
	s5 =	simm.s32 $0xFFFFFFFF;
	p2 =	slt.u32 s8, $0xFFFFF086  }
0x1c: {  	p1 =	slt.u32 s9, $0xF7A;
	s5 =	simm.s32 @!p2 $0x0  }
0x1d: {  	s5 =	simm.s32 @p1 $0x1;
	p0 =	seq.s32 s7, s2  }
0x1e: {  	s7 =	smul.u32 @!p0 $0xF7A, s2;
	p2 =	seq.s32 @!p0 s5, $0x0  }
0x1f: {  	s9 =	smul.u32 $0xF7A, s1;
	s8 =	simm.s32 @!p0 $0x1BF5;
	p2 =	por !p2, p0  }
0x20: {  	[sflag:s8] =	ssyncset.s32 @!p0 $0xFFFFF086;
	s6 =	sadd.s32 @!p0 s3, s7;
	s7 =	simm.s32 @!p0 $0x108  }
0x21: {  	s3 =	sadd.s32 s3, s9;
	s6 =	sadd.s32 @!p0 $0x88, s6;
	s7 =	simm.s32 @p2 $0x1082  }
0x22: {  	[simem:s7], [sflag:s8] =	dma.local @!p0 [hbm:s6], $0xF7A  }
0x23: {  	s9 =	sor.u32 $0xD0000000, s2;
	s6 =	simm.s32 $0x108;
	_ =	swait.ge @!p0 [sflag:s8], $0x0  }
0x24: {  	s3 =	sadd.s32 $0x88, s3;
	s6 =	simm.s32 @!p1 $0x1082;
	[sflag:s4] =	ssyncset.s32 $0xFFFFF086  }
0x25: {  	[simem:s6], [sflag:s4] =	dma.local [hbm:s3], $0xF7A  }
0x26: {  	[smem:$0x3F9B] =	sst s1;
	(tag) =	ssettag s2;
	_ =	strace s9  }
0x27: {  	s1 =	sld [smem:$0x3FAB]  }
0x28: {  	s2 =	sld [smem:$0x3FAC]  }
0x29: {  	s4 =	sld [smem:$0x3FAE]  }
0x2a: {  	p0 =	seq.s32 s5, $0x0;
	s5 =	sld [smem:$0x3FAF]  }
0x2b: {  	s6 =	sld [smem:$0x3FB0]  }
0x2c: {  	s7 =	sld [smem:$0x3FB1]  }
0x2d: {  	s3 =	simm.s32 $0x108;
	s8 =	sld [smem:$0x3FB2]  }
0x2e: {  	s3 =	simm.s32 @!p0 $0x1082;
	s9 =	sld [smem:$0x3FB3]  }
0x2f: {  	lr =	sadd.s32 s0, s3;
	s0 =	sld [smem:$0x3FAA]  }
0x30: {  	s3 =	sld [smem:$0x3FAD]  }
0x31: {  	[smem:$0x3FB6] =	sst s10  }
0x32: {  	s10 =	sld [smem:$0x3FB4];
	_ =	sdelay $0x3  }
0x33: {  	p0 =	seq.s32 s10, $0x1;
	s10 =	sld [smem:$0x3FB6];
	_ =	sdelay $0x3  }
0x34: {  	[smem:$0x3FB6] =	sst s10  }
0x35: {  	s10 =	sld [smem:$0x3FB5];
	_ =	sdelay $0x3  }
0x36: {  	p1 =	seq.s32 s10, $0x1;
	s10 =	sld [smem:$0x3FB6];
	_ =	sdelay $0x3  }
0x37: {  	[smem:$0x3FB6] =	sst s10  }
0x38: {  	s10 =	sld [smem:$0x3FB7]  }
0x39: {  	_ = 	snop;
	(pc) =	sbr.ind lr, $3  }
0x3a: {  	_ = 	snop  }
0x3b: {  	_ = 	snop  }
0x3c: {  	p2 =	seq.s32 s10, $0x1;
	s10 =	sld [smem:$0x3FB6]  }
0x3d: {  	_ =	shalt  }
0x3e: {  	_ =	shalt  }
0x3f: {  	_ =	shalt  }
0x40: {  	_ =	shalt  }
0x41: {  	_ =	shalt  }
0x42: {  	_ =	shalt  }
0x43: {  	_ =	shalt  }
0x44: {  	_ =	shalt  }
0x45: {  	_ =	shalt  }
0x46: {  	_ =	shalt  }
0x47: {  	_ =	shalt  }
0x48: {  	_ =	shalt  }
0x49: {  	_ =	shalt  }
0x4a: {  	_ =	shalt  }
0x4b: {  	_ =	shalt  }
0x4c: {  	_ =	shalt  }
0x4d: {  	_ =	shalt  }
0x4e: {  	_ =	shalt  }
0x4f: {  	_ =	shalt  }
0x50: {  	_ =	shalt  }
0x51: {  	_ =	shalt  }
0x52: {  	_ =	shalt  }
0x53: {  	_ =	shalt  }
0x54: {  	_ =	shalt  }
0x55: {  	_ =	shalt  }
0x56: {  	_ =	shalt  }
0x57: {  	_ =	shalt  }
0x58: {  	_ =	shalt  }
0x59: {  	_ =	shalt  }
0x5a: {  	_ =	shalt  }
0x5b: {  	_ =	shalt  }
0x5c: {  	_ =	shalt  }
0x5d: {  	_ =	shalt  }
0x5e: {  	_ =	shalt  }
0x5f: {  	_ =	shalt  }
0x60: {  	_ =	shalt  }
0x61: {  	_ =	shalt  }
0x62: {  	_ =	shalt  }
0x63: {  	_ =	shalt  }
0x64: {  	_ =	shalt  }
0x65: {  	_ =	shalt  }
0x66: {  	_ =	shalt  }
0x67: {  	_ =	shalt  }
0x68: {  	_ =	shalt  }
0x69: {  	_ =	shalt  }
0x6a: {  	_ =	shalt  }
0x6b: {  	_ =	shalt  }
0x6c: {  	_ =	shalt  }
0x6d: {  	_ =	shalt  }
0x6e: {  	_ =	shalt  }
0x6f: {  	_ =	shalt  }
0x70: {  	_ =	shalt  }
0x71: {  	_ =	shalt  }
0x72: {  	_ =	shalt  }
0x73: {  	_ =	shalt  }
0x74: {  	_ =	shalt  }
0x75: {  	_ =	shalt  }
0x76: {  	_ =	shalt  }
0x77: {  	_ =	shalt  }
0x78: {  	_ =	shalt  }
0x79: {  	_ =	shalt  }
0x7a: {  	_ =	shalt  }
0x7b: {  	_ =	shalt  }
0x7c: {  	_ =	shalt  }
0x7d: {  	_ =	shalt  }
0x7e: {  	_ =	shalt  }
0x7f: {  	_ =	shalt  }
0x80: {  	_ =	shalt  }
0x81: {  	_ =	shalt  }
0x82: {  	_ =	shalt  }
0x83: {  	_ =	shalt  }
0x84: {  	_ =	shalt  }
0x85: {  	_ =	shalt  }
0x86: {  	_ =	shalt  }
0x87: {  	_ =	shalt  }
.Lfunc_end0:
.L_simem_size_0:
called_computation.2_lowered:
.L_overlay_start_0:
0x88: {  	s2 =	sld [smem:$0x3FD9]  }
0x89: {  	s3 =	sld [smem:$0x3FFE];
	_ =	sdelay $0x1  }
0x8a: {  	s1 =	srdreg.scid  }
0x8b: {  	s0 =	sand.u32 $0x1, s1  }
0x8c: {  	s17 =	sshll.u32 s0, $0xA;
	s2 =	sadd.s32 s3, s2  }
0x8d: {  	s2 =	sadd.s32 s2, s17  }
0x8e: {  	[smem:$0x3FC2] =	sst s2  }
0x8f: {  	_ = 	snop  }
0x90: {  	s2 =	sld [smem:$0x3FD0];
	(tm) =	ssettm $0x1  }
0x91: {  	s18 =	sld [smem:$0x3FFB];
	_ =	sdelay $0x3  }
0x92: {  	_ =	strace s18  }
0x93: {  	s3 =	sld [smem:$0x3FFC];
	_ =	sdelay $0x3  }
0x94: {  	_ =	strace s3  }
0x95: {  	s3 =	sld [smem:$0x3FFD];
	_ =	sdelay $0x3  }
0x96: {  	_ =	strace s3  }
0x97: {  	_ =	strace $0x8FFFFFFF  }
0x98: {  	s19 =	sld [smem:$0x3FDB];
	_ =	sdelay $0x1  }
0x99: {  	s4 =	simm.s32 $_scs_section_size  }
0x9a: {  	s5 =	simm.s32 $_size__tile_overlayer_lowered;
	s6 =	simm.s32 $_tile_overlayer_lowered  }
0x9b: {  	s22 =	simm.s32 $0x1BFF;
	s21 =	sshll.u32 s6, $0x1;
	s3 =	sadd.s32 s4, s19  }
0x9c: {  	s7 =	simm.s32 $0x0;
	s20 =	sshll.u32 s5, $0x1;
	s5 =	sadd.s32 s21, s3  }
0x9d: {  	[timem:s7], [sflag:s22] =	dma.local [hbm:s5], s20  }
0x9e: {  	_ =	swait.ge [sflag:s22], s20  }
0x9f: {  	s4 =	ssub.s32 $0x0, s20;
	[sflag:s22] =	ssyncset.done $0x0  }
0xa0: {  	[sflag:s22] =	ssyncadd.s32 s4;
	_ =	sdelay $0x1  }
0xa1: {  	s23 =	simm.s32 $0x1B8B  }
0xa2: {  	_ =	swait.ge [sflag:s23], $0x1  }
0xa3: {  	[sflag:s23] =	ssyncset.done $0x0  }
0xa4: {  	s25 =	simm.s32 $0x1B8E;
	s24 =	sld [smem:$0x3FFE];
	[sflag:s23] =	ssyncadd.s32 $0xFFFFFFFF  }
0xa5: {  	s26 =	simm.s32 $execute0_lowered;
	[smem:$0x3FD2] =	sst s25  }
0xa6: {  	s5 =	sshll.u32 s26, $0x1;
	_ =	strace $0x8000004C;
	[dreg:$0x1] =	wrdreg $0xFFFFFFFF  }
0xa7: {  	s28 =	simm.s32 $_size_execute0_lowered;
	s3 =	sadd.s32 s3, s5;
	[dreg:$0x0] =	wrdreg $0x0  }
0xa8: {  	s5 =	sshll.u32 s28, $0x1;
	[dreg:$0x2] =	wrdreg s3  }
0xa9: {  	[dreg:$0x3] =	wrdreg s5  }
0xaa: {  	[dreg:$0x4] =	wrdreg $0xC0  }
0xab: {  	_ =	task [dreg:s7], $0x5FFFF  }
0xac: {  	[dreg:$0x1] =	wrdreg $0xFFFFFFFF  }
0xad: {  	[dreg:$0x0] =	wrdreg $0x60  }
0xae: {  	[dreg:$0x2] =	wrdreg s24  }
0xaf: {  	[dreg:$0x3] =	wrdreg s2  }
0xb0: {  	[dreg:$0x4] =	wrdreg $0xB1000  }
0xb1: {  	[dreg:$0x5] =	wrdreg $0x9  }
0xb2: {  	_ =	task.clear_ibuf [dreg:s7], $0x6FFFF;
	_ =	strace $0x9000004C  }
0xb3: {  	s29 =	simm.s32 $0x9;
	_ =	strace $0x8000004E  }
0xb4: {  	_ =	swait.ge [sflag:s29], $0x1  }
0xb5: {  	[sflag:s29] =	ssyncadd.s32 $0xFFFFFFFF  }
0xb6: {  	_ =	strace $0x9000004E  }
0xb7: {  	_ =	sfence  }
0xb8: {  	s30 =	sld [smem:$0x0];
	_ =	sdelay $0x2  }
0xb9: {  	s31 =	sshll.u32 s1, $0xD;
	s1 =	sshrl.u32 s1, $0x2  }
0xba: {  	s3 =	sand.u32 $0x4000, s31;
	s1 =	sadd.s32 s1, s30  }
0xbb: {  	s0 =	sor.u32 s3, s0;
	s1 =	sshll.u32 s1, $0x11  }
0xbc: {  	s0 =	sor.u32 s1, s0  }
0xbd: {  	s0 =	sadd.s32 $0x8F2B, s0  }
0xbe: {  	[sflag:s0] =	ssyncadd.remote.s32 $0x1  }
0xbf: {  	_ =	sfence.sel $0xFFFF  }
0xc0: {  	[dreg:$0x0] =	wrdreg $0xFFFFFFFF;
	(pc) =	sbr.abs _section_cstart, $3  }
0xc1: {  	[dreg:$0x1] =	wrdreg $0xFFFFFFFF  }
0xc2: {  	_ =	task.clear_ibuf [dreg:s7], $0x2FFFF;
	_ =	strace $0x9FFFFFFF  }
0xc3: {  	(tm) =	ssettm $0x7FFFFFFF  }
tec
execute0_lowered:
.L_overlay_start_1:
0x0: {  	(tag) =	ssettag $0x1  }
0x1: {  	s2 =	rddreg [dreg:$0x0]  }
0x2: {  	s0 =	rddreg [dreg:$0x1]  }
0x3: {  	s1 =	rddreg [dreg:$0x2];
	s14 =	stileid.u32  }
0x4: {  	s3 =	srdreg.scid;
	s8 =	smul.u32 $0x50000, s14  }
0x5: {  	s5 =	sand.u32 $0x1, s3;
	s3 =	simm.s32 $0x0;
	s10 =	smul.u32 $0x280, s14  }
0x6: {  	s4 =	sshll.u32 s5, $0x4;
	[smem:$0x7FF] =	sst s3;
	s7 =	ssub.s32 $0x2, s5  }
0x7: {  	p0 =	seq.s32 s5, $0x1;
	s4 =	sor.u32 s14, s4;
	_ =	strace $0x8000004D  }
0x8: {  	s9 =	sshrl.u32 s7, $0x1;
	s20 =	sshrl.u32 s8, $0x2;
	s22 =	sadd.s32 $0x80, s10  }
0x9: {  	s24 =	sadd.s32 $0x100, s10;
	s13 =	sadd.s32 $0x180, s10;
	s10 =	sadd.s32 $0x200, s10  }
0xa: {  	s6 =	smul.u32 $0x2710, s4;
	s4 =	sadd.s32 $0x3A00, s2;
	s7 =	ssub.s32 s7, s9  }
0xb: {  	s12 =	sshll.u32 s24, $0x7;
	s26 =	sshll.u32 s13, $0x7;
	s8 =	sshll.u32 s22, $0x4  }
0xc: {  	s28 =	sshll.u32 s10, $0x7;
	s29 =	sshll.u32 s13, $0x4;
	s12 =	sadd.s32 s12, s1  }
0xd: {  	s13 =	simm.s32 $0x53A00;
	s7 =	smax.u32 s7, $0x1;
	[dreg:$0x9] =	wrdreg s12  }
0xe: {  	s6 =	sshrl.u32 s6, $0x3;
	s12 =	sadd.s32 s26, s1;
	[dreg:$0xc] =	wrdreg s7  }
0xf: {  	s13 =	simm.s32 @!p0 $0x2BA00;
	s19 =	sadd.s32 s0, s6;
	[dreg:$0xa] =	wrdreg s12  }
0x10: {  	s2 =	sadd.s32 s13, s2;
	s12 =	sadd.s32 s28, s1;
	[dreg:$0x4] =	wrdreg s19  }
0x11: {  	s8 =	sadd.s32 s2, s8;
	[dreg:$0xb] =	wrdreg s12  }
0x12: {  	s16 =	sadd.s32 s2, s29;
	[dreg:$0x10] =	wrdreg s8  }
0x13: {  	s21 =	sadd.s32 $0x9C40, s19;
	[dreg:$0x12] =	wrdreg s16  }
0x14: {  	s11 =	sadd.s32 $0x9C50, s19;
	[dreg:$0x5] =	wrdreg s21  }
0x15: {  	s6 =	sadd.s32 s20, s1;
	s9 =	sadd.s32 $0xA120, s19;
	[dreg:$0x6] =	wrdreg s11  }
0x16: {  	s25 =	smul.u32 $0x2800, s14;
	s31 =	sadd.s32 $0x800, s6;
	[dreg:$0x7] =	wrdreg s9  }
0x17: {  	s30 =	smul.u32 $0x2710, s14;
	s14 =	sadd.s32 $0x1000, s6;
	[dreg:$0xd] =	wrdreg s31  }
0x18: {  	s5 =	smul.u32 $0x27100, s5;
	s19 =	sadd.s32 $0x1800, s6;
	[dreg:$0xe] =	wrdreg s14  }
0x19: {  	s23 =	sshll.u32 s22, $0x7;
	s22 =	sadd.s32 $0x2800, s6;
	[dreg:$0x14] =	wrdreg s19  }
0x1a: {  	s26 =	sadd.s32 $0x3800, s6;
	[dreg:$0x16] =	wrdreg s22  }
0x1b: {  	s5 =	sadd.s32 s30, s5;
	s28 =	sadd.s32 $0x4000, s6;
	[dreg:$0x18] =	wrdreg s26  }
0x1c: {  	s17 =	sadd.s32 $0x4E380, s5;
	s29 =	sadd.s32 $0x4800, s6;
	[dreg:$0x19] =	wrdreg s28  }
0x1d: {  	s5 =	sadd.s32 $0x4E300, s5;
	s30 =	sadd.s32 $0x5000, s6;
	[dreg:$0x1a] =	wrdreg s29  }
0x1e: {  	s20 =	sshrl.u32 s5, $0x3;
	s5 =	sadd.s32 $0x6800, s6;
	[dreg:$0x1b] =	wrdreg s30  }
0x1f: {  	s7 =	sadd.s32 $0x7000, s6;
	[dreg:$0x1e] =	wrdreg s5  }
0x20: {  	s8 =	sadd.s32 $0x7800, s6;
	[dreg:$0x1f] =	wrdreg s7  }
0x21: {  	s12 =	sadd.s32 $0x9800, s6;
	[smem:$0x7E9] =	sst s8  }
0x22: {  	s13 =	sadd.s32 $0xA000, s6;
	[smem:$0x7ED] =	sst s12  }
0x23: {  	s16 =	sadd.s32 $0xB800, s6;
	[smem:$0x7EE] =	sst s13  }
0x24: {  	s18 =	sshrl.u32 s17, $0x3;
	s17 =	sadd.s32 $0xC000, s6;
	[smem:$0x7F1] =	sst s16  }
0x25: {  	s9 =	sadd.s32 s23, s1;
	[smem:$0x7F2] =	sst s17  }
0x26: {  	s11 =	sadd.s32 s2, s25;
	[dreg:$0x8] =	wrdreg s9  }
0x27: {  	s10 =	sshll.u32 s10, $0x4;
	s21 =	sadd.s32 $0x2000, s6;
	[dreg:$0xf] =	wrdreg s11  }
0x28: {  	s23 =	sadd.s32 s18, s0;
	s25 =	sadd.s32 $0x3000, s6;
	[dreg:$0x15] =	wrdreg s21  }
0x29: {  	s31 =	sadd.s32 $0x5800, s6;
	s14 =	sadd.s32 $0xA800, s6;
	[dreg:$0x17] =	wrdreg s25  }
0x2a: {  	s18 =	sadd.s32 $0xC800, s6;
	s19 =	sadd.s32 $0xD000, s6;
	[dreg:$0x1c] =	wrdreg s31  }
0x2b: {  	s22 =	sadd.s32 $0xE800, s6;
	s26 =	sadd.s32 $0xF800, s6;
	[smem:$0x7EF] =	sst s14  }
0x2c: {  	s28 =	sadd.s32 $0x10000, s6;
	s29 =	sadd.s32 $0x10800, s6;
	[smem:$0x7F3] =	sst s18  }
0x2d: {  	s30 =	sadd.s32 $0x11000, s6;
	s7 =	sadd.s32 $0x12800, s6;
	[smem:$0x7F4] =	sst s19  }
0x2e: {  	s8 =	sadd.s32 $0x13000, s6;
	s12 =	simm.s32 $0x5;
	[smem:$0x7F7] =	sst s22  }
0x2f: {  	s13 =	simm.s32 $0x2780;
	s16 =	simm.s32 $0x2800;
	[smem:$0x7F9] =	sst s26  }
0x30: {  	s17 =	simm.s32 $0x6900;
	s5 =	simm.s32 $0x4;
	[smem:$0x7FA] =	sst s28  }
0x31: {  	s9 =	sshll.u32 s24, $0x4;
	s24 =	sadd.s32 s20, s0;
	[smem:$0x7FB] =	sst s29  }
0x32: {  	s11 =	sadd.s32 $0x9000, s6;
	s20 =	sadd.s32 $0xD800, s6;
	[smem:$0x7FC] =	sst s30  }
0x33: {  	s21 =	sadd.s32 $0xE000, s6;
	s25 =	sadd.s32 $0xF000, s6;
	[smem:$0x7EC] =	sst s11  }
0x34: {  	s31 =	sadd.s32 $0x11800, s6;
	s14 =	simm.s32 $0x80;
	[smem:$0x7F5] =	sst s20  }
0x35: {  	s18 =	simm.s32 $0x1;
	s19 =	simm.s32 $0x3;
	[smem:$0x7F6] =	sst s21  }
0x36: {  	s22 =	simm.s32 $0x2880;
	s26 =	simm.s32 $0x0;
	[smem:$0x7F8] =	sst s25  }
0x37: {  	s15 =	sadd.s32 s2, s9;
	s2 =	sadd.s32 s2, s10;
	[smem:$0x7FD] =	sst s31  }
0x38: {  	s9 =	sadd.s32 $0x8000, s6;
	s10 =	sadd.s32 $0x8800, s6;
	[dreg:$0x11] =	wrdreg s15  }
0x39: {  	s11 =	simm.s32 $0x6;
	s20 =	simm.s32 $0x7;
	[dreg:$0x13] =	wrdreg s2  }
0x3a: {  	s21 =	simm.s32 $0x2;
	s25 =	simm.s32 $0x10;
	[smem:$0x7EA] =	sst s9  }
0x3b: {  	s2 =	sadd.s32 $0x6000, s6;
	[smem:$0x7EB] =	sst s10;
	s15 =	sadd.s32 $0xB000, s6  }
0x3c: {  	s9 =	sadd.s32 $0x13800, s6;
	s10 =	simm.s32 $0xA900;
	[dreg:$0x1d] =	wrdreg s2  }
0x3d: {  	v0 =	vimm.f32 $0.0e+00;
	[smem:$0x7F0] =	sst s15;
	s2 =	sadd.s32 $0x12000, s6;
	s15 =	simm.s32 $0x2900  }
.LBB2_1:
0x3e: {  	[tilespmem:$0xA900] =	vst v0  }
0x3f: {  	[tilespmem:$0xA910] =	vst v0  }
0x40: {  	[tilespmem:$0xA920] =	vst v0  }
0x41: {  	[tilespmem:$0xA930] =	vst v0  }
0x42: {  	[tilespmem:$0xA940] =	vst v0  }
0x43: {  	[tilespmem:$0xA950] =	vst v0  }
0x44: {  	[tilespmem:$0xA960] =	vst v0  }
0x45: {  	[tilespmem:$0xA970] =	vst v0  }
0x46: {  	[tilespmem:$0xA980] =	vst v0  }
0x47: {  	[tilespmem:$0xA990] =	vst v0  }
0x48: {  	[tilespmem:$0xA9A0] =	vst v0  }
0x49: {  	[tilespmem:$0xA9B0] =	vst v0  }
0x4a: {  	[tilespmem:$0xA9C0] =	vst v0  }
0x4b: {  	[tilespmem:$0xA9D0] =	vst v0  }
0x4c: {  	[tilespmem:$0xA9E0] =	vst v0  }
0x4d: {  	[tilespmem:$0xA9F0] =	vst v0  }
0x4e: {  	[tilespmem:$0xAA00] =	vst v0  }
0x4f: {  	[tilespmem:$0xAA10] =	vst v0  }
0x50: {  	[tilespmem:$0xAA20] =	vst v0  }
0x51: {  	[tilespmem:$0xAA30] =	vst v0  }
0x52: {  	[tilespmem:$0xAA40] =	vst v0  }
0x53: {  	[tilespmem:$0xAA50] =	vst v0  }
0x54: {  	[tilespmem:$0xAA60] =	vst v0  }
0x55: {  	[tilespmem:$0xAA70] =	vst v0  }
0x56: {  	[tilespmem:$0xAA80] =	vst v0  }
0x57: {  	[tilespmem:$0xAA90] =	vst v0  }
0x58: {  	[tilespmem:$0xAAA0] =	vst v0  }
0x59: {  	[tilespmem:$0xAAB0] =	vst v0  }
0x5a: {  	[tilespmem:$0xAAC0] =	vst v0  }
0x5b: {  	[tilespmem:$0xAAD0] =	vst v0  }
0x5c: {  	[tilespmem:$0xAAE0] =	vst v0  }
0x5d: {  	[tilespmem:$0xAAF0] =	vst v0  }
0x5e: {  	[tilespmem:$0xAB00] =	vst v0  }
0x5f: {  	[tilespmem:$0xAB10] =	vst v0  }
0x60: {  	[tilespmem:$0xAB20] =	vst v0  }
0x61: {  	[tilespmem:$0xAB30] =	vst v0  }
0x62: {  	[tilespmem:$0xAB40] =	vst v0  }
0x63: {  	[tilespmem:$0xAB50] =	vst v0  }
0x64: {  	[tilespmem:$0xAB60] =	vst v0  }
0x65: {  	[tilespmem:$0xAB70] =	vst v0  }
0x66: {  	[tilespmem:$0xAB80] =	vst v0  }
0x67: {  	[tilespmem:$0xAB90] =	vst v0  }
0x68: {  	[tilespmem:$0xABA0] =	vst v0  }
0x69: {  	[tilespmem:$0xABB0] =	vst v0  }
0x6a: {  	[tilespmem:$0xABC0] =	vst v0  }
0x6b: {  	[tilespmem:$0xABD0] =	vst v0  }
0x6c: {  	[tilespmem:$0xABE0] =	vst v0  }
0x6d: {  	[tilespmem:$0xABF0] =	vst v0  }
0x6e: {  	[tilespmem:$0xAC00] =	vst v0  }
0x6f: {  	[tilespmem:$0xAC10] =	vst v0  }
0x70: {  	[tilespmem:$0xAC20] =	vst v0  }
0x71: {  	[tilespmem:$0xAC30] =	vst v0  }
0x72: {  	[tilespmem:$0xAC40] =	vst v0  }
0x73: {  	[tilespmem:$0xAC50] =	vst v0  }
0x74: {  	[tilespmem:$0xAC60] =	vst v0  }
0x75: {  	[tilespmem:$0xAC70] =	vst v0  }
0x76: {  	[tilespmem:$0xAC80] =	vst v0  }
0x77: {  	[tilespmem:$0xAC90] =	vst v0  }
0x78: {  	[tilespmem:$0xACA0] =	vst v0  }
0x79: {  	[tilespmem:$0xACB0] =	vst v0  }
0x7a: {  	[tilespmem:$0xACC0] =	vst v0  }
0x7b: {  	[tilespmem:$0xACD0] =	vst v0  }
0x7c: {  	[tilespmem:$0xACE0] =	vst v0  }
0x7d: {  	[tilespmem:$0xACF0] =	vst v0  }
0x7e: {  	[tilespmem:$0xAD00] =	vst v0  }
0x7f: {  	[tilespmem:$0xAD10] =	vst v0  }
0x80: {  	[tilespmem:$0xAD20] =	vst v0  }
0x81: {  	[tilespmem:$0xAD30] =	vst v0  }
0x82: {  	[tilespmem:$0xAD40] =	vst v0  }
0x83: {  	[tilespmem:$0xAD50] =	vst v0  }
0x84: {  	[tilespmem:$0xAD60] =	vst v0  }
0x85: {  	[tilespmem:$0xAD70] =	vst v0  }
0x86: {  	[tilespmem:$0xAD80] =	vst v0  }
0x87: {  	[tilespmem:$0xAD90] =	vst v0  }
0x88: {  	[tilespmem:$0xADA0] =	vst v0  }
0x89: {  	[tilespmem:$0xADB0] =	vst v0  }
0x8a: {  	[tilespmem:$0xADC0] =	vst v0  }
0x8b: {  	[tilespmem:$0xADD0] =	vst v0  }
0x8c: {  	[tilespmem:$0xADE0] =	vst v0  }
0x8d: {  	[tilespmem:$0xADF0] =	vst v0  }
0x8e: {  	[tilespmem:$0xAE00] =	vst v0  }
0x8f: {  	[tilespmem:$0xAE10] =	vst v0  }
0x90: {  	[tilespmem:$0xAE20] =	vst v0  }
0x91: {  	[tilespmem:$0xAE30] =	vst v0  }
0x92: {  	[tilespmem:$0xAE40] =	vst v0  }
0x93: {  	[tilespmem:$0xAE50] =	vst v0  }
0x94: {  	[tilespmem:$0xAE60] =	vst v0  }
0x95: {  	[tilespmem:$0xAE70] =	vst v0  }
0x96: {  	[tilespmem:$0xAE80] =	vst v0  }
0x97: {  	[tilespmem:$0xAE90] =	vst v0  }
0x98: {  	[tilespmem:$0xAEA0] =	vst v0  }
0x99: {  	[tilespmem:$0xAEB0] =	vst v0  }
0x9a: {  	[tilespmem:$0xAEC0] =	vst v0  }
0x9b: {  	[tilespmem:$0xAED0] =	vst v0  }
0x9c: {  	[tilespmem:$0xAEE0] =	vst v0  }
0x9d: {  	[tilespmem:$0xAEF0] =	vst v0  }
0x9e: {  	[tilespmem:$0xAF00] =	vst v0  }
0x9f: {  	[tilespmem:$0xAF10] =	vst v0  }
0xa0: {  	[tilespmem:$0xAF20] =	vst v0  }
0xa1: {  	[tilespmem:$0xAF30] =	vst v0  }
0xa2: {  	[tilespmem:$0xAF40] =	vst v0  }
0xa3: {  	[tilespmem:$0xAF50] =	vst v0  }
0xa4: {  	[tilespmem:$0xAF60] =	vst v0  }
0xa5: {  	[tilespmem:$0xAF70] =	vst v0  }
0xa6: {  	[tilespmem:$0xAF80] =	vst v0  }
0xa7: {  	[tilespmem:$0xAF90] =	vst v0  }
0xa8: {  	[tilespmem:$0xAFA0] =	vst v0  }
0xa9: {  	[tilespmem:$0xAFB0] =	vst v0  }
0xaa: {  	[tilespmem:$0xAFC0] =	vst v0  }
0xab: {  	[tilespmem:$0xAFD0] =	vst v0  }
0xac: {  	[tilespmem:$0xAFE0] =	vst v0  }
0xad: {  	[tilespmem:$0xAFF0] =	vst v0  }
0xae: {  	[tilespmem:$0xB000] =	vst v0  }
0xaf: {  	[tilespmem:$0xB010] =	vst v0  }
0xb0: {  	[tilespmem:$0xB020] =	vst v0  }
0xb1: {  	[tilespmem:$0xB030] =	vst v0  }
0xb2: {  	[tilespmem:$0xB040] =	vst v0  }
0xb3: {  	[tilespmem:$0xB050] =	vst v0  }
0xb4: {  	[tilespmem:$0xB060] =	vst v0  }
0xb5: {  	[tilespmem:$0xB070] =	vst v0  }
0xb6: {  	[tilespmem:$0xB080] =	vst v0  }
0xb7: {  	[tilespmem:$0xB090] =	vst v0  }
0xb8: {  	[tilespmem:$0xB0A0] =	vst v0  }
0xb9: {  	[tilespmem:$0xB0B0] =	vst v0  }
0xba: {  	[tilespmem:$0xB0C0] =	vst v0  }
0xbb: {  	[tilespmem:$0xB0D0] =	vst v0  }
0xbc: {  	[tilespmem:$0xB0E0] =	vst v0  }
0xbd: {  	[tilespmem:$0xB0F0] =	vst v0;
	s0 =	rddreg [dreg:$0x4]  }
0xbe: {  	[tilespmem:s3], [sflag:$0x5] =	stream.linear.gather [hbm4b:s0+s3], $0x2710, $0x38;
	[tilespmem:$0x1F100] =	vst v63  }
0xbf: {  	s30 =	rddreg [dreg:$0xd]  }
0xc0: {  	[spmem:s6] =	stream.linear.scatter [tilespmem:s10], [sflag:$0x6], $0x800, $0x38;
	[tilespmem:$0x1F100] =	vst v63  }
0xc1: {  	s31 =	rddreg [dreg:$0xe]  }
0xc2: {  	[spmem:s30] =	stream.linear.scatter [tilespmem:s10], [sflag:$0x6], $0x800, $0x38;
	[tilespmem:$0x1F100] =	vst v63  }
0xc3: {  	s29 =	rddreg [dreg:$0x14]  }
0xc4: {  	[spmem:s31] =	stream.linear.scatter [tilespmem:s10], [sflag:$0x6], $0x800, $0x38;
	[tilespmem:$0x1F100] =	vst v63  }
0xc5: {  	s30 =	rddreg [dreg:$0x15]  }
0xc6: {  	[spmem:s29] =	stream.linear.scatter [tilespmem:s10], [sflag:$0x6], $0x800, $0x38;
	[tilespmem:$0x1F100] =	vst v63  }
0xc7: {  	s31 =	rddreg [dreg:$0x16]  }
0xc8: {  	[spmem:s30] =	stream.linear.scatter [tilespmem:s10], [sflag:$0x6], $0x800, $0x38;
	[tilespmem:$0x1F100] =	vst v63  }
0xc9: {  	s29 =	rddreg [dreg:$0x17]  }
0xca: {  	[spmem:s31] =	stream.linear.scatter [tilespmem:s10], [sflag:$0x6], $0x800, $0x38;
	[tilespmem:$0x1F100] =	vst v63  }
0xcb: {  	s30 =	rddreg [dreg:$0x18]  }
0xcc: {  	[spmem:s29] =	stream.linear.scatter [tilespmem:s10], [sflag:$0x6], $0x800, $0x38;
	[tilespmem:$0x1F100] =	vst v63  }
0xcd: {  	s31 =	rddreg [dreg:$0x19]  }
0xce: {  	[spmem:s30] =	stream.linear.scatter [tilespmem:s10], [sflag:$0x6], $0x800, $0x38;
	[tilespmem:$0x1F100] =	vst v63  }
0xcf: {  	s29 =	rddreg [dreg:$0x1a]  }
0xd0: {  	[spmem:s31] =	stream.linear.scatter [tilespmem:s10], [sflag:$0x6], $0x800, $0x38;
	[tilespmem:$0x1F100] =	vst v63  }
0xd1: {  	s30 =	rddreg [dreg:$0x1b]  }
0xd2: {  	[spmem:s29] =	stream.linear.scatter [tilespmem:s10], [sflag:$0x6], $0x800, $0x38;
	[tilespmem:$0x1F100] =	vst v63  }
0xd3: {  	s31 =	rddreg [dreg:$0x1c]  }
0xd4: {  	[spmem:s30] =	stream.linear.scatter [tilespmem:s10], [sflag:$0x6], $0x800, $0x38;
	[tilespmem:$0x1F100] =	vst v63  }
0xd5: {  	s29 =	rddreg [dreg:$0x1d]  }
0xd6: {  	[spmem:s31] =	stream.linear.scatter [tilespmem:s10], [sflag:$0x6], $0x800, $0x38;
	[tilespmem:$0x1F100] =	vst v63  }
0xd7: {  	s30 =	rddreg [dreg:$0x1e]  }
0xd8: {  	[spmem:s29] =	stream.linear.scatter [tilespmem:s10], [sflag:$0x6], $0x800, $0x38;
	[tilespmem:$0x1F100] =	vst v63  }
0xd9: {  	s31 =	rddreg [dreg:$0x1f]  }
0xda: {  	[spmem:s30] =	stream.linear.scatter [tilespmem:s10], [sflag:$0x6], $0x800, $0x38;
	[tilespmem:$0x1F100] =	vst v63  }
0xdb: {  	s29 =	sld [smem:$0x7E9]  }
0xdc: {  	[spmem:s31] =	stream.linear.scatter [tilespmem:s10], [sflag:$0x6], $0x800, $0x38;
	[tilespmem:$0x1F100] =	vst v63  }
0xdd: {  	s30 =	sld [smem:$0x7EA]  }
0xde: {  	[spmem:s29] =	stream.linear.scatter [tilespmem:s10], [sflag:$0x6], $0x800, $0x38;
	[tilespmem:$0x1F100] =	vst v63  }
0xdf: {  	s31 =	sld [smem:$0x7EB]  }
0xe0: {  	[spmem:s30] =	stream.linear.scatter [tilespmem:s10], [sflag:$0x6], $0x800, $0x38;
	[tilespmem:$0x1F100] =	vst v63  }
0xe1: {  	s29 =	sld [smem:$0x7EC]  }
0xe2: {  	[spmem:s31] =	stream.linear.scatter [tilespmem:s10], [sflag:$0x6], $0x800, $0x38;
	[tilespmem:$0x1F100] =	vst v63  }
0xe3: {  	s30 =	sld [smem:$0x7ED]  }
0xe4: {  	[spmem:s29] =	stream.linear.scatter [tilespmem:s10], [sflag:$0x6], $0x800, $0x38;
	[tilespmem:$0x1F100] =	vst v63  }
0xe5: {  	s31 =	sld [smem:$0x7EE]  }
0xe6: {  	[spmem:s30] =	stream.linear.scatter [tilespmem:s10], [sflag:$0x6], $0x800, $0x38;
	[tilespmem:$0x1F100] =	vst v63  }
0xe7: {  	s29 =	sld [smem:$0x7EF]  }
0xe8: {  	[spmem:s31] =	stream.linear.scatter [tilespmem:s10], [sflag:$0x6], $0x800, $0x38;
	[tilespmem:$0x1F100] =	vst v63  }
0xe9: {  	s30 =	sld [smem:$0x7F0]  }
0xea: {  	[spmem:s29] =	stream.linear.scatter [tilespmem:s10], [sflag:$0x6], $0x800, $0x38;
	[tilespmem:$0x1F100] =	vst v63  }
0xeb: {  	s31 =	sld [smem:$0x7F1]  }
0xec: {  	[spmem:s30] =	stream.linear.scatter [tilespmem:s10], [sflag:$0x6], $0x800, $0x38;
	[tilespmem:$0x1F100] =	vst v63  }
0xed: {  	s29 =	sld [smem:$0x7F2]  }
0xee: {  	[spmem:s31] =	stream.linear.scatter [tilespmem:s10], [sflag:$0x6], $0x800, $0x38;
	[tilespmem:$0x1F100] =	vst v63  }
0xef: {  	s30 =	sld [smem:$0x7F3]  }
0xf0: {  	[spmem:s29] =	stream.linear.scatter [tilespmem:s10], [sflag:$0x6], $0x800, $0x38;
	[tilespmem:$0x1F100] =	vst v63  }
0xf1: {  	s31 =	sld [smem:$0x7F4]  }
0xf2: {  	[spmem:s30] =	stream.linear.scatter [tilespmem:s10], [sflag:$0x6], $0x800, $0x38;
	[tilespmem:$0x1F100] =	vst v63  }
0xf3: {  	s29 =	sld [smem:$0x7F5]  }
0xf4: {  	[spmem:s31] =	stream.linear.scatter [tilespmem:s10], [sflag:$0x6], $0x800, $0x38;
	[tilespmem:$0x1F100] =	vst v63  }
0xf5: {  	s30 =	sld [smem:$0x7F6]  }
0xf6: {  	[spmem:s29] =	stream.linear.scatter [tilespmem:s10], [sflag:$0x6], $0x800, $0x38;
	[tilespmem:$0x1F100] =	vst v63  }
0xf7: {  	s31 =	sld [smem:$0x7F7]  }
0xf8: {  	[spmem:s30] =	stream.linear.scatter [tilespmem:s10], [sflag:$0x6], $0x800, $0x38;
	[tilespmem:$0x1F100] =	vst v63  }
0xf9: {  	s29 =	sld [smem:$0x7F8]  }
0xfa: {  	[spmem:s31] =	stream.linear.scatter [tilespmem:s10], [sflag:$0x6], $0x800, $0x38;
	[tilespmem:$0x1F100] =	vst v63  }
0xfb: {  	s30 =	sld [smem:$0x7F9]  }
0xfc: {  	[spmem:s29] =	stream.linear.scatter [tilespmem:s10], [sflag:$0x6], $0x800, $0x38;
	[tilespmem:$0x1F100] =	vst v63  }
0xfd: {  	s31 =	sld [smem:$0x7FA]  }
0xfe: {  	[spmem:s30] =	stream.linear.scatter [tilespmem:s10], [sflag:$0x6], $0x800, $0x38;
	[tilespmem:$0x1F100] =	vst v63  }
0xff: {  	s29 =	sld [smem:$0x7FB]  }
0x100: {  	[spmem:s31] =	stream.linear.scatter [tilespmem:s10], [sflag:$0x6], $0x800, $0x38;
	[tilespmem:$0x1F100] =	vst v63  }
0x101: {  	s30 =	sld [smem:$0x7FC]  }
0x102: {  	[spmem:s29] =	stream.linear.scatter [tilespmem:s10], [sflag:$0x6], $0x800, $0x38;
	[tilespmem:$0x1F100] =	vst v63  }
0x103: {  	s31 =	sld [smem:$0x7FD]  }
0x104: {  	[spmem:s30] =	stream.linear.scatter [tilespmem:s10], [sflag:$0x6], $0x800, $0x38;
	[tilespmem:$0x1F100] =	vst v63  }
0x105: {  	_ = 	snop  }
0x106: {  	[spmem:s31] =	stream.linear.scatter [tilespmem:s10], [sflag:$0x6], $0x800, $0x38;
	[tilespmem:$0x1F100] =	vst v63  }
0x107: {  	_ = 	snop  }
0x108: {  	[spmem:s2] =	stream.linear.scatter [tilespmem:s10], [sflag:$0x6], $0x800, $0x38;
	[tilespmem:$0x1F100] =	vst v63  }
0x109: {  	_ = 	snop  }
0x10a: {  	[spmem:s7] =	stream.linear.scatter [tilespmem:s10], [sflag:$0x6], $0x800, $0x38;
	[tilespmem:$0x1F100] =	vst v63  }
0x10b: {  	_ = 	snop  }
0x10c: {  	[spmem:s8] =	stream.linear.scatter [tilespmem:s10], [sflag:$0x6], $0x800, $0x38;
	[tilespmem:$0x1F100] =	vst v63  }
0x10d: {  	_ = 	snop  }
0x10e: {  	[spmem:s9] =	stream.linear.scatter [tilespmem:s10], [sflag:$0x6], $0x800, $0x38;
	[tilespmem:$0x1F100] =	vst v63  }
0x10f: {  	_ =	swait.ge [sflag:s11], $0x800  }
0x110: {  	s28 =	simm.s32 $0x27;
	[sflag:s11] =	ssyncset.done $0x0  }
.LBB2_2:
0x111: {  	p0 =	sne.s32 s28, $0x1;
	s28 =	sadd.s32 $0xFFFFFFFF, s28;
	[sflag:s11] =	ssyncadd.s32 $0xFFFFF800  }
.Ltmp0:
0x112: {  	(pc) =	sbr.rel @p0 .LBB2_2-.Ltmp0, $3  }
0x113: {  	_ =	sdelay $0x1  }
0x114: {  	_ =	swait.ge [sflag:s11], $0x800  }
0x115: {  	[sflag:s11] =	ssyncset.done $0x0  }
0x116: {  	[sflag:s11] =	ssyncadd.s32 $0xFFFFF800  }
0x117: {  	_ =	swait.ge [sflag:s12], $0x2710  }
0x118: {  	[sflag:s12] =	ssyncset.done $0x0  }
0x119: {  	[sflag:s12] =	ssyncadd.s32 $0xFFFFD8F0  }
0x11a: {  	[bflag:$0x0] =	sbarrier.arrive $0xFFFF  }
0x11b: {  	s28 =	simm.s32 $0x0;
	s0 =	rddreg [dreg:$0x5]  }
0x11c: {  	[tilespmem:s13], [sflag:$0x3] =	stream.linear.gather [hbm4b:s0+s28], $0x80, $0x38;
	[tilespmem:$0x1F100] =	vst v63  }
0x11d: {  	_ = 	snop  }
0x11e: {  	[tilespmem:s15], [sflag:$0x1] =	stream.indirect.gather [hbm4b:s4+s14], $0x80, s28, s14, $0xb8;
	[tilespmem:$0x1F100] =	vst v63  }
0x11f: {  	s31 =	rddreg [dreg:$0x6]  }
0x120: {  	[tilespmem:s16], [sflag:$0x4] =	stream.linear.gather [hbm4b:s31+s28], $0x80, $0x38;
	[tilespmem:$0x1F100] =	vst v63  }
0x121: {  	_ = 	snop  }
0x122: {  	[tilespmem:s17], [sflag:$0x2] =	stream.indirect.gather [hbm4b:s4+s14], $0x80, s14, s14, $0xb8;
	[tilespmem:$0x1F100] =	vst v63  }
0x123: {  	_ =	swait.ge [sflag:s18], $0x4000  }
0x124: {  	[sflag:s18] =	ssyncset.done $0x0  }
0x125: {  	[sflag:s18] =	ssyncadd.s32 $0xFFFFC000  }
0x126: {  	_ =	swait.ge [sflag:s19], $0x80  }
0x127: {  	[sflag:s19] =	ssyncset.done $0x0  }
0x128: {  	[sflag:s19] =	ssyncadd.s32 $0xFFFFFF80  }
0x129: {  	[spmem:s1] =	stream.indirect.scatter.add.f32 [tilespmem:s15], [sflag:$0x7], $0x80, s13, s14, $0xb8;
	[tilespmem:$0x1F100] =	vst v63  }
0x12a: {  	_ =	swait.ge [sflag:s20], $0x4000  }
0x12b: {  	[sflag:s20] =	ssyncset.done $0x0  }
0x12c: {  	s28 =	sadd.s32 $0x0, s24;
	[sflag:s20] =	ssyncadd.s32 $0xFFFFC000  }
0x12d: {  	[tilespmem:s13], [sflag:$0x3] =	stream.linear.gather [hbm4b:s28+s3], $0x80, $0x38;
	[tilespmem:$0x1F100] =	vst v63  }
0x12e: {  	s28 =	simm.s32 $0x100  }
0x12f: {  	[tilespmem:s15], [sflag:$0x1] =	stream.indirect.gather [hbm4b:s4+s14], $0x80, s28, s14, $0xb8;
	[tilespmem:$0x1F100] =	vst v63  }
0x130: {  	_ =	swait.ge [sflag:s21], $0x4000  }
0x131: {  	[sflag:s21] =	ssyncset.done $0x0  }
0x132: {  	[sflag:s21] =	ssyncadd.s32 $0xFFFFC000  }
0x133: {  	_ =	swait.ge [sflag:s5], $0x80  }
0x134: {  	[sflag:s5] =	ssyncset.done $0x0  }
0x135: {  	[sflag:s5] =	ssyncadd.s32 $0xFFFFFF80  }
0x136: {  	[spmem:s1] =	stream.indirect.scatter.add.f32 [tilespmem:s17], [sflag:$0x7], $0x80, s16, s14, $0xb8;
	[tilespmem:$0x1F100] =	vst v63  }
0x137: {  	_ =	swait.ge [sflag:s20], $0x4000  }
0x138: {  	[sflag:s20] =	ssyncset.done $0x0  }
0x139: {  	s28 =	sadd.s32 $0x0, s23;
	[sflag:s20] =	ssyncadd.s32 $0xFFFFC000  }
0x13a: {  	[tilespmem:s16], [sflag:$0x4] =	stream.linear.gather [hbm4b:s28+s3], $0x80, $0x38;
	[tilespmem:$0x1F100] =	vst v63  }
0x13b: {  	s29 =	simm.s32 $0x20;
	s30 =	simm.s32 $0x280;
	s28 =	simm.s32 $0x180  }
.LBB2_4:
0x13c: {  	[tilespmem:s17], [sflag:$0x2] =	stream.indirect.gather [hbm4b:s4+s14], $0x80, s28, s14, $0xb8;
	[tilespmem:$0x1F100] =	vst v63  }
0x13d: {  	s31 =	smov.u32 s29;
	s28 =	smov.u32 s30  }
0x13e: {  	p0 =	sne.s32 s29, $0x4A0;
	s29 =	sadd.s32 $0x20, s29;
	_ =	swait.ge [sflag:s18], $0x4000  }
0x13f: {  	[sflag:s18] =	ssyncset.done $0x0  }
0x140: {  	[sflag:s18] =	ssyncadd.s32 $0xFFFFC000  }
0x141: {  	_ =	swait.ge [sflag:s19], $0x80  }
0x142: {  	[sflag:s19] =	ssyncset.done $0x0  }
0x143: {  	[sflag:s19] =	ssyncadd.s32 $0xFFFFFF80  }
0x144: {  	[spmem:s1] =	stream.indirect.scatter.add.f32 [tilespmem:s15], [sflag:$0x7], $0x80, s13, s14, $0xb8;
	[tilespmem:$0x1F100] =	vst v63  }
0x145: {  	_ =	swait.ge [sflag:s20], $0x4000  }
0x146: {  	[sflag:s20] =	ssyncset.done $0x0  }
0x147: {  	s0 =	sadd.s32 s31, s24;
	[sflag:s20] =	ssyncadd.s32 $0xFFFFC000  }
0x148: {  	[tilespmem:s13], [sflag:$0x3] =	stream.linear.gather [hbm4b:s0+s3], $0x80, $0x38;
	[tilespmem:$0x1F100] =	vst v63  }
0x149: {  	s0 =	sadd.s32 $0xFFFFFF80, s30  }
0x14a: {  	[tilespmem:s15], [sflag:$0x1] =	stream.indirect.gather [hbm4b:s4+s14], $0x80, s0, s14, $0xb8;
	[tilespmem:$0x1F100] =	vst v63  }
0x14b: {  	_ =	swait.ge [sflag:s21], $0x4000  }
0x14c: {  	[sflag:s21] =	ssyncset.done $0x0  }
0x14d: {  	[sflag:s21] =	ssyncadd.s32 $0xFFFFC000  }
0x14e: {  	_ =	swait.ge [sflag:s5], $0x80  }
0x14f: {  	[sflag:s5] =	ssyncset.done $0x0  }
0x150: {  	[sflag:s5] =	ssyncadd.s32 $0xFFFFFF80  }
0x151: {  	[spmem:s1] =	stream.indirect.scatter.add.f32 [tilespmem:s17], [sflag:$0x7], $0x80, s16, s14, $0xb8;
	[tilespmem:$0x1F100] =	vst v63  }
.Ltmp1:
0x152: {  	_ =	swait.ge [sflag:s20], $0x4000;
	(pc) =	sbr.rel @p0 .LBB2_4-.Ltmp1, $4  }
0x153: {  	[sflag:s20] =	ssyncset.done $0x0  }
0x154: {  	s0 =	sadd.s32 s31, s23;
	[sflag:s20] =	ssyncadd.s32 $0xFFFFC000  }
0x155: {  	[tilespmem:s16], [sflag:$0x4] =	stream.linear.gather [hbm4b:s0+s3], $0x80, $0x38;
	[tilespmem:$0x1F100] =	vst v63  }
0x156: {  	s30 =	sadd.s32 $0x100, s30  }
0x157: {  	[tilespmem:s17], [sflag:$0x2] =	stream.indirect.gather [hbm4b:s4+s14], $0x80, s28, s14, $0xb8;
	[tilespmem:$0x1F100] =	vst v63  }
0x158: {  	_ =	swait.ge [sflag:s18], $0x4000  }
0x159: {  	[sflag:s18] =	ssyncset.done $0x0  }
0x15a: {  	[sflag:s18] =	ssyncadd.s32 $0xFFFFC000  }
0x15b: {  	_ =	swait.ge [sflag:s19], $0x80  }
0x15c: {  	[sflag:s19] =	ssyncset.done $0x0  }
0x15d: {  	[sflag:s19] =	ssyncadd.s32 $0xFFFFFF80  }
0x15e: {  	[spmem:s1] =	stream.indirect.scatter.add.f32 [tilespmem:s15], [sflag:$0x7], $0x80, s13, s14, $0xb8;
	[tilespmem:$0x1F100] =	vst v63  }
0x15f: {  	_ =	swait.ge [sflag:s20], $0x4000  }
0x160: {  	[sflag:s20] =	ssyncset.done $0x0  }
0x161: {  	[sflag:s20] =	ssyncadd.s32 $0xFFFFC000  }
0x162: {  	_ =	swait.ge [sflag:s21], $0x4000  }
0x163: {  	[sflag:s21] =	ssyncset.done $0x0  }
0x164: {  	[sflag:s21] =	ssyncadd.s32 $0xFFFFC000  }
0x165: {  	_ =	swait.ge [sflag:s5], $0x80  }
0x166: {  	[sflag:s5] =	ssyncset.done $0x0  }
0x167: {  	[sflag:s5] =	ssyncadd.s32 $0xFFFFFF80  }
0x168: {  	[spmem:s1] =	stream.indirect.scatter.add.f32 [tilespmem:s17], [sflag:$0x7], $0x80, s16, s14, $0xb8;
	[tilespmem:$0x1F100] =	vst v63  }
0x169: {  	_ =	swait.ge [sflag:s20], $0x4000  }
0x16a: {  	[sflag:s20] =	ssyncset.done $0x0  }
0x16b: {  	s0 =	rddreg [dreg:$0x7];
	[sflag:s20] =	ssyncadd.s32 $0xFFFFC000  }
0x16c: {  	[tilespmem:s22], [sflag:$0x7] =	stream.linear.gather [hbm4b:s0+s3], $0x10, $0x38;
	[tilespmem:$0x1F100] =	vst v63  }
0x16d: {  	_ =	swait.ge [sflag:s20], $0x10  }
0x16e: {  	[sflag:s20] =	ssyncset.done $0x0  }
0x16f: {  	s29 =	simm.s32 $0x2700;
	[sflag:s20] =	ssyncadd.s32 $0xFFFFFFF0  }
0x170: {  	[tilespmem:s15], [sflag:$0x1] =	stream.indirect.gather [hbm4b:s4+s25], $0x80, s29, s25, $0xb8;
	[tilespmem:$0x1F100] =	vst v63  }
0x171: {  	_ =	swait.ge [sflag:s18], $0x800  }
0x172: {  	[sflag:s18] =	ssyncset.done $0x0  }
0x173: {  	[sflag:s18] =	ssyncadd.s32 $0xFFFFF800  }
0x174: {  	[spmem:s1] =	stream.indirect.scatter.add.f32 [tilespmem:s15], [sflag:$0x7], $0x80, s22, s25, $0xb8;
	[tilespmem:$0x1F100] =	vst v63  }
0x175: {  	_ =	swait.ge [sflag:s20], $0x800  }
0x176: {  	[sflag:s20] =	ssyncset.done $0x0  }
0x177: {  	[sflag:s20] =	ssyncadd.s32 $0xFFFFF800  }
0x178: {  	[bflag:$0x0] =	sbarrier.arrive $0xFFFF  }
0x179: {  	[tilespmem:s15], [sflag:$0x1] =	stream.linear.gather [spmem:s6], $0x4000, $0x38;
	[tilespmem:$0x1F100] =	vst v63  }
0x17a: {  	_ =	swait.ge [sflag:s18], $0x4000  }
0x17b: {  	[sflag:s18] =	ssyncset.done $0x0  }
0x17c: {  	s30 =	rddreg [dreg:$0x8];
	[sflag:s18] =	ssyncadd.s32 $0xFFFFC000  }
0x17d: {  	[tilespmem:s17], [sflag:$0x2] =	stream.linear.gather [spmem:s30], $0x4000, $0x38;
	[tilespmem:$0x1F100] =	vst v63  }
0x17e: {  	s31 =	rddreg [dreg:$0xf]  }
0x17f: {  	[hbm4b:s31+s3] =	stream.linear.scatter [tilespmem:s15], [sflag:$0x7], $0x4000, $0x38;
	[tilespmem:$0x1F100] =	vst v63  }
0x180: {  	_ =	swait.ge [sflag:s20], $0x4000  }
0x181: {  	[sflag:s20] =	ssyncset.done $0x0  }
0x182: {  	[sflag:s20] =	ssyncadd.s32 $0xFFFFC000  }
0x183: {  	_ =	swait.ge [sflag:s21], $0x4000  }
0x184: {  	[sflag:s21] =	ssyncset.done $0x0  }
0x185: {  	s28 =	rddreg [dreg:$0x9];
	[sflag:s21] =	ssyncadd.s32 $0xFFFFC000  }
0x186: {  	[tilespmem:s15], [sflag:$0x1] =	stream.linear.gather [spmem:s28], $0x4000, $0x38;
	[tilespmem:$0x1F100] =	vst v63  }
0x187: {  	s29 =	rddreg [dreg:$0x10]  }
0x188: {  	[hbm4b:s29+s3] =	stream.linear.scatter [tilespmem:s17], [sflag:$0x7], $0x4000, $0x38;
	[tilespmem:$0x1F100] =	vst v63  }
0x189: {  	_ =	swait.ge [sflag:s20], $0x4000  }
0x18a: {  	[sflag:s20] =	ssyncset.done $0x0  }
0x18b: {  	[sflag:s20] =	ssyncadd.s32 $0xFFFFC000  }
0x18c: {  	_ =	swait.ge [sflag:s18], $0x4000  }
0x18d: {  	[sflag:s18] =	ssyncset.done $0x0  }
0x18e: {  	s30 =	rddreg [dreg:$0xa];
	[sflag:s18] =	ssyncadd.s32 $0xFFFFC000  }
0x18f: {  	[tilespmem:s17], [sflag:$0x2] =	stream.linear.gather [spmem:s30], $0x4000, $0x38;
	[tilespmem:$0x1F100] =	vst v63  }
0x190: {  	s31 =	rddreg [dreg:$0x11]  }
0x191: {  	[hbm4b:s31+s3] =	stream.linear.scatter [tilespmem:s15], [sflag:$0x7], $0x4000, $0x38;
	[tilespmem:$0x1F100] =	vst v63  }
0x192: {  	_ =	swait.ge [sflag:s20], $0x4000  }
0x193: {  	[sflag:s20] =	ssyncset.done $0x0  }
0x194: {  	[sflag:s20] =	ssyncadd.s32 $0xFFFFC000  }
0x195: {  	_ =	swait.ge [sflag:s21], $0x4000  }
0x196: {  	[sflag:s21] =	ssyncset.done $0x0  }
0x197: {  	s28 =	rddreg [dreg:$0xb];
	[sflag:s21] =	ssyncadd.s32 $0xFFFFC000  }
0x198: {  	[tilespmem:s15], [sflag:$0x1] =	stream.linear.gather [spmem:s28], $0x4000, $0x38;
	[tilespmem:$0x1F100] =	vst v63  }
0x199: {  	s29 =	rddreg [dreg:$0x12]  }
0x19a: {  	[hbm4b:s29+s3] =	stream.linear.scatter [tilespmem:s17], [sflag:$0x7], $0x4000, $0x38;
	[tilespmem:$0x1F100] =	vst v63  }
0x19b: {  	_ =	swait.ge [sflag:s20], $0x4000  }
0x19c: {  	[sflag:s20] =	ssyncset.done $0x0  }
0x19d: {  	[sflag:s20] =	ssyncadd.s32 $0xFFFFC000  }
0x19e: {  	_ =	swait.ge [sflag:s18], $0x4000  }
0x19f: {  	[sflag:s18] =	ssyncset.done $0x0  }
0x1a0: {  	s30 =	rddreg [dreg:$0x13];
	[sflag:s18] =	ssyncadd.s32 $0xFFFFC000  }
0x1a1: {  	[hbm4b:s30+s3] =	stream.linear.scatter [tilespmem:s15], [sflag:$0x7], $0x4000, $0x38;
	[tilespmem:$0x1F100] =	vst v63  }
0x1a2: {  	_ =	swait.ge [sflag:s20], $0x4000  }
0x1a3: {  	s26 =	sadd.s32 $0x1, s26;
	s31 =	rddreg [dreg:$0xc]  }
0x1a4: {  	p0 =	sne.s32 s26, s31  }
.Ltmp2:
0x1a5: {  	_ = 	snop;
	(pc) =	sbr.rel @p0 .LBB2_1-.Ltmp2, $3  }
0x1a6: {  	_ =	sdelay $0x1  }
0x1a7: {  	[sflag:s20] =	ssyncset.done $0x0  }
0x1a8: {  	[sflag:s20] =	ssyncadd.s32 $0xFFFFC000  }
0x1a9: {  	_ =	sfence.sel $0x180000  }
0x1aa: {  	[bflag:$0x0] =	sbarrier.arrive $0xFFFF  }
0x1ab: {  	_ =	strace $0x9000004D  }
0x1ac: {  	s0 =	stileid.u32;
	[bflag:$0x2] =	sbarrier.arrive $0xFFFF  }
0x1ad: {  	p0 =	sne.s32 s0, $0x0;
	s0 =	rddreg [dreg:$0x3]  }
0x1ae: {  	s0 =	sadd.s32 @!p0 $0x100000, s0  }
0x1af: {  	[sflag:s0] =	ssyncadd.tile.s32 @!p0 $0x1;
	_ =	shalt  }
.Lfunc_end2:
_tile_overlayer_lowered:
.L_overlay_start_2:
0x1b0: {  	(tag) =	ssettag $0x2  }
0x1b1: {  	s0 =	rddreg [dreg:$0x0];
	s2 =	stileid.u32  }
0x1b2: {  	s1 =	rddreg [dreg:$0x1];
	p0 =	sne.s32 s2, $0x0  }
0x1b3: {  	s3 =	rddreg [dreg:$0x2];
	[bflag:$0x3] =	sbarrier.arrive $0xFFFF;
	s2 =	simm.s32 @!p0 $0x1C07  }
0x1b4: {  	[timem:s3], [sflag:s2] =	dma.local @!p0 [hbm:s0], s1  }
0x1b5: {  	s0 =	simm.s32 @!p0 $0x7  }
0x1b6: {  	_ =	swait.ge @!p0 [sflag:s0], s1  }
0x1b7: {  	s1 =	ssub.s32 @!p0 $0x0, s1;
	[sflag:s0] =	ssyncset.done @!p0 $0x0  }
0x1b8: {  	[sflag:s0] =	ssyncadd.s32 @!p0 s1  }
0x1b9: {  	[bflag:$0x3] =	sbarrier.arrive $0xFFFF  }
0x1ba: {  	_ =	shalt  }

// kernel: kernel.9.cloned.1.call-start
scs
__scs_entry_jumppad:
0x0: {  	(pc) =	sbr.rel $0x88, $3  }
0x1: {  	(tag) =	ssettag $0x0;
	lr =	simm.s32 $0x1  }
0x2: {  	[smem:$0x3F9B] =	sst lr;
	_ =	strace $0xD0000000  }
0x3: {  	_ = 	snop  }
0x4: {  	_ = 	snop  }
0x5: {  	_ = 	snop  }
0x6: {  	_ = 	snop  }
0x7: {  	_ = 	snop  }
__scs_overlays_trampoline_lowered:
0x8: {  	[smem:$0x3FAA] =	sst s0  }
0x9: {  	[smem:$0x3FAB] =	sst s1  }
0xa: {  	[smem:$0x3FAC] =	sst s2  }
0xb: {  	[smem:$0x3FAD] =	sst s3  }
0xc: {  	[smem:$0x3FAE] =	sst s4  }
0xd: {  	[smem:$0x3FAF] =	sst s5  }
0xe: {  	[smem:$0x3FB0] =	sst s6  }
0xf: {  	[smem:$0x3FB1] =	sst s7  }
0x10: {  	[smem:$0x3FB2] =	sst s8  }
0x11: {  	[smem:$0x3FB3] =	sst s9;
	s0 =	simm.s32 @!p0 $0x0  }
0x12: {  	s1 =	sld [smem:$0x3F99];
	s0 =	simm.s32 @p0 $0x1  }
0x13: {  	[smem:$0x3FB4] =	sst s0;
	s0 =	simm.s32 @!p1 $0x0  }
0x14: {  	s2 =	sld [smem:$0x3F98];
	s0 =	simm.s32 @p1 $0x1  }
0x15: {  	[smem:$0x3FB5] =	sst s0;
	s0 =	simm.s32 @!p2 $0x0  }
0x16: {  	s3 =	sld [smem:$0x3FDB];
	s0 =	simm.s32 @p2 $0x1  }
0x17: {  	s4 =	simm.s32 $0x1BF5;
	[smem:$0x3FB7] =	sst s0  }
0x18: {  	s0 =	sld [smem:$0x3F9A];
	_ =	swait.ge [sflag:s4], $0x0  }
0x19: {  	s7 =	sld [smem:$0x3F9B]  }
0x1a: {  	s8 =	sadd.s32 $0xFFFFE003, lr  }
0x1b: {  	s9 =	sadd.s32 $0xFFFFFEF7, lr;
	s5 =	simm.s32 $0xFFFFFFFF;
	p2 =	slt.u32 s8, $0xFFFFF086  }
0x1c: {  	p1 =	slt.u32 s9, $0xF7A;
	s5 =	simm.s32 @!p2 $0x0  }
0x1d: {  	s5 =	simm.s32 @p1 $0x1;
	p0 =	seq.s32 s7, s2  }
0x1e: {  	s7 =	smul.u32 @!p0 $0xF7A, s2;
	p2 =	seq.s32 @!p0 s5, $0x0  }
0x1f: {  	s9 =	smul.u32 $0xF7A, s1;
	s8 =	simm.s32 @!p0 $0x1BF5;
	p2 =	por !p2, p0  }
0x20: {  	[sflag:s8] =	ssyncset.s32 @!p0 $0xFFFFF086;
	s6 =	sadd.s32 @!p0 s3, s7;
	s7 =	simm.s32 @!p0 $0x108  }
0x21: {  	s3 =	sadd.s32 s3, s9;
	s6 =	sadd.s32 @!p0 $0x88, s6;
	s7 =	simm.s32 @p2 $0x1082  }
0x22: {  	[simem:s7], [sflag:s8] =	dma.local @!p0 [hbm:s6], $0xF7A  }
0x23: {  	s9 =	sor.u32 $0xD0000000, s2;
	s6 =	simm.s32 $0x108;
	_ =	swait.ge @!p0 [sflag:s8], $0x0  }
0x24: {  	s3 =	sadd.s32 $0x88, s3;
	s6 =	simm.s32 @!p1 $0x1082;
	[sflag:s4] =	ssyncset.s32 $0xFFFFF086  }
0x25: {  	[simem:s6], [sflag:s4] =	dma.local [hbm:s3], $0xF7A  }
0x26: {  	[smem:$0x3F9B] =	sst s1;
	(tag) =	ssettag s2;
	_ =	strace s9  }
0x27: {  	s1 =	sld [smem:$0x3FAB]  }
0x28: {  	s2 =	sld [smem:$0x3FAC]  }
0x29: {  	s4 =	sld [smem:$0x3FAE]  }
0x2a: {  	p0 =	seq.s32 s5, $0x0;
	s5 =	sld [smem:$0x3FAF]  }
0x2b: {  	s6 =	sld [smem:$0x3FB0]  }
0x2c: {  	s7 =	sld [smem:$0x3FB1]  }
0x2d: {  	s3 =	simm.s32 $0x108;
	s8 =	sld [smem:$0x3FB2]  }
0x2e: {  	s3 =	simm.s32 @!p0 $0x1082;
	s9 =	sld [smem:$0x3FB3]  }
0x2f: {  	lr =	sadd.s32 s0, s3;
	s0 =	sld [smem:$0x3FAA]  }
0x30: {  	s3 =	sld [smem:$0x3FAD]  }
0x31: {  	[smem:$0x3FB6] =	sst s10  }
0x32: {  	s10 =	sld [smem:$0x3FB4];
	_ =	sdelay $0x3  }
0x33: {  	p0 =	seq.s32 s10, $0x1;
	s10 =	sld [smem:$0x3FB6];
	_ =	sdelay $0x3  }
0x34: {  	[smem:$0x3FB6] =	sst s10  }
0x35: {  	s10 =	sld [smem:$0x3FB5];
	_ =	sdelay $0x3  }
0x36: {  	p1 =	seq.s32 s10, $0x1;
	s10 =	sld [smem:$0x3FB6];
	_ =	sdelay $0x3  }
0x37: {  	[smem:$0x3FB6] =	sst s10  }
0x38: {  	s10 =	sld [smem:$0x3FB7]  }
0x39: {  	_ = 	snop;
	(pc) =	sbr.ind lr, $3  }
0x3a: {  	_ = 	snop  }
0x3b: {  	_ = 	snop  }
0x3c: {  	p2 =	seq.s32 s10, $0x1;
	s10 =	sld [smem:$0x3FB6]  }
0x3d: {  	_ =	shalt  }
0x3e: {  	_ =	shalt  }
0x3f: {  	_ =	shalt  }
0x40: {  	_ =	shalt  }
0x41: {  	_ =	shalt  }
0x42: {  	_ =	shalt  }
0x43: {  	_ =	shalt  }
0x44: {  	_ =	shalt  }
0x45: {  	_ =	shalt  }
0x46: {  	_ =	shalt  }
0x47: {  	_ =	shalt  }
0x48: {  	_ =	shalt  }
0x49: {  	_ =	shalt  }
0x4a: {  	_ =	shalt  }
0x4b: {  	_ =	shalt  }
0x4c: {  	_ =	shalt  }
0x4d: {  	_ =	shalt  }
0x4e: {  	_ =	shalt  }
0x4f: {  	_ =	shalt  }
0x50: {  	_ =	shalt  }
0x51: {  	_ =	shalt  }
0x52: {  	_ =	shalt  }
0x53: {  	_ =	shalt  }
0x54: {  	_ =	shalt  }
0x55: {  	_ =	shalt  }
0x56: {  	_ =	shalt  }
0x57: {  	_ =	shalt  }
0x58: {  	_ =	shalt  }
0x59: {  	_ =	shalt  }
0x5a: {  	_ =	shalt  }
0x5b: {  	_ =	shalt  }
0x5c: {  	_ =	shalt  }
0x5d: {  	_ =	shalt  }
0x5e: {  	_ =	shalt  }
0x5f: {  	_ =	shalt  }
0x60: {  	_ =	shalt  }
0x61: {  	_ =	shalt  }
0x62: {  	_ =	shalt  }
0x63: {  	_ =	shalt  }
0x64: {  	_ =	shalt  }
0x65: {  	_ =	shalt  }
0x66: {  	_ =	shalt  }
0x67: {  	_ =	shalt  }
0x68: {  	_ =	shalt  }
0x69: {  	_ =	shalt  }
0x6a: {  	_ =	shalt  }
0x6b: {  	_ =	shalt  }
0x6c: {  	_ =	shalt  }
0x6d: {  	_ =	shalt  }
0x6e: {  	_ =	shalt  }
0x6f: {  	_ =	shalt  }
0x70: {  	_ =	shalt  }
0x71: {  	_ =	shalt  }
0x72: {  	_ =	shalt  }
0x73: {  	_ =	shalt  }
0x74: {  	_ =	shalt  }
0x75: {  	_ =	shalt  }
0x76: {  	_ =	shalt  }
0x77: {  	_ =	shalt  }
0x78: {  	_ =	shalt  }
0x79: {  	_ =	shalt  }
0x7a: {  	_ =	shalt  }
0x7b: {  	_ =	shalt  }
0x7c: {  	_ =	shalt  }
0x7d: {  	_ =	shalt  }
0x7e: {  	_ =	shalt  }
0x7f: {  	_ =	shalt  }
0x80: {  	_ =	shalt  }
0x81: {  	_ =	shalt  }
0x82: {  	_ =	shalt  }
0x83: {  	_ =	shalt  }
0x84: {  	_ =	shalt  }
0x85: {  	_ =	shalt  }
0x86: {  	_ =	shalt  }
0x87: {  	_ =	shalt  }
.Lfunc_end0:
.L_simem_size_0:
called_computation_lowered:
.L_overlay_start_0:
0x88: {  	s2 =	sld [smem:$0x3FD9]  }
0x89: {  	s3 =	sld [smem:$0x3FFE];
	_ =	sdelay $0x1  }
0x8a: {  	s1 =	srdreg.scid  }
0x8b: {  	s0 =	sand.u32 $0x1, s1  }
0x8c: {  	s17 =	sshll.u32 s0, $0xA;
	s2 =	sadd.s32 s3, s2  }
0x8d: {  	s2 =	sadd.s32 s2, s17  }
0x8e: {  	[smem:$0x3FC2] =	sst s2  }
0x8f: {  	_ = 	snop  }
0x90: {  	s2 =	sld [smem:$0x3FD0];
	(tm) =	ssettm $0x1  }
0x91: {  	s18 =	sld [smem:$0x3FFB];
	_ =	sdelay $0x3  }
0x92: {  	_ =	strace s18  }
0x93: {  	s3 =	sld [smem:$0x3FFC];
	_ =	sdelay $0x3  }
0x94: {  	_ =	strace s3  }
0x95: {  	s3 =	sld [smem:$0x3FFD];
	_ =	sdelay $0x3  }
0x96: {  	_ =	strace s3  }
0x97: {  	_ =	strace $0x8FFFFFFF  }
0x98: {  	s19 =	sld [smem:$0x3FDB];
	_ =	sdelay $0x1  }
0x99: {  	s4 =	simm.s32 $_scs_section_size  }
0x9a: {  	s5 =	simm.s32 $_size__tile_overlayer_lowered;
	s6 =	simm.s32 $_tile_overlayer_lowered  }
0x9b: {  	s22 =	simm.s32 $0x1BFF;
	s21 =	sshll.u32 s6, $0x1;
	s3 =	sadd.s32 s4, s19  }
0x9c: {  	s7 =	simm.s32 $0x0;
	s20 =	sshll.u32 s5, $0x1;
	s5 =	sadd.s32 s21, s3  }
0x9d: {  	[timem:s7], [sflag:s22] =	dma.local [hbm:s5], s20  }
0x9e: {  	_ =	swait.ge [sflag:s22], s20  }
0x9f: {  	s4 =	ssub.s32 $0x0, s20;
	[sflag:s22] =	ssyncset.done $0x0  }
0xa0: {  	[sflag:s22] =	ssyncadd.s32 s4;
	_ =	sdelay $0x1  }
0xa1: {  	s23 =	simm.s32 $0x1B8B  }
0xa2: {  	_ =	swait.ge [sflag:s23], $0x1  }
0xa3: {  	[sflag:s23] =	ssyncset.done $0x0  }
0xa4: {  	s25 =	simm.s32 $0x1B8E;
	s24 =	sld [smem:$0x3FFE];
	[sflag:s23] =	ssyncadd.s32 $0xFFFFFFFF  }
0xa5: {  	s26 =	simm.s32 $execute0_lowered;
	[smem:$0x3FD2] =	sst s25  }
0xa6: {  	s5 =	sshll.u32 s26, $0x1;
	_ =	strace $0x80000046;
	[dreg:$0x1] =	wrdreg $0xFFFFFFFF  }
0xa7: {  	s28 =	simm.s32 $_size_execute0_lowered;
	s3 =	sadd.s32 s3, s5;
	[dreg:$0x0] =	wrdreg $0x0  }
0xa8: {  	s5 =	sshll.u32 s28, $0x1;
	[dreg:$0x2] =	wrdreg s3  }
0xa9: {  	[dreg:$0x3] =	wrdreg s5  }
0xaa: {  	[dreg:$0x4] =	wrdreg $0xC0  }
0xab: {  	_ =	task [dreg:s7], $0x5FFFF  }
0xac: {  	[dreg:$0x1] =	wrdreg $0xFFFFFFFF  }
0xad: {  	[dreg:$0x0] =	wrdreg $0x60  }
0xae: {  	[dreg:$0x2] =	wrdreg s2  }
0xaf: {  	[dreg:$0x3] =	wrdreg s24  }
0xb0: {  	[dreg:$0x4] =	wrdreg $0x5800  }
0xb1: {  	[dreg:$0x5] =	wrdreg $0x9  }
0xb2: {  	_ =	task.clear_ibuf [dreg:s7], $0x6FFFF;
	_ =	strace $0x90000046  }
0xb3: {  	s29 =	simm.s32 $0x9;
	_ =	strace $0x80000048  }
0xb4: {  	_ =	swait.ge [sflag:s29], $0x1  }
0xb5: {  	[sflag:s29] =	ssyncadd.s32 $0xFFFFFFFF  }
0xb6: {  	_ =	strace $0x90000048  }
0xb7: {  	_ =	sfence  }
0xb8: {  	s30 =	sld [smem:$0x0];
	_ =	sdelay $0x2  }
0xb9: {  	s31 =	sshll.u32 s1, $0xD;
	s1 =	sshrl.u32 s1, $0x2  }
0xba: {  	s3 =	sand.u32 $0x4000, s31;
	s1 =	sadd.s32 s1, s30  }
0xbb: {  	s0 =	sor.u32 s3, s0;
	s1 =	sshll.u32 s1, $0x11  }
0xbc: {  	s0 =	sor.u32 s1, s0  }
0xbd: {  	s0 =	sadd.s32 $0x8F2B, s0  }
0xbe: {  	[sflag:s0] =	ssyncadd.remote.s32 $0x1  }
0xbf: {  	_ =	sfence.sel $0xFFFF  }
0xc0: {  	[dreg:$0x0] =	wrdreg $0xFFFFFFFF;
	(pc) =	sbr.abs _section_cstart, $3  }
0xc1: {  	[dreg:$0x1] =	wrdreg $0xFFFFFFFF  }
0xc2: {  	_ =	task.clear_ibuf [dreg:s7], $0x2FFFF;
	_ =	strace $0x9FFFFFFF  }
0xc3: {  	(tm) =	ssettm $0x7FFFFFFF  }
tec
execute0_lowered:
.L_overlay_start_1:
0x0: {  	(tag) =	ssettag $0x1  }
0x1: {  	s1 =	rddreg [dreg:$0x0]  }
0x2: {  	s0 =	srdreg.scid;
	s5 =	rddreg [dreg:$0x1]  }
0x3: {  	s10 =	stileid.u32;
	s2 =	rddreg [dreg:$0x2]  }
0x4: {  	s28 =	simm.s32 $0x4;
	s29 =	simm.s32 $0x5;
	s30 =	simm.s32 $0x6  }
0x5: {  	s31 =	simm.s32 $0x7;
	s0 =	sand.u32 $0x1, s0;
	s7 =	smul.u32 $0x280, s10  }
0x6: {  	s13 =	smul.u32 $0x2710, s10;
	s3 =	sshll.u32 s0, $0x4;
	s6 =	ssub.s32 $0x2, s0  }
0x7: {  	s12 =	smul.u32 $0x27100, s0;
	p0 =	seq.s32 s0, $0x1;
	s0 =	simm.s32 $0x4000  }
0x8: {  	s4 =	sor.u32 s10, s3;
	s3 =	simm.s32 $0x0;
	s8 =	sshrl.u32 s6, $0x1  }
0x9: {  	s0 =	simm.s32 @!p0 $0x3A00;
	s4 =	smul.u32 $0x2710, s4;
	[smem:$0x7FF] =	sst s3  }
0xa: {  	s6 =	ssub.s32 s6, s8;
	s15 =	sadd.s32 s13, s12;
	s0 =	sadd.s32 s0, s5  }
0xb: {  	_ =	strace $0x80000047;
	s21 =	sadd.s32 $0x4E580, s15;
	s12 =	smax.u32 s6, $0x1  }
0xc: {  	s23 =	sadd.s32 $0x4E500, s15;
	s24 =	sadd.s32 $0x4E480, s15;
	s25 =	sadd.s32 $0x4E400, s15  }
0xd: {  	s4 =	sshrl.u32 s4, $0x3;
	s22 =	sshrl.u32 s21, $0x3;
	s5 =	sshrl.u32 s24, $0x3  }
0xe: {  	s26 =	sshrl.u32 s25, $0x3;
	s21 =	simm.s32 $0x100;
	s24 =	simm.s32 $0x280  }
0xf: {  	s25 =	simm.s32 $0x2;
	s11 =	sadd.s32 s1, s4;
	s4 =	sadd.s32 s7, s2  }
0x10: {  	s7 =	sshrl.u32 s7, $0x3;
	s14 =	sadd.s32 s22, s1;
	s16 =	sadd.s32 s5, s1  }
0x11: {  	s22 =	simm.s32 $0x180;
	s5 =	simm.s32 $0x0;
	s17 =	sadd.s32 $0x9C40, s11  }
0x12: {  	s18 =	sadd.s32 $0x9C50, s11;
	s19 =	sadd.s32 $0x9C60, s11;
	s20 =	sadd.s32 $0x9C70, s11  }
0x13: {  	s9 =	sadd.s32 $0xA100, s11;
	s10 =	sadd.s32 $0xA110, s11;
	[dreg:$0x4] =	wrdreg s17  }
0x14: {  	s11 =	sadd.s32 $0xA120, s11;
	s13 =	sadd.s32 s0, s7;
	[dreg:$0x5] =	wrdreg s18  }
0x15: {  	s0 =	sshrl.u32 s23, $0x3;
	s23 =	simm.s32 $0x1;
	[dreg:$0x6] =	wrdreg s19  }
0x16: {  	[dreg:$0x7] =	wrdreg s20;
	s15 =	sadd.s32 s0, s1;
	s17 =	sadd.s32 s26, s1  }
0x17: {  	s18 =	simm.s32 $0x300;
	s19 =	simm.s32 $0x9;
	s20 =	simm.s32 $0x80  }
0x18: {  	v0 =	vimm.f32 $0.0e+00;
	v1 =	vimm.f32 $1.000000000e+00;
	s26 =	simm.s32 $0x3;
	s1 =	simm.s32 $0x8;
	s0 =	simm.s32 $0x200  }
.LBB2_1:
0x19: {  	[tilespmem:$0x300] =	vst v0  }
0x1a: {  	[tilespmem:$0x310] =	vst v0  }
0x1b: {  	[tilespmem:$0x320] =	vst v0  }
0x1c: {  	[tilespmem:$0x330] =	vst v0  }
0x1d: {  	[tilespmem:$0x340] =	vst v0  }
0x1e: {  	[tilespmem:$0x350] =	vst v0  }
0x1f: {  	[tilespmem:$0x360] =	vst v0  }
0x20: {  	[tilespmem:$0x370] =	vst v0  }
0x21: {  	[tilespmem:$0x380] =	vst v0  }
0x22: {  	[tilespmem:$0x390] =	vst v0  }
0x23: {  	[tilespmem:$0x3A0] =	vst v0  }
0x24: {  	[tilespmem:$0x3B0] =	vst v0  }
0x25: {  	[tilespmem:$0x3C0] =	vst v0  }
0x26: {  	[tilespmem:$0x3D0] =	vst v0  }
0x27: {  	[tilespmem:$0x3E0] =	vst v0  }
0x28: {  	[tilespmem:$0x3F0] =	vst v0  }
0x29: {  	[tilespmem:$0x400] =	vst v0  }
0x2a: {  	[tilespmem:$0x410] =	vst v0  }
0x2b: {  	[tilespmem:$0x420] =	vst v0  }
0x2c: {  	[tilespmem:$0x430] =	vst v0  }
0x2d: {  	[tilespmem:$0x440] =	vst v0  }
0x2e: {  	[tilespmem:$0x450] =	vst v0  }
0x2f: {  	[tilespmem:$0x460] =	vst v0  }
0x30: {  	[tilespmem:$0x470] =	vst v0  }
0x31: {  	[tilespmem:$0x480] =	vst v0  }
0x32: {  	[tilespmem:$0x490] =	vst v0  }
0x33: {  	[tilespmem:$0x4A0] =	vst v0  }
0x34: {  	[tilespmem:$0x4B0] =	vst v0  }
0x35: {  	[tilespmem:$0x4C0] =	vst v0  }
0x36: {  	[tilespmem:$0x4D0] =	vst v0  }
0x37: {  	[tilespmem:$0x4E0] =	vst v0  }
0x38: {  	[tilespmem:$0x4F0] =	vst v0  }
0x39: {  	[tilespmem:$0x500] =	vst v0  }
0x3a: {  	[tilespmem:$0x510] =	vst v0  }
0x3b: {  	[tilespmem:$0x520] =	vst v0  }
0x3c: {  	[tilespmem:$0x530] =	vst v0  }
0x3d: {  	[tilespmem:$0x540] =	vst v0  }
0x3e: {  	[tilespmem:$0x550] =	vst v0  }
0x3f: {  	[tilespmem:$0x560] =	vst v0  }
0x40: {  	[tilespmem:$0x570] =	vst v0  }
0x41: {  	[tilespmem:$0x280] =	vst v1  }
0x42: {  	[tilespmem:$0x290] =	vst v1  }
0x43: {  	[tilespmem:$0x2A0] =	vst v1  }
0x44: {  	[tilespmem:$0x2B0] =	vst v1  }
0x45: {  	[tilespmem:$0x2C0] =	vst v1  }
0x46: {  	[tilespmem:$0x2D0] =	vst v1  }
0x47: {  	[tilespmem:$0x2E0] =	vst v1  }
0x48: {  	[tilespmem:$0x2F0] =	vst v1  }
0x49: {  	[spmem:s4] =	stream.linear.scatter [tilespmem:s18], [sflag:$0x9], $0x280, $0x38;
	[tilespmem:$0x800] =	vst v63  }
0x4a: {  	_ =	swait.ge [sflag:s19], $0x280  }
0x4b: {  	[sflag:s19] =	ssyncset.done $0x0  }
0x4c: {  	[sflag:s19] =	ssyncadd.s32 $0xFFFFFD80  }
0x4d: {  	[bflag:$0x0] =	sbarrier.arrive $0xFFFF  }
0x4e: {  	s6 =	rddreg [dreg:$0x4]  }
0x4f: {  	[tilespmem:s3], [sflag:$0x1] =	stream.linear.gather [hbm4b:s6+s3], $0x80, $0x38;
	[tilespmem:$0x800] =	vst v63  }
0x50: {  	s7 =	rddreg [dreg:$0x5]  }
0x51: {  	[tilespmem:s20], [sflag:$0x2] =	stream.linear.gather [hbm4b:s7+s3], $0x80, $0x38;
	[tilespmem:$0x800] =	vst v63  }
0x52: {  	s8 =	rddreg [dreg:$0x6]  }
0x53: {  	[tilespmem:s21], [sflag:$0x3] =	stream.linear.gather [hbm4b:s8+s3], $0x80, $0x38;
	[tilespmem:$0x800] =	vst v63  }
0x54: {  	s7 =	rddreg [dreg:$0x7]  }
0x55: {  	[tilespmem:s22], [sflag:$0x4] =	stream.linear.gather [hbm4b:s7+s3], $0x80, $0x38;
	[tilespmem:$0x800] =	vst v63  }
0x56: {  	_ =	swait.ge [sflag:s23], $0x80  }
0x57: {  	[sflag:s23] =	ssyncset.done $0x0  }
0x58: {  	[sflag:s23] =	ssyncadd.s32 $0xFFFFFF80  }
0x59: {  	[spmem:s2] =	stream.indirect.scatter.add.f32 [tilespmem:s24], [sflag:$0x5], $0x1, s3, s20, $0xb8;
	[tilespmem:$0x800] =	vst v63  }
0x5a: {  	_ =	swait.ge [sflag:s25], $0x80  }
0x5b: {  	[sflag:s25] =	ssyncset.done $0x0  }
0x5c: {  	[sflag:s25] =	ssyncadd.s32 $0xFFFFFF80  }
0x5d: {  	[spmem:s2] =	stream.indirect.scatter.add.f32 [tilespmem:s24], [sflag:$0x6], $0x1, s20, s20, $0xb8;
	[tilespmem:$0x800] =	vst v63  }
0x5e: {  	_ =	swait.ge [sflag:s26], $0x80  }
0x5f: {  	[sflag:s26] =	ssyncset.done $0x0  }
0x60: {  	[sflag:s26] =	ssyncadd.s32 $0xFFFFFF80  }
0x61: {  	[spmem:s2] =	stream.indirect.scatter.add.f32 [tilespmem:s24], [sflag:$0x7], $0x1, s21, s20, $0xb8;
	[tilespmem:$0x800] =	vst v63  }
0x62: {  	_ =	swait.ge [sflag:s28], $0x80  }
0x63: {  	[sflag:s28] =	ssyncset.done $0x0  }
0x64: {  	[sflag:s28] =	ssyncadd.s32 $0xFFFFFF80  }
0x65: {  	[spmem:s2] =	stream.indirect.scatter.add.f32 [tilespmem:s24], [sflag:$0x8], $0x1, s22, s20, $0xb8;
	[tilespmem:$0x800] =	vst v63  }
0x66: {  	_ =	swait.ge [sflag:s29], $0x80  }
0x67: {  	[sflag:s29] =	ssyncset.done $0x0  }
0x68: {  	s8 =	sadd.s32 $0x0, s17;
	[sflag:s29] =	ssyncadd.s32 $0xFFFFFF80  }
0x69: {  	[tilespmem:s3], [sflag:$0x1] =	stream.linear.gather [hbm4b:s8+s3], $0x80, $0x38;
	[tilespmem:$0x800] =	vst v63  }
0x6a: {  	_ =	swait.ge [sflag:s30], $0x80  }
0x6b: {  	[sflag:s30] =	ssyncset.done $0x0  }
0x6c: {  	s7 =	sadd.s32 $0x0, s16;
	[sflag:s30] =	ssyncadd.s32 $0xFFFFFF80  }
0x6d: {  	[tilespmem:s20], [sflag:$0x2] =	stream.linear.gather [hbm4b:s7+s3], $0x80, $0x38;
	[tilespmem:$0x800] =	vst v63  }
0x6e: {  	_ =	swait.ge [sflag:s31], $0x80  }
0x6f: {  	[sflag:s31] =	ssyncset.done $0x0  }
0x70: {  	s8 =	sadd.s32 $0x0, s15;
	[sflag:s31] =	ssyncadd.s32 $0xFFFFFF80  }
0x71: {  	[tilespmem:s21], [sflag:$0x3] =	stream.linear.gather [hbm4b:s8+s3], $0x80, $0x38;
	[tilespmem:$0x800] =	vst v63  }
0x72: {  	_ =	swait.ge [sflag:s1], $0x80  }
0x73: {  	[sflag:s1] =	ssyncset.done $0x0  }
0x74: {  	s6 =	simm.s32 $0x40;
	s7 =	sadd.s32 $0x0, s14;
	[sflag:s1] =	ssyncadd.s32 $0xFFFFFF80  }
.LBB2_2:
0x75: {  	[tilespmem:s22], [sflag:$0x4] =	stream.linear.gather [hbm4b:s7+s3], $0x80, $0x38;
	[tilespmem:$0x800] =	vst v63  }
0x76: {  	s7 =	smov.u32 s6  }
0x77: {  	p0 =	sne.s32 s6, $0x440;
	s6 =	sadd.s32 $0x40, s6;
	_ =	swait.ge [sflag:s23], $0x80  }
0x78: {  	[sflag:s23] =	ssyncset.done $0x0  }
0x79: {  	[sflag:s23] =	ssyncadd.s32 $0xFFFFFF80  }
0x7a: {  	[spmem:s2] =	stream.indirect.scatter.add.f32 [tilespmem:s24], [sflag:$0x5], $0x1, s3, s20, $0xb8;
	[tilespmem:$0x800] =	vst v63  }
0x7b: {  	_ =	swait.ge [sflag:s25], $0x80  }
0x7c: {  	[sflag:s25] =	ssyncset.done $0x0  }
0x7d: {  	[sflag:s25] =	ssyncadd.s32 $0xFFFFFF80  }
0x7e: {  	[spmem:s2] =	stream.indirect.scatter.add.f32 [tilespmem:s24], [sflag:$0x6], $0x1, s20, s20, $0xb8;
	[tilespmem:$0x800] =	vst v63  }
0x7f: {  	_ =	swait.ge [sflag:s26], $0x80  }
0x80: {  	[sflag:s26] =	ssyncset.done $0x0  }
0x81: {  	[sflag:s26] =	ssyncadd.s32 $0xFFFFFF80  }
0x82: {  	[spmem:s2] =	stream.indirect.scatter.add.f32 [tilespmem:s24], [sflag:$0x7], $0x1, s21, s20, $0xb8;
	[tilespmem:$0x800] =	vst v63  }
0x83: {  	_ =	swait.ge [sflag:s28], $0x80  }
0x84: {  	[sflag:s28] =	ssyncset.done $0x0  }
0x85: {  	[sflag:s28] =	ssyncadd.s32 $0xFFFFFF80  }
0x86: {  	[spmem:s2] =	stream.indirect.scatter.add.f32 [tilespmem:s24], [sflag:$0x8], $0x1, s22, s20, $0xb8;
	[tilespmem:$0x800] =	vst v63  }
0x87: {  	_ =	swait.ge [sflag:s29], $0x80  }
0x88: {  	[sflag:s29] =	ssyncset.done $0x0  }
0x89: {  	s8 =	sadd.s32 s7, s17;
	[sflag:s29] =	ssyncadd.s32 $0xFFFFFF80  }
0x8a: {  	[tilespmem:s3], [sflag:$0x1] =	stream.linear.gather [hbm4b:s8+s3], $0x80, $0x38;
	[tilespmem:$0x800] =	vst v63  }
0x8b: {  	_ =	swait.ge [sflag:s30], $0x80  }
0x8c: {  	[sflag:s30] =	ssyncset.done $0x0  }
0x8d: {  	s8 =	sadd.s32 s7, s16;
	[sflag:s30] =	ssyncadd.s32 $0xFFFFFF80  }
0x8e: {  	[tilespmem:s20], [sflag:$0x2] =	stream.linear.gather [hbm4b:s8+s3], $0x80, $0x38;
	[tilespmem:$0x800] =	vst v63  }
0x8f: {  	_ =	swait.ge [sflag:s31], $0x80  }
0x90: {  	[sflag:s31] =	ssyncset.done $0x0  }
.Ltmp0:
0x91: {  	s8 =	sadd.s32 s7, s15;
	[sflag:s31] =	ssyncadd.s32 $0xFFFFFF80;
	(pc) =	sbr.rel @p0 .LBB2_2-.Ltmp0, $4  }
0x92: {  	[tilespmem:s21], [sflag:$0x3] =	stream.linear.gather [hbm4b:s8+s3], $0x80, $0x38;
	[tilespmem:$0x800] =	vst v63  }
0x93: {  	_ =	swait.ge [sflag:s1], $0x80  }
0x94: {  	[sflag:s1] =	ssyncset.done $0x0  }
0x95: {  	s7 =	sadd.s32 s7, s14;
	[sflag:s1] =	ssyncadd.s32 $0xFFFFFF80  }
0x96: {  	[tilespmem:s22], [sflag:$0x4] =	stream.linear.gather [hbm4b:s7+s3], $0x80, $0x38;
	[tilespmem:$0x800] =	vst v63  }
0x97: {  	_ =	swait.ge [sflag:s23], $0x80  }
0x98: {  	[sflag:s23] =	ssyncset.done $0x0  }
0x99: {  	[sflag:s23] =	ssyncadd.s32 $0xFFFFFF80  }
0x9a: {  	[spmem:s2] =	stream.indirect.scatter.add.f32 [tilespmem:s24], [sflag:$0x5], $0x1, s3, s20, $0xb8;
	[tilespmem:$0x800] =	vst v63  }
0x9b: {  	_ =	swait.ge [sflag:s25], $0x80  }
0x9c: {  	[sflag:s25] =	ssyncset.done $0x0  }
0x9d: {  	[sflag:s25] =	ssyncadd.s32 $0xFFFFFF80  }
0x9e: {  	[spmem:s2] =	stream.indirect.scatter.add.f32 [tilespmem:s24], [sflag:$0x6], $0x1, s20, s20, $0xb8;
	[tilespmem:$0x800] =	vst v63  }
0x9f: {  	_ =	swait.ge [sflag:s26], $0x80  }
0xa0: {  	[sflag:s26] =	ssyncset.done $0x0  }
0xa1: {  	[sflag:s26] =	ssyncadd.s32 $0xFFFFFF80  }
0xa2: {  	[spmem:s2] =	stream.indirect.scatter.add.f32 [tilespmem:s24], [sflag:$0x7], $0x1, s21, s20, $0xb8;
	[tilespmem:$0x800] =	vst v63  }
0xa3: {  	_ =	swait.ge [sflag:s28], $0x80  }
0xa4: {  	[sflag:s28] =	ssyncset.done $0x0  }
0xa5: {  	[sflag:s28] =	ssyncadd.s32 $0xFFFFFF80  }
0xa6: {  	[spmem:s2] =	stream.indirect.scatter.add.f32 [tilespmem:s24], [sflag:$0x8], $0x1, s22, s20, $0xb8;
	[tilespmem:$0x800] =	vst v63  }
0xa7: {  	_ =	swait.ge [sflag:s29], $0x80  }
0xa8: {  	[sflag:s29] =	ssyncset.done $0x0  }
0xa9: {  	[sflag:s29] =	ssyncadd.s32 $0xFFFFFF80  }
0xaa: {  	[tilespmem:s3], [sflag:$0x1] =	stream.linear.gather [hbm4b:s9+s3], $0x80, $0x38;
	[tilespmem:$0x800] =	vst v63  }
0xab: {  	_ =	swait.ge [sflag:s30], $0x80  }
0xac: {  	[sflag:s30] =	ssyncset.done $0x0  }
0xad: {  	[sflag:s30] =	ssyncadd.s32 $0xFFFFFF80  }
0xae: {  	[tilespmem:s20], [sflag:$0x2] =	stream.linear.gather [hbm4b:s10+s3], $0x80, $0x38;
	[tilespmem:$0x800] =	vst v63  }
0xaf: {  	_ =	swait.ge [sflag:s31], $0x80  }
0xb0: {  	[sflag:s31] =	ssyncset.done $0x0  }
0xb1: {  	[sflag:s31] =	ssyncadd.s32 $0xFFFFFF80  }
0xb2: {  	_ =	swait.ge [sflag:s1], $0x80  }
0xb3: {  	[sflag:s1] =	ssyncset.done $0x0  }
0xb4: {  	[sflag:s1] =	ssyncadd.s32 $0xFFFFFF80  }
0xb5: {  	_ =	swait.ge [sflag:s23], $0x80  }
0xb6: {  	[sflag:s23] =	ssyncset.done $0x0  }
0xb7: {  	[sflag:s23] =	ssyncadd.s32 $0xFFFFFF80  }
0xb8: {  	[spmem:s2] =	stream.indirect.scatter.add.f32 [tilespmem:s24], [sflag:$0x5], $0x1, s3, s20, $0xb8;
	[tilespmem:$0x800] =	vst v63  }
0xb9: {  	_ =	swait.ge [sflag:s25], $0x80  }
0xba: {  	[sflag:s25] =	ssyncset.done $0x0  }
0xbb: {  	[sflag:s25] =	ssyncadd.s32 $0xFFFFFF80  }
0xbc: {  	[spmem:s2] =	stream.indirect.scatter.add.f32 [tilespmem:s24], [sflag:$0x6], $0x1, s20, s20, $0xb8;
	[tilespmem:$0x800] =	vst v63  }
0xbd: {  	_ =	swait.ge [sflag:s29], $0x80  }
0xbe: {  	[sflag:s29] =	ssyncset.done $0x0  }
0xbf: {  	[sflag:s29] =	ssyncadd.s32 $0xFFFFFF80  }
0xc0: {  	_ =	swait.ge [sflag:s30], $0x80  }
0xc1: {  	[sflag:s30] =	ssyncset.done $0x0  }
0xc2: {  	[sflag:s30] =	ssyncadd.s32 $0xFFFFFF80  }
0xc3: {  	[tilespmem:s0], [sflag:$0x9] =	stream.linear.gather [hbm4b:s11+s3], $0x10, $0x38;
	[tilespmem:$0x800] =	vst v63  }
0xc4: {  	_ =	swait.ge [sflag:s19], $0x10  }
0xc5: {  	[sflag:s19] =	ssyncset.done $0x0  }
0xc6: {  	s6 =	simm.s32 $0x10;
	[sflag:s19] =	ssyncadd.s32 $0xFFFFFFF0  }
0xc7: {  	[spmem:s2] =	stream.indirect.scatter.add.f32 [tilespmem:s24], [sflag:$0x9], $0x1, s0, s6, $0xb8;
	[tilespmem:$0x800] =	vst v63  }
0xc8: {  	_ =	swait.ge [sflag:s19], $0x10  }
0xc9: {  	[sflag:s19] =	ssyncset.done $0x0  }
0xca: {  	[sflag:s19] =	ssyncadd.s32 $0xFFFFFFF0  }
0xcb: {  	[bflag:$0x0] =	sbarrier.arrive $0xFFFF  }
0xcc: {  	[tilespmem:s18], [sflag:$0x9] =	stream.linear.gather [spmem:s4], $0x280, $0x38;
	[tilespmem:$0x800] =	vst v63  }
0xcd: {  	s5 =	sadd.s32 $0x1, s5;
	_ =	swait.ge [sflag:s19], $0x280  }
0xce: {  	p0 =	sne.s32 s5, s12;
	[sflag:s19] =	ssyncset.done $0x0  }
.Ltmp1:
0xcf: {  	[sflag:s19] =	ssyncadd.s32 $0xFFFFFD80;
	(pc) =	sbr.rel @p0 .LBB2_1-.Ltmp1, $4  }
0xd0: {  	[hbm4b:s13+s3] =	stream.linear.scatter [tilespmem:s18], [sflag:$0x9], $0x280, $0x38;
	[tilespmem:$0x800] =	vst v63  }
0xd1: {  	_ =	swait.ge [sflag:s19], $0x280  }
0xd2: {  	[sflag:s19] =	ssyncset.done $0x0  }
0xd3: {  	[sflag:s19] =	ssyncadd.s32 $0xFFFFFD80  }
0xd4: {  	_ =	sfence.sel $0x180000  }
0xd5: {  	[bflag:$0x0] =	sbarrier.arrive $0xFFFF  }
0xd6: {  	_ =	strace $0x90000047  }
0xd7: {  	s0 =	stileid.u32;
	[bflag:$0x2] =	sbarrier.arrive $0xFFFF  }
0xd8: {  	p0 =	sne.s32 s0, $0x0;
	s0 =	rddreg [dreg:$0x3]  }
0xd9: {  	s0 =	sadd.s32 @!p0 $0x100000, s0  }
0xda: {  	[sflag:s0] =	ssyncadd.tile.s32 @!p0 $0x1;
	_ =	shalt  }
.Lfunc_end2:
_tile_overlayer_lowered:
.L_overlay_start_2:
0xdb: {  	(tag) =	ssettag $0x2  }
0xdc: {  	s0 =	rddreg [dreg:$0x0];
	s2 =	stileid.u32  }
0xdd: {  	s1 =	rddreg [dreg:$0x1];
	p0 =	sne.s32 s2, $0x0  }
0xde: {  	s3 =	rddreg [dreg:$0x2];
	[bflag:$0x3] =	sbarrier.arrive $0xFFFF;
	s2 =	simm.s32 @!p0 $0x1C09  }
0xdf: {  	[timem:s3], [sflag:s2] =	dma.local @!p0 [hbm:s0], s1  }
0xe0: {  	s0 =	simm.s32 @!p0 $0x9  }
0xe1: {  	_ =	swait.ge @!p0 [sflag:s0], s1  }
0xe2: {  	s1 =	ssub.s32 @!p0 $0x0, s1;
	[sflag:s0] =	ssyncset.done @!p0 $0x0  }
0xe3: {  	[sflag:s0] =	ssyncadd.s32 @!p0 s1  }
0xe4: {  	[bflag:$0x3] =	sbarrier.arrive $0xFFFF  }
0xe5: {  	_ =	shalt  }

</sc_bundles>
